<compile_context>
chip_gen: v7x
topology: tpu7x:2x2x1
jax: 0.10.2.dev20260603
libtpu: 0.0.44.dev20260713+nightly
codegen_flags: <defaults>
</compile_context>

<pallas_src>
import functools

import jax
import jax.numpy as jnp
import numpy as np
from jax import lax
from jax.experimental import pallas as pl
from jax.experimental.pallas import tpu as pltpu
from jax.experimental.pallas import tpu_sc as plsc

N = 10000
D = 128
H = 128
C = 16
E = 320000
NC, NS, L = 2, 16, 16
NW = NC * NS
NPAD = 10240
RPT = NPAD // NS
EPAD = 327680
PADN = EPAD - E
K = 128
BN = 1000


def _mesh():
    return plsc.VectorSubcoreMesh(
        core_axis_name="c", subcore_axis_name="s", num_cores=NC, num_subcores=NS
    )


def _deg_call(src2d, dst2d):
    nch = EPAD // K // NS
    nhalf = nch // 2

    @functools.partial(
        pl.kernel,
        out_type=jax.ShapeDtypeStruct((2, NPAD), jnp.float32),
        mesh=_mesh(),
        scratch_types=[
            pltpu.VMEM((nhalf, K), jnp.int32),
            pltpu.VMEM((K,), jnp.float32),
            pltpu.VMEM((RPT,), jnp.float32),
            pltpu.VMEM_SHARED((NPAD,), jnp.float32),
        ] + [pltpu.SemaphoreType.DMA] * 8,
        compiler_params=pltpu.CompilerParams(use_tc_tiling_on_sc=False),
    )
    def deg_kernel(src_ref, dst_ref, out_ref, idx2, ones, zb, acc, *sems):
        c = lax.axis_index("c")
        s = lax.axis_index("s")
        one16 = jnp.ones((L,), jnp.float32)
        zero16 = jnp.zeros((L,), jnp.float32)
        for j in range(K // L):
            ones[pl.ds(j * L, L)] = one16

        def zb_body(j, carry):
            zb[pl.ds(pl.multiple_of(j * L, 8), L)] = zero16
            return carry

        lax.fori_loop(0, RPT // L, zb_body, 0)
        pltpu.sync_copy(zb, acc.at[pl.ds(pl.multiple_of(s * RPT, 8), RPT)])
        plsc.subcore_barrier()
        nb = len(sems)

        def run(ref):
            for half in range(2):
                pltpu.sync_copy(ref.at[pl.ds(s * nch + half * nhalf, nhalf)], idx2)
                for b in range(nb):
                    pltpu.async_copy(ones, acc.at[idx2.at[b]], sems[b], add=True)

                @pl.loop(0, nhalf, step=nb)
                def _(g0):
                    for b in range(nb):
                        i = g0 + b
                        pltpu.make_async_copy(ones, acc.at[idx2.at[0]], sems[b]).wait()

                        @pl.when(i + nb < nhalf)
                        def _():
                            pltpu.async_copy(
                                ones, acc.at[idx2.at[i + nb]], sems[b], add=True
                            )

        @pl.when(c == 0)
        def _():
            run(src_ref)

        @pl.when(c == 1)
        def _():
            run(dst_ref)

        plsc.subcore_barrier()
        st = pl.multiple_of(s * RPT, 8)
        pltpu.sync_copy(acc.at[pl.ds(st, RPT)], out_ref.at[c, pl.ds(st, RPT)])

    return deg_kernel(src2d, dst2d)


NB = 5
ZR = 40


def _zero_acc(zb, acc, s, cpr):
    zero16 = jnp.zeros((L,), jnp.float32)

    def zb_body(j, carry):
        zb[j // cpr, pl.ds((j % cpr) * L, L)] = zero16
        return carry

    lax.fori_loop(0, ZR * cpr, zb_body, 0)

    def zc_body(j, carry):
        pltpu.sync_copy(zb, acc.at[pl.ds(pl.multiple_of(s * RPT + j * ZR, 8), ZR)])
        return carry

    lax.fori_loop(0, RPT // ZR, zc_body, 0)


def _agg_ring(tab, sidx2, didx2, rows, acc, gsems, ssems, nch):
    nb = len(gsems)
    for b in range(nb):
        pltpu.async_copy(tab.at[sidx2.at[b]], rows.at[b], gsems[b])

    @pl.loop(0, nch, step=nb)
    def _(g0):
        for b in range(nb):
            i = g0 + b
            pltpu.make_async_copy(tab.at[sidx2.at[0]], rows.at[b], gsems[b]).wait()
            pltpu.async_copy(rows.at[b], acc.at[didx2.at[i]], ssems[b], add=True)

            @pl.when(i + nb < nch)
            def _():
                pltpu.make_async_copy(rows.at[b], acc.at[didx2.at[0]], ssems[b]).wait()
                pltpu.async_copy(tab.at[sidx2.at[i + nb]], rows.at[b], gsems[b])

    for b in range(nb):
        pltpu.make_async_copy(rows.at[b], acc.at[didx2.at[0]], ssems[b]).wait()


def _agg_split_call(h2lay, src_pg, dst_pd):
    F = H // NC
    nch = EPAD // K // NS
    nhalf = nch // 2
    nb1 = 5
    cpr = F // L

    @functools.partial(
        pl.kernel,
        out_type=jax.ShapeDtypeStruct((NC, NPAD, F), jnp.float32),
        mesh=_mesh(),
        scratch_types=[
            pltpu.VMEM((nhalf, K), jnp.int32),
            pltpu.VMEM((nhalf, K), jnp.int32),
            pltpu.VMEM((nb1, K, F), jnp.float32),
            pltpu.VMEM((ZR, F), jnp.float32),
            pltpu.VMEM_SHARED((NPAD, F), jnp.float32),
        ] + [pltpu.SemaphoreType.DMA] * (2 * nb1),
        compiler_params=pltpu.CompilerParams(use_tc_tiling_on_sc=False),
    )
    def agg_kernel(h_ref, src_ref, dst_ref, out_ref, sidx2, didx2, rows, zb, acc, *sems):
        c = lax.axis_index("c")
        s = lax.axis_index("s")
        _zero_acc(zb, acc, s, cpr)
        plsc.subcore_barrier()
        for half in range(2):
            base = s * nch + half * nhalf
            pltpu.sync_copy(src_ref.at[pl.ds(base, nhalf)], sidx2)
            pltpu.sync_copy(dst_ref.at[pl.ds(base, nhalf)], didx2)
            _agg_ring(h_ref.at[c], sidx2, didx2, rows, acc, sems[:nb1], sems[nb1:], nhalf)
        plsc.subcore_barrier()
        st = pl.multiple_of(s * RPT, 8)
        pltpu.sync_copy(acc.at[pl.ds(st, RPT)], out_ref.at[c, pl.ds(st, RPT)])

    return agg_kernel(h2lay, src_pg, dst_pd)


def _agg2_call(h2, src_pg, dst_pd):
    F = C
    nch = EPAD // K // NW
    nb2 = 8
    cpr = F // L

    @functools.partial(
        pl.kernel,
        out_type=jax.ShapeDtypeStruct((NC, NPAD, F), jnp.float32),
        mesh=_mesh(),
        scratch_types=[
            pltpu.VMEM((nch, K), jnp.int32),
            pltpu.VMEM((nch, K), jnp.int32),
            pltpu.VMEM((nb2, K, F), jnp.float32),
            pltpu.VMEM((ZR, F), jnp.float32),
            pltpu.VMEM_SHARED((NPAD, F), jnp.float32),
        ] + [pltpu.SemaphoreType.DMA] * (2 * nb2),
        compiler_params=pltpu.CompilerParams(use_tc_tiling_on_sc=False),
    )
    def agg_kernel(h_ref, src_ref, dst_ref, out_ref, sidx2, didx2, rows, zb, acc, *sems):
        c = lax.axis_index("c")
        s = lax.axis_index("s")
        w = s * NC + c
        _zero_acc(zb, acc, s, cpr)
        pltpu.sync_copy(src_ref.at[pl.ds(w * nch, nch)], sidx2)
        pltpu.sync_copy(dst_ref.at[pl.ds(w * nch, nch)], didx2)
        plsc.subcore_barrier()
        _agg_ring(h_ref, sidx2, didx2, rows, acc, sems[:nb2], sems[nb2:], nch)
        plsc.subcore_barrier()
        st = pl.multiple_of(s * RPT, 8)
        pltpu.sync_copy(acc.at[pl.ds(st, RPT)], out_ref.at[c, pl.ds(st, RPT)])

    return agg_kernel(h2, src_pg, dst_pd)


def _norm_from(deg_row):
    return jnp.where(deg_row > 0.0, lax.rsqrt(deg_row), 0.0)


def _norm_src_from(deg_ref):
    i = pl.program_id(0)
    ids = lax.broadcasted_iota(jnp.int32, (BN,), 0) + i * BN
    d = deg_ref[:, 0] - jnp.where(ids < PADN, 1.0, 0.0)
    return _norm_from(d)


def _mm1_call(x, W1, degT):
    F = H // NC

    def body(x_ref, w_ref, deg_ref, o_ref):
        ns = _norm_src_from(deg_ref)
        y = jnp.dot(x_ref[...], w_ref[...], preferred_element_type=jnp.float32)
        y = y * ns[:, None]
        o_ref[0] = y[:, :F]
        o_ref[1] = y[:, F:]

    return pl.pallas_call(
        body,
        grid=(N // BN,),
        in_specs=[
            pl.BlockSpec((BN, D), lambda i: (i, 0)),
            pl.BlockSpec((D, H), lambda i: (0, 0)),
            pl.BlockSpec((BN, 2), lambda i: (i, 0)),
        ],
        out_specs=pl.BlockSpec((2, BN, F), lambda i: (0, i, 0)),
        out_shape=jax.ShapeDtypeStruct((2, N, F), jnp.float32),
    )(x, W1, degT)


def _mid_call(parts, degT, b1, W2):
    F = H // NC

    def body(p_ref, deg_ref, b1_ref, w2_ref, o_ref):
        agg = jnp.concatenate([p_ref[0], p_ref[1]], axis=1)
        nd = _norm_from(deg_ref[:, 1])
        ns = _norm_src_from(deg_ref)
        t = jnp.maximum(agg * nd[:, None] + b1_ref[...][None, :], 0.0) * ns[:, None]
        o_ref[...] = jnp.dot(t, w2_ref[...], preferred_element_type=jnp.float32)

    return pl.pallas_call(
        body,
        grid=(N // BN,),
        in_specs=[
            pl.BlockSpec((2, BN, F), lambda i: (0, i, 0)),
            pl.BlockSpec((BN, 2), lambda i: (i, 0)),
            pl.BlockSpec((H,), lambda i: (0,)),
            pl.BlockSpec((H, C), lambda i: (0, 0)),
        ],
        out_specs=pl.BlockSpec((BN, C), lambda i: (i, 0)),
        out_shape=jax.ShapeDtypeStruct((N, C), jnp.float32),
    )(parts, degT, b1, W2)


_PAD_DST = np.asarray(N + (np.arange(PADN) % 16), np.int32)
_PAD_SRC = np.asarray(np.arange(PADN), np.int32)


def kernel(x, edge_index, W1, b1, W2, b2):
    src = edge_index[0]
    dst = edge_index[1]
    dst_pd = jnp.concatenate([dst, jnp.asarray(_PAD_DST)]).reshape(EPAD // K, K)
    src_pg = jnp.concatenate([src, jnp.asarray(_PAD_SRC)]).reshape(EPAD // K, K)

    deg = _deg_call(src_pg, dst_pd)
    degT = deg.T
    h = _mm1_call(x, W1, degT)
    parts1 = _agg_split_call(h, src_pg, dst_pd)
    h2 = _mid_call(parts1, degT, b1, W2)
    parts2 = _agg2_call(h2, src_pg, dst_pd)
    nd = _norm_from(deg[1, :N])
    return (parts2[0, :N] + parts2[1, :N]) * nd[:, None] + b2[None, :]

# --- scband reference (transcript-rebuilt; emitter-appended) ---
"""Pipeline reference for scband-gnnmodel-19713899889202 (READ-ONLY COPY).

The authoritative reference and input builder live on the scoring server;
editing this copy changes nothing except your own understanding.
"""

import jax, jax.numpy as jnp
import numpy as np

N = 10000
E = 320000
D = 128
H = 128
C = 16


def setup_inputs(seed: int = 0) -> dict:
    key = jax.random.key(seed)
    k1, k2, k3, k4, k5, k6 = jax.random.split(key, 6)
    x = jax.random.normal(k1, (N, D), dtype=jnp.float32)
    edge_index = jax.random.randint(k2, (2, E), 0, N, dtype=jnp.int32)
    # GraphConv weights (Glorot-like scale)
    W1 = jax.random.normal(k3, (D, H), dtype=jnp.float32) * (1.0 / np.sqrt(D))
    b1 = jnp.zeros((H,), dtype=jnp.float32)
    W2 = jax.random.normal(k4, (H, C), dtype=jnp.float32) * (1.0 / np.sqrt(H))
    b2 = jnp.zeros((C,), dtype=jnp.float32)
    return {"x": x, "edge_index": edge_index, "W1": W1, "b1": b1, "W2": W2, "b2": b2}


def reference(x, edge_index, W1, b1, W2, b2):
    # Homogeneous graph: single canonical etype, so the per-etype loop of the
    # original module reduces to two stacked GraphConv layers (norm='both').
    src = edge_index[0]
    dst = edge_index[1]
    n = x.shape[0]
    ones = jnp.ones((src.shape[0],), dtype=jnp.float32)
    deg_out = jax.ops.segment_sum(ones, src, num_segments=n)
    deg_in = jax.ops.segment_sum(ones, dst, num_segments=n)
    norm_src = jnp.where(deg_out > 0, deg_out ** -0.5, 0.0)
    norm_dst = jnp.where(deg_in > 0, deg_in ** -0.5, 0.0)

    def graph_conv(h, W, b):
        # DGL GraphConv with norm='both': D_in^{-1/2} A^T D_out^{-1/2} H W + b
        h = h * norm_src[:, None]
        h = h @ W
        msg = jnp.take(h, src, axis=0)          # gather source features per edge
        agg = jax.ops.segment_sum(msg, dst, num_segments=n)  # scatter-add to dst
        return agg * norm_dst[:, None] + b

    h1 = jax.nn.relu(graph_conv(x, W1, b1))
    out = graph_conv(h1, W2, b2)
    # single etype -> stack of one result, mean over dim 0 is identity
    return out

if __name__ == "__main__":
    import jax
    _d = setup_inputs()
    print(jax.jit(kernel)(*tuple(_d.values())))

</pallas_src>

<mosaic_0001>
#map = affine_map<(d0, d1) -> (0, 0)>
module attributes {stable_mosaic.version = 14 : i64} {
  func.func @deg_kernel(%arg0: i32, %arg1: i32, %arg2: memref<2560x128xi32, #tpu.memory_space<hbm>>, %arg3: memref<2560x128xi32, #tpu.memory_space<hbm>>, %arg4: memref<2x10240xf32, #tpu.memory_space<hbm>>, %arg5: memref<80x128xi32, #tpu.memory_space<vmem>>, %arg6: memref<128xf32, #tpu.memory_space<vmem>>, %arg7: memref<640xf32, #tpu.memory_space<vmem>>, %arg8: memref<10240xf32, #tpu.memory_space<vmem_shared>>, %arg9: memref<!tpu.dma_semaphore, #tpu.memory_space<semaphore_mem>>, %arg10: memref<!tpu.dma_semaphore, #tpu.memory_space<semaphore_mem>>, %arg11: memref<!tpu.dma_semaphore, #tpu.memory_space<semaphore_mem>>, %arg12: memref<!tpu.dma_semaphore, #tpu.memory_space<semaphore_mem>>, %arg13: memref<!tpu.dma_semaphore, #tpu.memory_space<semaphore_mem>>, %arg14: memref<!tpu.dma_semaphore, #tpu.memory_space<semaphore_mem>>, %arg15: memref<!tpu.dma_semaphore, #tpu.memory_space<semaphore_mem>>, %arg16: memref<!tpu.dma_semaphore, #tpu.memory_space<semaphore_mem>>) attributes {dimension_semantics = [#tpu.dimension_semantics<core_parallel>, #tpu.dimension_semantics<subcore_parallel>], iteration_bounds = array<i64: 2, 16>, scalar_prefetch = 0 : i64, scratch_operands = 12 : i64, tpu.core_type = #tpu.core_type<sc_vector_subcore>, window_params = [{transform_indices = #map}, {transform_indices = #map}, {transform_indices = #map}]} {
    %broadcast_in_dim3A = arith.constant 1.000000e+00 : f32
    %broadcast_in_dim3A_0 = vector.broadcast %broadcast_in_dim3A : f32 to vector<16xf32>
    %broadcast_in_dim3A_1 = arith.constant 0.000000e+00 : f32
    %broadcast_in_dim3A_2 = vector.broadcast %broadcast_in_dim3A_1 : f32 to vector<16xf32>
    %swap3A = arith.constant 0 : index
    %swap3A_3 = tpu.vector_load %arg6[%swap3A] {strides = array<i32>} : memref<128xf32, #tpu.memory_space<vmem>>, vector<16xf32>,
    %swap3A_4 = vector.shape_cast %swap3A_3 : vector<16xf32> to vector<16xf32>
    %swap3A_5 = vector.shape_cast %broadcast_in_dim3A_0 : vector<16xf32> to vector<16xf32>
    tpu.vector_store %arg6[%swap3A], %swap3A_5 {strides = array<i32>} : memref<128xf32, #tpu.memory_space<vmem>>, vector<16xf32>,
    %swap3A_6 = arith.constant 16 : index
    %swap3A_7 = tpu.vector_load %arg6[%swap3A_6] {strides = array<i32>} : memref<128xf32, #tpu.memory_space<vmem>>, vector<16xf32>,
    %swap3A_8 = vector.shape_cast %swap3A_7 : vector<16xf32> to vector<16xf32>
    %swap3A_9 = vector.shape_cast %broadcast_in_dim3A_0 : vector<16xf32> to vector<16xf32>
    tpu.vector_store %arg6[%swap3A_6], %swap3A_9 {strides = array<i32>} : memref<128xf32, #tpu.memory_space<vmem>>, vector<16xf32>,
    %swap3A_10 = arith.constant 32 : index
    %swap3A_11 = tpu.vector_load %arg6[%swap3A_10] {strides = array<i32>} : memref<128xf32, #tpu.memory_space<vmem>>, vector<16xf32>,
    %swap3A_12 = vector.shape_cast %swap3A_11 : vector<16xf32> to vector<16xf32>
    %swap3A_13 = vector.shape_cast %broadcast_in_dim3A_0 : vector<16xf32> to vector<16xf32>
    tpu.vector_store %arg6[%swap3A_10], %swap3A_13 {strides = array<i32>} : memref<128xf32, #tpu.memory_space<vmem>>, vector<16xf32>,
    %swap3A_14 = arith.constant 48 : index
    %swap3A_15 = tpu.vector_load %arg6[%swap3A_14] {strides = array<i32>} : memref<128xf32, #tpu.memory_space<vmem>>, vector<16xf32>,
    %swap3A_16 = vector.shape_cast %swap3A_15 : vector<16xf32> to vector<16xf32>
    %swap3A_17 = vector.shape_cast %broadcast_in_dim3A_0 : vector<16xf32> to vector<16xf32>
    tpu.vector_store %arg6[%swap3A_14], %swap3A_17 {strides = array<i32>} : memref<128xf32, #tpu.memory_space<vmem>>, vector<16xf32>,
    %swap3A_18 = arith.constant 64 : index
    %swap3A_19 = tpu.vector_load %arg6[%swap3A_18] {strides = array<i32>} : memref<128xf32, #tpu.memory_space<vmem>>, vector<16xf32>,
    %swap3A_20 = vector.shape_cast %swap3A_19 : vector<16xf32> to vector<16xf32>
    %swap3A_21 = vector.shape_cast %broadcast_in_dim3A_0 : vector<16xf32> to vector<16xf32>
    tpu.vector_store %arg6[%swap3A_18], %swap3A_21 {strides = array<i32>} : memref<128xf32, #tpu.memory_space<vmem>>, vector<16xf32>,
    %swap3A_22 = arith.constant 80 : index
    %swap3A_23 = tpu.vector_load %arg6[%swap3A_22] {strides = array<i32>} : memref<128xf32, #tpu.memory_space<vmem>>, vector<16xf32>,
    %swap3A_24 = vector.shape_cast %swap3A_23 : vector<16xf32> to vector<16xf32>
    %swap3A_25 = vector.shape_cast %broadcast_in_dim3A_0 : vector<16xf32> to vector<16xf32>
    tpu.vector_store %arg6[%swap3A_22], %swap3A_25 {strides = array<i32>} : memref<128xf32, #tpu.memory_space<vmem>>, vector<16xf32>,
    %swap3A_26 = arith.constant 96 : index
    %swap3A_27 = tpu.vector_load %arg6[%swap3A_26] {strides = array<i32>} : memref<128xf32, #tpu.memory_space<vmem>>, vector<16xf32>,
    %swap3A_28 = vector.shape_cast %swap3A_27 : vector<16xf32> to vector<16xf32>
    %swap3A_29 = vector.shape_cast %broadcast_in_dim3A_0 : vector<16xf32> to vector<16xf32>
    tpu.vector_store %arg6[%swap3A_26], %swap3A_29 {strides = array<i32>} : memref<128xf32, #tpu.memory_space<vmem>>, vector<16xf32>,
    %swap3A_30 = arith.constant 112 : index
    %swap3A_31 = tpu.vector_load %arg6[%swap3A_30] {strides = array<i32>} : memref<128xf32, #tpu.memory_space<vmem>>, vector<16xf32>,
    %swap3A_32 = vector.shape_cast %swap3A_31 : vector<16xf32> to vector<16xf32>
    %swap3A_33 = vector.shape_cast %broadcast_in_dim3A_0 : vector<16xf32> to vector<16xf32>
    tpu.vector_store %arg6[%swap3A_30], %swap3A_33 {strides = array<i32>} : memref<128xf32, #tpu.memory_space<vmem>>, vector<16xf32>,
    %scan3A = arith.constant 0 : i32
    %scan3A_34 = arith.constant 0 : i32
    %scan3A_35 = arith.constant 40 : i32
    %scan3A_36 = arith.addi %scan3A_34, %scan3A_35 : i32
    %scan3A_37 = arith.constant 1 : i32
    scf.for %scan3A_51 = %scan3A_34 to %scan3A_36 step %scan3A_37  : i32 {
      %mul3A_52 = arith.constant 16 : i32
      %mul3A_53 = arith.muli %scan3A_51, %mul3A_52 : i32
      %multiple_of3A_54 = tpu.assume_multiple %mul3A_53, 8 : i32
      %swap3A_55 = arith.index_cast %multiple_of3A_54 : i32 to index
      %swap3A_56 = tpu.vector_load %arg7[%swap3A_55] {strides = array<i32>} : memref<640xf32, #tpu.memory_space<vmem>>, vector<16xf32>,
      %swap3A_57 = vector.shape_cast %swap3A_56 : vector<16xf32> to vector<16xf32>
      %swap3A_58 = vector.shape_cast %broadcast_in_dim3A_2 : vector<16xf32> to vector<16xf32>
      tpu.vector_store %arg7[%swap3A_55], %swap3A_58 {strides = array<i32>} : memref<640xf32, #tpu.memory_space<vmem>>, vector<16xf32>,
    }
    %scan3A_38 = arith.constant 40 : i32
    %mul3A = arith.constant 640 : i32
    %mul3A_39 = arith.muli %arg1, %mul3A : i32
    %multiple_of3A = tpu.assume_multiple %mul3A_39, 8 : i32
    "tpu.region"() ({
      %run_scoped3A = tpu.sem_alloc : memref<!tpu.dma_semaphore, #tpu.memory_space<semaphore_mem>>
      %dma_start3A = tpu.memref_slice %arg8[%multiple_of3A] : memref<10240xf32, #tpu.memory_space<vmem_shared>> -> memref<640xf32, #tpu.memory_space<vmem_shared>>
      %dma_start3A_51 = tpu.memref_slice %arg8[%multiple_of3A] : memref<10240xf32, #tpu.memory_space<vmem_shared>> -> memref<640xf32, #tpu.memory_space<vmem_shared>>
      tpu.enqueue_dma source(%arg7 : memref<640xf32, #tpu.memory_space<vmem>>) target(%dma_start3A_51 : memref<640xf32, #tpu.memory_space<vmem_shared>>) target_semaphore(%run_scoped3A : memref<!tpu.dma_semaphore, #tpu.memory_space<semaphore_mem>>)
      %dma_wait3A = tpu.memref_slice %arg8[%multiple_of3A] : memref<10240xf32, #tpu.memory_space<vmem_shared>> -> memref<640xf32, #tpu.memory_space<vmem_shared>>
      %dma_wait3A_52 = tpu.memref_slice %arg8[%multiple_of3A] : memref<10240xf32, #tpu.memory_space<vmem_shared>> -> memref<640xf32, #tpu.memory_space<vmem_shared>>
      tpu.wait_dma2 semaphore(%run_scoped3A : memref<!tpu.dma_semaphore, #tpu.memory_space<semaphore_mem>>) src(%arg7 : memref<640xf32, #tpu.memory_space<vmem>>) dst(%dma_wait3A_52 : memref<640xf32, #tpu.memory_space<vmem_shared>>)
      tpu.yield
    }) : () -> ()
    %barrier3A = arith.constant 0 : index
    tpu.barrier barrier_id(%barrier3A)
    %eq3A = arith.constant 0 : i32
    %eq3A_40 = arith.cmpi eq, %arg0, %eq3A : i32
    %convert_element_type3A = arith.extui %eq3A_40 : i1 to i32
    %cond3A = arith.constant 0 : i32
    %cond3A_41 = arith.cmpi ne, %convert_element_type3A, %cond3A : i32
    scf.if %cond3A_41 {
      %mul3A_51 = arith.constant 160 : i32
      %mul3A_52 = arith.muli %arg1, %mul3A_51 : i32
      %add3A = arith.constant 0 : i32
      %add3A_53 = arith.addi %mul3A_52, %add3A : i32
      "tpu.region"() ({
        %run_scoped3A = tpu.sem_alloc : memref<!tpu.dma_semaphore, #tpu.memory_space<semaphore_mem>>
        %dma_start3A_163 = arith.constant 0 : i32
        %dma_start3A_164 = tpu.memref_slice %arg2[%add3A_53, %dma_start3A_163] : memref<2560x128xi32, #tpu.memory_space<hbm>> -> memref<80x128xi32, #tpu.memory_space<hbm>>
        %dma_start3A_165 = arith.constant 0 : i32
        %dma_start3A_166 = tpu.memref_slice %arg2[%add3A_53, %dma_start3A_165] : memref<2560x128xi32, #tpu.memory_space<hbm>> -> memref<80x128xi32, #tpu.memory_space<hbm>>
        tpu.enqueue_dma source(%dma_start3A_166 : memref<80x128xi32, #tpu.memory_space<hbm>>) target(%arg5 : memref<80x128xi32, #tpu.memory_space<vmem>>) target_semaphore(%run_scoped3A : memref<!tpu.dma_semaphore, #tpu.memory_space<semaphore_mem>>)
        %dma_wait3A = arith.constant 0 : i32
        %dma_wait3A_167 = tpu.memref_slice %arg2[%add3A_53, %dma_wait3A] : memref<2560x128xi32, #tpu.memory_space<hbm>> -> memref<80x128xi32, #tpu.memory_space<hbm>>
        %dma_wait3A_168 = arith.constant 0 : i32
        %dma_wait3A_169 = tpu.memref_slice %arg2[%add3A_53, %dma_wait3A_168] : memref<2560x128xi32, #tpu.memory_space<hbm>> -> memref<80x128xi32, #tpu.memory_space<hbm>>
        tpu.wait_dma2 semaphore(%run_scoped3A : memref<!tpu.dma_semaphore, #tpu.memory_space<semaphore_mem>>) src(%dma_wait3A_169 : memref<80x128xi32, #tpu.memory_space<hbm>>) dst(%arg5 : memref<80x128xi32, #tpu.memory_space<vmem>>)
        tpu.yield
      }) : () -> ()
      %dma_start3A = arith.constant 0 : i32
      %dma_start3A_54 = arith.constant 0 : i32
      %dma_start3A_55 = tpu.memref_slice %arg5[%dma_start3A, %dma_start3A_54] : memref<80x128xi32, #tpu.memory_space<vmem>> -> memref<1x128xi32, #tpu.memory_space<vmem>>
      %dma_start3A_56 = tpu.memref_squeeze %dma_start3A_55 : memref<1x128xi32, #tpu.memory_space<vmem>> -> memref<128xi32, #tpu.memory_space<vmem>>
      %dma_start3A_57 = arith.constant 0 : i32
      %dma_start3A_58 = tpu.memref_slice %arg8[%dma_start3A_57] : memref<10240xf32, #tpu.memory_space<vmem_shared>> -> memref<10240xf32, #tpu.memory_space<vmem_shared>>
      tpu.enqueue_indirect_dma source(%arg6 : memref<128xf32, #tpu.memory_space<vmem>>) target(%dma_start3A_58 : memref<10240xf32, #tpu.memory_space<vmem_shared>>) offsets(%dma_start3A_56 : memref<128xi32, #tpu.memory_space<vmem>>) semaphore(%arg9 : memref<!tpu.dma_semaphore, #tpu.memory_space<semaphore_mem>>) {add = true}
      %dma_start3A_59 = arith.constant 1 : i32
      %dma_start3A_60 = arith.constant 0 : i32
      %dma_start3A_61 = tpu.memref_slice %arg5[%dma_start3A_59, %dma_start3A_60] : memref<80x128xi32, #tpu.memory_space<vmem>> -> memref<1x128xi32, #tpu.memory_space<vmem>>
      %dma_start3A_62 = tpu.memref_squeeze %dma_start3A_61 : memref<1x128xi32, #tpu.memory_space<vmem>> -> memref<128xi32, #tpu.memory_space<vmem>>
      %dma_start3A_63 = arith.constant 0 : i32
      %dma_start3A_64 = tpu.memref_slice %arg8[%dma_start3A_63] : memref<10240xf32, #tpu.memory_space<vmem_shared>> -> memref<10240xf32, #tpu.memory_space<vmem_shared>>
      tpu.enqueue_indirect_dma source(%arg6 : memref<128xf32, #tpu.memory_space<vmem>>) target(%dma_start3A_64 : memref<10240xf32, #tpu.memory_space<vmem_shared>>) offsets(%dma_start3A_62 : memref<128xi32, #tpu.memory_space<vmem>>) semaphore(%arg10 : memref<!tpu.dma_semaphore, #tpu.memory_space<semaphore_mem>>) {add = true}
      %dma_start3A_65 = arith.constant 2 : i32
      %dma_start3A_66 = arith.constant 0 : i32
      %dma_start3A_67 = tpu.memref_slice %arg5[%dma_start3A_65, %dma_start3A_66] : memref<80x128xi32, #tpu.memory_space<vmem>> -> memref<1x128xi32, #tpu.memory_space<vmem>>
      %dma_start3A_68 = tpu.memref_squeeze %dma_start3A_67 : memref<1x128xi32, #tpu.memory_space<vmem>> -> memref<128xi32, #tpu.memory_space<vmem>>
      %dma_start3A_69 = arith.constant 0 : i32
      %dma_start3A_70 = tpu.memref_slice %arg8[%dma_start3A_69] : memref<10240xf32, #tpu.memory_space<vmem_shared>> -> memref<10240xf32, #tpu.memory_space<vmem_shared>>
      tpu.enqueue_indirect_dma source(%arg6 : memref<128xf32, #tpu.memory_space<vmem>>) target(%dma_start3A_70 : memref<10240xf32, #tpu.memory_space<vmem_shared>>) offsets(%dma_start3A_68 : memref<128xi32, #tpu.memory_space<vmem>>) semaphore(%arg11 : memref<!tpu.dma_semaphore, #tpu.memory_space<semaphore_mem>>) {add = true}
      %dma_start3A_71 = arith.constant 3 : i32
      %dma_start3A_72 = arith.constant 0 : i32
      %dma_start3A_73 = tpu.memref_slice %arg5[%dma_start3A_71, %dma_start3A_72] : memref<80x128xi32, #tpu.memory_space<vmem>> -> memref<1x128xi32, #tpu.memory_space<vmem>>
      %dma_start3A_74 = tpu.memref_squeeze %dma_start3A_73 : memref<1x128xi32, #tpu.memory_space<vmem>> -> memref<128xi32, #tpu.memory_space<vmem>>
      %dma_start3A_75 = arith.constant 0 : i32
      %dma_start3A_76 = tpu.memref_slice %arg8[%dma_start3A_75] : memref<10240xf32, #tpu.memory_space<vmem_shared>> -> memref<10240xf32, #tpu.memory_space<vmem_shared>>
      tpu.enqueue_indirect_dma source(%arg6 : memref<128xf32, #tpu.memory_space<vmem>>) target(%dma_start3A_76 : memref<10240xf32, #tpu.memory_space<vmem_shared>>) offsets(%dma_start3A_74 : memref<128xi32, #tpu.memory_space<vmem>>) semaphore(%arg12 : memref<!tpu.dma_semaphore, #tpu.memory_space<semaphore_mem>>) {add = true}
      %dma_start3A_77 = arith.constant 4 : i32
      %dma_start3A_78 = arith.constant 0 : i32
      %dma_start3A_79 = tpu.memref_slice %arg5[%dma_start3A_77, %dma_start3A_78] : memref<80x128xi32, #tpu.memory_space<vmem>> -> memref<1x128xi32, #tpu.memory_space<vmem>>
      %dma_start3A_80 = tpu.memref_squeeze %dma_start3A_79 : memref<1x128xi32, #tpu.memory_space<vmem>> -> memref<128xi32, #tpu.memory_space<vmem>>
      %dma_start3A_81 = arith.constant 0 : i32
      %dma_start3A_82 = tpu.memref_slice %arg8[%dma_start3A_81] : memref<10240xf32, #tpu.memory_space<vmem_shared>> -> memref<10240xf32, #tpu.memory_space<vmem_shared>>
      tpu.enqueue_indirect_dma source(%arg6 : memref<128xf32, #tpu.memory_space<vmem>>) target(%dma_start3A_82 : memref<10240xf32, #tpu.memory_space<vmem_shared>>) offsets(%dma_start3A_80 : memref<128xi32, #tpu.memory_space<vmem>>) semaphore(%arg13 : memref<!tpu.dma_semaphore, #tpu.memory_space<semaphore_mem>>) {add = true}
      %dma_start3A_83 = arith.constant 5 : i32
      %dma_start3A_84 = arith.constant 0 : i32
      %dma_start3A_85 = tpu.memref_slice %arg5[%dma_start3A_83, %dma_start3A_84] : memref<80x128xi32, #tpu.memory_space<vmem>> -> memref<1x128xi32, #tpu.memory_space<vmem>>
      %dma_start3A_86 = tpu.memref_squeeze %dma_start3A_85 : memref<1x128xi32, #tpu.memory_space<vmem>> -> memref<128xi32, #tpu.memory_space<vmem>>
      %dma_start3A_87 = arith.constant 0 : i32
      %dma_start3A_88 = tpu.memref_slice %arg8[%dma_start3A_87] : memref<10240xf32, #tpu.memory_space<vmem_shared>> -> memref<10240xf32, #tpu.memory_space<vmem_shared>>
      tpu.enqueue_indirect_dma source(%arg6 : memref<128xf32, #tpu.memory_space<vmem>>) target(%dma_start3A_88 : memref<10240xf32, #tpu.memory_space<vmem_shared>>) offsets(%dma_start3A_86 : memref<128xi32, #tpu.memory_space<vmem>>) semaphore(%arg14 : memref<!tpu.dma_semaphore, #tpu.memory_space<semaphore_mem>>) {add = true}
      %dma_start3A_89 = arith.constant 6 : i32
      %dma_start3A_90 = arith.constant 0 : i32
      %dma_start3A_91 = tpu.memref_slice %arg5[%dma_start3A_89, %dma_start3A_90] : memref<80x128xi32, #tpu.memory_space<vmem>> -> memref<1x128xi32, #tpu.memory_space<vmem>>
      %dma_start3A_92 = tpu.memref_squeeze %dma_start3A_91 : memref<1x128xi32, #tpu.memory_space<vmem>> -> memref<128xi32, #tpu.memory_space<vmem>>
      %dma_start3A_93 = arith.constant 0 : i32
      %dma_start3A_94 = tpu.memref_slice %arg8[%dma_start3A_93] : memref<10240xf32, #tpu.memory_space<vmem_shared>> -> memref<10240xf32, #tpu.memory_space<vmem_shared>>
      tpu.enqueue_indirect_dma source(%arg6 : memref<128xf32, #tpu.memory_space<vmem>>) target(%dma_start3A_94 : memref<10240xf32, #tpu.memory_space<vmem_shared>>) offsets(%dma_start3A_92 : memref<128xi32, #tpu.memory_space<vmem>>) semaphore(%arg15 : memref<!tpu.dma_semaphore, #tpu.memory_space<semaphore_mem>>) {add = true}
      %dma_start3A_95 = arith.constant 7 : i32
      %dma_start3A_96 = arith.constant 0 : i32
      %dma_start3A_97 = tpu.memref_slice %arg5[%dma_start3A_95, %dma_start3A_96] : memref<80x128xi32, #tpu.memory_space<vmem>> -> memref<1x128xi32, #tpu.memory_space<vmem>>
      %dma_start3A_98 = tpu.memref_squeeze %dma_start3A_97 : memref<1x128xi32, #tpu.memory_space<vmem>> -> memref<128xi32, #tpu.memory_space<vmem>>
      %dma_start3A_99 = arith.constant 0 : i32
      %dma_start3A_100 = tpu.memref_slice %arg8[%dma_start3A_99] : memref<10240xf32, #tpu.memory_space<vmem_shared>> -> memref<10240xf32, #tpu.memory_space<vmem_shared>>
      tpu.enqueue_indirect_dma source(%arg6 : memref<128xf32, #tpu.memory_space<vmem>>) target(%dma_start3A_100 : memref<10240xf32, #tpu.memory_space<vmem_shared>>) offsets(%dma_start3A_98 : memref<128xi32, #tpu.memory_space<vmem>>) semaphore(%arg16 : memref<!tpu.dma_semaphore, #tpu.memory_space<semaphore_mem>>) {add = true}
      %scan3A_101 = arith.constant 0 : i32
      %scan3A_102 = arith.constant 10 : i32
      %scan3A_103 = arith.addi %scan3A_101, %scan3A_102 : i32
      %scan3A_104 = arith.constant 1 : i32
      scf.for %scan3A_163 = %scan3A_101 to %scan3A_103 step %scan3A_104  : i32 {
        %mul3A_164 = arith.constant 8 : i32
        %mul3A_165 = arith.muli %scan3A_163, %mul3A_164 : i32
        %add3A_166 = arith.constant 0 : i32
        %add3A_167 = arith.addi %add3A_166, %mul3A_165 : i32
        %add3A_168 = arith.constant 0 : i32
        %add3A_169 = arith.addi %add3A_167, %add3A_168 : i32
        %dma_wait3A = arith.constant 0 : i32
        %dma_wait3A_170 = arith.constant 0 : i32
        %dma_wait3A_171 = tpu.memref_slice %arg5[%dma_wait3A, %dma_wait3A_170] : memref<80x128xi32, #tpu.memory_space<vmem>> -> memref<1x128xi32, #tpu.memory_space<vmem>>
        %dma_wait3A_172 = tpu.memref_squeeze %dma_wait3A_171 : memref<1x128xi32, #tpu.memory_space<vmem>> -> memref<128xi32, #tpu.memory_space<vmem>>
        %dma_wait3A_173 = arith.constant 0 : i32
        %dma_wait3A_174 = tpu.memref_slice %arg8[%dma_wait3A_173] : memref<10240xf32, #tpu.memory_space<vmem_shared>> -> memref<10240xf32, #tpu.memory_space<vmem_shared>>
        tpu.wait_indirect_dma semaphore(%arg9 : memref<!tpu.dma_semaphore, #tpu.memory_space<semaphore_mem>>) src(%arg6 : memref<128xf32, #tpu.memory_space<vmem>>) dst(%dma_wait3A_174 : memref<10240xf32, #tpu.memory_space<vmem_shared>>)
        %add3A_175 = arith.constant 8 : i32
        %add3A_176 = arith.addi %add3A_169, %add3A_175 : i32
        %lt3A = arith.constant 80 : i32
        %lt3A_177 = arith.cmpi slt, %add3A_176, %lt3A : i32
        %convert_element_type3A_178 = arith.extui %lt3A_177 : i1 to i32
        %cond3A_179 = arith.constant 0 : i32
        %cond3A_180 = arith.cmpi ne, %convert_element_type3A_178, %cond3A_179 : i32
        scf.if %cond3A_180 {
          %add3A_286 = arith.constant 8 : i32
          %add3A_287 = arith.addi %add3A_169, %add3A_286 : i32
          %dma_start3A_288 = arith.constant 0 : i32
          %dma_start3A_289 = tpu.memref_slice %arg5[%add3A_287, %dma_start3A_288] : memref<80x128xi32, #tpu.memory_space<vmem>> -> memref<1x128xi32, #tpu.memory_space<vmem>>
          %dma_start3A_290 = tpu.memref_squeeze %dma_start3A_289 : memref<1x128xi32, #tpu.memory_space<vmem>> -> memref<128xi32, #tpu.memory_space<vmem>>
          %dma_start3A_291 = arith.constant 0 : i32
          %dma_start3A_292 = tpu.memref_slice %arg8[%dma_start3A_291] : memref<10240xf32, #tpu.memory_space<vmem_shared>> -> memref<10240xf32, #tpu.memory_space<vmem_shared>>
          tpu.enqueue_indirect_dma source(%arg6 : memref<128xf32, #tpu.memory_space<vmem>>) target(%dma_start3A_292 : memref<10240xf32, #tpu.memory_space<vmem_shared>>) offsets(%dma_start3A_290 : memref<128xi32, #tpu.memory_space<vmem>>) semaphore(%arg9 : memref<!tpu.dma_semaphore, #tpu.memory_space<semaphore_mem>>) {add = true}
        } else {
        }
        %add3A_181 = arith.constant 1 : i32
        %add3A_182 = arith.addi %add3A_167, %add3A_181 : i32
        %dma_wait3A_183 = arith.constant 0 : i32
        %dma_wait3A_184 = arith.constant 0 : i32
        %dma_wait3A_185 = tpu.memref_slice %arg5[%dma_wait3A_183, %dma_wait3A_184] : memref<80x128xi32, #tpu.memory_space<vmem>> -> memref<1x128xi32, #tpu.memory_space<vmem>>
        %dma_wait3A_186 = tpu.memref_squeeze %dma_wait3A_185 : memref<1x128xi32, #tpu.memory_space<vmem>> -> memref<128xi32, #tpu.memory_space<vmem>>
        %dma_wait3A_187 = arith.constant 0 : i32
        %dma_wait3A_188 = tpu.memref_slice %arg8[%dma_wait3A_187] : memref<10240xf32, #tpu.memory_space<vmem_shared>> -> memref<10240xf32, #tpu.memory_space<vmem_shared>>
        tpu.wait_indirect_dma semaphore(%arg10 : memref<!tpu.dma_semaphore, #tpu.memory_space<semaphore_mem>>) src(%arg6 : memref<128xf32, #tpu.memory_space<vmem>>) dst(%dma_wait3A_188 : memref<10240xf32, #tpu.memory_space<vmem_shared>>)
        %add3A_189 = arith.constant 8 : i32
        %add3A_190 = arith.addi %add3A_182, %add3A_189 : i32
        %lt3A_191 = arith.constant 80 : i32
        %lt3A_192 = arith.cmpi slt, %add3A_190, %lt3A_191 : i32
        %convert_element_type3A_193 = arith.extui %lt3A_192 : i1 to i32
        %cond3A_194 = arith.constant 0 : i32
        %cond3A_195 = arith.cmpi ne, %convert_element_type3A_193, %cond3A_194 : i32
        scf.if %cond3A_195 {
          %add3A_286 = arith.constant 8 : i32
          %add3A_287 = arith.addi %add3A_182, %add3A_286 : i32
          %dma_start3A_288 = arith.constant 0 : i32
          %dma_start3A_289 = tpu.memref_slice %arg5[%add3A_287, %dma_start3A_288] : memref<80x128xi32, #tpu.memory_space<vmem>> -> memref<1x128xi32, #tpu.memory_space<vmem>>
          %dma_start3A_290 = tpu.memref_squeeze %dma_start3A_289 : memref<1x128xi32, #tpu.memory_space<vmem>> -> memref<128xi32, #tpu.memory_space<vmem>>
          %dma_start3A_291 = arith.constant 0 : i32
          %dma_start3A_292 = tpu.memref_slice %arg8[%dma_start3A_291] : memref<10240xf32, #tpu.memory_space<vmem_shared>> -> memref<10240xf32, #tpu.memory_space<vmem_shared>>
          tpu.enqueue_indirect_dma source(%arg6 : memref<128xf32, #tpu.memory_space<vmem>>) target(%dma_start3A_292 : memref<10240xf32, #tpu.memory_space<vmem_shared>>) offsets(%dma_start3A_290 : memref<128xi32, #tpu.memory_space<vmem>>) semaphore(%arg10 : memref<!tpu.dma_semaphore, #tpu.memory_space<semaphore_mem>>) {add = true}
        } else {
        }
        %add3A_196 = arith.constant 2 : i32
        %add3A_197 = arith.addi %add3A_167, %add3A_196 : i32
        %dma_wait3A_198 = arith.constant 0 : i32
        %dma_wait3A_199 = arith.constant 0 : i32
        %dma_wait3A_200 = tpu.memref_slice %arg5[%dma_wait3A_198, %dma_wait3A_199] : memref<80x128xi32, #tpu.memory_space<vmem>> -> memref<1x128xi32, #tpu.memory_space<vmem>>
        %dma_wait3A_201 = tpu.memref_squeeze %dma_wait3A_200 : memref<1x128xi32, #tpu.memory_space<vmem>> -> memref<128xi32, #tpu.memory_space<vmem>>
        %dma_wait3A_202 = arith.constant 0 : i32
        %dma_wait3A_203 = tpu.memref_slice %arg8[%dma_wait3A_202] : memref<10240xf32, #tpu.memory_space<vmem_shared>> -> memref<10240xf32, #tpu.memory_space<vmem_shared>>
        tpu.wait_indirect_dma semaphore(%arg11 : memref<!tpu.dma_semaphore, #tpu.memory_space<semaphore_mem>>) src(%arg6 : memref<128xf32, #tpu.memory_space<vmem>>) dst(%dma_wait3A_203 : memref<10240xf32, #tpu.memory_space<vmem_shared>>)
        %add3A_204 = arith.constant 8 : i32
        %add3A_205 = arith.addi %add3A_197, %add3A_204 : i32
        %lt3A_206 = arith.constant 80 : i32
        %lt3A_207 = arith.cmpi slt, %add3A_205, %lt3A_206 : i32
        %convert_element_type3A_208 = arith.extui %lt3A_207 : i1 to i32
        %cond3A_209 = arith.constant 0 : i32
        %cond3A_210 = arith.cmpi ne, %convert_element_type3A_208, %cond3A_209 : i32
        scf.if %cond3A_210 {
          %add3A_286 = arith.constant 8 : i32
          %add3A_287 = arith.addi %add3A_197, %add3A_286 : i32
          %dma_start3A_288 = arith.constant 0 : i32
          %dma_start3A_289 = tpu.memref_slice %arg5[%add3A_287, %dma_start3A_288] : memref<80x128xi32, #tpu.memory_space<vmem>> -> memref<1x128xi32, #tpu.memory_space<vmem>>
          %dma_start3A_290 = tpu.memref_squeeze %dma_start3A_289 : memref<1x128xi32, #tpu.memory_space<vmem>> -> memref<128xi32, #tpu.memory_space<vmem>>
          %dma_start3A_291 = arith.constant 0 : i32
          %dma_start3A_292 = tpu.memref_slice %arg8[%dma_start3A_291] : memref<10240xf32, #tpu.memory_space<vmem_shared>> -> memref<10240xf32, #tpu.memory_space<vmem_shared>>
          tpu.enqueue_indirect_dma source(%arg6 : memref<128xf32, #tpu.memory_space<vmem>>) target(%dma_start3A_292 : memref<10240xf32, #tpu.memory_space<vmem_shared>>) offsets(%dma_start3A_290 : memref<128xi32, #tpu.memory_space<vmem>>) semaphore(%arg11 : memref<!tpu.dma_semaphore, #tpu.memory_space<semaphore_mem>>) {add = true}
        } else {
        }
        %add3A_211 = arith.constant 3 : i32
        %add3A_212 = arith.addi %add3A_167, %add3A_211 : i32
        %dma_wait3A_213 = arith.constant 0 : i32
        %dma_wait3A_214 = arith.constant 0 : i32
        %dma_wait3A_215 = tpu.memref_slice %arg5[%dma_wait3A_213, %dma_wait3A_214] : memref<80x128xi32, #tpu.memory_space<vmem>> -> memref<1x128xi32, #tpu.memory_space<vmem>>
        %dma_wait3A_216 = tpu.memref_squeeze %dma_wait3A_215 : memref<1x128xi32, #tpu.memory_space<vmem>> -> memref<128xi32, #tpu.memory_space<vmem>>
        %dma_wait3A_217 = arith.constant 0 : i32
        %dma_wait3A_218 = tpu.memref_slice %arg8[%dma_wait3A_217] : memref<10240xf32, #tpu.memory_space<vmem_shared>> -> memref<10240xf32, #tpu.memory_space<vmem_shared>>
        tpu.wait_indirect_dma semaphore(%arg12 : memref<!tpu.dma_semaphore, #tpu.memory_space<semaphore_mem>>) src(%arg6 : memref<128xf32, #tpu.memory_space<vmem>>) dst(%dma_wait3A_218 : memref<10240xf32, #tpu.memory_space<vmem_shared>>)
        %add3A_219 = arith.constant 8 : i32
        %add3A_220 = arith.addi %add3A_212, %add3A_219 : i32
        %lt3A_221 = arith.constant 80 : i32
        %lt3A_222 = arith.cmpi slt, %add3A_220, %lt3A_221 : i32
        %convert_element_type3A_223 = arith.extui %lt3A_222 : i1 to i32
        %cond3A_224 = arith.constant 0 : i32
        %cond3A_225 = arith.cmpi ne, %convert_element_type3A_223, %cond3A_224 : i32
        scf.if %cond3A_225 {
          %add3A_286 = arith.constant 8 : i32
          %add3A_287 = arith.addi %add3A_212, %add3A_286 : i32
          %dma_start3A_288 = arith.constant 0 : i32
          %dma_start3A_289 = tpu.memref_slice %arg5[%add3A_287, %dma_start3A_288] : memref<80x128xi32, #tpu.memory_space<vmem>> -> memref<1x128xi32, #tpu.memory_space<vmem>>
          %dma_start3A_290 = tpu.memref_squeeze %dma_start3A_289 : memref<1x128xi32, #tpu.memory_space<vmem>> -> memref<128xi32, #tpu.memory_space<vmem>>
          %dma_start3A_291 = arith.constant 0 : i32
          %dma_start3A_292 = tpu.memref_slice %arg8[%dma_start3A_291] : memref<10240xf32, #tpu.memory_space<vmem_shared>> -> memref<10240xf32, #tpu.memory_space<vmem_shared>>
          tpu.enqueue_indirect_dma source(%arg6 : memref<128xf32, #tpu.memory_space<vmem>>) target(%dma_start3A_292 : memref<10240xf32, #tpu.memory_space<vmem_shared>>) offsets(%dma_start3A_290 : memref<128xi32, #tpu.memory_space<vmem>>) semaphore(%arg12 : memref<!tpu.dma_semaphore, #tpu.memory_space<semaphore_mem>>) {add = true}
        } else {
        }
        %add3A_226 = arith.constant 4 : i32
        %add3A_227 = arith.addi %add3A_167, %add3A_226 : i32
        %dma_wait3A_228 = arith.constant 0 : i32
        %dma_wait3A_229 = arith.constant 0 : i32
        %dma_wait3A_230 = tpu.memref_slice %arg5[%dma_wait3A_228, %dma_wait3A_229] : memref<80x128xi32, #tpu.memory_space<vmem>> -> memref<1x128xi32, #tpu.memory_space<vmem>>
        %dma_wait3A_231 = tpu.memref_squeeze %dma_wait3A_230 : memref<1x128xi32, #tpu.memory_space<vmem>> -> memref<128xi32, #tpu.memory_space<vmem>>
        %dma_wait3A_232 = arith.constant 0 : i32
        %dma_wait3A_233 = tpu.memref_slice %arg8[%dma_wait3A_232] : memref<10240xf32, #tpu.memory_space<vmem_shared>> -> memref<10240xf32, #tpu.memory_space<vmem_shared>>
        tpu.wait_indirect_dma semaphore(%arg13 : memref<!tpu.dma_semaphore, #tpu.memory_space<semaphore_mem>>) src(%arg6 : memref<128xf32, #tpu.memory_space<vmem>>) dst(%dma_wait3A_233 : memref<10240xf32, #tpu.memory_space<vmem_shared>>)
        %add3A_234 = arith.constant 8 : i32
        %add3A_235 = arith.addi %add3A_227, %add3A_234 : i32
        %lt3A_236 = arith.constant 80 : i32
        %lt3A_237 = arith.cmpi slt, %add3A_235, %lt3A_236 : i32
        %convert_element_type3A_238 = arith.extui %lt3A_237 : i1 to i32
        %cond3A_239 = arith.constant 0 : i32
        %cond3A_240 = arith.cmpi ne, %convert_element_type3A_238, %cond3A_239 : i32
        scf.if %cond3A_240 {
          %add3A_286 = arith.constant 8 : i32
          %add3A_287 = arith.addi %add3A_227, %add3A_286 : i32
          %dma_start3A_288 = arith.constant 0 : i32
          %dma_start3A_289 = tpu.memref_slice %arg5[%add3A_287, %dma_start3A_288] : memref<80x128xi32, #tpu.memory_space<vmem>> -> memref<1x128xi32, #tpu.memory_space<vmem>>
          %dma_start3A_290 = tpu.memref_squeeze %dma_start3A_289 : memref<1x128xi32, #tpu.memory_space<vmem>> -> memref<128xi32, #tpu.memory_space<vmem>>
          %dma_start3A_291 = arith.constant 0 : i32
          %dma_start3A_292 = tpu.memref_slice %arg8[%dma_start3A_291] : memref<10240xf32, #tpu.memory_space<vmem_shared>> -> memref<10240xf32, #tpu.memory_space<vmem_shared>>
          tpu.enqueue_indirect_dma source(%arg6 : memref<128xf32, #tpu.memory_space<vmem>>) target(%dma_start3A_292 : memref<10240xf32, #tpu.memory_space<vmem_shared>>) offsets(%dma_start3A_290 : memref<128xi32, #tpu.memory_space<vmem>>) semaphore(%arg13 : memref<!tpu.dma_semaphore, #tpu.memory_space<semaphore_mem>>) {add = true}
        } else {
        }
        %add3A_241 = arith.constant 5 : i32
        %add3A_242 = arith.addi %add3A_167, %add3A_241 : i32
        %dma_wait3A_243 = arith.constant 0 : i32
        %dma_wait3A_244 = arith.constant 0 : i32
        %dma_wait3A_245 = tpu.memref_slice %arg5[%dma_wait3A_243, %dma_wait3A_244] : memref<80x128xi32, #tpu.memory_space<vmem>> -> memref<1x128xi32, #tpu.memory_space<vmem>>
        %dma_wait3A_246 = tpu.memref_squeeze %dma_wait3A_245 : memref<1x128xi32, #tpu.memory_space<vmem>> -> memref<128xi32, #tpu.memory_space<vmem>>
        %dma_wait3A_247 = arith.constant 0 : i32
        %dma_wait3A_248 = tpu.memref_slice %arg8[%dma_wait3A_247] : memref<10240xf32, #tpu.memory_space<vmem_shared>> -> memref<10240xf32, #tpu.memory_space<vmem_shared>>
        tpu.wait_indirect_dma semaphore(%arg14 : memref<!tpu.dma_semaphore, #tpu.memory_space<semaphore_mem>>) src(%arg6 : memref<128xf32, #tpu.memory_space<vmem>>) dst(%dma_wait3A_248 : memref<10240xf32, #tpu.memory_space<vmem_shared>>)
        %add3A_249 = arith.constant 8 : i32
        %add3A_250 = arith.addi %add3A_242, %add3A_249 : i32
        %lt3A_251 = arith.constant 80 : i32
        %lt3A_252 = arith.cmpi slt, %add3A_250, %lt3A_251 : i32
        %convert_element_type3A_253 = arith.extui %lt3A_252 : i1 to i32
        %cond3A_254 = arith.constant 0 : i32
        %cond3A_255 = arith.cmpi ne, %convert_element_type3A_253, %cond3A_254 : i32
        scf.if %cond3A_255 {
          %add3A_286 = arith.constant 8 : i32
          %add3A_287 = arith.addi %add3A_242, %add3A_286 : i32
          %dma_start3A_288 = arith.constant 0 : i32
          %dma_start3A_289 = tpu.memref_slice %arg5[%add3A_287, %dma_start3A_288] : memref<80x128xi32, #tpu.memory_space<vmem>> -> memref<1x128xi32, #tpu.memory_space<vmem>>
          %dma_start3A_290 = tpu.memref_squeeze %dma_start3A_289 : memref<1x128xi32, #tpu.memory_space<vmem>> -> memref<128xi32, #tpu.memory_space<vmem>>
          %dma_start3A_291 = arith.constant 0 : i32
          %dma_start3A_292 = tpu.memref_slice %arg8[%dma_start3A_291] : memref<10240xf32, #tpu.memory_space<vmem_shared>> -> memref<10240xf32, #tpu.memory_space<vmem_shared>>
          tpu.enqueue_indirect_dma source(%arg6 : memref<128xf32, #tpu.memory_space<vmem>>) target(%dma_start3A_292 : memref<10240xf32, #tpu.memory_space<vmem_shared>>) offsets(%dma_start3A_290 : memref<128xi32, #tpu.memory_space<vmem>>) semaphore(%arg14 : memref<!tpu.dma_semaphore, #tpu.memory_space<semaphore_mem>>) {add = true}
        } else {
        }
        %add3A_256 = arith.constant 6 : i32
        %add3A_257 = arith.addi %add3A_167, %add3A_256 : i32
        %dma_wait3A_258 = arith.constant 0 : i32
        %dma_wait3A_259 = arith.constant 0 : i32
        %dma_wait3A_260 = tpu.memref_slice %arg5[%dma_wait3A_258, %dma_wait3A_259] : memref<80x128xi32, #tpu.memory_space<vmem>> -> memref<1x128xi32, #tpu.memory_space<vmem>>
        %dma_wait3A_261 = tpu.memref_squeeze %dma_wait3A_260 : memref<1x128xi32, #tpu.memory_space<vmem>> -> memref<128xi32, #tpu.memory_space<vmem>>
        %dma_wait3A_262 = arith.constant 0 : i32
        %dma_wait3A_263 = tpu.memref_slice %arg8[%dma_wait3A_262] : memref<10240xf32, #tpu.memory_space<vmem_shared>> -> memref<10240xf32, #tpu.memory_space<vmem_shared>>
        tpu.wait_indirect_dma semaphore(%arg15 : memref<!tpu.dma_semaphore, #tpu.memory_space<semaphore_mem>>) src(%arg6 : memref<128xf32, #tpu.memory_space<vmem>>) dst(%dma_wait3A_263 : memref<10240xf32, #tpu.memory_space<vmem_shared>>)
        %add3A_264 = arith.constant 8 : i32
        %add3A_265 = arith.addi %add3A_257, %add3A_264 : i32
        %lt3A_266 = arith.constant 80 : i32
        %lt3A_267 = arith.cmpi slt, %add3A_265, %lt3A_266 : i32
        %convert_element_type3A_268 = arith.extui %lt3A_267 : i1 to i32
        %cond3A_269 = arith.constant 0 : i32
        %cond3A_270 = arith.cmpi ne, %convert_element_type3A_268, %cond3A_269 : i32
        scf.if %cond3A_270 {
          %add3A_286 = arith.constant 8 : i32
          %add3A_287 = arith.addi %add3A_257, %add3A_286 : i32
          %dma_start3A_288 = arith.constant 0 : i32
          %dma_start3A_289 = tpu.memref_slice %arg5[%add3A_287, %dma_start3A_288] : memref<80x128xi32, #tpu.memory_space<vmem>> -> memref<1x128xi32, #tpu.memory_space<vmem>>
          %dma_start3A_290 = tpu.memref_squeeze %dma_start3A_289 : memref<1x128xi32, #tpu.memory_space<vmem>> -> memref<128xi32, #tpu.memory_space<vmem>>
          %dma_start3A_291 = arith.constant 0 : i32
          %dma_start3A_292 = tpu.memref_slice %arg8[%dma_start3A_291] : memref<10240xf32, #tpu.memory_space<vmem_shared>> -> memref<10240xf32, #tpu.memory_space<vmem_shared>>
          tpu.enqueue_indirect_dma source(%arg6 : memref<128xf32, #tpu.memory_space<vmem>>) target(%dma_start3A_292 : memref<10240xf32, #tpu.memory_space<vmem_shared>>) offsets(%dma_start3A_290 : memref<128xi32, #tpu.memory_space<vmem>>) semaphore(%arg15 : memref<!tpu.dma_semaphore, #tpu.memory_space<semaphore_mem>>) {add = true}
        } else {
        }
        %add3A_271 = arith.constant 7 : i32
        %add3A_272 = arith.addi %add3A_167, %add3A_271 : i32
        %dma_wait3A_273 = arith.constant 0 : i32
        %dma_wait3A_274 = arith.constant 0 : i32
        %dma_wait3A_275 = tpu.memref_slice %arg5[%dma_wait3A_273, %dma_wait3A_274] : memref<80x128xi32, #tpu.memory_space<vmem>> -> memref<1x128xi32, #tpu.memory_space<vmem>>
        %dma_wait3A_276 = tpu.memref_squeeze %dma_wait3A_275 : memref<1x128xi32, #tpu.memory_space<vmem>> -> memref<128xi32, #tpu.memory_space<vmem>>
        %dma_wait3A_277 = arith.constant 0 : i32
        %dma_wait3A_278 = tpu.memref_slice %arg8[%dma_wait3A_277] : memref<10240xf32, #tpu.memory_space<vmem_shared>> -> memref<10240xf32, #tpu.memory_space<vmem_shared>>
        tpu.wait_indirect_dma semaphore(%arg16 : memref<!tpu.dma_semaphore, #tpu.memory_space<semaphore_mem>>) src(%arg6 : memref<128xf32, #tpu.memory_space<vmem>>) dst(%dma_wait3A_278 : memref<10240xf32, #tpu.memory_space<vmem_shared>>)
        %add3A_279 = arith.constant 8 : i32
        %add3A_280 = arith.addi %add3A_272, %add3A_279 : i32
        %lt3A_281 = arith.constant 80 : i32
        %lt3A_282 = arith.cmpi slt, %add3A_280, %lt3A_281 : i32
        %convert_element_type3A_283 = arith.extui %lt3A_282 : i1 to i32
        %cond3A_284 = arith.constant 0 : i32
        %cond3A_285 = arith.cmpi ne, %convert_element_type3A_283, %cond3A_284 : i32
        scf.if %cond3A_285 {
          %add3A_286 = arith.constant 8 : i32
          %add3A_287 = arith.addi %add3A_272, %add3A_286 : i32
          %dma_start3A_288 = arith.constant 0 : i32
          %dma_start3A_289 = tpu.memref_slice %arg5[%add3A_287, %dma_start3A_288] : memref<80x128xi32, #tpu.memory_space<vmem>> -> memref<1x128xi32, #tpu.memory_space<vmem>>
          %dma_start3A_290 = tpu.memref_squeeze %dma_start3A_289 : memref<1x128xi32, #tpu.memory_space<vmem>> -> memref<128xi32, #tpu.memory_space<vmem>>
          %dma_start3A_291 = arith.constant 0 : i32
          %dma_start3A_292 = tpu.memref_slice %arg8[%dma_start3A_291] : memref<10240xf32, #tpu.memory_space<vmem_shared>> -> memref<10240xf32, #tpu.memory_space<vmem_shared>>
          tpu.enqueue_indirect_dma source(%arg6 : memref<128xf32, #tpu.memory_space<vmem>>) target(%dma_start3A_292 : memref<10240xf32, #tpu.memory_space<vmem_shared>>) offsets(%dma_start3A_290 : memref<128xi32, #tpu.memory_space<vmem>>) semaphore(%arg16 : memref<!tpu.dma_semaphore, #tpu.memory_space<semaphore_mem>>) {add = true}
        } else {
        }
      }
      %scan3A_105 = arith.constant 10 : i32
      %mul3A_106 = arith.constant 160 : i32
      %mul3A_107 = arith.muli %arg1, %mul3A_106 : i32
      %add3A_108 = arith.constant 80 : i32
      %add3A_109 = arith.addi %mul3A_107, %add3A_108 : i32
      "tpu.region"() ({
        %run_scoped3A = tpu.sem_alloc : memref<!tpu.dma_semaphore, #tpu.memory_space<semaphore_mem>>
        %dma_start3A_163 = arith.constant 0 : i32
        %dma_start3A_164 = tpu.memref_slice %arg2[%add3A_109, %dma_start3A_163] : memref<2560x128xi32, #tpu.memory_space<hbm>> -> memref<80x128xi32, #tpu.memory_space<hbm>>
        %dma_start3A_165 = arith.constant 0 : i32
        %dma_start3A_166 = tpu.memref_slice %arg2[%add3A_109, %dma_start3A_165] : memref<2560x128xi32, #tpu.memory_space<hbm>> -> memref<80x128xi32, #tpu.memory_space<hbm>>
        tpu.enqueue_dma source(%dma_start3A_166 : memref<80x128xi32, #tpu.memory_space<hbm>>) target(%arg5 : memref<80x128xi32, #tpu.memory_space<vmem>>) target_semaphore(%run_scoped3A : memref<!tpu.dma_semaphore, #tpu.memory_space<semaphore_mem>>)
        %dma_wait3A = arith.constant 0 : i32
        %dma_wait3A_167 = tpu.memref_slice %arg2[%add3A_109, %dma_wait3A] : memref<2560x128xi32, #tpu.memory_space<hbm>> -> memref<80x128xi32, #tpu.memory_space<hbm>>
        %dma_wait3A_168 = arith.constant 0 : i32
        %dma_wait3A_169 = tpu.memref_slice %arg2[%add3A_109, %dma_wait3A_168] : memref<2560x128xi32, #tpu.memory_space<hbm>> -> memref<80x128xi32, #tpu.memory_space<hbm>>
        tpu.wait_dma2 semaphore(%run_scoped3A : memref<!tpu.dma_semaphore, #tpu.memory_space<semaphore_mem>>) src(%dma_wait3A_169 : memref<80x128xi32, #tpu.memory_space<hbm>>) dst(%arg5 : memref<80x128xi32, #tpu.memory_space<vmem>>)
        tpu.yield
      }) : () -> ()
      %dma_start3A_110 = arith.constant 0 : i32
      %dma_start3A_111 = arith.constant 0 : i32
      %dma_start3A_112 = tpu.memref_slice %arg5[%dma_start3A_110, %dma_start3A_111] : memref<80x128xi32, #tpu.memory_space<vmem>> -> memref<1x128xi32, #tpu.memory_space<vmem>>
      %dma_start3A_113 = tpu.memref_squeeze %dma_start3A_112 : memref<1x128xi32, #tpu.memory_space<vmem>> -> memref<128xi32, #tpu.memory_space<vmem>>
      %dma_start3A_114 = arith.constant 0 : i32
      %dma_start3A_115 = tpu.memref_slice %arg8[%dma_start3A_114] : memref<10240xf32, #tpu.memory_space<vmem_shared>> -> memref<10240xf32, #tpu.memory_space<vmem_shared>>
      tpu.enqueue_indirect_dma source(%arg6 : memref<128xf32, #tpu.memory_space<vmem>>) target(%dma_start3A_115 : memref<10240xf32, #tpu.memory_space<vmem_shared>>) offsets(%dma_start3A_113 : memref<128xi32, #tpu.memory_space<vmem>>) semaphore(%arg9 : memref<!tpu.dma_semaphore, #tpu.memory_space<semaphore_mem>>) {add = true}
      %dma_start3A_116 = arith.constant 1 : i32
      %dma_start3A_117 = arith.constant 0 : i32
      %dma_start3A_118 = tpu.memref_slice %arg5[%dma_start3A_116, %dma_start3A_117] : memref<80x128xi32, #tpu.memory_space<vmem>> -> memref<1x128xi32, #tpu.memory_space<vmem>>
      %dma_start3A_119 = tpu.memref_squeeze %dma_start3A_118 : memref<1x128xi32, #tpu.memory_space<vmem>> -> memref<128xi32, #tpu.memory_space<vmem>>
      %dma_start3A_120 = arith.constant 0 : i32
      %dma_start3A_121 = tpu.memref_slice %arg8[%dma_start3A_120] : memref<10240xf32, #tpu.memory_space<vmem_shared>> -> memref<10240xf32, #tpu.memory_space<vmem_shared>>
      tpu.enqueue_indirect_dma source(%arg6 : memref<128xf32, #tpu.memory_space<vmem>>) target(%dma_start3A_121 : memref<10240xf32, #tpu.memory_space<vmem_shared>>) offsets(%dma_start3A_119 : memref<128xi32, #tpu.memory_space<vmem>>) semaphore(%arg10 : memref<!tpu.dma_semaphore, #tpu.memory_space<semaphore_mem>>) {add = true}
      %dma_start3A_122 = arith.constant 2 : i32
      %dma_start3A_123 = arith.constant 0 : i32
      %dma_start3A_124 = tpu.memref_slice %arg5[%dma_start3A_122, %dma_start3A_123] : memref<80x128xi32, #tpu.memory_space<vmem>> -> memref<1x128xi32, #tpu.memory_space<vmem>>
      %dma_start3A_125 = tpu.memref_squeeze %dma_start3A_124 : memref<1x128xi32, #tpu.memory_space<vmem>> -> memref<128xi32, #tpu.memory_space<vmem>>
      %dma_start3A_126 = arith.constant 0 : i32
      %dma_start3A_127 = tpu.memref_slice %arg8[%dma_start3A_126] : memref<10240xf32, #tpu.memory_space<vmem_shared>> -> memref<10240xf32, #tpu.memory_space<vmem_shared>>
      tpu.enqueue_indirect_dma source(%arg6 : memref<128xf32, #tpu.memory_space<vmem>>) target(%dma_start3A_127 : memref<10240xf32, #tpu.memory_space<vmem_shared>>) offsets(%dma_start3A_125 : memref<128xi32, #tpu.memory_space<vmem>>) semaphore(%arg11 : memref<!tpu.dma_semaphore, #tpu.memory_space<semaphore_mem>>) {add = true}
      %dma_start3A_128 = arith.constant 3 : i32
      %dma_start3A_129 = arith.constant 0 : i32
      %dma_start3A_130 = tpu.memref_slice %arg5[%dma_start3A_128, %dma_start3A_129] : memref<80x128xi32, #tpu.memory_space<vmem>> -> memref<1x128xi32, #tpu.memory_space<vmem>>
      %dma_start3A_131 = tpu.memref_squeeze %dma_start3A_130 : memref<1x128xi32, #tpu.memory_space<vmem>> -> memref<128xi32, #tpu.memory_space<vmem>>
      %dma_start3A_132 = arith.constant 0 : i32
      %dma_start3A_133 = tpu.memref_slice %arg8[%dma_start3A_132] : memref<10240xf32, #tpu.memory_space<vmem_shared>> -> memref<10240xf32, #tpu.memory_space<vmem_shared>>
      tpu.enqueue_indirect_dma source(%arg6 : memref<128xf32, #tpu.memory_space<vmem>>) target(%dma_start3A_133 : memref<10240xf32, #tpu.memory_space<vmem_shared>>) offsets(%dma_start3A_131 : memref<128xi32, #tpu.memory_space<vmem>>) semaphore(%arg12 : memref<!tpu.dma_semaphore, #tpu.memory_space<semaphore_mem>>) {add = true}
      %dma_start3A_134 = arith.constant 4 : i32
      %dma_start3A_135 = arith.constant 0 : i32
      %dma_start3A_136 = tpu.memref_slice %arg5[%dma_start3A_134, %dma_start3A_135] : memref<80x128xi32, #tpu.memory_space<vmem>> -> memref<1x128xi32, #tpu.memory_space<vmem>>
      %dma_start3A_137 = tpu.memref_squeeze %dma_start3A_136 : memref<1x128xi32, #tpu.memory_space<vmem>> -> memref<128xi32, #tpu.memory_space<vmem>>
      %dma_start3A_138 = arith.constant 0 : i32
      %dma_start3A_139 = tpu.memref_slice %arg8[%dma_start3A_138] : memref<10240xf32, #tpu.memory_space<vmem_shared>> -> memref<10240xf32, #tpu.memory_space<vmem_shared>>
      tpu.enqueue_indirect_dma source(%arg6 : memref<128xf32, #tpu.memory_space<vmem>>) target(%dma_start3A_139 : memref<10240xf32, #tpu.memory_space<vmem_shared>>) offsets(%dma_start3A_137 : memref<128xi32, #tpu.memory_space<vmem>>) semaphore(%arg13 : memref<!tpu.dma_semaphore, #tpu.memory_space<semaphore_mem>>) {add = true}
      %dma_start3A_140 = arith.constant 5 : i32
      %dma_start3A_141 = arith.constant 0 : i32
      %dma_start3A_142 = tpu.memref_slice %arg5[%dma_start3A_140, %dma_start3A_141] : memref<80x128xi32, #tpu.memory_space<vmem>> -> memref<1x128xi32, #tpu.memory_space<vmem>>
      %dma_start3A_143 = tpu.memref_squeeze %dma_start3A_142 : memref<1x128xi32, #tpu.memory_space<vmem>> -> memref<128xi32, #tpu.memory_space<vmem>>
      %dma_start3A_144 = arith.constant 0 : i32
      %dma_start3A_145 = tpu.memref_slice %arg8[%dma_start3A_144] : memref<10240xf32, #tpu.memory_space<vmem_shared>> -> memref<10240xf32, #tpu.memory_space<vmem_shared>>
      tpu.enqueue_indirect_dma source(%arg6 : memref<128xf32, #tpu.memory_space<vmem>>) target(%dma_start3A_145 : memref<10240xf32, #tpu.memory_space<vmem_shared>>) offsets(%dma_start3A_143 : memref<128xi32, #tpu.memory_space<vmem>>) semaphore(%arg14 : memref<!tpu.dma_semaphore, #tpu.memory_space<semaphore_mem>>) {add = true}
      %dma_start3A_146 = arith.constant 6 : i32
      %dma_start3A_147 = arith.constant 0 : i32
      %dma_start3A_148 = tpu.memref_slice %arg5[%dma_start3A_146, %dma_start3A_147] : memref<80x128xi32, #tpu.memory_space<vmem>> -> memref<1x128xi32, #tpu.memory_space<vmem>>
      %dma_start3A_149 = tpu.memref_squeeze %dma_start3A_148 : memref<1x128xi32, #tpu.memory_space<vmem>> -> memref<128xi32, #tpu.memory_space<vmem>>
      %dma_start3A_150 = arith.constant 0 : i32
      %dma_start3A_151 = tpu.memref_slice %arg8[%dma_start3A_150] : memref<10240xf32, #tpu.memory_space<vmem_shared>> -> memref<10240xf32, #tpu.memory_space<vmem_shared>>
      tpu.enqueue_indirect_dma source(%arg6 : memref<128xf32, #tpu.memory_space<vmem>>) target(%dma_start3A_151 : memref<10240xf32, #tpu.memory_space<vmem_shared>>) offsets(%dma_start3A_149 : memref<128xi32, #tpu.memory_space<vmem>>) semaphore(%arg15 : memref<!tpu.dma_semaphore, #tpu.memory_space<semaphore_mem>>) {add = true}
      %dma_start3A_152 = arith.constant 7 : i32
      %dma_start3A_153 = arith.constant 0 : i32
      %dma_start3A_154 = tpu.memref_slice %arg5[%dma_start3A_152, %dma_start3A_153] : memref<80x128xi32, #tpu.memory_space<vmem>> -> memref<1x128xi32, #tpu.memory_space<vmem>>
      %dma_start3A_155 = tpu.memref_squeeze %dma_start3A_154 : memref<1x128xi32, #tpu.memory_space<vmem>> -> memref<128xi32, #tpu.memory_space<vmem>>
      %dma_start3A_156 = arith.constant 0 : i32
      %dma_start3A_157 = tpu.memref_slice %arg8[%dma_start3A_156] : memref<10240xf32, #tpu.memory_space<vmem_shared>> -> memref<10240xf32, #tpu.memory_space<vmem_shared>>
      tpu.enqueue_indirect_dma source(%arg6 : memref<128xf32, #tpu.memory_space<vmem>>) target(%dma_start3A_157 : memref<10240xf32, #tpu.memory_space<vmem_shared>>) offsets(%dma_start3A_155 : memref<128xi32, #tpu.memory_space<vmem>>) semaphore(%arg16 : memref<!tpu.dma_semaphore, #tpu.memory_space<semaphore_mem>>) {add = true}
      %scan3A_158 = arith.constant 0 : i32
      %scan3A_159 = arith.constant 10 : i32
      %scan3A_160 = arith.addi %scan3A_158, %scan3A_159 : i32
      %scan3A_161 = arith.constant 1 : i32
      scf.for %scan3A_163 = %scan3A_158 to %scan3A_160 step %scan3A_161  : i32 {
        %mul3A_164 = arith.constant 8 : i32
        %mul3A_165 = arith.muli %scan3A_163, %mul3A_164 : i32
        %add3A_166 = arith.constant 0 : i32
        %add3A_167 = arith.addi %add3A_166, %mul3A_165 : i32
        %add3A_168 = arith.constant 0 : i32
        %add3A_169 = arith.addi %add3A_167, %add3A_168 : i32
        %dma_wait3A = arith.constant 0 : i32
        %dma_wait3A_170 = arith.constant 0 : i32
        %dma_wait3A_171 = tpu.memref_slice %arg5[%dma_wait3A, %dma_wait3A_170] : memref<80x128xi32, #tpu.memory_space<vmem>> -> memref<1x128xi32, #tpu.memory_space<vmem>>
        %dma_wait3A_172 = tpu.memref_squeeze %dma_wait3A_171 : memref<1x128xi32, #tpu.memory_space<vmem>> -> memref<128xi32, #tpu.memory_space<vmem>>
        %dma_wait3A_173 = arith.constant 0 : i32
        %dma_wait3A_174 = tpu.memref_slice %arg8[%dma_wait3A_173] : memref<10240xf32, #tpu.memory_space<vmem_shared>> -> memref<10240xf32, #tpu.memory_space<vmem_shared>>
        tpu.wait_indirect_dma semaphore(%arg9 : memref<!tpu.dma_semaphore, #tpu.memory_space<semaphore_mem>>) src(%arg6 : memref<128xf32, #tpu.memory_space<vmem>>) dst(%dma_wait3A_174 : memref<10240xf32, #tpu.memory_space<vmem_shared>>)
        %add3A_175 = arith.constant 8 : i32
        %add3A_176 = arith.addi %add3A_169, %add3A_175 : i32
        %lt3A = arith.constant 80 : i32
        %lt3A_177 = arith.cmpi slt, %add3A_176, %lt3A : i32
        %convert_element_type3A_178 = arith.extui %lt3A_177 : i1 to i32
        %cond3A_179 = arith.constant 0 : i32
        %cond3A_180 = arith.cmpi ne, %convert_element_type3A_178, %cond3A_179 : i32
        scf.if %cond3A_180 {
          %add3A_286 = arith.constant 8 : i32
          %add3A_287 = arith.addi %add3A_169, %add3A_286 : i32
          %dma_start3A_288 = arith.constant 0 : i32
          %dma_start3A_289 = tpu.memref_slice %arg5[%add3A_287, %dma_start3A_288] : memref<80x128xi32, #tpu.memory_space<vmem>> -> memref<1x128xi32, #tpu.memory_space<vmem>>
          %dma_start3A_290 = tpu.memref_squeeze %dma_start3A_289 : memref<1x128xi32, #tpu.memory_space<vmem>> -> memref<128xi32, #tpu.memory_space<vmem>>
          %dma_start3A_291 = arith.constant 0 : i32
          %dma_start3A_292 = tpu.memref_slice %arg8[%dma_start3A_291] : memref<10240xf32, #tpu.memory_space<vmem_shared>> -> memref<10240xf32, #tpu.memory_space<vmem_shared>>
          tpu.enqueue_indirect_dma source(%arg6 : memref<128xf32, #tpu.memory_space<vmem>>) target(%dma_start3A_292 : memref<10240xf32, #tpu.memory_space<vmem_shared>>) offsets(%dma_start3A_290 : memref<128xi32, #tpu.memory_space<vmem>>) semaphore(%arg9 : memref<!tpu.dma_semaphore, #tpu.memory_space<semaphore_mem>>) {add = true}
        } else {
        }
        %add3A_181 = arith.constant 1 : i32
        %add3A_182 = arith.addi %add3A_167, %add3A_181 : i32
        %dma_wait3A_183 = arith.constant 0 : i32
        %dma_wait3A_184 = arith.constant 0 : i32
        %dma_wait3A_185 = tpu.memref_slice %arg5[%dma_wait3A_183, %dma_wait3A_184] : memref<80x128xi32, #tpu.memory_space<vmem>> -> memref<1x128xi32, #tpu.memory_space<vmem>>
        %dma_wait3A_186 = tpu.memref_squeeze %dma_wait3A_185 : memref<1x128xi32, #tpu.memory_space<vmem>> -> memref<128xi32, #tpu.memory_space<vmem>>
        %dma_wait3A_187 = arith.constant 0 : i32
        %dma_wait3A_188 = tpu.memref_slice %arg8[%dma_wait3A_187] : memref<10240xf32, #tpu.memory_space<vmem_shared>> -> memref<10240xf32, #tpu.memory_space<vmem_shared>>
        tpu.wait_indirect_dma semaphore(%arg10 : memref<!tpu.dma_semaphore, #tpu.memory_space<semaphore_mem>>) src(%arg6 : memref<128xf32, #tpu.memory_space<vmem>>) dst(%dma_wait3A_188 : memref<10240xf32, #tpu.memory_space<vmem_shared>>)
        %add3A_189 = arith.constant 8 : i32
        %add3A_190 = arith.addi %add3A_182, %add3A_189 : i32
        %lt3A_191 = arith.constant 80 : i32
        %lt3A_192 = arith.cmpi slt, %add3A_190, %lt3A_191 : i32
        %convert_element_type3A_193 = arith.extui %lt3A_192 : i1 to i32
        %cond3A_194 = arith.constant 0 : i32
        %cond3A_195 = arith.cmpi ne, %convert_element_type3A_193, %cond3A_194 : i32
        scf.if %cond3A_195 {
          %add3A_286 = arith.constant 8 : i32
          %add3A_287 = arith.addi %add3A_182, %add3A_286 : i32
          %dma_start3A_288 = arith.constant 0 : i32
          %dma_start3A_289 = tpu.memref_slice %arg5[%add3A_287, %dma_start3A_288] : memref<80x128xi32, #tpu.memory_space<vmem>> -> memref<1x128xi32, #tpu.memory_space<vmem>>
          %dma_start3A_290 = tpu.memref_squeeze %dma_start3A_289 : memref<1x128xi32, #tpu.memory_space<vmem>> -> memref<128xi32, #tpu.memory_space<vmem>>
          %dma_start3A_291 = arith.constant 0 : i32
          %dma_start3A_292 = tpu.memref_slice %arg8[%dma_start3A_291] : memref<10240xf32, #tpu.memory_space<vmem_shared>> -> memref<10240xf32, #tpu.memory_space<vmem_shared>>
          tpu.enqueue_indirect_dma source(%arg6 : memref<128xf32, #tpu.memory_space<vmem>>) target(%dma_start3A_292 : memref<10240xf32, #tpu.memory_space<vmem_shared>>) offsets(%dma_start3A_290 : memref<128xi32, #tpu.memory_space<vmem>>) semaphore(%arg10 : memref<!tpu.dma_semaphore, #tpu.memory_space<semaphore_mem>>) {add = true}
        } else {
        }
        %add3A_196 = arith.constant 2 : i32
        %add3A_197 = arith.addi %add3A_167, %add3A_196 : i32
        %dma_wait3A_198 = arith.constant 0 : i32
        %dma_wait3A_199 = arith.constant 0 : i32
        %dma_wait3A_200 = tpu.memref_slice %arg5[%dma_wait3A_198, %dma_wait3A_199] : memref<80x128xi32, #tpu.memory_space<vmem>> -> memref<1x128xi32, #tpu.memory_space<vmem>>
        %dma_wait3A_201 = tpu.memref_squeeze %dma_wait3A_200 : memref<1x128xi32, #tpu.memory_space<vmem>> -> memref<128xi32, #tpu.memory_space<vmem>>
        %dma_wait3A_202 = arith.constant 0 : i32
        %dma_wait3A_203 = tpu.memref_slice %arg8[%dma_wait3A_202] : memref<10240xf32, #tpu.memory_space<vmem_shared>> -> memref<10240xf32, #tpu.memory_space<vmem_shared>>
        tpu.wait_indirect_dma semaphore(%arg11 : memref<!tpu.dma_semaphore, #tpu.memory_space<semaphore_mem>>) src(%arg6 : memref<128xf32, #tpu.memory_space<vmem>>) dst(%dma_wait3A_203 : memref<10240xf32, #tpu.memory_space<vmem_shared>>)
        %add3A_204 = arith.constant 8 : i32
        %add3A_205 = arith.addi %add3A_197, %add3A_204 : i32
        %lt3A_206 = arith.constant 80 : i32
        %lt3A_207 = arith.cmpi slt, %add3A_205, %lt3A_206 : i32
        %convert_element_type3A_208 = arith.extui %lt3A_207 : i1 to i32
        %cond3A_209 = arith.constant 0 : i32
        %cond3A_210 = arith.cmpi ne, %convert_element_type3A_208, %cond3A_209 : i32
        scf.if %cond3A_210 {
          %add3A_286 = arith.constant 8 : i32
          %add3A_287 = arith.addi %add3A_197, %add3A_286 : i32
          %dma_start3A_288 = arith.constant 0 : i32
          %dma_start3A_289 = tpu.memref_slice %arg5[%add3A_287, %dma_start3A_288] : memref<80x128xi32, #tpu.memory_space<vmem>> -> memref<1x128xi32, #tpu.memory_space<vmem>>
          %dma_start3A_290 = tpu.memref_squeeze %dma_start3A_289 : memref<1x128xi32, #tpu.memory_space<vmem>> -> memref<128xi32, #tpu.memory_space<vmem>>
          %dma_start3A_291 = arith.constant 0 : i32
          %dma_start3A_292 = tpu.memref_slice %arg8[%dma_start3A_291] : memref<10240xf32, #tpu.memory_space<vmem_shared>> -> memref<10240xf32, #tpu.memory_space<vmem_shared>>
          tpu.enqueue_indirect_dma source(%arg6 : memref<128xf32, #tpu.memory_space<vmem>>) target(%dma_start3A_292 : memref<10240xf32, #tpu.memory_space<vmem_shared>>) offsets(%dma_start3A_290 : memref<128xi32, #tpu.memory_space<vmem>>) semaphore(%arg11 : memref<!tpu.dma_semaphore, #tpu.memory_space<semaphore_mem>>) {add = true}
        } else {
        }
        %add3A_211 = arith.constant 3 : i32
        %add3A_212 = arith.addi %add3A_167, %add3A_211 : i32
        %dma_wait3A_213 = arith.constant 0 : i32
        %dma_wait3A_214 = arith.constant 0 : i32
        %dma_wait3A_215 = tpu.memref_slice %arg5[%dma_wait3A_213, %dma_wait3A_214] : memref<80x128xi32, #tpu.memory_space<vmem>> -> memref<1x128xi32, #tpu.memory_space<vmem>>
        %dma_wait3A_216 = tpu.memref_squeeze %dma_wait3A_215 : memref<1x128xi32, #tpu.memory_space<vmem>> -> memref<128xi32, #tpu.memory_space<vmem>>
        %dma_wait3A_217 = arith.constant 0 : i32
        %dma_wait3A_218 = tpu.memref_slice %arg8[%dma_wait3A_217] : memref<10240xf32, #tpu.memory_space<vmem_shared>> -> memref<10240xf32, #tpu.memory_space<vmem_shared>>
        tpu.wait_indirect_dma semaphore(%arg12 : memref<!tpu.dma_semaphore, #tpu.memory_space<semaphore_mem>>) src(%arg6 : memref<128xf32, #tpu.memory_space<vmem>>) dst(%dma_wait3A_218 : memref<10240xf32, #tpu.memory_space<vmem_shared>>)
        %add3A_219 = arith.constant 8 : i32
        %add3A_220 = arith.addi %add3A_212, %add3A_219 : i32
        %lt3A_221 = arith.constant 80 : i32
        %lt3A_222 = arith.cmpi slt, %add3A_220, %lt3A_221 : i32
        %convert_element_type3A_223 = arith.extui %lt3A_222 : i1 to i32
        %cond3A_224 = arith.constant 0 : i32
        %cond3A_225 = arith.cmpi ne, %convert_element_type3A_223, %cond3A_224 : i32
        scf.if %cond3A_225 {
          %add3A_286 = arith.constant 8 : i32
          %add3A_287 = arith.addi %add3A_212, %add3A_286 : i32
          %dma_start3A_288 = arith.constant 0 : i32
          %dma_start3A_289 = tpu.memref_slice %arg5[%add3A_287, %dma_start3A_288] : memref<80x128xi32, #tpu.memory_space<vmem>> -> memref<1x128xi32, #tpu.memory_space<vmem>>
          %dma_start3A_290 = tpu.memref_squeeze %dma_start3A_289 : memref<1x128xi32, #tpu.memory_space<vmem>> -> memref<128xi32, #tpu.memory_space<vmem>>
          %dma_start3A_291 = arith.constant 0 : i32
          %dma_start3A_292 = tpu.memref_slice %arg8[%dma_start3A_291] : memref<10240xf32, #tpu.memory_space<vmem_shared>> -> memref<10240xf32, #tpu.memory_space<vmem_shared>>
          tpu.enqueue_indirect_dma source(%arg6 : memref<128xf32, #tpu.memory_space<vmem>>) target(%dma_start3A_292 : memref<10240xf32, #tpu.memory_space<vmem_shared>>) offsets(%dma_start3A_290 : memref<128xi32, #tpu.memory_space<vmem>>) semaphore(%arg12 : memref<!tpu.dma_semaphore, #tpu.memory_space<semaphore_mem>>) {add = true}
        } else {
        }
        %add3A_226 = arith.constant 4 : i32
        %add3A_227 = arith.addi %add3A_167, %add3A_226 : i32
        %dma_wait3A_228 = arith.constant 0 : i32
        %dma_wait3A_229 = arith.constant 0 : i32
        %dma_wait3A_230 = tpu.memref_slice %arg5[%dma_wait3A_228, %dma_wait3A_229] : memref<80x128xi32, #tpu.memory_space<vmem>> -> memref<1x128xi32, #tpu.memory_space<vmem>>
        %dma_wait3A_231 = tpu.memref_squeeze %dma_wait3A_230 : memref<1x128xi32, #tpu.memory_space<vmem>> -> memref<128xi32, #tpu.memory_space<vmem>>
        %dma_wait3A_232 = arith.constant 0 : i32
        %dma_wait3A_233 = tpu.memref_slice %arg8[%dma_wait3A_232] : memref<10240xf32, #tpu.memory_space<vmem_shared>> -> memref<10240xf32, #tpu.memory_space<vmem_shared>>
        tpu.wait_indirect_dma semaphore(%arg13 : memref<!tpu.dma_semaphore, #tpu.memory_space<semaphore_mem>>) src(%arg6 : memref<128xf32, #tpu.memory_space<vmem>>) dst(%dma_wait3A_233 : memref<10240xf32, #tpu.memory_space<vmem_shared>>)
        %add3A_234 = arith.constant 8 : i32
        %add3A_235 = arith.addi %add3A_227, %add3A_234 : i32
        %lt3A_236 = arith.constant 80 : i32
        %lt3A_237 = arith.cmpi slt, %add3A_235, %lt3A_236 : i32
        %convert_element_type3A_238 = arith.extui %lt3A_237 : i1 to i32
        %cond3A_239 = arith.constant 0 : i32
        %cond3A_240 = arith.cmpi ne, %convert_element_type3A_238, %cond3A_239 : i32
        scf.if %cond3A_240 {
          %add3A_286 = arith.constant 8 : i32
          %add3A_287 = arith.addi %add3A_227, %add3A_286 : i32
          %dma_start3A_288 = arith.constant 0 : i32
          %dma_start3A_289 = tpu.memref_slice %arg5[%add3A_287, %dma_start3A_288] : memref<80x128xi32, #tpu.memory_space<vmem>> -> memref<1x128xi32, #tpu.memory_space<vmem>>
          %dma_start3A_290 = tpu.memref_squeeze %dma_start3A_289 : memref<1x128xi32, #tpu.memory_space<vmem>> -> memref<128xi32, #tpu.memory_space<vmem>>
          %dma_start3A_291 = arith.constant 0 : i32
          %dma_start3A_292 = tpu.memref_slice %arg8[%dma_start3A_291] : memref<10240xf32, #tpu.memory_space<vmem_shared>> -> memref<10240xf32, #tpu.memory_space<vmem_shared>>
          tpu.enqueue_indirect_dma source(%arg6 : memref<128xf32, #tpu.memory_space<vmem>>) target(%dma_start3A_292 : memref<10240xf32, #tpu.memory_space<vmem_shared>>) offsets(%dma_start3A_290 : memref<128xi32, #tpu.memory_space<vmem>>) semaphore(%arg13 : memref<!tpu.dma_semaphore, #tpu.memory_space<semaphore_mem>>) {add = true}
        } else {
        }
        %add3A_241 = arith.constant 5 : i32
        %add3A_242 = arith.addi %add3A_167, %add3A_241 : i32
        %dma_wait3A_243 = arith.constant 0 : i32
        %dma_wait3A_244 = arith.constant 0 : i32
        %dma_wait3A_245 = tpu.memref_slice %arg5[%dma_wait3A_243, %dma_wait3A_244] : memref<80x128xi32, #tpu.memory_space<vmem>> -> memref<1x128xi32, #tpu.memory_space<vmem>>
        %dma_wait3A_246 = tpu.memref_squeeze %dma_wait3A_245 : memref<1x128xi32, #tpu.memory_space<vmem>> -> memref<128xi32, #tpu.memory_space<vmem>>
        %dma_wait3A_247 = arith.constant 0 : i32
        %dma_wait3A_248 = tpu.memref_slice %arg8[%dma_wait3A_247] : memref<10240xf32, #tpu.memory_space<vmem_shared>> -> memref<10240xf32, #tpu.memory_space<vmem_shared>>
        tpu.wait_indirect_dma semaphore(%arg14 : memref<!tpu.dma_semaphore, #tpu.memory_space<semaphore_mem>>) src(%arg6 : memref<128xf32, #tpu.memory_space<vmem>>) dst(%dma_wait3A_248 : memref<10240xf32, #tpu.memory_space<vmem_shared>>)
        %add3A_249 = arith.constant 8 : i32
        %add3A_250 = arith.addi %add3A_242, %add3A_249 : i32
        %lt3A_251 = arith.constant 80 : i32
        %lt3A_252 = arith.cmpi slt, %add3A_250, %lt3A_251 : i32
        %convert_element_type3A_253 = arith.extui %lt3A_252 : i1 to i32
        %cond3A_254 = arith.constant 0 : i32
        %cond3A_255 = arith.cmpi ne, %convert_element_type3A_253, %cond3A_254 : i32
        scf.if %cond3A_255 {
          %add3A_286 = arith.constant 8 : i32
          %add3A_287 = arith.addi %add3A_242, %add3A_286 : i32
          %dma_start3A_288 = arith.constant 0 : i32
          %dma_start3A_289 = tpu.memref_slice %arg5[%add3A_287, %dma_start3A_288] : memref<80x128xi32, #tpu.memory_space<vmem>> -> memref<1x128xi32, #tpu.memory_space<vmem>>
          %dma_start3A_290 = tpu.memref_squeeze %dma_start3A_289 : memref<1x128xi32, #tpu.memory_space<vmem>> -> memref<128xi32, #tpu.memory_space<vmem>>
          %dma_start3A_291 = arith.constant 0 : i32
          %dma_start3A_292 = tpu.memref_slice %arg8[%dma_start3A_291] : memref<10240xf32, #tpu.memory_space<vmem_shared>> -> memref<10240xf32, #tpu.memory_space<vmem_shared>>
          tpu.enqueue_indirect_dma source(%arg6 : memref<128xf32, #tpu.memory_space<vmem>>) target(%dma_start3A_292 : memref<10240xf32, #tpu.memory_space<vmem_shared>>) offsets(%dma_start3A_290 : memref<128xi32, #tpu.memory_space<vmem>>) semaphore(%arg14 : memref<!tpu.dma_semaphore, #tpu.memory_space<semaphore_mem>>) {add = true}
        } else {
        }
        %add3A_256 = arith.constant 6 : i32
        %add3A_257 = arith.addi %add3A_167, %add3A_256 : i32
        %dma_wait3A_258 = arith.constant 0 : i32
        %dma_wait3A_259 = arith.constant 0 : i32
        %dma_wait3A_260 = tpu.memref_slice %arg5[%dma_wait3A_258, %dma_wait3A_259] : memref<80x128xi32, #tpu.memory_space<vmem>> -> memref<1x128xi32, #tpu.memory_space<vmem>>
        %dma_wait3A_261 = tpu.memref_squeeze %dma_wait3A_260 : memref<1x128xi32, #tpu.memory_space<vmem>> -> memref<128xi32, #tpu.memory_space<vmem>>
        %dma_wait3A_262 = arith.constant 0 : i32
        %dma_wait3A_263 = tpu.memref_slice %arg8[%dma_wait3A_262] : memref<10240xf32, #tpu.memory_space<vmem_shared>> -> memref<10240xf32, #tpu.memory_space<vmem_shared>>
        tpu.wait_indirect_dma semaphore(%arg15 : memref<!tpu.dma_semaphore, #tpu.memory_space<semaphore_mem>>) src(%arg6 : memref<128xf32, #tpu.memory_space<vmem>>) dst(%dma_wait3A_263 : memref<10240xf32, #tpu.memory_space<vmem_shared>>)
        %add3A_264 = arith.constant 8 : i32
        %add3A_265 = arith.addi %add3A_257, %add3A_264 : i32
        %lt3A_266 = arith.constant 80 : i32
        %lt3A_267 = arith.cmpi slt, %add3A_265, %lt3A_266 : i32
        %convert_element_type3A_268 = arith.extui %lt3A_267 : i1 to i32
        %cond3A_269 = arith.constant 0 : i32
        %cond3A_270 = arith.cmpi ne, %convert_element_type3A_268, %cond3A_269 : i32
        scf.if %cond3A_270 {
          %add3A_286 = arith.constant 8 : i32
          %add3A_287 = arith.addi %add3A_257, %add3A_286 : i32
          %dma_start3A_288 = arith.constant 0 : i32
          %dma_start3A_289 = tpu.memref_slice %arg5[%add3A_287, %dma_start3A_288] : memref<80x128xi32, #tpu.memory_space<vmem>> -> memref<1x128xi32, #tpu.memory_space<vmem>>
          %dma_start3A_290 = tpu.memref_squeeze %dma_start3A_289 : memref<1x128xi32, #tpu.memory_space<vmem>> -> memref<128xi32, #tpu.memory_space<vmem>>
          %dma_start3A_291 = arith.constant 0 : i32
          %dma_start3A_292 = tpu.memref_slice %arg8[%dma_start3A_291] : memref<10240xf32, #tpu.memory_space<vmem_shared>> -> memref<10240xf32, #tpu.memory_space<vmem_shared>>
          tpu.enqueue_indirect_dma source(%arg6 : memref<128xf32, #tpu.memory_space<vmem>>) target(%dma_start3A_292 : memref<10240xf32, #tpu.memory_space<vmem_shared>>) offsets(%dma_start3A_290 : memref<128xi32, #tpu.memory_space<vmem>>) semaphore(%arg15 : memref<!tpu.dma_semaphore, #tpu.memory_space<semaphore_mem>>) {add = true}
        } else {
        }
        %add3A_271 = arith.constant 7 : i32
        %add3A_272 = arith.addi %add3A_167, %add3A_271 : i32
        %dma_wait3A_273 = arith.constant 0 : i32
        %dma_wait3A_274 = arith.constant 0 : i32
        %dma_wait3A_275 = tpu.memref_slice %arg5[%dma_wait3A_273, %dma_wait3A_274] : memref<80x128xi32, #tpu.memory_space<vmem>> -> memref<1x128xi32, #tpu.memory_space<vmem>>
        %dma_wait3A_276 = tpu.memref_squeeze %dma_wait3A_275 : memref<1x128xi32, #tpu.memory_space<vmem>> -> memref<128xi32, #tpu.memory_space<vmem>>
        %dma_wait3A_277 = arith.constant 0 : i32
        %dma_wait3A_278 = tpu.memref_slice %arg8[%dma_wait3A_277] : memref<10240xf32, #tpu.memory_space<vmem_shared>> -> memref<10240xf32, #tpu.memory_space<vmem_shared>>
        tpu.wait_indirect_dma semaphore(%arg16 : memref<!tpu.dma_semaphore, #tpu.memory_space<semaphore_mem>>) src(%arg6 : memref<128xf32, #tpu.memory_space<vmem>>) dst(%dma_wait3A_278 : memref<10240xf32, #tpu.memory_space<vmem_shared>>)
        %add3A_279 = arith.constant 8 : i32
        %add3A_280 = arith.addi %add3A_272, %add3A_279 : i32
        %lt3A_281 = arith.constant 80 : i32
        %lt3A_282 = arith.cmpi slt, %add3A_280, %lt3A_281 : i32
        %convert_element_type3A_283 = arith.extui %lt3A_282 : i1 to i32
        %cond3A_284 = arith.constant 0 : i32
        %cond3A_285 = arith.cmpi ne, %convert_element_type3A_283, %cond3A_284 : i32
        scf.if %cond3A_285 {
          %add3A_286 = arith.constant 8 : i32
          %add3A_287 = arith.addi %add3A_272, %add3A_286 : i32
          %dma_start3A_288 = arith.constant 0 : i32
          %dma_start3A_289 = tpu.memref_slice %arg5[%add3A_287, %dma_start3A_288] : memref<80x128xi32, #tpu.memory_space<vmem>> -> memref<1x128xi32, #tpu.memory_space<vmem>>
          %dma_start3A_290 = tpu.memref_squeeze %dma_start3A_289 : memref<1x128xi32, #tpu.memory_space<vmem>> -> memref<128xi32, #tpu.memory_space<vmem>>
          %dma_start3A_291 = arith.constant 0 : i32
          %dma_start3A_292 = tpu.memref_slice %arg8[%dma_start3A_291] : memref<10240xf32, #tpu.memory_space<vmem_shared>> -> memref<10240xf32, #tpu.memory_space<vmem_shared>>
          tpu.enqueue_indirect_dma source(%arg6 : memref<128xf32, #tpu.memory_space<vmem>>) target(%dma_start3A_292 : memref<10240xf32, #tpu.memory_space<vmem_shared>>) offsets(%dma_start3A_290 : memref<128xi32, #tpu.memory_space<vmem>>) semaphore(%arg16 : memref<!tpu.dma_semaphore, #tpu.memory_space<semaphore_mem>>) {add = true}
        } else {
        }
      }
      %scan3A_162 = arith.constant 10 : i32
    } else {
    }
    %eq3A_42 = arith.constant 1 : i32
    %eq3A_43 = arith.cmpi eq, %arg0, %eq3A_42 : i32
    %convert_element_type3A_44 = arith.extui %eq3A_43 : i1 to i32
    %cond3A_45 = arith.constant 0 : i32
    %cond3A_46 = arith.cmpi ne, %convert_element_type3A_44, %cond3A_45 : i32
    scf.if %cond3A_46 {
      %mul3A_51 = arith.constant 160 : i32
      %mul3A_52 = arith.muli %arg1, %mul3A_51 : i32
      %add3A = arith.constant 0 : i32
      %add3A_53 = arith.addi %mul3A_52, %add3A : i32
      "tpu.region"() ({
        %run_scoped3A = tpu.sem_alloc : memref<!tpu.dma_semaphore, #tpu.memory_space<semaphore_mem>>
        %dma_start3A_163 = arith.constant 0 : i32
        %dma_start3A_164 = tpu.memref_slice %arg3[%add3A_53, %dma_start3A_163] : memref<2560x128xi32, #tpu.memory_space<hbm>> -> memref<80x128xi32, #tpu.memory_space<hbm>>
        %dma_start3A_165 = arith.constant 0 : i32
        %dma_start3A_166 = tpu.memref_slice %arg3[%add3A_53, %dma_start3A_165] : memref<2560x128xi32, #tpu.memory_space<hbm>> -> memref<80x128xi32, #tpu.memory_space<hbm>>
        tpu.enqueue_dma source(%dma_start3A_166 : memref<80x128xi32, #tpu.memory_space<hbm>>) target(%arg5 : memref<80x128xi32, #tpu.memory_space<vmem>>) target_semaphore(%run_scoped3A : memref<!tpu.dma_semaphore, #tpu.memory_space<semaphore_mem>>)
        %dma_wait3A = arith.constant 0 : i32
        %dma_wait3A_167 = tpu.memref_slice %arg3[%add3A_53, %dma_wait3A] : memref<2560x128xi32, #tpu.memory_space<hbm>> -> memref<80x128xi32, #tpu.memory_space<hbm>>
        %dma_wait3A_168 = arith.constant 0 : i32
        %dma_wait3A_169 = tpu.memref_slice %arg3[%add3A_53, %dma_wait3A_168] : memref<2560x128xi32, #tpu.memory_space<hbm>> -> memref<80x128xi32, #tpu.memory_space<hbm>>
        tpu.wait_dma2 semaphore(%run_scoped3A : memref<!tpu.dma_semaphore, #tpu.memory_space<semaphore_mem>>) src(%dma_wait3A_169 : memref<80x128xi32, #tpu.memory_space<hbm>>) dst(%arg5 : memref<80x128xi32, #tpu.memory_space<vmem>>)
        tpu.yield
      }) : () -> ()
      %dma_start3A = arith.constant 0 : i32
      %dma_start3A_54 = arith.constant 0 : i32
      %dma_start3A_55 = tpu.memref_slice %arg5[%dma_start3A, %dma_start3A_54] : memref<80x128xi32, #tpu.memory_space<vmem>> -> memref<1x128xi32, #tpu.memory_space<vmem>>
      %dma_start3A_56 = tpu.memref_squeeze %dma_start3A_55 : memref<1x128xi32, #tpu.memory_space<vmem>> -> memref<128xi32, #tpu.memory_space<vmem>>
      %dma_start3A_57 = arith.constant 0 : i32
      %dma_start3A_58 = tpu.memref_slice %arg8[%dma_start3A_57] : memref<10240xf32, #tpu.memory_space<vmem_shared>> -> memref<10240xf32, #tpu.memory_space<vmem_shared>>
      tpu.enqueue_indirect_dma source(%arg6 : memref<128xf32, #tpu.memory_space<vmem>>) target(%dma_start3A_58 : memref<10240xf32, #tpu.memory_space<vmem_shared>>) offsets(%dma_start3A_56 : memref<128xi32, #tpu.memory_space<vmem>>) semaphore(%arg9 : memref<!tpu.dma_semaphore, #tpu.memory_space<semaphore_mem>>) {add = true}
      %dma_start3A_59 = arith.constant 1 : i32
      %dma_start3A_60 = arith.constant 0 : i32
      %dma_start3A_61 = tpu.memref_slice %arg5[%dma_start3A_59, %dma_start3A_60] : memref<80x128xi32, #tpu.memory_space<vmem>> -> memref<1x128xi32, #tpu.memory_space<vmem>>
      %dma_start3A_62 = tpu.memref_squeeze %dma_start3A_61 : memref<1x128xi32, #tpu.memory_space<vmem>> -> memref<128xi32, #tpu.memory_space<vmem>>
      %dma_start3A_63 = arith.constant 0 : i32
      %dma_start3A_64 = tpu.memref_slice %arg8[%dma_start3A_63] : memref<10240xf32, #tpu.memory_space<vmem_shared>> -> memref<10240xf32, #tpu.memory_space<vmem_shared>>
      tpu.enqueue_indirect_dma source(%arg6 : memref<128xf32, #tpu.memory_space<vmem>>) target(%dma_start3A_64 : memref<10240xf32, #tpu.memory_space<vmem_shared>>) offsets(%dma_start3A_62 : memref<128xi32, #tpu.memory_space<vmem>>) semaphore(%arg10 : memref<!tpu.dma_semaphore, #tpu.memory_space<semaphore_mem>>) {add = true}
      %dma_start3A_65 = arith.constant 2 : i32
      %dma_start3A_66 = arith.constant 0 : i32
      %dma_start3A_67 = tpu.memref_slice %arg5[%dma_start3A_65, %dma_start3A_66] : memref<80x128xi32, #tpu.memory_space<vmem>> -> memref<1x128xi32, #tpu.memory_space<vmem>>
      %dma_start3A_68 = tpu.memref_squeeze %dma_start3A_67 : memref<1x128xi32, #tpu.memory_space<vmem>> -> memref<128xi32, #tpu.memory_space<vmem>>
      %dma_start3A_69 = arith.constant 0 : i32
      %dma_start3A_70 = tpu.memref_slice %arg8[%dma_start3A_69] : memref<10240xf32, #tpu.memory_space<vmem_shared>> -> memref<10240xf32, #tpu.memory_space<vmem_shared>>
      tpu.enqueue_indirect_dma source(%arg6 : memref<128xf32, #tpu.memory_space<vmem>>) target(%dma_start3A_70 : memref<10240xf32, #tpu.memory_space<vmem_shared>>) offsets(%dma_start3A_68 : memref<128xi32, #tpu.memory_space<vmem>>) semaphore(%arg11 : memref<!tpu.dma_semaphore, #tpu.memory_space<semaphore_mem>>) {add = true}
      %dma_start3A_71 = arith.constant 3 : i32
      %dma_start3A_72 = arith.constant 0 : i32
      %dma_start3A_73 = tpu.memref_slice %arg5[%dma_start3A_71, %dma_start3A_72] : memref<80x128xi32, #tpu.memory_space<vmem>> -> memref<1x128xi32, #tpu.memory_space<vmem>>
      %dma_start3A_74 = tpu.memref_squeeze %dma_start3A_73 : memref<1x128xi32, #tpu.memory_space<vmem>> -> memref<128xi32, #tpu.memory_space<vmem>>
      %dma_start3A_75 = arith.constant 0 : i32
      %dma_start3A_76 = tpu.memref_slice %arg8[%dma_start3A_75] : memref<10240xf32, #tpu.memory_space<vmem_shared>> -> memref<10240xf32, #tpu.memory_space<vmem_shared>>
      tpu.enqueue_indirect_dma source(%arg6 : memref<128xf32, #tpu.memory_space<vmem>>) target(%dma_start3A_76 : memref<10240xf32, #tpu.memory_space<vmem_shared>>) offsets(%dma_start3A_74 : memref<128xi32, #tpu.memory_space<vmem>>) semaphore(%arg12 : memref<!tpu.dma_semaphore, #tpu.memory_space<semaphore_mem>>) {add = true}
      %dma_start3A_77 = arith.constant 4 : i32
      %dma_start3A_78 = arith.constant 0 : i32
      %dma_start3A_79 = tpu.memref_slice %arg5[%dma_start3A_77, %dma_start3A_78] : memref<80x128xi32, #tpu.memory_space<vmem>> -> memref<1x128xi32, #tpu.memory_space<vmem>>
      %dma_start3A_80 = tpu.memref_squeeze %dma_start3A_79 : memref<1x128xi32, #tpu.memory_space<vmem>> -> memref<128xi32, #tpu.memory_space<vmem>>
      %dma_start3A_81 = arith.constant 0 : i32
      %dma_start3A_82 = tpu.memref_slice %arg8[%dma_start3A_81] : memref<10240xf32, #tpu.memory_space<vmem_shared>> -> memref<10240xf32, #tpu.memory_space<vmem_shared>>
      tpu.enqueue_indirect_dma source(%arg6 : memref<128xf32, #tpu.memory_space<vmem>>) target(%dma_start3A_82 : memref<10240xf32, #tpu.memory_space<vmem_shared>>) offsets(%dma_start3A_80 : memref<128xi32, #tpu.memory_space<vmem>>) semaphore(%arg13 : memref<!tpu.dma_semaphore, #tpu.memory_space<semaphore_mem>>) {add = true}
      %dma_start3A_83 = arith.constant 5 : i32
      %dma_start3A_84 = arith.constant 0 : i32
      %dma_start3A_85 = tpu.memref_slice %arg5[%dma_start3A_83, %dma_start3A_84] : memref<80x128xi32, #tpu.memory_space<vmem>> -> memref<1x128xi32, #tpu.memory_space<vmem>>
      %dma_start3A_86 = tpu.memref_squeeze %dma_start3A_85 : memref<1x128xi32, #tpu.memory_space<vmem>> -> memref<128xi32, #tpu.memory_space<vmem>>
      %dma_start3A_87 = arith.constant 0 : i32
      %dma_start3A_88 = tpu.memref_slice %arg8[%dma_start3A_87] : memref<10240xf32, #tpu.memory_space<vmem_shared>> -> memref<10240xf32, #tpu.memory_space<vmem_shared>>
      tpu.enqueue_indirect_dma source(%arg6 : memref<128xf32, #tpu.memory_space<vmem>>) target(%dma_start3A_88 : memref<10240xf32, #tpu.memory_space<vmem_shared>>) offsets(%dma_start3A_86 : memref<128xi32, #tpu.memory_space<vmem>>) semaphore(%arg14 : memref<!tpu.dma_semaphore, #tpu.memory_space<semaphore_mem>>) {add = true}
      %dma_start3A_89 = arith.constant 6 : i32
      %dma_start3A_90 = arith.constant 0 : i32
      %dma_start3A_91 = tpu.memref_slice %arg5[%dma_start3A_89, %dma_start3A_90] : memref<80x128xi32, #tpu.memory_space<vmem>> -> memref<1x128xi32, #tpu.memory_space<vmem>>
      %dma_start3A_92 = tpu.memref_squeeze %dma_start3A_91 : memref<1x128xi32, #tpu.memory_space<vmem>> -> memref<128xi32, #tpu.memory_space<vmem>>
      %dma_start3A_93 = arith.constant 0 : i32
      %dma_start3A_94 = tpu.memref_slice %arg8[%dma_start3A_93] : memref<10240xf32, #tpu.memory_space<vmem_shared>> -> memref<10240xf32, #tpu.memory_space<vmem_shared>>
      tpu.enqueue_indirect_dma source(%arg6 : memref<128xf32, #tpu.memory_space<vmem>>) target(%dma_start3A_94 : memref<10240xf32, #tpu.memory_space<vmem_shared>>) offsets(%dma_start3A_92 : memref<128xi32, #tpu.memory_space<vmem>>) semaphore(%arg15 : memref<!tpu.dma_semaphore, #tpu.memory_space<semaphore_mem>>) {add = true}
      %dma_start3A_95 = arith.constant 7 : i32
      %dma_start3A_96 = arith.constant 0 : i32
      %dma_start3A_97 = tpu.memref_slice %arg5[%dma_start3A_95, %dma_start3A_96] : memref<80x128xi32, #tpu.memory_space<vmem>> -> memref<1x128xi32, #tpu.memory_space<vmem>>
      %dma_start3A_98 = tpu.memref_squeeze %dma_start3A_97 : memref<1x128xi32, #tpu.memory_space<vmem>> -> memref<128xi32, #tpu.memory_space<vmem>>
      %dma_start3A_99 = arith.constant 0 : i32
      %dma_start3A_100 = tpu.memref_slice %arg8[%dma_start3A_99] : memref<10240xf32, #tpu.memory_space<vmem_shared>> -> memref<10240xf32, #tpu.memory_space<vmem_shared>>
      tpu.enqueue_indirect_dma source(%arg6 : memref<128xf32, #tpu.memory_space<vmem>>) target(%dma_start3A_100 : memref<10240xf32, #tpu.memory_space<vmem_shared>>) offsets(%dma_start3A_98 : memref<128xi32, #tpu.memory_space<vmem>>) semaphore(%arg16 : memref<!tpu.dma_semaphore, #tpu.memory_space<semaphore_mem>>) {add = true}
      %scan3A_101 = arith.constant 0 : i32
      %scan3A_102 = arith.constant 10 : i32
      %scan3A_103 = arith.addi %scan3A_101, %scan3A_102 : i32
      %scan3A_104 = arith.constant 1 : i32
      scf.for %scan3A_163 = %scan3A_101 to %scan3A_103 step %scan3A_104  : i32 {
        %mul3A_164 = arith.constant 8 : i32
        %mul3A_165 = arith.muli %scan3A_163, %mul3A_164 : i32
        %add3A_166 = arith.constant 0 : i32
        %add3A_167 = arith.addi %add3A_166, %mul3A_165 : i32
        %add3A_168 = arith.constant 0 : i32
        %add3A_169 = arith.addi %add3A_167, %add3A_168 : i32
        %dma_wait3A = arith.constant 0 : i32
        %dma_wait3A_170 = arith.constant 0 : i32
        %dma_wait3A_171 = tpu.memref_slice %arg5[%dma_wait3A, %dma_wait3A_170] : memref<80x128xi32, #tpu.memory_space<vmem>> -> memref<1x128xi32, #tpu.memory_space<vmem>>
        %dma_wait3A_172 = tpu.memref_squeeze %dma_wait3A_171 : memref<1x128xi32, #tpu.memory_space<vmem>> -> memref<128xi32, #tpu.memory_space<vmem>>
        %dma_wait3A_173 = arith.constant 0 : i32
        %dma_wait3A_174 = tpu.memref_slice %arg8[%dma_wait3A_173] : memref<10240xf32, #tpu.memory_space<vmem_shared>> -> memref<10240xf32, #tpu.memory_space<vmem_shared>>
        tpu.wait_indirect_dma semaphore(%arg9 : memref<!tpu.dma_semaphore, #tpu.memory_space<semaphore_mem>>) src(%arg6 : memref<128xf32, #tpu.memory_space<vmem>>) dst(%dma_wait3A_174 : memref<10240xf32, #tpu.memory_space<vmem_shared>>)
        %add3A_175 = arith.constant 8 : i32
        %add3A_176 = arith.addi %add3A_169, %add3A_175 : i32
        %lt3A = arith.constant 80 : i32
        %lt3A_177 = arith.cmpi slt, %add3A_176, %lt3A : i32
        %convert_element_type3A_178 = arith.extui %lt3A_177 : i1 to i32
        %cond3A_179 = arith.constant 0 : i32
        %cond3A_180 = arith.cmpi ne, %convert_element_type3A_178, %cond3A_179 : i32
        scf.if %cond3A_180 {
          %add3A_286 = arith.constant 8 : i32
          %add3A_287 = arith.addi %add3A_169, %add3A_286 : i32
          %dma_start3A_288 = arith.constant 0 : i32
          %dma_start3A_289 = tpu.memref_slice %arg5[%add3A_287, %dma_start3A_288] : memref<80x128xi32, #tpu.memory_space<vmem>> -> memref<1x128xi32, #tpu.memory_space<vmem>>
          %dma_start3A_290 = tpu.memref_squeeze %dma_start3A_289 : memref<1x128xi32, #tpu.memory_space<vmem>> -> memref<128xi32, #tpu.memory_space<vmem>>
          %dma_start3A_291 = arith.constant 0 : i32
          %dma_start3A_292 = tpu.memref_slice %arg8[%dma_start3A_291] : memref<10240xf32, #tpu.memory_space<vmem_shared>> -> memref<10240xf32, #tpu.memory_space<vmem_shared>>
          tpu.enqueue_indirect_dma source(%arg6 : memref<128xf32, #tpu.memory_space<vmem>>) target(%dma_start3A_292 : memref<10240xf32, #tpu.memory_space<vmem_shared>>) offsets(%dma_start3A_290 : memref<128xi32, #tpu.memory_space<vmem>>) semaphore(%arg9 : memref<!tpu.dma_semaphore, #tpu.memory_space<semaphore_mem>>) {add = true}
        } else {
        }
        %add3A_181 = arith.constant 1 : i32
        %add3A_182 = arith.addi %add3A_167, %add3A_181 : i32
        %dma_wait3A_183 = arith.constant 0 : i32
        %dma_wait3A_184 = arith.constant 0 : i32
        %dma_wait3A_185 = tpu.memref_slice %arg5[%dma_wait3A_183, %dma_wait3A_184] : memref<80x128xi32, #tpu.memory_space<vmem>> -> memref<1x128xi32, #tpu.memory_space<vmem>>
        %dma_wait3A_186 = tpu.memref_squeeze %dma_wait3A_185 : memref<1x128xi32, #tpu.memory_space<vmem>> -> memref<128xi32, #tpu.memory_space<vmem>>
        %dma_wait3A_187 = arith.constant 0 : i32
        %dma_wait3A_188 = tpu.memref_slice %arg8[%dma_wait3A_187] : memref<10240xf32, #tpu.memory_space<vmem_shared>> -> memref<10240xf32, #tpu.memory_space<vmem_shared>>
        tpu.wait_indirect_dma semaphore(%arg10 : memref<!tpu.dma_semaphore, #tpu.memory_space<semaphore_mem>>) src(%arg6 : memref<128xf32, #tpu.memory_space<vmem>>) dst(%dma_wait3A_188 : memref<10240xf32, #tpu.memory_space<vmem_shared>>)
        %add3A_189 = arith.constant 8 : i32
        %add3A_190 = arith.addi %add3A_182, %add3A_189 : i32
        %lt3A_191 = arith.constant 80 : i32
        %lt3A_192 = arith.cmpi slt, %add3A_190, %lt3A_191 : i32
        %convert_element_type3A_193 = arith.extui %lt3A_192 : i1 to i32
        %cond3A_194 = arith.constant 0 : i32
        %cond3A_195 = arith.cmpi ne, %convert_element_type3A_193, %cond3A_194 : i32
        scf.if %cond3A_195 {
          %add3A_286 = arith.constant 8 : i32
          %add3A_287 = arith.addi %add3A_182, %add3A_286 : i32
          %dma_start3A_288 = arith.constant 0 : i32
          %dma_start3A_289 = tpu.memref_slice %arg5[%add3A_287, %dma_start3A_288] : memref<80x128xi32, #tpu.memory_space<vmem>> -> memref<1x128xi32, #tpu.memory_space<vmem>>
          %dma_start3A_290 = tpu.memref_squeeze %dma_start3A_289 : memref<1x128xi32, #tpu.memory_space<vmem>> -> memref<128xi32, #tpu.memory_space<vmem>>
          %dma_start3A_291 = arith.constant 0 : i32
          %dma_start3A_292 = tpu.memref_slice %arg8[%dma_start3A_291] : memref<10240xf32, #tpu.memory_space<vmem_shared>> -> memref<10240xf32, #tpu.memory_space<vmem_shared>>
          tpu.enqueue_indirect_dma source(%arg6 : memref<128xf32, #tpu.memory_space<vmem>>) target(%dma_start3A_292 : memref<10240xf32, #tpu.memory_space<vmem_shared>>) offsets(%dma_start3A_290 : memref<128xi32, #tpu.memory_space<vmem>>) semaphore(%arg10 : memref<!tpu.dma_semaphore, #tpu.memory_space<semaphore_mem>>) {add = true}
        } else {
        }
        %add3A_196 = arith.constant 2 : i32
        %add3A_197 = arith.addi %add3A_167, %add3A_196 : i32
        %dma_wait3A_198 = arith.constant 0 : i32
        %dma_wait3A_199 = arith.constant 0 : i32
        %dma_wait3A_200 = tpu.memref_slice %arg5[%dma_wait3A_198, %dma_wait3A_199] : memref<80x128xi32, #tpu.memory_space<vmem>> -> memref<1x128xi32, #tpu.memory_space<vmem>>
        %dma_wait3A_201 = tpu.memref_squeeze %dma_wait3A_200 : memref<1x128xi32, #tpu.memory_space<vmem>> -> memref<128xi32, #tpu.memory_space<vmem>>
        %dma_wait3A_202 = arith.constant 0 : i32
        %dma_wait3A_203 = tpu.memref_slice %arg8[%dma_wait3A_202] : memref<10240xf32, #tpu.memory_space<vmem_shared>> -> memref<10240xf32, #tpu.memory_space<vmem_shared>>
        tpu.wait_indirect_dma semaphore(%arg11 : memref<!tpu.dma_semaphore, #tpu.memory_space<semaphore_mem>>) src(%arg6 : memref<128xf32, #tpu.memory_space<vmem>>) dst(%dma_wait3A_203 : memref<10240xf32, #tpu.memory_space<vmem_shared>>)
        %add3A_204 = arith.constant 8 : i32
        %add3A_205 = arith.addi %add3A_197, %add3A_204 : i32
        %lt3A_206 = arith.constant 80 : i32
        %lt3A_207 = arith.cmpi slt, %add3A_205, %lt3A_206 : i32
        %convert_element_type3A_208 = arith.extui %lt3A_207 : i1 to i32
        %cond3A_209 = arith.constant 0 : i32
        %cond3A_210 = arith.cmpi ne, %convert_element_type3A_208, %cond3A_209 : i32
        scf.if %cond3A_210 {
          %add3A_286 = arith.constant 8 : i32
          %add3A_287 = arith.addi %add3A_197, %add3A_286 : i32
          %dma_start3A_288 = arith.constant 0 : i32
          %dma_start3A_289 = tpu.memref_slice %arg5[%add3A_287, %dma_start3A_288] : memref<80x128xi32, #tpu.memory_space<vmem>> -> memref<1x128xi32, #tpu.memory_space<vmem>>
          %dma_start3A_290 = tpu.memref_squeeze %dma_start3A_289 : memref<1x128xi32, #tpu.memory_space<vmem>> -> memref<128xi32, #tpu.memory_space<vmem>>
          %dma_start3A_291 = arith.constant 0 : i32
          %dma_start3A_292 = tpu.memref_slice %arg8[%dma_start3A_291] : memref<10240xf32, #tpu.memory_space<vmem_shared>> -> memref<10240xf32, #tpu.memory_space<vmem_shared>>
          tpu.enqueue_indirect_dma source(%arg6 : memref<128xf32, #tpu.memory_space<vmem>>) target(%dma_start3A_292 : memref<10240xf32, #tpu.memory_space<vmem_shared>>) offsets(%dma_start3A_290 : memref<128xi32, #tpu.memory_space<vmem>>) semaphore(%arg11 : memref<!tpu.dma_semaphore, #tpu.memory_space<semaphore_mem>>) {add = true}
        } else {
        }
        %add3A_211 = arith.constant 3 : i32
        %add3A_212 = arith.addi %add3A_167, %add3A_211 : i32
        %dma_wait3A_213 = arith.constant 0 : i32
        %dma_wait3A_214 = arith.constant 0 : i32
        %dma_wait3A_215 = tpu.memref_slice %arg5[%dma_wait3A_213, %dma_wait3A_214] : memref<80x128xi32, #tpu.memory_space<vmem>> -> memref<1x128xi32, #tpu.memory_space<vmem>>
        %dma_wait3A_216 = tpu.memref_squeeze %dma_wait3A_215 : memref<1x128xi32, #tpu.memory_space<vmem>> -> memref<128xi32, #tpu.memory_space<vmem>>
        %dma_wait3A_217 = arith.constant 0 : i32
        %dma_wait3A_218 = tpu.memref_slice %arg8[%dma_wait3A_217] : memref<10240xf32, #tpu.memory_space<vmem_shared>> -> memref<10240xf32, #tpu.memory_space<vmem_shared>>
        tpu.wait_indirect_dma semaphore(%arg12 : memref<!tpu.dma_semaphore, #tpu.memory_space<semaphore_mem>>) src(%arg6 : memref<128xf32, #tpu.memory_space<vmem>>) dst(%dma_wait3A_218 : memref<10240xf32, #tpu.memory_space<vmem_shared>>)
        %add3A_219 = arith.constant 8 : i32
        %add3A_220 = arith.addi %add3A_212, %add3A_219 : i32
        %lt3A_221 = arith.constant 80 : i32
        %lt3A_222 = arith.cmpi slt, %add3A_220, %lt3A_221 : i32
        %convert_element_type3A_223 = arith.extui %lt3A_222 : i1 to i32
        %cond3A_224 = arith.constant 0 : i32
        %cond3A_225 = arith.cmpi ne, %convert_element_type3A_223, %cond3A_224 : i32
        scf.if %cond3A_225 {
          %add3A_286 = arith.constant 8 : i32
          %add3A_287 = arith.addi %add3A_212, %add3A_286 : i32
          %dma_start3A_288 = arith.constant 0 : i32
          %dma_start3A_289 = tpu.memref_slice %arg5[%add3A_287, %dma_start3A_288] : memref<80x128xi32, #tpu.memory_space<vmem>> -> memref<1x128xi32, #tpu.memory_space<vmem>>
          %dma_start3A_290 = tpu.memref_squeeze %dma_start3A_289 : memref<1x128xi32, #tpu.memory_space<vmem>> -> memref<128xi32, #tpu.memory_space<vmem>>
          %dma_start3A_291 = arith.constant 0 : i32
          %dma_start3A_292 = tpu.memref_slice %arg8[%dma_start3A_291] : memref<10240xf32, #tpu.memory_space<vmem_shared>> -> memref<10240xf32, #tpu.memory_space<vmem_shared>>
          tpu.enqueue_indirect_dma source(%arg6 : memref<128xf32, #tpu.memory_space<vmem>>) target(%dma_start3A_292 : memref<10240xf32, #tpu.memory_space<vmem_shared>>) offsets(%dma_start3A_290 : memref<128xi32, #tpu.memory_space<vmem>>) semaphore(%arg12 : memref<!tpu.dma_semaphore, #tpu.memory_space<semaphore_mem>>) {add = true}
        } else {
        }
        %add3A_226 = arith.constant 4 : i32
        %add3A_227 = arith.addi %add3A_167, %add3A_226 : i32
        %dma_wait3A_228 = arith.constant 0 : i32
        %dma_wait3A_229 = arith.constant 0 : i32
        %dma_wait3A_230 = tpu.memref_slice %arg5[%dma_wait3A_228, %dma_wait3A_229] : memref<80x128xi32, #tpu.memory_space<vmem>> -> memref<1x128xi32, #tpu.memory_space<vmem>>
        %dma_wait3A_231 = tpu.memref_squeeze %dma_wait3A_230 : memref<1x128xi32, #tpu.memory_space<vmem>> -> memref<128xi32, #tpu.memory_space<vmem>>
        %dma_wait3A_232 = arith.constant 0 : i32
        %dma_wait3A_233 = tpu.memref_slice %arg8[%dma_wait3A_232] : memref<10240xf32, #tpu.memory_space<vmem_shared>> -> memref<10240xf32, #tpu.memory_space<vmem_shared>>
        tpu.wait_indirect_dma semaphore(%arg13 : memref<!tpu.dma_semaphore, #tpu.memory_space<semaphore_mem>>) src(%arg6 : memref<128xf32, #tpu.memory_space<vmem>>) dst(%dma_wait3A_233 : memref<10240xf32, #tpu.memory_space<vmem_shared>>)
        %add3A_234 = arith.constant 8 : i32
        %add3A_235 = arith.addi %add3A_227, %add3A_234 : i32
        %lt3A_236 = arith.constant 80 : i32
        %lt3A_237 = arith.cmpi slt, %add3A_235, %lt3A_236 : i32
        %convert_element_type3A_238 = arith.extui %lt3A_237 : i1 to i32
        %cond3A_239 = arith.constant 0 : i32
        %cond3A_240 = arith.cmpi ne, %convert_element_type3A_238, %cond3A_239 : i32
        scf.if %cond3A_240 {
          %add3A_286 = arith.constant 8 : i32
          %add3A_287 = arith.addi %add3A_227, %add3A_286 : i32
          %dma_start3A_288 = arith.constant 0 : i32
          %dma_start3A_289 = tpu.memref_slice %arg5[%add3A_287, %dma_start3A_288] : memref<80x128xi32, #tpu.memory_space<vmem>> -> memref<1x128xi32, #tpu.memory_space<vmem>>
          %dma_start3A_290 = tpu.memref_squeeze %dma_start3A_289 : memref<1x128xi32, #tpu.memory_space<vmem>> -> memref<128xi32, #tpu.memory_space<vmem>>
          %dma_start3A_291 = arith.constant 0 : i32
          %dma_start3A_292 = tpu.memref_slice %arg8[%dma_start3A_291] : memref<10240xf32, #tpu.memory_space<vmem_shared>> -> memref<10240xf32, #tpu.memory_space<vmem_shared>>
          tpu.enqueue_indirect_dma source(%arg6 : memref<128xf32, #tpu.memory_space<vmem>>) target(%dma_start3A_292 : memref<10240xf32, #tpu.memory_space<vmem_shared>>) offsets(%dma_start3A_290 : memref<128xi32, #tpu.memory_space<vmem>>) semaphore(%arg13 : memref<!tpu.dma_semaphore, #tpu.memory_space<semaphore_mem>>) {add = true}
        } else {
        }
        %add3A_241 = arith.constant 5 : i32
        %add3A_242 = arith.addi %add3A_167, %add3A_241 : i32
        %dma_wait3A_243 = arith.constant 0 : i32
        %dma_wait3A_244 = arith.constant 0 : i32
        %dma_wait3A_245 = tpu.memref_slice %arg5[%dma_wait3A_243, %dma_wait3A_244] : memref<80x128xi32, #tpu.memory_space<vmem>> -> memref<1x128xi32, #tpu.memory_space<vmem>>
        %dma_wait3A_246 = tpu.memref_squeeze %dma_wait3A_245 : memref<1x128xi32, #tpu.memory_space<vmem>> -> memref<128xi32, #tpu.memory_space<vmem>>
        %dma_wait3A_247 = arith.constant 0 : i32
        %dma_wait3A_248 = tpu.memref_slice %arg8[%dma_wait3A_247] : memref<10240xf32, #tpu.memory_space<vmem_shared>> -> memref<10240xf32, #tpu.memory_space<vmem_shared>>
        tpu.wait_indirect_dma semaphore(%arg14 : memref<!tpu.dma_semaphore, #tpu.memory_space<semaphore_mem>>) src(%arg6 : memref<128xf32, #tpu.memory_space<vmem>>) dst(%dma_wait3A_248 : memref<10240xf32, #tpu.memory_space<vmem_shared>>)
        %add3A_249 = arith.constant 8 : i32
        %add3A_250 = arith.addi %add3A_242, %add3A_249 : i32
        %lt3A_251 = arith.constant 80 : i32
        %lt3A_252 = arith.cmpi slt, %add3A_250, %lt3A_251 : i32
        %convert_element_type3A_253 = arith.extui %lt3A_252 : i1 to i32
        %cond3A_254 = arith.constant 0 : i32
        %cond3A_255 = arith.cmpi ne, %convert_element_type3A_253, %cond3A_254 : i32
        scf.if %cond3A_255 {
          %add3A_286 = arith.constant 8 : i32
          %add3A_287 = arith.addi %add3A_242, %add3A_286 : i32
          %dma_start3A_288 = arith.constant 0 : i32
          %dma_start3A_289 = tpu.memref_slice %arg5[%add3A_287, %dma_start3A_288] : memref<80x128xi32, #tpu.memory_space<vmem>> -> memref<1x128xi32, #tpu.memory_space<vmem>>
          %dma_start3A_290 = tpu.memref_squeeze %dma_start3A_289 : memref<1x128xi32, #tpu.memory_space<vmem>> -> memref<128xi32, #tpu.memory_space<vmem>>
          %dma_start3A_291 = arith.constant 0 : i32
          %dma_start3A_292 = tpu.memref_slice %arg8[%dma_start3A_291] : memref<10240xf32, #tpu.memory_space<vmem_shared>> -> memref<10240xf32, #tpu.memory_space<vmem_shared>>
          tpu.enqueue_indirect_dma source(%arg6 : memref<128xf32, #tpu.memory_space<vmem>>) target(%dma_start3A_292 : memref<10240xf32, #tpu.memory_space<vmem_shared>>) offsets(%dma_start3A_290 : memref<128xi32, #tpu.memory_space<vmem>>) semaphore(%arg14 : memref<!tpu.dma_semaphore, #tpu.memory_space<semaphore_mem>>) {add = true}
        } else {
        }
        %add3A_256 = arith.constant 6 : i32
        %add3A_257 = arith.addi %add3A_167, %add3A_256 : i32
        %dma_wait3A_258 = arith.constant 0 : i32
        %dma_wait3A_259 = arith.constant 0 : i32
        %dma_wait3A_260 = tpu.memref_slice %arg5[%dma_wait3A_258, %dma_wait3A_259] : memref<80x128xi32, #tpu.memory_space<vmem>> -> memref<1x128xi32, #tpu.memory_space<vmem>>
        %dma_wait3A_261 = tpu.memref_squeeze %dma_wait3A_260 : memref<1x128xi32, #tpu.memory_space<vmem>> -> memref<128xi32, #tpu.memory_space<vmem>>
        %dma_wait3A_262 = arith.constant 0 : i32
        %dma_wait3A_263 = tpu.memref_slice %arg8[%dma_wait3A_262] : memref<10240xf32, #tpu.memory_space<vmem_shared>> -> memref<10240xf32, #tpu.memory_space<vmem_shared>>
        tpu.wait_indirect_dma semaphore(%arg15 : memref<!tpu.dma_semaphore, #tpu.memory_space<semaphore_mem>>) src(%arg6 : memref<128xf32, #tpu.memory_space<vmem>>) dst(%dma_wait3A_263 : memref<10240xf32, #tpu.memory_space<vmem_shared>>)
        %add3A_264 = arith.constant 8 : i32
        %add3A_265 = arith.addi %add3A_257, %add3A_264 : i32
        %lt3A_266 = arith.constant 80 : i32
        %lt3A_267 = arith.cmpi slt, %add3A_265, %lt3A_266 : i32
        %convert_element_type3A_268 = arith.extui %lt3A_267 : i1 to i32
        %cond3A_269 = arith.constant 0 : i32
        %cond3A_270 = arith.cmpi ne, %convert_element_type3A_268, %cond3A_269 : i32
        scf.if %cond3A_270 {
          %add3A_286 = arith.constant 8 : i32
          %add3A_287 = arith.addi %add3A_257, %add3A_286 : i32
          %dma_start3A_288 = arith.constant 0 : i32
          %dma_start3A_289 = tpu.memref_slice %arg5[%add3A_287, %dma_start3A_288] : memref<80x128xi32, #tpu.memory_space<vmem>> -> memref<1x128xi32, #tpu.memory_space<vmem>>
          %dma_start3A_290 = tpu.memref_squeeze %dma_start3A_289 : memref<1x128xi32, #tpu.memory_space<vmem>> -> memref<128xi32, #tpu.memory_space<vmem>>
          %dma_start3A_291 = arith.constant 0 : i32
          %dma_start3A_292 = tpu.memref_slice %arg8[%dma_start3A_291] : memref<10240xf32, #tpu.memory_space<vmem_shared>> -> memref<10240xf32, #tpu.memory_space<vmem_shared>>
          tpu.enqueue_indirect_dma source(%arg6 : memref<128xf32, #tpu.memory_space<vmem>>) target(%dma_start3A_292 : memref<10240xf32, #tpu.memory_space<vmem_shared>>) offsets(%dma_start3A_290 : memref<128xi32, #tpu.memory_space<vmem>>) semaphore(%arg15 : memref<!tpu.dma_semaphore, #tpu.memory_space<semaphore_mem>>) {add = true}
        } else {
        }
        %add3A_271 = arith.constant 7 : i32
        %add3A_272 = arith.addi %add3A_167, %add3A_271 : i32
        %dma_wait3A_273 = arith.constant 0 : i32
        %dma_wait3A_274 = arith.constant 0 : i32
        %dma_wait3A_275 = tpu.memref_slice %arg5[%dma_wait3A_273, %dma_wait3A_274] : memref<80x128xi32, #tpu.memory_space<vmem>> -> memref<1x128xi32, #tpu.memory_space<vmem>>
        %dma_wait3A_276 = tpu.memref_squeeze %dma_wait3A_275 : memref<1x128xi32, #tpu.memory_space<vmem>> -> memref<128xi32, #tpu.memory_space<vmem>>
        %dma_wait3A_277 = arith.constant 0 : i32
        %dma_wait3A_278 = tpu.memref_slice %arg8[%dma_wait3A_277] : memref<10240xf32, #tpu.memory_space<vmem_shared>> -> memref<10240xf32, #tpu.memory_space<vmem_shared>>
        tpu.wait_indirect_dma semaphore(%arg16 : memref<!tpu.dma_semaphore, #tpu.memory_space<semaphore_mem>>) src(%arg6 : memref<128xf32, #tpu.memory_space<vmem>>) dst(%dma_wait3A_278 : memref<10240xf32, #tpu.memory_space<vmem_shared>>)
        %add3A_279 = arith.constant 8 : i32
        %add3A_280 = arith.addi %add3A_272, %add3A_279 : i32
        %lt3A_281 = arith.constant 80 : i32
        %lt3A_282 = arith.cmpi slt, %add3A_280, %lt3A_281 : i32
        %convert_element_type3A_283 = arith.extui %lt3A_282 : i1 to i32
        %cond3A_284 = arith.constant 0 : i32
        %cond3A_285 = arith.cmpi ne, %convert_element_type3A_283, %cond3A_284 : i32
        scf.if %cond3A_285 {
          %add3A_286 = arith.constant 8 : i32
          %add3A_287 = arith.addi %add3A_272, %add3A_286 : i32
          %dma_start3A_288 = arith.constant 0 : i32
          %dma_start3A_289 = tpu.memref_slice %arg5[%add3A_287, %dma_start3A_288] : memref<80x128xi32, #tpu.memory_space<vmem>> -> memref<1x128xi32, #tpu.memory_space<vmem>>
          %dma_start3A_290 = tpu.memref_squeeze %dma_start3A_289 : memref<1x128xi32, #tpu.memory_space<vmem>> -> memref<128xi32, #tpu.memory_space<vmem>>
          %dma_start3A_291 = arith.constant 0 : i32
          %dma_start3A_292 = tpu.memref_slice %arg8[%dma_start3A_291] : memref<10240xf32, #tpu.memory_space<vmem_shared>> -> memref<10240xf32, #tpu.memory_space<vmem_shared>>
          tpu.enqueue_indirect_dma source(%arg6 : memref<128xf32, #tpu.memory_space<vmem>>) target(%dma_start3A_292 : memref<10240xf32, #tpu.memory_space<vmem_shared>>) offsets(%dma_start3A_290 : memref<128xi32, #tpu.memory_space<vmem>>) semaphore(%arg16 : memref<!tpu.dma_semaphore, #tpu.memory_space<semaphore_mem>>) {add = true}
        } else {
        }
      }
      %scan3A_105 = arith.constant 10 : i32
      %mul3A_106 = arith.constant 160 : i32
      %mul3A_107 = arith.muli %arg1, %mul3A_106 : i32
      %add3A_108 = arith.constant 80 : i32
      %add3A_109 = arith.addi %mul3A_107, %add3A_108 : i32
      "tpu.region"() ({
        %run_scoped3A = tpu.sem_alloc : memref<!tpu.dma_semaphore, #tpu.memory_space<semaphore_mem>>
        %dma_start3A_163 = arith.constant 0 : i32
        %dma_start3A_164 = tpu.memref_slice %arg3[%add3A_109, %dma_start3A_163] : memref<2560x128xi32, #tpu.memory_space<hbm>> -> memref<80x128xi32, #tpu.memory_space<hbm>>
        %dma_start3A_165 = arith.constant 0 : i32
        %dma_start3A_166 = tpu.memref_slice %arg3[%add3A_109, %dma_start3A_165] : memref<2560x128xi32, #tpu.memory_space<hbm>> -> memref<80x128xi32, #tpu.memory_space<hbm>>
        tpu.enqueue_dma source(%dma_start3A_166 : memref<80x128xi32, #tpu.memory_space<hbm>>) target(%arg5 : memref<80x128xi32, #tpu.memory_space<vmem>>) target_semaphore(%run_scoped3A : memref<!tpu.dma_semaphore, #tpu.memory_space<semaphore_mem>>)
        %dma_wait3A = arith.constant 0 : i32
        %dma_wait3A_167 = tpu.memref_slice %arg3[%add3A_109, %dma_wait3A] : memref<2560x128xi32, #tpu.memory_space<hbm>> -> memref<80x128xi32, #tpu.memory_space<hbm>>
        %dma_wait3A_168 = arith.constant 0 : i32
        %dma_wait3A_169 = tpu.memref_slice %arg3[%add3A_109, %dma_wait3A_168] : memref<2560x128xi32, #tpu.memory_space<hbm>> -> memref<80x128xi32, #tpu.memory_space<hbm>>
        tpu.wait_dma2 semaphore(%run_scoped3A : memref<!tpu.dma_semaphore, #tpu.memory_space<semaphore_mem>>) src(%dma_wait3A_169 : memref<80x128xi32, #tpu.memory_space<hbm>>) dst(%arg5 : memref<80x128xi32, #tpu.memory_space<vmem>>)
        tpu.yield
      }) : () -> ()
      %dma_start3A_110 = arith.constant 0 : i32
      %dma_start3A_111 = arith.constant 0 : i32
      %dma_start3A_112 = tpu.memref_slice %arg5[%dma_start3A_110, %dma_start3A_111] : memref<80x128xi32, #tpu.memory_space<vmem>> -> memref<1x128xi32, #tpu.memory_space<vmem>>
      %dma_start3A_113 = tpu.memref_squeeze %dma_start3A_112 : memref<1x128xi32, #tpu.memory_space<vmem>> -> memref<128xi32, #tpu.memory_space<vmem>>
      %dma_start3A_114 = arith.constant 0 : i32
      %dma_start3A_115 = tpu.memref_slice %arg8[%dma_start3A_114] : memref<10240xf32, #tpu.memory_space<vmem_shared>> -> memref<10240xf32, #tpu.memory_space<vmem_shared>>
      tpu.enqueue_indirect_dma source(%arg6 : memref<128xf32, #tpu.memory_space<vmem>>) target(%dma_start3A_115 : memref<10240xf32, #tpu.memory_space<vmem_shared>>) offsets(%dma_start3A_113 : memref<128xi32, #tpu.memory_space<vmem>>) semaphore(%arg9 : memref<!tpu.dma_semaphore, #tpu.memory_space<semaphore_mem>>) {add = true}
      %dma_start3A_116 = arith.constant 1 : i32
      %dma_start3A_117 = arith.constant 0 : i32
      %dma_start3A_118 = tpu.memref_slice %arg5[%dma_start3A_116, %dma_start3A_117] : memref<80x128xi32, #tpu.memory_space<vmem>> -> memref<1x128xi32, #tpu.memory_space<vmem>>
      %dma_start3A_119 = tpu.memref_squeeze %dma_start3A_118 : memref<1x128xi32, #tpu.memory_space<vmem>> -> memref<128xi32, #tpu.memory_space<vmem>>
      %dma_start3A_120 = arith.constant 0 : i32
      %dma_start3A_121 = tpu.memref_slice %arg8[%dma_start3A_120] : memref<10240xf32, #tpu.memory_space<vmem_shared>> -> memref<10240xf32, #tpu.memory_space<vmem_shared>>
      tpu.enqueue_indirect_dma source(%arg6 : memref<128xf32, #tpu.memory_space<vmem>>) target(%dma_start3A_121 : memref<10240xf32, #tpu.memory_space<vmem_shared>>) offsets(%dma_start3A_119 : memref<128xi32, #tpu.memory_space<vmem>>) semaphore(%arg10 : memref<!tpu.dma_semaphore, #tpu.memory_space<semaphore_mem>>) {add = true}
      %dma_start3A_122 = arith.constant 2 : i32
      %dma_start3A_123 = arith.constant 0 : i32
      %dma_start3A_124 = tpu.memref_slice %arg5[%dma_start3A_122, %dma_start3A_123] : memref<80x128xi32, #tpu.memory_space<vmem>> -> memref<1x128xi32, #tpu.memory_space<vmem>>
      %dma_start3A_125 = tpu.memref_squeeze %dma_start3A_124 : memref<1x128xi32, #tpu.memory_space<vmem>> -> memref<128xi32, #tpu.memory_space<vmem>>
      %dma_start3A_126 = arith.constant 0 : i32
      %dma_start3A_127 = tpu.memref_slice %arg8[%dma_start3A_126] : memref<10240xf32, #tpu.memory_space<vmem_shared>> -> memref<10240xf32, #tpu.memory_space<vmem_shared>>
      tpu.enqueue_indirect_dma source(%arg6 : memref<128xf32, #tpu.memory_space<vmem>>) target(%dma_start3A_127 : memref<10240xf32, #tpu.memory_space<vmem_shared>>) offsets(%dma_start3A_125 : memref<128xi32, #tpu.memory_space<vmem>>) semaphore(%arg11 : memref<!tpu.dma_semaphore, #tpu.memory_space<semaphore_mem>>) {add = true}
      %dma_start3A_128 = arith.constant 3 : i32
      %dma_start3A_129 = arith.constant 0 : i32
      %dma_start3A_130 = tpu.memref_slice %arg5[%dma_start3A_128, %dma_start3A_129] : memref<80x128xi32, #tpu.memory_space<vmem>> -> memref<1x128xi32, #tpu.memory_space<vmem>>
      %dma_start3A_131 = tpu.memref_squeeze %dma_start3A_130 : memref<1x128xi32, #tpu.memory_space<vmem>> -> memref<128xi32, #tpu.memory_space<vmem>>
      %dma_start3A_132 = arith.constant 0 : i32
      %dma_start3A_133 = tpu.memref_slice %arg8[%dma_start3A_132] : memref<10240xf32, #tpu.memory_space<vmem_shared>> -> memref<10240xf32, #tpu.memory_space<vmem_shared>>
      tpu.enqueue_indirect_dma source(%arg6 : memref<128xf32, #tpu.memory_space<vmem>>) target(%dma_start3A_133 : memref<10240xf32, #tpu.memory_space<vmem_shared>>) offsets(%dma_start3A_131 : memref<128xi32, #tpu.memory_space<vmem>>) semaphore(%arg12 : memref<!tpu.dma_semaphore, #tpu.memory_space<semaphore_mem>>) {add = true}
      %dma_start3A_134 = arith.constant 4 : i32
      %dma_start3A_135 = arith.constant 0 : i32
      %dma_start3A_136 = tpu.memref_slice %arg5[%dma_start3A_134, %dma_start3A_135] : memref<80x128xi32, #tpu.memory_space<vmem>> -> memref<1x128xi32, #tpu.memory_space<vmem>>
      %dma_start3A_137 = tpu.memref_squeeze %dma_start3A_136 : memref<1x128xi32, #tpu.memory_space<vmem>> -> memref<128xi32, #tpu.memory_space<vmem>>
      %dma_start3A_138 = arith.constant 0 : i32
      %dma_start3A_139 = tpu.memref_slice %arg8[%dma_start3A_138] : memref<10240xf32, #tpu.memory_space<vmem_shared>> -> memref<10240xf32, #tpu.memory_space<vmem_shared>>
      tpu.enqueue_indirect_dma source(%arg6 : memref<128xf32, #tpu.memory_space<vmem>>) target(%dma_start3A_139 : memref<10240xf32, #tpu.memory_space<vmem_shared>>) offsets(%dma_start3A_137 : memref<128xi32, #tpu.memory_space<vmem>>) semaphore(%arg13 : memref<!tpu.dma_semaphore, #tpu.memory_space<semaphore_mem>>) {add = true}
      %dma_start3A_140 = arith.constant 5 : i32
      %dma_start3A_141 = arith.constant 0 : i32
      %dma_start3A_142 = tpu.memref_slice %arg5[%dma_start3A_140, %dma_start3A_141] : memref<80x128xi32, #tpu.memory_space<vmem>> -> memref<1x128xi32, #tpu.memory_space<vmem>>
      %dma_start3A_143 = tpu.memref_squeeze %dma_start3A_142 : memref<1x128xi32, #tpu.memory_space<vmem>> -> memref<128xi32, #tpu.memory_space<vmem>>
      %dma_start3A_144 = arith.constant 0 : i32
      %dma_start3A_145 = tpu.memref_slice %arg8[%dma_start3A_144] : memref<10240xf32, #tpu.memory_space<vmem_shared>> -> memref<10240xf32, #tpu.memory_space<vmem_shared>>
      tpu.enqueue_indirect_dma source(%arg6 : memref<128xf32, #tpu.memory_space<vmem>>) target(%dma_start3A_145 : memref<10240xf32, #tpu.memory_space<vmem_shared>>) offsets(%dma_start3A_143 : memref<128xi32, #tpu.memory_space<vmem>>) semaphore(%arg14 : memref<!tpu.dma_semaphore, #tpu.memory_space<semaphore_mem>>) {add = true}
      %dma_start3A_146 = arith.constant 6 : i32
      %dma_start3A_147 = arith.constant 0 : i32
      %dma_start3A_148 = tpu.memref_slice %arg5[%dma_start3A_146, %dma_start3A_147] : memref<80x128xi32, #tpu.memory_space<vmem>> -> memref<1x128xi32, #tpu.memory_space<vmem>>
      %dma_start3A_149 = tpu.memref_squeeze %dma_start3A_148 : memref<1x128xi32, #tpu.memory_space<vmem>> -> memref<128xi32, #tpu.memory_space<vmem>>
      %dma_start3A_150 = arith.constant 0 : i32
      %dma_start3A_151 = tpu.memref_slice %arg8[%dma_start3A_150] : memref<10240xf32, #tpu.memory_space<vmem_shared>> -> memref<10240xf32, #tpu.memory_space<vmem_shared>>
      tpu.enqueue_indirect_dma source(%arg6 : memref<128xf32, #tpu.memory_space<vmem>>) target(%dma_start3A_151 : memref<10240xf32, #tpu.memory_space<vmem_shared>>) offsets(%dma_start3A_149 : memref<128xi32, #tpu.memory_space<vmem>>) semaphore(%arg15 : memref<!tpu.dma_semaphore, #tpu.memory_space<semaphore_mem>>) {add = true}
      %dma_start3A_152 = arith.constant 7 : i32
      %dma_start3A_153 = arith.constant 0 : i32
      %dma_start3A_154 = tpu.memref_slice %arg5[%dma_start3A_152, %dma_start3A_153] : memref<80x128xi32, #tpu.memory_space<vmem>> -> memref<1x128xi32, #tpu.memory_space<vmem>>
      %dma_start3A_155 = tpu.memref_squeeze %dma_start3A_154 : memref<1x128xi32, #tpu.memory_space<vmem>> -> memref<128xi32, #tpu.memory_space<vmem>>
      %dma_start3A_156 = arith.constant 0 : i32
      %dma_start3A_157 = tpu.memref_slice %arg8[%dma_start3A_156] : memref<10240xf32, #tpu.memory_space<vmem_shared>> -> memref<10240xf32, #tpu.memory_space<vmem_shared>>
      tpu.enqueue_indirect_dma source(%arg6 : memref<128xf32, #tpu.memory_space<vmem>>) target(%dma_start3A_157 : memref<10240xf32, #tpu.memory_space<vmem_shared>>) offsets(%dma_start3A_155 : memref<128xi32, #tpu.memory_space<vmem>>) semaphore(%arg16 : memref<!tpu.dma_semaphore, #tpu.memory_space<semaphore_mem>>) {add = true}
      %scan3A_158 = arith.constant 0 : i32
      %scan3A_159 = arith.constant 10 : i32
      %scan3A_160 = arith.addi %scan3A_158, %scan3A_159 : i32
      %scan3A_161 = arith.constant 1 : i32
      scf.for %scan3A_163 = %scan3A_158 to %scan3A_160 step %scan3A_161  : i32 {
        %mul3A_164 = arith.constant 8 : i32
        %mul3A_165 = arith.muli %scan3A_163, %mul3A_164 : i32
        %add3A_166 = arith.constant 0 : i32
        %add3A_167 = arith.addi %add3A_166, %mul3A_165 : i32
        %add3A_168 = arith.constant 0 : i32
        %add3A_169 = arith.addi %add3A_167, %add3A_168 : i32
        %dma_wait3A = arith.constant 0 : i32
        %dma_wait3A_170 = arith.constant 0 : i32
        %dma_wait3A_171 = tpu.memref_slice %arg5[%dma_wait3A, %dma_wait3A_170] : memref<80x128xi32, #tpu.memory_space<vmem>> -> memref<1x128xi32, #tpu.memory_space<vmem>>
        %dma_wait3A_172 = tpu.memref_squeeze %dma_wait3A_171 : memref<1x128xi32, #tpu.memory_space<vmem>> -> memref<128xi32, #tpu.memory_space<vmem>>
        %dma_wait3A_173 = arith.constant 0 : i32
        %dma_wait3A_174 = tpu.memref_slice %arg8[%dma_wait3A_173] : memref<10240xf32, #tpu.memory_space<vmem_shared>> -> memref<10240xf32, #tpu.memory_space<vmem_shared>>
        tpu.wait_indirect_dma semaphore(%arg9 : memref<!tpu.dma_semaphore, #tpu.memory_space<semaphore_mem>>) src(%arg6 : memref<128xf32, #tpu.memory_space<vmem>>) dst(%dma_wait3A_174 : memref<10240xf32, #tpu.memory_space<vmem_shared>>)
        %add3A_175 = arith.constant 8 : i32
        %add3A_176 = arith.addi %add3A_169, %add3A_175 : i32
        %lt3A = arith.constant 80 : i32
        %lt3A_177 = arith.cmpi slt, %add3A_176, %lt3A : i32
        %convert_element_type3A_178 = arith.extui %lt3A_177 : i1 to i32
        %cond3A_179 = arith.constant 0 : i32
        %cond3A_180 = arith.cmpi ne, %convert_element_type3A_178, %cond3A_179 : i32
        scf.if %cond3A_180 {
          %add3A_286 = arith.constant 8 : i32
          %add3A_287 = arith.addi %add3A_169, %add3A_286 : i32
          %dma_start3A_288 = arith.constant 0 : i32
          %dma_start3A_289 = tpu.memref_slice %arg5[%add3A_287, %dma_start3A_288] : memref<80x128xi32, #tpu.memory_space<vmem>> -> memref<1x128xi32, #tpu.memory_space<vmem>>
          %dma_start3A_290 = tpu.memref_squeeze %dma_start3A_289 : memref<1x128xi32, #tpu.memory_space<vmem>> -> memref<128xi32, #tpu.memory_space<vmem>>
          %dma_start3A_291 = arith.constant 0 : i32
          %dma_start3A_292 = tpu.memref_slice %arg8[%dma_start3A_291] : memref<10240xf32, #tpu.memory_space<vmem_shared>> -> memref<10240xf32, #tpu.memory_space<vmem_shared>>
          tpu.enqueue_indirect_dma source(%arg6 : memref<128xf32, #tpu.memory_space<vmem>>) target(%dma_start3A_292 : memref<10240xf32, #tpu.memory_space<vmem_shared>>) offsets(%dma_start3A_290 : memref<128xi32, #tpu.memory_space<vmem>>) semaphore(%arg9 : memref<!tpu.dma_semaphore, #tpu.memory_space<semaphore_mem>>) {add = true}
        } else {
        }
        %add3A_181 = arith.constant 1 : i32
        %add3A_182 = arith.addi %add3A_167, %add3A_181 : i32
        %dma_wait3A_183 = arith.constant 0 : i32
        %dma_wait3A_184 = arith.constant 0 : i32
        %dma_wait3A_185 = tpu.memref_slice %arg5[%dma_wait3A_183, %dma_wait3A_184] : memref<80x128xi32, #tpu.memory_space<vmem>> -> memref<1x128xi32, #tpu.memory_space<vmem>>
        %dma_wait3A_186 = tpu.memref_squeeze %dma_wait3A_185 : memref<1x128xi32, #tpu.memory_space<vmem>> -> memref<128xi32, #tpu.memory_space<vmem>>
        %dma_wait3A_187 = arith.constant 0 : i32
        %dma_wait3A_188 = tpu.memref_slice %arg8[%dma_wait3A_187] : memref<10240xf32, #tpu.memory_space<vmem_shared>> -> memref<10240xf32, #tpu.memory_space<vmem_shared>>
        tpu.wait_indirect_dma semaphore(%arg10 : memref<!tpu.dma_semaphore, #tpu.memory_space<semaphore_mem>>) src(%arg6 : memref<128xf32, #tpu.memory_space<vmem>>) dst(%dma_wait3A_188 : memref<10240xf32, #tpu.memory_space<vmem_shared>>)
        %add3A_189 = arith.constant 8 : i32
        %add3A_190 = arith.addi %add3A_182, %add3A_189 : i32
        %lt3A_191 = arith.constant 80 : i32
        %lt3A_192 = arith.cmpi slt, %add3A_190, %lt3A_191 : i32
        %convert_element_type3A_193 = arith.extui %lt3A_192 : i1 to i32
        %cond3A_194 = arith.constant 0 : i32
        %cond3A_195 = arith.cmpi ne, %convert_element_type3A_193, %cond3A_194 : i32
        scf.if %cond3A_195 {
          %add3A_286 = arith.constant 8 : i32
          %add3A_287 = arith.addi %add3A_182, %add3A_286 : i32
          %dma_start3A_288 = arith.constant 0 : i32
          %dma_start3A_289 = tpu.memref_slice %arg5[%add3A_287, %dma_start3A_288] : memref<80x128xi32, #tpu.memory_space<vmem>> -> memref<1x128xi32, #tpu.memory_space<vmem>>
          %dma_start3A_290 = tpu.memref_squeeze %dma_start3A_289 : memref<1x128xi32, #tpu.memory_space<vmem>> -> memref<128xi32, #tpu.memory_space<vmem>>
          %dma_start3A_291 = arith.constant 0 : i32
          %dma_start3A_292 = tpu.memref_slice %arg8[%dma_start3A_291] : memref<10240xf32, #tpu.memory_space<vmem_shared>> -> memref<10240xf32, #tpu.memory_space<vmem_shared>>
          tpu.enqueue_indirect_dma source(%arg6 : memref<128xf32, #tpu.memory_space<vmem>>) target(%dma_start3A_292 : memref<10240xf32, #tpu.memory_space<vmem_shared>>) offsets(%dma_start3A_290 : memref<128xi32, #tpu.memory_space<vmem>>) semaphore(%arg10 : memref<!tpu.dma_semaphore, #tpu.memory_space<semaphore_mem>>) {add = true}
        } else {
        }
        %add3A_196 = arith.constant 2 : i32
        %add3A_197 = arith.addi %add3A_167, %add3A_196 : i32
        %dma_wait3A_198 = arith.constant 0 : i32
        %dma_wait3A_199 = arith.constant 0 : i32
        %dma_wait3A_200 = tpu.memref_slice %arg5[%dma_wait3A_198, %dma_wait3A_199] : memref<80x128xi32, #tpu.memory_space<vmem>> -> memref<1x128xi32, #tpu.memory_space<vmem>>
        %dma_wait3A_201 = tpu.memref_squeeze %dma_wait3A_200 : memref<1x128xi32, #tpu.memory_space<vmem>> -> memref<128xi32, #tpu.memory_space<vmem>>
        %dma_wait3A_202 = arith.constant 0 : i32
        %dma_wait3A_203 = tpu.memref_slice %arg8[%dma_wait3A_202] : memref<10240xf32, #tpu.memory_space<vmem_shared>> -> memref<10240xf32, #tpu.memory_space<vmem_shared>>
        tpu.wait_indirect_dma semaphore(%arg11 : memref<!tpu.dma_semaphore, #tpu.memory_space<semaphore_mem>>) src(%arg6 : memref<128xf32, #tpu.memory_space<vmem>>) dst(%dma_wait3A_203 : memref<10240xf32, #tpu.memory_space<vmem_shared>>)
        %add3A_204 = arith.constant 8 : i32
        %add3A_205 = arith.addi %add3A_197, %add3A_204 : i32
        %lt3A_206 = arith.constant 80 : i32
        %lt3A_207 = arith.cmpi slt, %add3A_205, %lt3A_206 : i32
        %convert_element_type3A_208 = arith.extui %lt3A_207 : i1 to i32
        %cond3A_209 = arith.constant 0 : i32
        %cond3A_210 = arith.cmpi ne, %convert_element_type3A_208, %cond3A_209 : i32
        scf.if %cond3A_210 {
          %add3A_286 = arith.constant 8 : i32
          %add3A_287 = arith.addi %add3A_197, %add3A_286 : i32
          %dma_start3A_288 = arith.constant 0 : i32
          %dma_start3A_289 = tpu.memref_slice %arg5[%add3A_287, %dma_start3A_288] : memref<80x128xi32, #tpu.memory_space<vmem>> -> memref<1x128xi32, #tpu.memory_space<vmem>>
          %dma_start3A_290 = tpu.memref_squeeze %dma_start3A_289 : memref<1x128xi32, #tpu.memory_space<vmem>> -> memref<128xi32, #tpu.memory_space<vmem>>
          %dma_start3A_291 = arith.constant 0 : i32
          %dma_start3A_292 = tpu.memref_slice %arg8[%dma_start3A_291] : memref<10240xf32, #tpu.memory_space<vmem_shared>> -> memref<10240xf32, #tpu.memory_space<vmem_shared>>
          tpu.enqueue_indirect_dma source(%arg6 : memref<128xf32, #tpu.memory_space<vmem>>) target(%dma_start3A_292 : memref<10240xf32, #tpu.memory_space<vmem_shared>>) offsets(%dma_start3A_290 : memref<128xi32, #tpu.memory_space<vmem>>) semaphore(%arg11 : memref<!tpu.dma_semaphore, #tpu.memory_space<semaphore_mem>>) {add = true}
        } else {
        }
        %add3A_211 = arith.constant 3 : i32
        %add3A_212 = arith.addi %add3A_167, %add3A_211 : i32
        %dma_wait3A_213 = arith.constant 0 : i32
        %dma_wait3A_214 = arith.constant 0 : i32
        %dma_wait3A_215 = tpu.memref_slice %arg5[%dma_wait3A_213, %dma_wait3A_214] : memref<80x128xi32, #tpu.memory_space<vmem>> -> memref<1x128xi32, #tpu.memory_space<vmem>>
        %dma_wait3A_216 = tpu.memref_squeeze %dma_wait3A_215 : memref<1x128xi32, #tpu.memory_space<vmem>> -> memref<128xi32, #tpu.memory_space<vmem>>
        %dma_wait3A_217 = arith.constant 0 : i32
        %dma_wait3A_218 = tpu.memref_slice %arg8[%dma_wait3A_217] : memref<10240xf32, #tpu.memory_space<vmem_shared>> -> memref<10240xf32, #tpu.memory_space<vmem_shared>>
        tpu.wait_indirect_dma semaphore(%arg12 : memref<!tpu.dma_semaphore, #tpu.memory_space<semaphore_mem>>) src(%arg6 : memref<128xf32, #tpu.memory_space<vmem>>) dst(%dma_wait3A_218 : memref<10240xf32, #tpu.memory_space<vmem_shared>>)
        %add3A_219 = arith.constant 8 : i32
        %add3A_220 = arith.addi %add3A_212, %add3A_219 : i32
        %lt3A_221 = arith.constant 80 : i32
        %lt3A_222 = arith.cmpi slt, %add3A_220, %lt3A_221 : i32
        %convert_element_type3A_223 = arith.extui %lt3A_222 : i1 to i32
        %cond3A_224 = arith.constant 0 : i32
        %cond3A_225 = arith.cmpi ne, %convert_element_type3A_223, %cond3A_224 : i32
        scf.if %cond3A_225 {
          %add3A_286 = arith.constant 8 : i32
          %add3A_287 = arith.addi %add3A_212, %add3A_286 : i32
          %dma_start3A_288 = arith.constant 0 : i32
          %dma_start3A_289 = tpu.memref_slice %arg5[%add3A_287, %dma_start3A_288] : memref<80x128xi32, #tpu.memory_space<vmem>> -> memref<1x128xi32, #tpu.memory_space<vmem>>
          %dma_start3A_290 = tpu.memref_squeeze %dma_start3A_289 : memref<1x128xi32, #tpu.memory_space<vmem>> -> memref<128xi32, #tpu.memory_space<vmem>>
          %dma_start3A_291 = arith.constant 0 : i32
          %dma_start3A_292 = tpu.memref_slice %arg8[%dma_start3A_291] : memref<10240xf32, #tpu.memory_space<vmem_shared>> -> memref<10240xf32, #tpu.memory_space<vmem_shared>>
          tpu.enqueue_indirect_dma source(%arg6 : memref<128xf32, #tpu.memory_space<vmem>>) target(%dma_start3A_292 : memref<10240xf32, #tpu.memory_space<vmem_shared>>) offsets(%dma_start3A_290 : memref<128xi32, #tpu.memory_space<vmem>>) semaphore(%arg12 : memref<!tpu.dma_semaphore, #tpu.memory_space<semaphore_mem>>) {add = true}
        } else {
        }
        %add3A_226 = arith.constant 4 : i32
        %add3A_227 = arith.addi %add3A_167, %add3A_226 : i32
        %dma_wait3A_228 = arith.constant 0 : i32
        %dma_wait3A_229 = arith.constant 0 : i32
        %dma_wait3A_230 = tpu.memref_slice %arg5[%dma_wait3A_228, %dma_wait3A_229] : memref<80x128xi32, #tpu.memory_space<vmem>> -> memref<1x128xi32, #tpu.memory_space<vmem>>
        %dma_wait3A_231 = tpu.memref_squeeze %dma_wait3A_230 : memref<1x128xi32, #tpu.memory_space<vmem>> -> memref<128xi32, #tpu.memory_space<vmem>>
        %dma_wait3A_232 = arith.constant 0 : i32
        %dma_wait3A_233 = tpu.memref_slice %arg8[%dma_wait3A_232] : memref<10240xf32, #tpu.memory_space<vmem_shared>> -> memref<10240xf32, #tpu.memory_space<vmem_shared>>
        tpu.wait_indirect_dma semaphore(%arg13 : memref<!tpu.dma_semaphore, #tpu.memory_space<semaphore_mem>>) src(%arg6 : memref<128xf32, #tpu.memory_space<vmem>>) dst(%dma_wait3A_233 : memref<10240xf32, #tpu.memory_space<vmem_shared>>)
        %add3A_234 = arith.constant 8 : i32
        %add3A_235 = arith.addi %add3A_227, %add3A_234 : i32
        %lt3A_236 = arith.constant 80 : i32
        %lt3A_237 = arith.cmpi slt, %add3A_235, %lt3A_236 : i32
        %convert_element_type3A_238 = arith.extui %lt3A_237 : i1 to i32
        %cond3A_239 = arith.constant 0 : i32
        %cond3A_240 = arith.cmpi ne, %convert_element_type3A_238, %cond3A_239 : i32
        scf.if %cond3A_240 {
          %add3A_286 = arith.constant 8 : i32
          %add3A_287 = arith.addi %add3A_227, %add3A_286 : i32
          %dma_start3A_288 = arith.constant 0 : i32
          %dma_start3A_289 = tpu.memref_slice %arg5[%add3A_287, %dma_start3A_288] : memref<80x128xi32, #tpu.memory_space<vmem>> -> memref<1x128xi32, #tpu.memory_space<vmem>>
          %dma_start3A_290 = tpu.memref_squeeze %dma_start3A_289 : memref<1x128xi32, #tpu.memory_space<vmem>> -> memref<128xi32, #tpu.memory_space<vmem>>
          %dma_start3A_291 = arith.constant 0 : i32
          %dma_start3A_292 = tpu.memref_slice %arg8[%dma_start3A_291] : memref<10240xf32, #tpu.memory_space<vmem_shared>> -> memref<10240xf32, #tpu.memory_space<vmem_shared>>
          tpu.enqueue_indirect_dma source(%arg6 : memref<128xf32, #tpu.memory_space<vmem>>) target(%dma_start3A_292 : memref<10240xf32, #tpu.memory_space<vmem_shared>>) offsets(%dma_start3A_290 : memref<128xi32, #tpu.memory_space<vmem>>) semaphore(%arg13 : memref<!tpu.dma_semaphore, #tpu.memory_space<semaphore_mem>>) {add = true}
        } else {
        }
        %add3A_241 = arith.constant 5 : i32
        %add3A_242 = arith.addi %add3A_167, %add3A_241 : i32
        %dma_wait3A_243 = arith.constant 0 : i32
        %dma_wait3A_244 = arith.constant 0 : i32
        %dma_wait3A_245 = tpu.memref_slice %arg5[%dma_wait3A_243, %dma_wait3A_244] : memref<80x128xi32, #tpu.memory_space<vmem>> -> memref<1x128xi32, #tpu.memory_space<vmem>>
        %dma_wait3A_246 = tpu.memref_squeeze %dma_wait3A_245 : memref<1x128xi32, #tpu.memory_space<vmem>> -> memref<128xi32, #tpu.memory_space<vmem>>
        %dma_wait3A_247 = arith.constant 0 : i32
        %dma_wait3A_248 = tpu.memref_slice %arg8[%dma_wait3A_247] : memref<10240xf32, #tpu.memory_space<vmem_shared>> -> memref<10240xf32, #tpu.memory_space<vmem_shared>>
        tpu.wait_indirect_dma semaphore(%arg14 : memref<!tpu.dma_semaphore, #tpu.memory_space<semaphore_mem>>) src(%arg6 : memref<128xf32, #tpu.memory_space<vmem>>) dst(%dma_wait3A_248 : memref<10240xf32, #tpu.memory_space<vmem_shared>>)
        %add3A_249 = arith.constant 8 : i32
        %add3A_250 = arith.addi %add3A_242, %add3A_249 : i32
        %lt3A_251 = arith.constant 80 : i32
        %lt3A_252 = arith.cmpi slt, %add3A_250, %lt3A_251 : i32
        %convert_element_type3A_253 = arith.extui %lt3A_252 : i1 to i32
        %cond3A_254 = arith.constant 0 : i32
        %cond3A_255 = arith.cmpi ne, %convert_element_type3A_253, %cond3A_254 : i32
        scf.if %cond3A_255 {
          %add3A_286 = arith.constant 8 : i32
          %add3A_287 = arith.addi %add3A_242, %add3A_286 : i32
          %dma_start3A_288 = arith.constant 0 : i32
          %dma_start3A_289 = tpu.memref_slice %arg5[%add3A_287, %dma_start3A_288] : memref<80x128xi32, #tpu.memory_space<vmem>> -> memref<1x128xi32, #tpu.memory_space<vmem>>
          %dma_start3A_290 = tpu.memref_squeeze %dma_start3A_289 : memref<1x128xi32, #tpu.memory_space<vmem>> -> memref<128xi32, #tpu.memory_space<vmem>>
          %dma_start3A_291 = arith.constant 0 : i32
          %dma_start3A_292 = tpu.memref_slice %arg8[%dma_start3A_291] : memref<10240xf32, #tpu.memory_space<vmem_shared>> -> memref<10240xf32, #tpu.memory_space<vmem_shared>>
          tpu.enqueue_indirect_dma source(%arg6 : memref<128xf32, #tpu.memory_space<vmem>>) target(%dma_start3A_292 : memref<10240xf32, #tpu.memory_space<vmem_shared>>) offsets(%dma_start3A_290 : memref<128xi32, #tpu.memory_space<vmem>>) semaphore(%arg14 : memref<!tpu.dma_semaphore, #tpu.memory_space<semaphore_mem>>) {add = true}
        } else {
        }
        %add3A_256 = arith.constant 6 : i32
        %add3A_257 = arith.addi %add3A_167, %add3A_256 : i32
        %dma_wait3A_258 = arith.constant 0 : i32
        %dma_wait3A_259 = arith.constant 0 : i32
        %dma_wait3A_260 = tpu.memref_slice %arg5[%dma_wait3A_258, %dma_wait3A_259] : memref<80x128xi32, #tpu.memory_space<vmem>> -> memref<1x128xi32, #tpu.memory_space<vmem>>
        %dma_wait3A_261 = tpu.memref_squeeze %dma_wait3A_260 : memref<1x128xi32, #tpu.memory_space<vmem>> -> memref<128xi32, #tpu.memory_space<vmem>>
        %dma_wait3A_262 = arith.constant 0 : i32
        %dma_wait3A_263 = tpu.memref_slice %arg8[%dma_wait3A_262] : memref<10240xf32, #tpu.memory_space<vmem_shared>> -> memref<10240xf32, #tpu.memory_space<vmem_shared>>
        tpu.wait_indirect_dma semaphore(%arg15 : memref<!tpu.dma_semaphore, #tpu.memory_space<semaphore_mem>>) src(%arg6 : memref<128xf32, #tpu.memory_space<vmem>>) dst(%dma_wait3A_263 : memref<10240xf32, #tpu.memory_space<vmem_shared>>)
        %add3A_264 = arith.constant 8 : i32
        %add3A_265 = arith.addi %add3A_257, %add3A_264 : i32
        %lt3A_266 = arith.constant 80 : i32
        %lt3A_267 = arith.cmpi slt, %add3A_265, %lt3A_266 : i32
        %convert_element_type3A_268 = arith.extui %lt3A_267 : i1 to i32
        %cond3A_269 = arith.constant 0 : i32
        %cond3A_270 = arith.cmpi ne, %convert_element_type3A_268, %cond3A_269 : i32
        scf.if %cond3A_270 {
          %add3A_286 = arith.constant 8 : i32
          %add3A_287 = arith.addi %add3A_257, %add3A_286 : i32
          %dma_start3A_288 = arith.constant 0 : i32
          %dma_start3A_289 = tpu.memref_slice %arg5[%add3A_287, %dma_start3A_288] : memref<80x128xi32, #tpu.memory_space<vmem>> -> memref<1x128xi32, #tpu.memory_space<vmem>>
          %dma_start3A_290 = tpu.memref_squeeze %dma_start3A_289 : memref<1x128xi32, #tpu.memory_space<vmem>> -> memref<128xi32, #tpu.memory_space<vmem>>
          %dma_start3A_291 = arith.constant 0 : i32
          %dma_start3A_292 = tpu.memref_slice %arg8[%dma_start3A_291] : memref<10240xf32, #tpu.memory_space<vmem_shared>> -> memref<10240xf32, #tpu.memory_space<vmem_shared>>
          tpu.enqueue_indirect_dma source(%arg6 : memref<128xf32, #tpu.memory_space<vmem>>) target(%dma_start3A_292 : memref<10240xf32, #tpu.memory_space<vmem_shared>>) offsets(%dma_start3A_290 : memref<128xi32, #tpu.memory_space<vmem>>) semaphore(%arg15 : memref<!tpu.dma_semaphore, #tpu.memory_space<semaphore_mem>>) {add = true}
        } else {
        }
        %add3A_271 = arith.constant 7 : i32
        %add3A_272 = arith.addi %add3A_167, %add3A_271 : i32
        %dma_wait3A_273 = arith.constant 0 : i32
        %dma_wait3A_274 = arith.constant 0 : i32
        %dma_wait3A_275 = tpu.memref_slice %arg5[%dma_wait3A_273, %dma_wait3A_274] : memref<80x128xi32, #tpu.memory_space<vmem>> -> memref<1x128xi32, #tpu.memory_space<vmem>>
        %dma_wait3A_276 = tpu.memref_squeeze %dma_wait3A_275 : memref<1x128xi32, #tpu.memory_space<vmem>> -> memref<128xi32, #tpu.memory_space<vmem>>
        %dma_wait3A_277 = arith.constant 0 : i32
        %dma_wait3A_278 = tpu.memref_slice %arg8[%dma_wait3A_277] : memref<10240xf32, #tpu.memory_space<vmem_shared>> -> memref<10240xf32, #tpu.memory_space<vmem_shared>>
        tpu.wait_indirect_dma semaphore(%arg16 : memref<!tpu.dma_semaphore, #tpu.memory_space<semaphore_mem>>) src(%arg6 : memref<128xf32, #tpu.memory_space<vmem>>) dst(%dma_wait3A_278 : memref<10240xf32, #tpu.memory_space<vmem_shared>>)
        %add3A_279 = arith.constant 8 : i32
        %add3A_280 = arith.addi %add3A_272, %add3A_279 : i32
        %lt3A_281 = arith.constant 80 : i32
        %lt3A_282 = arith.cmpi slt, %add3A_280, %lt3A_281 : i32
        %convert_element_type3A_283 = arith.extui %lt3A_282 : i1 to i32
        %cond3A_284 = arith.constant 0 : i32
        %cond3A_285 = arith.cmpi ne, %convert_element_type3A_283, %cond3A_284 : i32
        scf.if %cond3A_285 {
          %add3A_286 = arith.constant 8 : i32
          %add3A_287 = arith.addi %add3A_272, %add3A_286 : i32
          %dma_start3A_288 = arith.constant 0 : i32
          %dma_start3A_289 = tpu.memref_slice %arg5[%add3A_287, %dma_start3A_288] : memref<80x128xi32, #tpu.memory_space<vmem>> -> memref<1x128xi32, #tpu.memory_space<vmem>>
          %dma_start3A_290 = tpu.memref_squeeze %dma_start3A_289 : memref<1x128xi32, #tpu.memory_space<vmem>> -> memref<128xi32, #tpu.memory_space<vmem>>
          %dma_start3A_291 = arith.constant 0 : i32
          %dma_start3A_292 = tpu.memref_slice %arg8[%dma_start3A_291] : memref<10240xf32, #tpu.memory_space<vmem_shared>> -> memref<10240xf32, #tpu.memory_space<vmem_shared>>
          tpu.enqueue_indirect_dma source(%arg6 : memref<128xf32, #tpu.memory_space<vmem>>) target(%dma_start3A_292 : memref<10240xf32, #tpu.memory_space<vmem_shared>>) offsets(%dma_start3A_290 : memref<128xi32, #tpu.memory_space<vmem>>) semaphore(%arg16 : memref<!tpu.dma_semaphore, #tpu.memory_space<semaphore_mem>>) {add = true}
        } else {
        }
      }
      %scan3A_162 = arith.constant 10 : i32
    } else {
    }
    %barrier3A_47 = arith.constant 0 : index
    tpu.barrier barrier_id(%barrier3A_47)
    %mul3A_48 = arith.constant 640 : i32
    %mul3A_49 = arith.muli %arg1, %mul3A_48 : i32
    %multiple_of3A_50 = tpu.assume_multiple %mul3A_49, 8 : i32
    "tpu.region"() ({
      %run_scoped3A = tpu.sem_alloc : memref<!tpu.dma_semaphore, #tpu.memory_space<semaphore_mem>>
      %dma_start3A = tpu.memref_slice %arg4[%arg0, %multiple_of3A_50] : memref<2x10240xf32, #tpu.memory_space<hbm>> -> memref<1x640xf32, #tpu.memory_space<hbm>>
      %dma_start3A_51 = tpu.memref_squeeze %dma_start3A : memref<1x640xf32, #tpu.memory_space<hbm>> -> memref<640xf32, #tpu.memory_space<hbm>>
      %dma_start3A_52 = tpu.memref_slice %arg8[%multiple_of3A_50] : memref<10240xf32, #tpu.memory_space<vmem_shared>> -> memref<640xf32, #tpu.memory_space<vmem_shared>>
      tpu.enqueue_dma source(%dma_start3A_52 : memref<640xf32, #tpu.memory_space<vmem_shared>>) target(%dma_start3A_51 : memref<640xf32, #tpu.memory_space<hbm>>) target_semaphore(%run_scoped3A : memref<!tpu.dma_semaphore, #tpu.memory_space<semaphore_mem>>)
      %dma_wait3A = tpu.memref_slice %arg4[%arg0, %multiple_of3A_50] : memref<2x10240xf32, #tpu.memory_space<hbm>> -> memref<1x640xf32, #tpu.memory_space<hbm>>
      %dma_wait3A_53 = tpu.memref_squeeze %dma_wait3A : memref<1x640xf32, #tpu.memory_space<hbm>> -> memref<640xf32, #tpu.memory_space<hbm>>
      %dma_wait3A_54 = tpu.memref_slice %arg8[%multiple_of3A_50] : memref<10240xf32, #tpu.memory_space<vmem_shared>> -> memref<640xf32, #tpu.memory_space<vmem_shared>>
      tpu.wait_dma2 semaphore(%run_scoped3A : memref<!tpu.dma_semaphore, #tpu.memory_space<semaphore_mem>>) src(%dma_wait3A_54 : memref<640xf32, #tpu.memory_space<vmem_shared>>) dst(%dma_wait3A_53 : memref<640xf32, #tpu.memory_space<hbm>>)
      tpu.yield
    }) : () -> ()
    return
  }
}

#map = affine_map<(d0, d1) -> (0, 0)>
#map1 = affine_map<(d0, d1) -> (0, 0, 0)>
module attributes {stable_mosaic.version = 14 : i64} {
  func.func @agg_kernel(%arg0: i32, %arg1: i32, %arg2: memref<10000x16xf32, #tpu.memory_space<hbm>>, %arg3: memref<2560x128xi32, #tpu.memory_space<hbm>>, %arg4: memref<2560x128xi32, #tpu.memory_space<hbm>>, %arg5: memref<2x10240x16xf32, #tpu.memory_space<hbm>>, %arg6: memref<80x128xi32, #tpu.memory_space<vmem>>, %arg7: memref<80x128xi32, #tpu.memory_space<vmem>>, %arg8: memref<8x128x16xf32, #tpu.memory_space<vmem>>, %arg9: memref<40x16xf32, #tpu.memory_space<vmem>>, %arg10: memref<10240x16xf32, #tpu.memory_space<vmem_shared>>, %arg11: memref<!tpu.dma_semaphore, #tpu.memory_space<semaphore_mem>>, %arg12: memref<!tpu.dma_semaphore, #tpu.memory_space<semaphore_mem>>, %arg13: memref<!tpu.dma_semaphore, #tpu.memory_space<semaphore_mem>>, %arg14: memref<!tpu.dma_semaphore, #tpu.memory_space<semaphore_mem>>, %arg15: memref<!tpu.dma_semaphore, #tpu.memory_space<semaphore_mem>>, %arg16: memref<!tpu.dma_semaphore, #tpu.memory_space<semaphore_mem>>, %arg17: memref<!tpu.dma_semaphore, #tpu.memory_space<semaphore_mem>>, %arg18: memref<!tpu.dma_semaphore, #tpu.memory_space<semaphore_mem>>, %arg19: memref<!tpu.dma_semaphore, #tpu.memory_space<semaphore_mem>>, %arg20: memref<!tpu.dma_semaphore, #tpu.memory_space<semaphore_mem>>, %arg21: memref<!tpu.dma_semaphore, #tpu.memory_space<semaphore_mem>>, %arg22: memref<!tpu.dma_semaphore, #tpu.memory_space<semaphore_mem>>, %arg23: memref<!tpu.dma_semaphore, #tpu.memory_space<semaphore_mem>>, %arg24: memref<!tpu.dma_semaphore, #tpu.memory_space<semaphore_mem>>, %arg25: memref<!tpu.dma_semaphore, #tpu.memory_space<semaphore_mem>>, %arg26: memref<!tpu.dma_semaphore, #tpu.memory_space<semaphore_mem>>) attributes {dimension_semantics = [#tpu.dimension_semantics<core_parallel>, #tpu.dimension_semantics<subcore_parallel>], iteration_bounds = array<i64: 2, 16>, scalar_prefetch = 0 : i64, scratch_operands = 21 : i64, tpu.core_type = #tpu.core_type<sc_vector_subcore>, window_params = [{transform_indices = #map}, {transform_indices = #map}, {transform_indices = #map}, {transform_indices = #map1}]} {
    %mul3A = arith.constant 2 : i32
    %mul3A_0 = arith.muli %arg1, %mul3A : i32
    %add3A = arith.addi %mul3A_0, %arg0 : i32
    %broadcast_in_dim3A = arith.constant 0.000000e+00 : f32
    %broadcast_in_dim3A_1 = vector.broadcast %broadcast_in_dim3A : f32 to vector<16xf32>
    %scan3A = arith.constant 0 : i32
    %scan3A_2 = arith.constant 0 : i32
    %scan3A_3 = arith.constant 40 : i32
    %scan3A_4 = arith.addi %scan3A_2, %scan3A_3 : i32
    %scan3A_5 = arith.constant 1 : i32
    scf.for %scan3A_215 = %scan3A_2 to %scan3A_4 step %scan3A_5  : i32 {
      %jit3A = arith.constant 1 : i32
      %div3A = arith.divsi %scan3A_215, %jit3A : i32
      %sign3A = arith.constant 0 : i32
      %sign3A_216 = arith.cmpi sgt, %scan3A_215, %sign3A : i32
      %sign3A_217 = arith.extui %sign3A_216 : i1 to i32
      %sign3A_218 = arith.constant 0 : i32
      %sign3A_219 = arith.cmpi slt, %scan3A_215, %sign3A_218 : i32
      %sign3A_220 = arith.extui %sign3A_219 : i1 to i32
      %sign3A_221 = arith.subi %sign3A_217, %sign3A_220 : i32
      %sign3A_222 = arith.constant 0 : i32
      %sign3A_223 = arith.cmpi sgt, %jit3A, %sign3A_222 : i32
      %sign3A_224 = arith.extui %sign3A_223 : i1 to i32
      %sign3A_225 = arith.constant 0 : i32
      %sign3A_226 = arith.cmpi slt, %jit3A, %sign3A_225 : i32
      %sign3A_227 = arith.extui %sign3A_226 : i1 to i32
      %sign3A_228 = arith.subi %sign3A_224, %sign3A_227 : i32
      %ne3A = arith.cmpi ne, %sign3A_221, %sign3A_228 : i32
      %rem3A = arith.remsi %scan3A_215, %jit3A : i32
      %ne3A_229 = arith.constant 0 : i32
      %ne3A_230 = arith.cmpi ne, %rem3A, %ne3A_229 : i32
      %and3A = arith.andi %ne3A, %ne3A_230 : i1
      %sub3A = arith.constant 1 : i32
      %sub3A_231 = arith.subi %div3A, %sub3A : i32
      %select_n3A = arith.select %and3A, %sub3A_231, %div3A : i32
      %jit3A_232 = arith.constant 1 : i32
      %eq3A = arith.constant 0 : i32
      %eq3A_233 = arith.cmpi eq, %jit3A_232, %eq3A : i32
      %jit3A_234 = arith.constant 1 : i32
      %select_n3A_235 = arith.select %eq3A_233, %jit3A_234, %jit3A_232 : i32
      %rem3A_236 = arith.remsi %scan3A_215, %select_n3A_235 : i32
      %ne3A_237 = arith.constant 0 : i32
      %ne3A_238 = arith.cmpi ne, %rem3A_236, %ne3A_237 : i32
      %lt3A = arith.constant 0 : i32
      %lt3A_239 = arith.cmpi slt, %rem3A_236, %lt3A : i32
      %lt3A_240 = arith.constant 0 : i32
      %lt3A_241 = arith.cmpi slt, %select_n3A_235, %lt3A_240 : i32
      %ne3A_242 = arith.xori %lt3A_239, %lt3A_241 : i1
      %and3A_243 = arith.andi %ne3A_242, %ne3A_238 : i1
      %add3A_244 = arith.addi %rem3A_236, %select_n3A_235 : i32
      %select_n3A_245 = arith.select %and3A_243, %add3A_244, %rem3A_236 : i32
      %mul3A_246 = arith.constant 16 : i32
      %mul3A_247 = arith.muli %select_n3A_245, %mul3A_246 : i32
      %swap3A = arith.index_cast %select_n3A : i32 to index
      %swap3A_248 = arith.index_cast %mul3A_247 : i32 to index
      %swap3A_249 = tpu.vector_load %arg9[%swap3A, %swap3A_248] {strides = array<i32>} : memref<40x16xf32, #tpu.memory_space<vmem>>, vector<1x16xf32>,
      %swap3A_250 = vector.shape_cast %swap3A_249 : vector<1x16xf32> to vector<16xf32>
      %swap3A_251 = vector.shape_cast %broadcast_in_dim3A_1 : vector<16xf32> to vector<1x16xf32>
      tpu.vector_store %arg9[%swap3A, %swap3A_248], %swap3A_251 {strides = array<i32>} : memref<40x16xf32, #tpu.memory_space<vmem>>, vector<1x16xf32>,
    }
    %scan3A_6 = arith.constant 40 : i32
    %scan3A_7 = arith.constant 0 : i32
    %scan3A_8 = arith.constant 0 : i32
    %scan3A_9 = arith.constant 16 : i32
    %scan3A_10 = arith.addi %scan3A_8, %scan3A_9 : i32
    %scan3A_11 = arith.constant 1 : i32
    scf.for %scan3A_215 = %scan3A_8 to %scan3A_10 step %scan3A_11  : i32 {
      %mul3A_216 = arith.constant 640 : i32
      %mul3A_217 = arith.muli %arg1, %mul3A_216 : i32
      %mul3A_218 = arith.constant 40 : i32
      %mul3A_219 = arith.muli %scan3A_215, %mul3A_218 : i32
      %add3A_220 = arith.addi %mul3A_217, %mul3A_219 : i32
      %multiple_of3A_221 = tpu.assume_multiple %add3A_220, 8 : i32
      "tpu.region"() ({
        %run_scoped3A = tpu.sem_alloc : memref<!tpu.dma_semaphore, #tpu.memory_space<semaphore_mem>>
        %dma_start3A_222 = arith.constant 0 : i32
        %dma_start3A_223 = tpu.memref_slice %arg10[%multiple_of3A_221, %dma_start3A_222] : memref<10240x16xf32, #tpu.memory_space<vmem_shared>> -> memref<40x16xf32, #tpu.memory_space<vmem_shared>>
        %dma_start3A_224 = arith.constant 0 : i32
        %dma_start3A_225 = tpu.memref_slice %arg10[%multiple_of3A_221, %dma_start3A_224] : memref<10240x16xf32, #tpu.memory_space<vmem_shared>> -> memref<40x16xf32, #tpu.memory_space<vmem_shared>>
        tpu.enqueue_dma source(%arg9 : memref<40x16xf32, #tpu.memory_space<vmem>>) target(%dma_start3A_225 : memref<40x16xf32, #tpu.memory_space<vmem_shared>>) target_semaphore(%run_scoped3A : memref<!tpu.dma_semaphore, #tpu.memory_space<semaphore_mem>>)
        %dma_wait3A_226 = arith.constant 0 : i32
        %dma_wait3A_227 = tpu.memref_slice %arg10[%multiple_of3A_221, %dma_wait3A_226] : memref<10240x16xf32, #tpu.memory_space<vmem_shared>> -> memref<40x16xf32, #tpu.memory_space<vmem_shared>>
        %dma_wait3A_228 = arith.constant 0 : i32
        %dma_wait3A_229 = tpu.memref_slice %arg10[%multiple_of3A_221, %dma_wait3A_228] : memref<10240x16xf32, #tpu.memory_space<vmem_shared>> -> memref<40x16xf32, #tpu.memory_space<vmem_shared>>
        tpu.wait_dma2 semaphore(%run_scoped3A : memref<!tpu.dma_semaphore, #tpu.memory_space<semaphore_mem>>) src(%arg9 : memref<40x16xf32, #tpu.memory_space<vmem>>) dst(%dma_wait3A_229 : memref<40x16xf32, #tpu.memory_space<vmem_shared>>)
        tpu.yield
      }) : () -> ()
    }
    %scan3A_12 = arith.constant 16 : i32
    %mul3A_13 = arith.constant 80 : i32
    %mul3A_14 = arith.muli %add3A, %mul3A_13 : i32
    "tpu.region"() ({
      %run_scoped3A = tpu.sem_alloc : memref<!tpu.dma_semaphore, #tpu.memory_space<semaphore_mem>>
      %dma_start3A_215 = arith.constant 0 : i32
      %dma_start3A_216 = tpu.memref_slice %arg3[%mul3A_14, %dma_start3A_215] : memref<2560x128xi32, #tpu.memory_space<hbm>> -> memref<80x128xi32, #tpu.memory_space<hbm>>
      %dma_start3A_217 = arith.constant 0 : i32
      %dma_start3A_218 = tpu.memref_slice %arg3[%mul3A_14, %dma_start3A_217] : memref<2560x128xi32, #tpu.memory_space<hbm>> -> memref<80x128xi32, #tpu.memory_space<hbm>>
      tpu.enqueue_dma source(%dma_start3A_218 : memref<80x128xi32, #tpu.memory_space<hbm>>) target(%arg6 : memref<80x128xi32, #tpu.memory_space<vmem>>) target_semaphore(%run_scoped3A : memref<!tpu.dma_semaphore, #tpu.memory_space<semaphore_mem>>)
      %dma_wait3A_219 = arith.constant 0 : i32
      %dma_wait3A_220 = tpu.memref_slice %arg3[%mul3A_14, %dma_wait3A_219] : memref<2560x128xi32, #tpu.memory_space<hbm>> -> memref<80x128xi32, #tpu.memory_space<hbm>>
      %dma_wait3A_221 = arith.constant 0 : i32
      %dma_wait3A_222 = tpu.memref_slice %arg3[%mul3A_14, %dma_wait3A_221] : memref<2560x128xi32, #tpu.memory_space<hbm>> -> memref<80x128xi32, #tpu.memory_space<hbm>>
      tpu.wait_dma2 semaphore(%run_scoped3A : memref<!tpu.dma_semaphore, #tpu.memory_space<semaphore_mem>>) src(%dma_wait3A_222 : memref<80x128xi32, #tpu.memory_space<hbm>>) dst(%arg6 : memref<80x128xi32, #tpu.memory_space<vmem>>)
      tpu.yield
    }) : () -> ()
    %mul3A_15 = arith.constant 80 : i32
    %mul3A_16 = arith.muli %add3A, %mul3A_15 : i32
    "tpu.region"() ({
      %run_scoped3A = tpu.sem_alloc : memref<!tpu.dma_semaphore, #tpu.memory_space<semaphore_mem>>
      %dma_start3A_215 = arith.constant 0 : i32
      %dma_start3A_216 = tpu.memref_slice %arg4[%mul3A_16, %dma_start3A_215] : memref<2560x128xi32, #tpu.memory_space<hbm>> -> memref<80x128xi32, #tpu.memory_space<hbm>>
      %dma_start3A_217 = arith.constant 0 : i32
      %dma_start3A_218 = tpu.memref_slice %arg4[%mul3A_16, %dma_start3A_217] : memref<2560x128xi32, #tpu.memory_space<hbm>> -> memref<80x128xi32, #tpu.memory_space<hbm>>
      tpu.enqueue_dma source(%dma_start3A_218 : memref<80x128xi32, #tpu.memory_space<hbm>>) target(%arg7 : memref<80x128xi32, #tpu.memory_space<vmem>>) target_semaphore(%run_scoped3A : memref<!tpu.dma_semaphore, #tpu.memory_space<semaphore_mem>>)
      %dma_wait3A_219 = arith.constant 0 : i32
      %dma_wait3A_220 = tpu.memref_slice %arg4[%mul3A_16, %dma_wait3A_219] : memref<2560x128xi32, #tpu.memory_space<hbm>> -> memref<80x128xi32, #tpu.memory_space<hbm>>
      %dma_wait3A_221 = arith.constant 0 : i32
      %dma_wait3A_222 = tpu.memref_slice %arg4[%mul3A_16, %dma_wait3A_221] : memref<2560x128xi32, #tpu.memory_space<hbm>> -> memref<80x128xi32, #tpu.memory_space<hbm>>
      tpu.wait_dma2 semaphore(%run_scoped3A : memref<!tpu.dma_semaphore, #tpu.memory_space<semaphore_mem>>) src(%dma_wait3A_222 : memref<80x128xi32, #tpu.memory_space<hbm>>) dst(%arg7 : memref<80x128xi32, #tpu.memory_space<vmem>>)
      tpu.yield
    }) : () -> ()
    %barrier3A = arith.constant 0 : index
    tpu.barrier barrier_id(%barrier3A)
    %dma_start3A = arith.constant 0 : i32
    %dma_start3A_17 = arith.constant 0 : i32
    %dma_start3A_18 = arith.constant 0 : i32
    %dma_start3A_19 = arith.constant 0 : i32
    %dma_start3A_20 = tpu.memref_slice %arg8[%dma_start3A_17, %dma_start3A_18, %dma_start3A_19] : memref<8x128x16xf32, #tpu.memory_space<vmem>> -> memref<1x128x16xf32, #tpu.memory_space<vmem>>
    %dma_start3A_21 = tpu.memref_squeeze %dma_start3A_20 : memref<1x128x16xf32, #tpu.memory_space<vmem>> -> memref<128x16xf32, #tpu.memory_space<vmem>>
    %dma_start3A_22 = arith.constant 0 : i32
    %dma_start3A_23 = tpu.memref_slice %arg6[%dma_start3A, %dma_start3A_22] : memref<80x128xi32, #tpu.memory_space<vmem>> -> memref<1x128xi32, #tpu.memory_space<vmem>>
    %dma_start3A_24 = tpu.memref_squeeze %dma_start3A_23 : memref<1x128xi32, #tpu.memory_space<vmem>> -> memref<128xi32, #tpu.memory_space<vmem>>
    %dma_start3A_25 = arith.constant 0 : i32
    %dma_start3A_26 = arith.constant 0 : i32
    %dma_start3A_27 = tpu.memref_slice %arg2[%dma_start3A_25, %dma_start3A_26] : memref<10000x16xf32, #tpu.memory_space<hbm>> -> memref<10000x16xf32, #tpu.memory_space<hbm>>
    tpu.enqueue_indirect_dma source(%dma_start3A_27 : memref<10000x16xf32, #tpu.memory_space<hbm>>) target(%dma_start3A_21 : memref<128x16xf32, #tpu.memory_space<vmem>>) offsets(%dma_start3A_24 : memref<128xi32, #tpu.memory_space<vmem>>) semaphore(%arg11 : memref<!tpu.dma_semaphore, #tpu.memory_space<semaphore_mem>>)
    %dma_start3A_28 = arith.constant 1 : i32
    %dma_start3A_29 = arith.constant 1 : i32
    %dma_start3A_30 = arith.constant 0 : i32
    %dma_start3A_31 = arith.constant 0 : i32
    %dma_start3A_32 = tpu.memref_slice %arg8[%dma_start3A_29, %dma_start3A_30, %dma_start3A_31] : memref<8x128x16xf32, #tpu.memory_space<vmem>> -> memref<1x128x16xf32, #tpu.memory_space<vmem>>
    %dma_start3A_33 = tpu.memref_squeeze %dma_start3A_32 : memref<1x128x16xf32, #tpu.memory_space<vmem>> -> memref<128x16xf32, #tpu.memory_space<vmem>>
    %dma_start3A_34 = arith.constant 0 : i32
    %dma_start3A_35 = tpu.memref_slice %arg6[%dma_start3A_28, %dma_start3A_34] : memref<80x128xi32, #tpu.memory_space<vmem>> -> memref<1x128xi32, #tpu.memory_space<vmem>>
    %dma_start3A_36 = tpu.memref_squeeze %dma_start3A_35 : memref<1x128xi32, #tpu.memory_space<vmem>> -> memref<128xi32, #tpu.memory_space<vmem>>
    %dma_start3A_37 = arith.constant 0 : i32
    %dma_start3A_38 = arith.constant 0 : i32
    %dma_start3A_39 = tpu.memref_slice %arg2[%dma_start3A_37, %dma_start3A_38] : memref<10000x16xf32, #tpu.memory_space<hbm>> -> memref<10000x16xf32, #tpu.memory_space<hbm>>
    tpu.enqueue_indirect_dma source(%dma_start3A_39 : memref<10000x16xf32, #tpu.memory_space<hbm>>) target(%dma_start3A_33 : memref<128x16xf32, #tpu.memory_space<vmem>>) offsets(%dma_start3A_36 : memref<128xi32, #tpu.memory_space<vmem>>) semaphore(%arg12 : memref<!tpu.dma_semaphore, #tpu.memory_space<semaphore_mem>>)
    %dma_start3A_40 = arith.constant 2 : i32
    %dma_start3A_41 = arith.constant 2 : i32
    %dma_start3A_42 = arith.constant 0 : i32
    %dma_start3A_43 = arith.constant 0 : i32
    %dma_start3A_44 = tpu.memref_slice %arg8[%dma_start3A_41, %dma_start3A_42, %dma_start3A_43] : memref<8x128x16xf32, #tpu.memory_space<vmem>> -> memref<1x128x16xf32, #tpu.memory_space<vmem>>
    %dma_start3A_45 = tpu.memref_squeeze %dma_start3A_44 : memref<1x128x16xf32, #tpu.memory_space<vmem>> -> memref<128x16xf32, #tpu.memory_space<vmem>>
    %dma_start3A_46 = arith.constant 0 : i32
    %dma_start3A_47 = tpu.memref_slice %arg6[%dma_start3A_40, %dma_start3A_46] : memref<80x128xi32, #tpu.memory_space<vmem>> -> memref<1x128xi32, #tpu.memory_space<vmem>>
    %dma_start3A_48 = tpu.memref_squeeze %dma_start3A_47 : memref<1x128xi32, #tpu.memory_space<vmem>> -> memref<128xi32, #tpu.memory_space<vmem>>
    %dma_start3A_49 = arith.constant 0 : i32
    %dma_start3A_50 = arith.constant 0 : i32
    %dma_start3A_51 = tpu.memref_slice %arg2[%dma_start3A_49, %dma_start3A_50] : memref<10000x16xf32, #tpu.memory_space<hbm>> -> memref<10000x16xf32, #tpu.memory_space<hbm>>
    tpu.enqueue_indirect_dma source(%dma_start3A_51 : memref<10000x16xf32, #tpu.memory_space<hbm>>) target(%dma_start3A_45 : memref<128x16xf32, #tpu.memory_space<vmem>>) offsets(%dma_start3A_48 : memref<128xi32, #tpu.memory_space<vmem>>) semaphore(%arg13 : memref<!tpu.dma_semaphore, #tpu.memory_space<semaphore_mem>>)
    %dma_start3A_52 = arith.constant 3 : i32
    %dma_start3A_53 = arith.constant 3 : i32
    %dma_start3A_54 = arith.constant 0 : i32
    %dma_start3A_55 = arith.constant 0 : i32
    %dma_start3A_56 = tpu.memref_slice %arg8[%dma_start3A_53, %dma_start3A_54, %dma_start3A_55] : memref<8x128x16xf32, #tpu.memory_space<vmem>> -> memref<1x128x16xf32, #tpu.memory_space<vmem>>
    %dma_start3A_57 = tpu.memref_squeeze %dma_start3A_56 : memref<1x128x16xf32, #tpu.memory_space<vmem>> -> memref<128x16xf32, #tpu.memory_space<vmem>>
    %dma_start3A_58 = arith.constant 0 : i32
    %dma_start3A_59 = tpu.memref_slice %arg6[%dma_start3A_52, %dma_start3A_58] : memref<80x128xi32, #tpu.memory_space<vmem>> -> memref<1x128xi32, #tpu.memory_space<vmem>>
    %dma_start3A_60 = tpu.memref_squeeze %dma_start3A_59 : memref<1x128xi32, #tpu.memory_space<vmem>> -> memref<128xi32, #tpu.memory_space<vmem>>
    %dma_start3A_61 = arith.constant 0 : i32
    %dma_start3A_62 = arith.constant 0 : i32
    %dma_start3A_63 = tpu.memref_slice %arg2[%dma_start3A_61, %dma_start3A_62] : memref<10000x16xf32, #tpu.memory_space<hbm>> -> memref<10000x16xf32, #tpu.memory_space<hbm>>
    tpu.enqueue_indirect_dma source(%dma_start3A_63 : memref<10000x16xf32, #tpu.memory_space<hbm>>) target(%dma_start3A_57 : memref<128x16xf32, #tpu.memory_space<vmem>>) offsets(%dma_start3A_60 : memref<128xi32, #tpu.memory_space<vmem>>) semaphore(%arg14 : memref<!tpu.dma_semaphore, #tpu.memory_space<semaphore_mem>>)
    %dma_start3A_64 = arith.constant 4 : i32
    %dma_start3A_65 = arith.constant 4 : i32
    %dma_start3A_66 = arith.constant 0 : i32
    %dma_start3A_67 = arith.constant 0 : i32
    %dma_start3A_68 = tpu.memref_slice %arg8[%dma_start3A_65, %dma_start3A_66, %dma_start3A_67] : memref<8x128x16xf32, #tpu.memory_space<vmem>> -> memref<1x128x16xf32, #tpu.memory_space<vmem>>
    %dma_start3A_69 = tpu.memref_squeeze %dma_start3A_68 : memref<1x128x16xf32, #tpu.memory_space<vmem>> -> memref<128x16xf32, #tpu.memory_space<vmem>>
    %dma_start3A_70 = arith.constant 0 : i32
    %dma_start3A_71 = tpu.memref_slice %arg6[%dma_start3A_64, %dma_start3A_70] : memref<80x128xi32, #tpu.memory_space<vmem>> -> memref<1x128xi32, #tpu.memory_space<vmem>>
    %dma_start3A_72 = tpu.memref_squeeze %dma_start3A_71 : memref<1x128xi32, #tpu.memory_space<vmem>> -> memref<128xi32, #tpu.memory_space<vmem>>
    %dma_start3A_73 = arith.constant 0 : i32
    %dma_start3A_74 = arith.constant 0 : i32
    %dma_start3A_75 = tpu.memref_slice %arg2[%dma_start3A_73, %dma_start3A_74] : memref<10000x16xf32, #tpu.memory_space<hbm>> -> memref<10000x16xf32, #tpu.memory_space<hbm>>
    tpu.enqueue_indirect_dma source(%dma_start3A_75 : memref<10000x16xf32, #tpu.memory_space<hbm>>) target(%dma_start3A_69 : memref<128x16xf32, #tpu.memory_space<vmem>>) offsets(%dma_start3A_72 : memref<128xi32, #tpu.memory_space<vmem>>) semaphore(%arg15 : memref<!tpu.dma_semaphore, #tpu.memory_space<semaphore_mem>>)
    %dma_start3A_76 = arith.constant 5 : i32
    %dma_start3A_77 = arith.constant 5 : i32
    %dma_start3A_78 = arith.constant 0 : i32
    %dma_start3A_79 = arith.constant 0 : i32
    %dma_start3A_80 = tpu.memref_slice %arg8[%dma_start3A_77, %dma_start3A_78, %dma_start3A_79] : memref<8x128x16xf32, #tpu.memory_space<vmem>> -> memref<1x128x16xf32, #tpu.memory_space<vmem>>
    %dma_start3A_81 = tpu.memref_squeeze %dma_start3A_80 : memref<1x128x16xf32, #tpu.memory_space<vmem>> -> memref<128x16xf32, #tpu.memory_space<vmem>>
    %dma_start3A_82 = arith.constant 0 : i32
    %dma_start3A_83 = tpu.memref_slice %arg6[%dma_start3A_76, %dma_start3A_82] : memref<80x128xi32, #tpu.memory_space<vmem>> -> memref<1x128xi32, #tpu.memory_space<vmem>>
    %dma_start3A_84 = tpu.memref_squeeze %dma_start3A_83 : memref<1x128xi32, #tpu.memory_space<vmem>> -> memref<128xi32, #tpu.memory_space<vmem>>
    %dma_start3A_85 = arith.constant 0 : i32
    %dma_start3A_86 = arith.constant 0 : i32
    %dma_start3A_87 = tpu.memref_slice %arg2[%dma_start3A_85, %dma_start3A_86] : memref<10000x16xf32, #tpu.memory_space<hbm>> -> memref<10000x16xf32, #tpu.memory_space<hbm>>
    tpu.enqueue_indirect_dma source(%dma_start3A_87 : memref<10000x16xf32, #tpu.memory_space<hbm>>) target(%dma_start3A_81 : memref<128x16xf32, #tpu.memory_space<vmem>>) offsets(%dma_start3A_84 : memref<128xi32, #tpu.memory_space<vmem>>) semaphore(%arg16 : memref<!tpu.dma_semaphore, #tpu.memory_space<semaphore_mem>>)
    %dma_start3A_88 = arith.constant 6 : i32
    %dma_start3A_89 = arith.constant 6 : i32
    %dma_start3A_90 = arith.constant 0 : i32
    %dma_start3A_91 = arith.constant 0 : i32
    %dma_start3A_92 = tpu.memref_slice %arg8[%dma_start3A_89, %dma_start3A_90, %dma_start3A_91] : memref<8x128x16xf32, #tpu.memory_space<vmem>> -> memref<1x128x16xf32, #tpu.memory_space<vmem>>
    %dma_start3A_93 = tpu.memref_squeeze %dma_start3A_92 : memref<1x128x16xf32, #tpu.memory_space<vmem>> -> memref<128x16xf32, #tpu.memory_space<vmem>>
    %dma_start3A_94 = arith.constant 0 : i32
    %dma_start3A_95 = tpu.memref_slice %arg6[%dma_start3A_88, %dma_start3A_94] : memref<80x128xi32, #tpu.memory_space<vmem>> -> memref<1x128xi32, #tpu.memory_space<vmem>>
    %dma_start3A_96 = tpu.memref_squeeze %dma_start3A_95 : memref<1x128xi32, #tpu.memory_space<vmem>> -> memref<128xi32, #tpu.memory_space<vmem>>
    %dma_start3A_97 = arith.constant 0 : i32
    %dma_start3A_98 = arith.constant 0 : i32
    %dma_start3A_99 = tpu.memref_slice %arg2[%dma_start3A_97, %dma_start3A_98] : memref<10000x16xf32, #tpu.memory_space<hbm>> -> memref<10000x16xf32, #tpu.memory_space<hbm>>
    tpu.enqueue_indirect_dma source(%dma_start3A_99 : memref<10000x16xf32, #tpu.memory_space<hbm>>) target(%dma_start3A_93 : memref<128x16xf32, #tpu.memory_space<vmem>>) offsets(%dma_start3A_96 : memref<128xi32, #tpu.memory_space<vmem>>) semaphore(%arg17 : memref<!tpu.dma_semaphore, #tpu.memory_space<semaphore_mem>>)
    %dma_start3A_100 = arith.constant 7 : i32
    %dma_start3A_101 = arith.constant 7 : i32
    %dma_start3A_102 = arith.constant 0 : i32
    %dma_start3A_103 = arith.constant 0 : i32
    %dma_start3A_104 = tpu.memref_slice %arg8[%dma_start3A_101, %dma_start3A_102, %dma_start3A_103] : memref<8x128x16xf32, #tpu.memory_space<vmem>> -> memref<1x128x16xf32, #tpu.memory_space<vmem>>
    %dma_start3A_105 = tpu.memref_squeeze %dma_start3A_104 : memref<1x128x16xf32, #tpu.memory_space<vmem>> -> memref<128x16xf32, #tpu.memory_space<vmem>>
    %dma_start3A_106 = arith.constant 0 : i32
    %dma_start3A_107 = tpu.memref_slice %arg6[%dma_start3A_100, %dma_start3A_106] : memref<80x128xi32, #tpu.memory_space<vmem>> -> memref<1x128xi32, #tpu.memory_space<vmem>>
    %dma_start3A_108 = tpu.memref_squeeze %dma_start3A_107 : memref<1x128xi32, #tpu.memory_space<vmem>> -> memref<128xi32, #tpu.memory_space<vmem>>
    %dma_start3A_109 = arith.constant 0 : i32
    %dma_start3A_110 = arith.constant 0 : i32
    %dma_start3A_111 = tpu.memref_slice %arg2[%dma_start3A_109, %dma_start3A_110] : memref<10000x16xf32, #tpu.memory_space<hbm>> -> memref<10000x16xf32, #tpu.memory_space<hbm>>
    tpu.enqueue_indirect_dma source(%dma_start3A_111 : memref<10000x16xf32, #tpu.memory_space<hbm>>) target(%dma_start3A_105 : memref<128x16xf32, #tpu.memory_space<vmem>>) offsets(%dma_start3A_108 : memref<128xi32, #tpu.memory_space<vmem>>) semaphore(%arg18 : memref<!tpu.dma_semaphore, #tpu.memory_space<semaphore_mem>>)
    %scan3A_112 = arith.constant 0 : i32
    %scan3A_113 = arith.constant 10 : i32
    %scan3A_114 = arith.addi %scan3A_112, %scan3A_113 : i32
    %scan3A_115 = arith.constant 1 : i32
    scf.for %scan3A_215 = %scan3A_112 to %scan3A_114 step %scan3A_115  : i32 {
      %mul3A_216 = arith.constant 8 : i32
      %mul3A_217 = arith.muli %scan3A_215, %mul3A_216 : i32
      %add3A_218 = arith.constant 0 : i32
      %add3A_219 = arith.addi %add3A_218, %mul3A_217 : i32
      %add3A_220 = arith.constant 0 : i32
      %add3A_221 = arith.addi %add3A_219, %add3A_220 : i32
      %dma_wait3A_222 = arith.constant 0 : i32
      %dma_wait3A_223 = arith.constant 0 : i32
      %dma_wait3A_224 = arith.constant 0 : i32
      %dma_wait3A_225 = arith.constant 0 : i32
      %dma_wait3A_226 = tpu.memref_slice %arg8[%dma_wait3A_223, %dma_wait3A_224, %dma_wait3A_225] : memref<8x128x16xf32, #tpu.memory_space<vmem>> -> memref<1x128x16xf32, #tpu.memory_space<vmem>>
      %dma_wait3A_227 = tpu.memref_squeeze %dma_wait3A_226 : memref<1x128x16xf32, #tpu.memory_space<vmem>> -> memref<128x16xf32, #tpu.memory_space<vmem>>
      %dma_wait3A_228 = arith.constant 0 : i32
      %dma_wait3A_229 = tpu.memref_slice %arg6[%dma_wait3A_222, %dma_wait3A_228] : memref<80x128xi32, #tpu.memory_space<vmem>> -> memref<1x128xi32, #tpu.memory_space<vmem>>
      %dma_wait3A_230 = tpu.memref_squeeze %dma_wait3A_229 : memref<1x128xi32, #tpu.memory_space<vmem>> -> memref<128xi32, #tpu.memory_space<vmem>>
      %dma_wait3A_231 = arith.constant 0 : i32
      %dma_wait3A_232 = arith.constant 0 : i32
      %dma_wait3A_233 = tpu.memref_slice %arg2[%dma_wait3A_231, %dma_wait3A_232] : memref<10000x16xf32, #tpu.memory_space<hbm>> -> memref<10000x16xf32, #tpu.memory_space<hbm>>
      tpu.wait_indirect_dma semaphore(%arg11 : memref<!tpu.dma_semaphore, #tpu.memory_space<semaphore_mem>>) src(%dma_wait3A_233 : memref<10000x16xf32, #tpu.memory_space<hbm>>) dst(%dma_wait3A_227 : memref<128x16xf32, #tpu.memory_space<vmem>>)
      %dma_start3A_234 = arith.constant 0 : i32
      %dma_start3A_235 = arith.constant 0 : i32
      %dma_start3A_236 = arith.constant 0 : i32
      %dma_start3A_237 = tpu.memref_slice %arg8[%dma_start3A_234, %dma_start3A_235, %dma_start3A_236] : memref<8x128x16xf32, #tpu.memory_space<vmem>> -> memref<1x128x16xf32, #tpu.memory_space<vmem>>
      %dma_start3A_238 = tpu.memref_squeeze %dma_start3A_237 : memref<1x128x16xf32, #tpu.memory_space<vmem>> -> memref<128x16xf32, #tpu.memory_space<vmem>>
      %dma_start3A_239 = arith.constant 0 : i32
      %dma_start3A_240 = tpu.memref_slice %arg7[%add3A_221, %dma_start3A_239] : memref<80x128xi32, #tpu.memory_space<vmem>> -> memref<1x128xi32, #tpu.memory_space<vmem>>
      %dma_start3A_241 = tpu.memref_squeeze %dma_start3A_240 : memref<1x128xi32, #tpu.memory_space<vmem>> -> memref<128xi32, #tpu.memory_space<vmem>>
      %dma_start3A_242 = arith.constant 0 : i32
      %dma_start3A_243 = arith.constant 0 : i32
      %dma_start3A_244 = tpu.memref_slice %arg10[%dma_start3A_242, %dma_start3A_243] : memref<10240x16xf32, #tpu.memory_space<vmem_shared>> -> memref<10240x16xf32, #tpu.memory_space<vmem_shared>>
      tpu.enqueue_indirect_dma source(%dma_start3A_238 : memref<128x16xf32, #tpu.memory_space<vmem>>) target(%dma_start3A_244 : memref<10240x16xf32, #tpu.memory_space<vmem_shared>>) offsets(%dma_start3A_241 : memref<128xi32, #tpu.memory_space<vmem>>) semaphore(%arg19 : memref<!tpu.dma_semaphore, #tpu.memory_space<semaphore_mem>>) {add = true}
      %add3A_245 = arith.constant 8 : i32
      %add3A_246 = arith.addi %add3A_221, %add3A_245 : i32
      %lt3A = arith.constant 80 : i32
      %lt3A_247 = arith.cmpi slt, %add3A_246, %lt3A : i32
      %convert_element_type3A = arith.extui %lt3A_247 : i1 to i32
      %cond3A = arith.constant 0 : i32
      %cond3A_248 = arith.cmpi ne, %convert_element_type3A, %cond3A : i32
      scf.if %cond3A_248 {
        %dma_wait3A_473 = arith.constant 0 : i32
        %dma_wait3A_474 = arith.constant 0 : i32
        %dma_wait3A_475 = arith.constant 0 : i32
        %dma_wait3A_476 = arith.constant 0 : i32
        %dma_wait3A_477 = tpu.memref_slice %arg8[%dma_wait3A_473, %dma_wait3A_475, %dma_wait3A_476] : memref<8x128x16xf32, #tpu.memory_space<vmem>> -> memref<1x128x16xf32, #tpu.memory_space<vmem>>
        %dma_wait3A_478 = tpu.memref_squeeze %dma_wait3A_477 : memref<1x128x16xf32, #tpu.memory_space<vmem>> -> memref<128x16xf32, #tpu.memory_space<vmem>>
        %dma_wait3A_479 = arith.constant 0 : i32
        %dma_wait3A_480 = tpu.memref_slice %arg7[%dma_wait3A_474, %dma_wait3A_479] : memref<80x128xi32, #tpu.memory_space<vmem>> -> memref<1x128xi32, #tpu.memory_space<vmem>>
        %dma_wait3A_481 = tpu.memref_squeeze %dma_wait3A_480 : memref<1x128xi32, #tpu.memory_space<vmem>> -> memref<128xi32, #tpu.memory_space<vmem>>
        %dma_wait3A_482 = arith.constant 0 : i32
        %dma_wait3A_483 = arith.constant 0 : i32
        %dma_wait3A_484 = tpu.memref_slice %arg10[%dma_wait3A_482, %dma_wait3A_483] : memref<10240x16xf32, #tpu.memory_space<vmem_shared>> -> memref<10240x16xf32, #tpu.memory_space<vmem_shared>>
        tpu.wait_indirect_dma semaphore(%arg19 : memref<!tpu.dma_semaphore, #tpu.memory_space<semaphore_mem>>) src(%dma_wait3A_478 : memref<128x16xf32, #tpu.memory_space<vmem>>) dst(%dma_wait3A_484 : memref<10240x16xf32, #tpu.memory_space<vmem_shared>>)
        %add3A_485 = arith.constant 8 : i32
        %add3A_486 = arith.addi %add3A_221, %add3A_485 : i32
        %dma_start3A_487 = arith.constant 0 : i32
        %dma_start3A_488 = arith.constant 0 : i32
        %dma_start3A_489 = arith.constant 0 : i32
        %dma_start3A_490 = tpu.memref_slice %arg8[%dma_start3A_487, %dma_start3A_488, %dma_start3A_489] : memref<8x128x16xf32, #tpu.memory_space<vmem>> -> memref<1x128x16xf32, #tpu.memory_space<vmem>>
        %dma_start3A_491 = tpu.memref_squeeze %dma_start3A_490 : memref<1x128x16xf32, #tpu.memory_space<vmem>> -> memref<128x16xf32, #tpu.memory_space<vmem>>
        %dma_start3A_492 = arith.constant 0 : i32
        %dma_start3A_493 = tpu.memref_slice %arg6[%add3A_486, %dma_start3A_492] : memref<80x128xi32, #tpu.memory_space<vmem>> -> memref<1x128xi32, #tpu.memory_space<vmem>>
        %dma_start3A_494 = tpu.memref_squeeze %dma_start3A_493 : memref<1x128xi32, #tpu.memory_space<vmem>> -> memref<128xi32, #tpu.memory_space<vmem>>
        %dma_start3A_495 = arith.constant 0 : i32
        %dma_start3A_496 = arith.constant 0 : i32
        %dma_start3A_497 = tpu.memref_slice %arg2[%dma_start3A_495, %dma_start3A_496] : memref<10000x16xf32, #tpu.memory_space<hbm>> -> memref<10000x16xf32, #tpu.memory_space<hbm>>
        tpu.enqueue_indirect_dma source(%dma_start3A_497 : memref<10000x16xf32, #tpu.memory_space<hbm>>) target(%dma_start3A_491 : memref<128x16xf32, #tpu.memory_space<vmem>>) offsets(%dma_start3A_494 : memref<128xi32, #tpu.memory_space<vmem>>) semaphore(%arg11 : memref<!tpu.dma_semaphore, #tpu.memory_space<semaphore_mem>>)
      } else {
      }
      %add3A_249 = arith.constant 1 : i32
      %add3A_250 = arith.addi %add3A_219, %add3A_249 : i32
      %dma_wait3A_251 = arith.constant 0 : i32
      %dma_wait3A_252 = arith.constant 1 : i32
      %dma_wait3A_253 = arith.constant 0 : i32
      %dma_wait3A_254 = arith.constant 0 : i32
      %dma_wait3A_255 = tpu.memref_slice %arg8[%dma_wait3A_252, %dma_wait3A_253, %dma_wait3A_254] : memref<8x128x16xf32, #tpu.memory_space<vmem>> -> memref<1x128x16xf32, #tpu.memory_space<vmem>>
      %dma_wait3A_256 = tpu.memref_squeeze %dma_wait3A_255 : memref<1x128x16xf32, #tpu.memory_space<vmem>> -> memref<128x16xf32, #tpu.memory_space<vmem>>
      %dma_wait3A_257 = arith.constant 0 : i32
      %dma_wait3A_258 = tpu.memref_slice %arg6[%dma_wait3A_251, %dma_wait3A_257] : memref<80x128xi32, #tpu.memory_space<vmem>> -> memref<1x128xi32, #tpu.memory_space<vmem>>
      %dma_wait3A_259 = tpu.memref_squeeze %dma_wait3A_258 : memref<1x128xi32, #tpu.memory_space<vmem>> -> memref<128xi32, #tpu.memory_space<vmem>>
      %dma_wait3A_260 = arith.constant 0 : i32
      %dma_wait3A_261 = arith.constant 0 : i32
      %dma_wait3A_262 = tpu.memref_slice %arg2[%dma_wait3A_260, %dma_wait3A_261] : memref<10000x16xf32, #tpu.memory_space<hbm>> -> memref<10000x16xf32, #tpu.memory_space<hbm>>
      tpu.wait_indirect_dma semaphore(%arg12 : memref<!tpu.dma_semaphore, #tpu.memory_space<semaphore_mem>>) src(%dma_wait3A_262 : memref<10000x16xf32, #tpu.memory_space<hbm>>) dst(%dma_wait3A_256 : memref<128x16xf32, #tpu.memory_space<vmem>>)
      %dma_start3A_263 = arith.constant 1 : i32
      %dma_start3A_264 = arith.constant 0 : i32
      %dma_start3A_265 = arith.constant 0 : i32
      %dma_start3A_266 = tpu.memref_slice %arg8[%dma_start3A_263, %dma_start3A_264, %dma_start3A_265] : memref<8x128x16xf32, #tpu.memory_space<vmem>> -> memref<1x128x16xf32, #tpu.memory_space<vmem>>
      %dma_start3A_267 = tpu.memref_squeeze %dma_start3A_266 : memref<1x128x16xf32, #tpu.memory_space<vmem>> -> memref<128x16xf32, #tpu.memory_space<vmem>>
      %dma_start3A_268 = arith.constant 0 : i32
      %dma_start3A_269 = tpu.memref_slice %arg7[%add3A_250, %dma_start3A_268] : memref<80x128xi32, #tpu.memory_space<vmem>> -> memref<1x128xi32, #tpu.memory_space<vmem>>
      %dma_start3A_270 = tpu.memref_squeeze %dma_start3A_269 : memref<1x128xi32, #tpu.memory_space<vmem>> -> memref<128xi32, #tpu.memory_space<vmem>>
      %dma_start3A_271 = arith.constant 0 : i32
      %dma_start3A_272 = arith.constant 0 : i32
      %dma_start3A_273 = tpu.memref_slice %arg10[%dma_start3A_271, %dma_start3A_272] : memref<10240x16xf32, #tpu.memory_space<vmem_shared>> -> memref<10240x16xf32, #tpu.memory_space<vmem_shared>>
      tpu.enqueue_indirect_dma source(%dma_start3A_267 : memref<128x16xf32, #tpu.memory_space<vmem>>) target(%dma_start3A_273 : memref<10240x16xf32, #tpu.memory_space<vmem_shared>>) offsets(%dma_start3A_270 : memref<128xi32, #tpu.memory_space<vmem>>) semaphore(%arg20 : memref<!tpu.dma_semaphore, #tpu.memory_space<semaphore_mem>>) {add = true}
      %add3A_274 = arith.constant 8 : i32
      %add3A_275 = arith.addi %add3A_250, %add3A_274 : i32
      %lt3A_276 = arith.constant 80 : i32
      %lt3A_277 = arith.cmpi slt, %add3A_275, %lt3A_276 : i32
      %convert_element_type3A_278 = arith.extui %lt3A_277 : i1 to i32
      %cond3A_279 = arith.constant 0 : i32
      %cond3A_280 = arith.cmpi ne, %convert_element_type3A_278, %cond3A_279 : i32
      scf.if %cond3A_280 {
        %dma_wait3A_473 = arith.constant 1 : i32
        %dma_wait3A_474 = arith.constant 0 : i32
        %dma_wait3A_475 = arith.constant 0 : i32
        %dma_wait3A_476 = arith.constant 0 : i32
        %dma_wait3A_477 = tpu.memref_slice %arg8[%dma_wait3A_473, %dma_wait3A_475, %dma_wait3A_476] : memref<8x128x16xf32, #tpu.memory_space<vmem>> -> memref<1x128x16xf32, #tpu.memory_space<vmem>>
        %dma_wait3A_478 = tpu.memref_squeeze %dma_wait3A_477 : memref<1x128x16xf32, #tpu.memory_space<vmem>> -> memref<128x16xf32, #tpu.memory_space<vmem>>
        %dma_wait3A_479 = arith.constant 0 : i32
        %dma_wait3A_480 = tpu.memref_slice %arg7[%dma_wait3A_474, %dma_wait3A_479] : memref<80x128xi32, #tpu.memory_space<vmem>> -> memref<1x128xi32, #tpu.memory_space<vmem>>
        %dma_wait3A_481 = tpu.memref_squeeze %dma_wait3A_480 : memref<1x128xi32, #tpu.memory_space<vmem>> -> memref<128xi32, #tpu.memory_space<vmem>>
        %dma_wait3A_482 = arith.constant 0 : i32
        %dma_wait3A_483 = arith.constant 0 : i32
        %dma_wait3A_484 = tpu.memref_slice %arg10[%dma_wait3A_482, %dma_wait3A_483] : memref<10240x16xf32, #tpu.memory_space<vmem_shared>> -> memref<10240x16xf32, #tpu.memory_space<vmem_shared>>
        tpu.wait_indirect_dma semaphore(%arg20 : memref<!tpu.dma_semaphore, #tpu.memory_space<semaphore_mem>>) src(%dma_wait3A_478 : memref<128x16xf32, #tpu.memory_space<vmem>>) dst(%dma_wait3A_484 : memref<10240x16xf32, #tpu.memory_space<vmem_shared>>)
        %add3A_485 = arith.constant 8 : i32
        %add3A_486 = arith.addi %add3A_250, %add3A_485 : i32
        %dma_start3A_487 = arith.constant 1 : i32
        %dma_start3A_488 = arith.constant 0 : i32
        %dma_start3A_489 = arith.constant 0 : i32
        %dma_start3A_490 = tpu.memref_slice %arg8[%dma_start3A_487, %dma_start3A_488, %dma_start3A_489] : memref<8x128x16xf32, #tpu.memory_space<vmem>> -> memref<1x128x16xf32, #tpu.memory_space<vmem>>
        %dma_start3A_491 = tpu.memref_squeeze %dma_start3A_490 : memref<1x128x16xf32, #tpu.memory_space<vmem>> -> memref<128x16xf32, #tpu.memory_space<vmem>>
        %dma_start3A_492 = arith.constant 0 : i32
        %dma_start3A_493 = tpu.memref_slice %arg6[%add3A_486, %dma_start3A_492] : memref<80x128xi32, #tpu.memory_space<vmem>> -> memref<1x128xi32, #tpu.memory_space<vmem>>
        %dma_start3A_494 = tpu.memref_squeeze %dma_start3A_493 : memref<1x128xi32, #tpu.memory_space<vmem>> -> memref<128xi32, #tpu.memory_space<vmem>>
        %dma_start3A_495 = arith.constant 0 : i32
        %dma_start3A_496 = arith.constant 0 : i32
        %dma_start3A_497 = tpu.memref_slice %arg2[%dma_start3A_495, %dma_start3A_496] : memref<10000x16xf32, #tpu.memory_space<hbm>> -> memref<10000x16xf32, #tpu.memory_space<hbm>>
        tpu.enqueue_indirect_dma source(%dma_start3A_497 : memref<10000x16xf32, #tpu.memory_space<hbm>>) target(%dma_start3A_491 : memref<128x16xf32, #tpu.memory_space<vmem>>) offsets(%dma_start3A_494 : memref<128xi32, #tpu.memory_space<vmem>>) semaphore(%arg12 : memref<!tpu.dma_semaphore, #tpu.memory_space<semaphore_mem>>)
      } else {
      }
      %add3A_281 = arith.constant 2 : i32
      %add3A_282 = arith.addi %add3A_219, %add3A_281 : i32
      %dma_wait3A_283 = arith.constant 0 : i32
      %dma_wait3A_284 = arith.constant 2 : i32
      %dma_wait3A_285 = arith.constant 0 : i32
      %dma_wait3A_286 = arith.constant 0 : i32
      %dma_wait3A_287 = tpu.memref_slice %arg8[%dma_wait3A_284, %dma_wait3A_285, %dma_wait3A_286] : memref<8x128x16xf32, #tpu.memory_space<vmem>> -> memref<1x128x16xf32, #tpu.memory_space<vmem>>
      %dma_wait3A_288 = tpu.memref_squeeze %dma_wait3A_287 : memref<1x128x16xf32, #tpu.memory_space<vmem>> -> memref<128x16xf32, #tpu.memory_space<vmem>>
      %dma_wait3A_289 = arith.constant 0 : i32
      %dma_wait3A_290 = tpu.memref_slice %arg6[%dma_wait3A_283, %dma_wait3A_289] : memref<80x128xi32, #tpu.memory_space<vmem>> -> memref<1x128xi32, #tpu.memory_space<vmem>>
      %dma_wait3A_291 = tpu.memref_squeeze %dma_wait3A_290 : memref<1x128xi32, #tpu.memory_space<vmem>> -> memref<128xi32, #tpu.memory_space<vmem>>
      %dma_wait3A_292 = arith.constant 0 : i32
      %dma_wait3A_293 = arith.constant 0 : i32
      %dma_wait3A_294 = tpu.memref_slice %arg2[%dma_wait3A_292, %dma_wait3A_293] : memref<10000x16xf32, #tpu.memory_space<hbm>> -> memref<10000x16xf32, #tpu.memory_space<hbm>>
      tpu.wait_indirect_dma semaphore(%arg13 : memref<!tpu.dma_semaphore, #tpu.memory_space<semaphore_mem>>) src(%dma_wait3A_294 : memref<10000x16xf32, #tpu.memory_space<hbm>>) dst(%dma_wait3A_288 : memref<128x16xf32, #tpu.memory_space<vmem>>)
      %dma_start3A_295 = arith.constant 2 : i32
      %dma_start3A_296 = arith.constant 0 : i32
      %dma_start3A_297 = arith.constant 0 : i32
      %dma_start3A_298 = tpu.memref_slice %arg8[%dma_start3A_295, %dma_start3A_296, %dma_start3A_297] : memref<8x128x16xf32, #tpu.memory_space<vmem>> -> memref<1x128x16xf32, #tpu.memory_space<vmem>>
      %dma_start3A_299 = tpu.memref_squeeze %dma_start3A_298 : memref<1x128x16xf32, #tpu.memory_space<vmem>> -> memref<128x16xf32, #tpu.memory_space<vmem>>
      %dma_start3A_300 = arith.constant 0 : i32
      %dma_start3A_301 = tpu.memref_slice %arg7[%add3A_282, %dma_start3A_300] : memref<80x128xi32, #tpu.memory_space<vmem>> -> memref<1x128xi32, #tpu.memory_space<vmem>>
      %dma_start3A_302 = tpu.memref_squeeze %dma_start3A_301 : memref<1x128xi32, #tpu.memory_space<vmem>> -> memref<128xi32, #tpu.memory_space<vmem>>
      %dma_start3A_303 = arith.constant 0 : i32
      %dma_start3A_304 = arith.constant 0 : i32
      %dma_start3A_305 = tpu.memref_slice %arg10[%dma_start3A_303, %dma_start3A_304] : memref<10240x16xf32, #tpu.memory_space<vmem_shared>> -> memref<10240x16xf32, #tpu.memory_space<vmem_shared>>
      tpu.enqueue_indirect_dma source(%dma_start3A_299 : memref<128x16xf32, #tpu.memory_space<vmem>>) target(%dma_start3A_305 : memref<10240x16xf32, #tpu.memory_space<vmem_shared>>) offsets(%dma_start3A_302 : memref<128xi32, #tpu.memory_space<vmem>>) semaphore(%arg21 : memref<!tpu.dma_semaphore, #tpu.memory_space<semaphore_mem>>) {add = true}
      %add3A_306 = arith.constant 8 : i32
      %add3A_307 = arith.addi %add3A_282, %add3A_306 : i32
      %lt3A_308 = arith.constant 80 : i32
      %lt3A_309 = arith.cmpi slt, %add3A_307, %lt3A_308 : i32
      %convert_element_type3A_310 = arith.extui %lt3A_309 : i1 to i32
      %cond3A_311 = arith.constant 0 : i32
      %cond3A_312 = arith.cmpi ne, %convert_element_type3A_310, %cond3A_311 : i32
      scf.if %cond3A_312 {
        %dma_wait3A_473 = arith.constant 2 : i32
        %dma_wait3A_474 = arith.constant 0 : i32
        %dma_wait3A_475 = arith.constant 0 : i32
        %dma_wait3A_476 = arith.constant 0 : i32
        %dma_wait3A_477 = tpu.memref_slice %arg8[%dma_wait3A_473, %dma_wait3A_475, %dma_wait3A_476] : memref<8x128x16xf32, #tpu.memory_space<vmem>> -> memref<1x128x16xf32, #tpu.memory_space<vmem>>
        %dma_wait3A_478 = tpu.memref_squeeze %dma_wait3A_477 : memref<1x128x16xf32, #tpu.memory_space<vmem>> -> memref<128x16xf32, #tpu.memory_space<vmem>>
        %dma_wait3A_479 = arith.constant 0 : i32
        %dma_wait3A_480 = tpu.memref_slice %arg7[%dma_wait3A_474, %dma_wait3A_479] : memref<80x128xi32, #tpu.memory_space<vmem>> -> memref<1x128xi32, #tpu.memory_space<vmem>>
        %dma_wait3A_481 = tpu.memref_squeeze %dma_wait3A_480 : memref<1x128xi32, #tpu.memory_space<vmem>> -> memref<128xi32, #tpu.memory_space<vmem>>
        %dma_wait3A_482 = arith.constant 0 : i32
        %dma_wait3A_483 = arith.constant 0 : i32
        %dma_wait3A_484 = tpu.memref_slice %arg10[%dma_wait3A_482, %dma_wait3A_483] : memref<10240x16xf32, #tpu.memory_space<vmem_shared>> -> memref<10240x16xf32, #tpu.memory_space<vmem_shared>>
        tpu.wait_indirect_dma semaphore(%arg21 : memref<!tpu.dma_semaphore, #tpu.memory_space<semaphore_mem>>) src(%dma_wait3A_478 : memref<128x16xf32, #tpu.memory_space<vmem>>) dst(%dma_wait3A_484 : memref<10240x16xf32, #tpu.memory_space<vmem_shared>>)
        %add3A_485 = arith.constant 8 : i32
        %add3A_486 = arith.addi %add3A_282, %add3A_485 : i32
        %dma_start3A_487 = arith.constant 2 : i32
        %dma_start3A_488 = arith.constant 0 : i32
        %dma_start3A_489 = arith.constant 0 : i32
        %dma_start3A_490 = tpu.memref_slice %arg8[%dma_start3A_487, %dma_start3A_488, %dma_start3A_489] : memref<8x128x16xf32, #tpu.memory_space<vmem>> -> memref<1x128x16xf32, #tpu.memory_space<vmem>>
        %dma_start3A_491 = tpu.memref_squeeze %dma_start3A_490 : memref<1x128x16xf32, #tpu.memory_space<vmem>> -> memref<128x16xf32, #tpu.memory_space<vmem>>
        %dma_start3A_492 = arith.constant 0 : i32
        %dma_start3A_493 = tpu.memref_slice %arg6[%add3A_486, %dma_start3A_492] : memref<80x128xi32, #tpu.memory_space<vmem>> -> memref<1x128xi32, #tpu.memory_space<vmem>>
        %dma_start3A_494 = tpu.memref_squeeze %dma_start3A_493 : memref<1x128xi32, #tpu.memory_space<vmem>> -> memref<128xi32, #tpu.memory_space<vmem>>
        %dma_start3A_495 = arith.constant 0 : i32
        %dma_start3A_496 = arith.constant 0 : i32
        %dma_start3A_497 = tpu.memref_slice %arg2[%dma_start3A_495, %dma_start3A_496] : memref<10000x16xf32, #tpu.memory_space<hbm>> -> memref<10000x16xf32, #tpu.memory_space<hbm>>
        tpu.enqueue_indirect_dma source(%dma_start3A_497 : memref<10000x16xf32, #tpu.memory_space<hbm>>) target(%dma_start3A_491 : memref<128x16xf32, #tpu.memory_space<vmem>>) offsets(%dma_start3A_494 : memref<128xi32, #tpu.memory_space<vmem>>) semaphore(%arg13 : memref<!tpu.dma_semaphore, #tpu.memory_space<semaphore_mem>>)
      } else {
      }
      %add3A_313 = arith.constant 3 : i32
      %add3A_314 = arith.addi %add3A_219, %add3A_313 : i32
      %dma_wait3A_315 = arith.constant 0 : i32
      %dma_wait3A_316 = arith.constant 3 : i32
      %dma_wait3A_317 = arith.constant 0 : i32
      %dma_wait3A_318 = arith.constant 0 : i32
      %dma_wait3A_319 = tpu.memref_slice %arg8[%dma_wait3A_316, %dma_wait3A_317, %dma_wait3A_318] : memref<8x128x16xf32, #tpu.memory_space<vmem>> -> memref<1x128x16xf32, #tpu.memory_space<vmem>>
      %dma_wait3A_320 = tpu.memref_squeeze %dma_wait3A_319 : memref<1x128x16xf32, #tpu.memory_space<vmem>> -> memref<128x16xf32, #tpu.memory_space<vmem>>
      %dma_wait3A_321 = arith.constant 0 : i32
      %dma_wait3A_322 = tpu.memref_slice %arg6[%dma_wait3A_315, %dma_wait3A_321] : memref<80x128xi32, #tpu.memory_space<vmem>> -> memref<1x128xi32, #tpu.memory_space<vmem>>
      %dma_wait3A_323 = tpu.memref_squeeze %dma_wait3A_322 : memref<1x128xi32, #tpu.memory_space<vmem>> -> memref<128xi32, #tpu.memory_space<vmem>>
      %dma_wait3A_324 = arith.constant 0 : i32
      %dma_wait3A_325 = arith.constant 0 : i32
      %dma_wait3A_326 = tpu.memref_slice %arg2[%dma_wait3A_324, %dma_wait3A_325] : memref<10000x16xf32, #tpu.memory_space<hbm>> -> memref<10000x16xf32, #tpu.memory_space<hbm>>
      tpu.wait_indirect_dma semaphore(%arg14 : memref<!tpu.dma_semaphore, #tpu.memory_space<semaphore_mem>>) src(%dma_wait3A_326 : memref<10000x16xf32, #tpu.memory_space<hbm>>) dst(%dma_wait3A_320 : memref<128x16xf32, #tpu.memory_space<vmem>>)
      %dma_start3A_327 = arith.constant 3 : i32
      %dma_start3A_328 = arith.constant 0 : i32
      %dma_start3A_329 = arith.constant 0 : i32
      %dma_start3A_330 = tpu.memref_slice %arg8[%dma_start3A_327, %dma_start3A_328, %dma_start3A_329] : memref<8x128x16xf32, #tpu.memory_space<vmem>> -> memref<1x128x16xf32, #tpu.memory_space<vmem>>
      %dma_start3A_331 = tpu.memref_squeeze %dma_start3A_330 : memref<1x128x16xf32, #tpu.memory_space<vmem>> -> memref<128x16xf32, #tpu.memory_space<vmem>>
      %dma_start3A_332 = arith.constant 0 : i32
      %dma_start3A_333 = tpu.memref_slice %arg7[%add3A_314, %dma_start3A_332] : memref<80x128xi32, #tpu.memory_space<vmem>> -> memref<1x128xi32, #tpu.memory_space<vmem>>
      %dma_start3A_334 = tpu.memref_squeeze %dma_start3A_333 : memref<1x128xi32, #tpu.memory_space<vmem>> -> memref<128xi32, #tpu.memory_space<vmem>>
      %dma_start3A_335 = arith.constant 0 : i32
      %dma_start3A_336 = arith.constant 0 : i32
      %dma_start3A_337 = tpu.memref_slice %arg10[%dma_start3A_335, %dma_start3A_336] : memref<10240x16xf32, #tpu.memory_space<vmem_shared>> -> memref<10240x16xf32, #tpu.memory_space<vmem_shared>>
      tpu.enqueue_indirect_dma source(%dma_start3A_331 : memref<128x16xf32, #tpu.memory_space<vmem>>) target(%dma_start3A_337 : memref<10240x16xf32, #tpu.memory_space<vmem_shared>>) offsets(%dma_start3A_334 : memref<128xi32, #tpu.memory_space<vmem>>) semaphore(%arg22 : memref<!tpu.dma_semaphore, #tpu.memory_space<semaphore_mem>>) {add = true}
      %add3A_338 = arith.constant 8 : i32
      %add3A_339 = arith.addi %add3A_314, %add3A_338 : i32
      %lt3A_340 = arith.constant 80 : i32
      %lt3A_341 = arith.cmpi slt, %add3A_339, %lt3A_340 : i32
      %convert_element_type3A_342 = arith.extui %lt3A_341 : i1 to i32
      %cond3A_343 = arith.constant 0 : i32
      %cond3A_344 = arith.cmpi ne, %convert_element_type3A_342, %cond3A_343 : i32
      scf.if %cond3A_344 {
        %dma_wait3A_473 = arith.constant 3 : i32
        %dma_wait3A_474 = arith.constant 0 : i32
        %dma_wait3A_475 = arith.constant 0 : i32
        %dma_wait3A_476 = arith.constant 0 : i32
        %dma_wait3A_477 = tpu.memref_slice %arg8[%dma_wait3A_473, %dma_wait3A_475, %dma_wait3A_476] : memref<8x128x16xf32, #tpu.memory_space<vmem>> -> memref<1x128x16xf32, #tpu.memory_space<vmem>>
        %dma_wait3A_478 = tpu.memref_squeeze %dma_wait3A_477 : memref<1x128x16xf32, #tpu.memory_space<vmem>> -> memref<128x16xf32, #tpu.memory_space<vmem>>
        %dma_wait3A_479 = arith.constant 0 : i32
        %dma_wait3A_480 = tpu.memref_slice %arg7[%dma_wait3A_474, %dma_wait3A_479] : memref<80x128xi32, #tpu.memory_space<vmem>> -> memref<1x128xi32, #tpu.memory_space<vmem>>
        %dma_wait3A_481 = tpu.memref_squeeze %dma_wait3A_480 : memref<1x128xi32, #tpu.memory_space<vmem>> -> memref<128xi32, #tpu.memory_space<vmem>>
        %dma_wait3A_482 = arith.constant 0 : i32
        %dma_wait3A_483 = arith.constant 0 : i32
        %dma_wait3A_484 = tpu.memref_slice %arg10[%dma_wait3A_482, %dma_wait3A_483] : memref<10240x16xf32, #tpu.memory_space<vmem_shared>> -> memref<10240x16xf32, #tpu.memory_space<vmem_shared>>
        tpu.wait_indirect_dma semaphore(%arg22 : memref<!tpu.dma_semaphore, #tpu.memory_space<semaphore_mem>>) src(%dma_wait3A_478 : memref<128x16xf32, #tpu.memory_space<vmem>>) dst(%dma_wait3A_484 : memref<10240x16xf32, #tpu.memory_space<vmem_shared>>)
        %add3A_485 = arith.constant 8 : i32
        %add3A_486 = arith.addi %add3A_314, %add3A_485 : i32
        %dma_start3A_487 = arith.constant 3 : i32
        %dma_start3A_488 = arith.constant 0 : i32
        %dma_start3A_489 = arith.constant 0 : i32
        %dma_start3A_490 = tpu.memref_slice %arg8[%dma_start3A_487, %dma_start3A_488, %dma_start3A_489] : memref<8x128x16xf32, #tpu.memory_space<vmem>> -> memref<1x128x16xf32, #tpu.memory_space<vmem>>
        %dma_start3A_491 = tpu.memref_squeeze %dma_start3A_490 : memref<1x128x16xf32, #tpu.memory_space<vmem>> -> memref<128x16xf32, #tpu.memory_space<vmem>>
        %dma_start3A_492 = arith.constant 0 : i32
        %dma_start3A_493 = tpu.memref_slice %arg6[%add3A_486, %dma_start3A_492] : memref<80x128xi32, #tpu.memory_space<vmem>> -> memref<1x128xi32, #tpu.memory_space<vmem>>
        %dma_start3A_494 = tpu.memref_squeeze %dma_start3A_493 : memref<1x128xi32, #tpu.memory_space<vmem>> -> memref<128xi32, #tpu.memory_space<vmem>>
        %dma_start3A_495 = arith.constant 0 : i32
        %dma_start3A_496 = arith.constant 0 : i32
        %dma_start3A_497 = tpu.memref_slice %arg2[%dma_start3A_495, %dma_start3A_496] : memref<10000x16xf32, #tpu.memory_space<hbm>> -> memref<10000x16xf32, #tpu.memory_space<hbm>>
        tpu.enqueue_indirect_dma source(%dma_start3A_497 : memref<10000x16xf32, #tpu.memory_space<hbm>>) target(%dma_start3A_491 : memref<128x16xf32, #tpu.memory_space<vmem>>) offsets(%dma_start3A_494 : memref<128xi32, #tpu.memory_space<vmem>>) semaphore(%arg14 : memref<!tpu.dma_semaphore, #tpu.memory_space<semaphore_mem>>)
      } else {
      }
      %add3A_345 = arith.constant 4 : i32
      %add3A_346 = arith.addi %add3A_219, %add3A_345 : i32
      %dma_wait3A_347 = arith.constant 0 : i32
      %dma_wait3A_348 = arith.constant 4 : i32
      %dma_wait3A_349 = arith.constant 0 : i32
      %dma_wait3A_350 = arith.constant 0 : i32
      %dma_wait3A_351 = tpu.memref_slice %arg8[%dma_wait3A_348, %dma_wait3A_349, %dma_wait3A_350] : memref<8x128x16xf32, #tpu.memory_space<vmem>> -> memref<1x128x16xf32, #tpu.memory_space<vmem>>
      %dma_wait3A_352 = tpu.memref_squeeze %dma_wait3A_351 : memref<1x128x16xf32, #tpu.memory_space<vmem>> -> memref<128x16xf32, #tpu.memory_space<vmem>>
      %dma_wait3A_353 = arith.constant 0 : i32
      %dma_wait3A_354 = tpu.memref_slice %arg6[%dma_wait3A_347, %dma_wait3A_353] : memref<80x128xi32, #tpu.memory_space<vmem>> -> memref<1x128xi32, #tpu.memory_space<vmem>>
      %dma_wait3A_355 = tpu.memref_squeeze %dma_wait3A_354 : memref<1x128xi32, #tpu.memory_space<vmem>> -> memref<128xi32, #tpu.memory_space<vmem>>
      %dma_wait3A_356 = arith.constant 0 : i32
      %dma_wait3A_357 = arith.constant 0 : i32
      %dma_wait3A_358 = tpu.memref_slice %arg2[%dma_wait3A_356, %dma_wait3A_357] : memref<10000x16xf32, #tpu.memory_space<hbm>> -> memref<10000x16xf32, #tpu.memory_space<hbm>>
      tpu.wait_indirect_dma semaphore(%arg15 : memref<!tpu.dma_semaphore, #tpu.memory_space<semaphore_mem>>) src(%dma_wait3A_358 : memref<10000x16xf32, #tpu.memory_space<hbm>>) dst(%dma_wait3A_352 : memref<128x16xf32, #tpu.memory_space<vmem>>)
      %dma_start3A_359 = arith.constant 4 : i32
      %dma_start3A_360 = arith.constant 0 : i32
      %dma_start3A_361 = arith.constant 0 : i32
      %dma_start3A_362 = tpu.memref_slice %arg8[%dma_start3A_359, %dma_start3A_360, %dma_start3A_361] : memref<8x128x16xf32, #tpu.memory_space<vmem>> -> memref<1x128x16xf32, #tpu.memory_space<vmem>>
      %dma_start3A_363 = tpu.memref_squeeze %dma_start3A_362 : memref<1x128x16xf32, #tpu.memory_space<vmem>> -> memref<128x16xf32, #tpu.memory_space<vmem>>
      %dma_start3A_364 = arith.constant 0 : i32
      %dma_start3A_365 = tpu.memref_slice %arg7[%add3A_346, %dma_start3A_364] : memref<80x128xi32, #tpu.memory_space<vmem>> -> memref<1x128xi32, #tpu.memory_space<vmem>>
      %dma_start3A_366 = tpu.memref_squeeze %dma_start3A_365 : memref<1x128xi32, #tpu.memory_space<vmem>> -> memref<128xi32, #tpu.memory_space<vmem>>
      %dma_start3A_367 = arith.constant 0 : i32
      %dma_start3A_368 = arith.constant 0 : i32
      %dma_start3A_369 = tpu.memref_slice %arg10[%dma_start3A_367, %dma_start3A_368] : memref<10240x16xf32, #tpu.memory_space<vmem_shared>> -> memref<10240x16xf32, #tpu.memory_space<vmem_shared>>
      tpu.enqueue_indirect_dma source(%dma_start3A_363 : memref<128x16xf32, #tpu.memory_space<vmem>>) target(%dma_start3A_369 : memref<10240x16xf32, #tpu.memory_space<vmem_shared>>) offsets(%dma_start3A_366 : memref<128xi32, #tpu.memory_space<vmem>>) semaphore(%arg23 : memref<!tpu.dma_semaphore, #tpu.memory_space<semaphore_mem>>) {add = true}
      %add3A_370 = arith.constant 8 : i32
      %add3A_371 = arith.addi %add3A_346, %add3A_370 : i32
      %lt3A_372 = arith.constant 80 : i32
      %lt3A_373 = arith.cmpi slt, %add3A_371, %lt3A_372 : i32
      %convert_element_type3A_374 = arith.extui %lt3A_373 : i1 to i32
      %cond3A_375 = arith.constant 0 : i32
      %cond3A_376 = arith.cmpi ne, %convert_element_type3A_374, %cond3A_375 : i32
      scf.if %cond3A_376 {
        %dma_wait3A_473 = arith.constant 4 : i32
        %dma_wait3A_474 = arith.constant 0 : i32
        %dma_wait3A_475 = arith.constant 0 : i32
        %dma_wait3A_476 = arith.constant 0 : i32
        %dma_wait3A_477 = tpu.memref_slice %arg8[%dma_wait3A_473, %dma_wait3A_475, %dma_wait3A_476] : memref<8x128x16xf32, #tpu.memory_space<vmem>> -> memref<1x128x16xf32, #tpu.memory_space<vmem>>
        %dma_wait3A_478 = tpu.memref_squeeze %dma_wait3A_477 : memref<1x128x16xf32, #tpu.memory_space<vmem>> -> memref<128x16xf32, #tpu.memory_space<vmem>>
        %dma_wait3A_479 = arith.constant 0 : i32
        %dma_wait3A_480 = tpu.memref_slice %arg7[%dma_wait3A_474, %dma_wait3A_479] : memref<80x128xi32, #tpu.memory_space<vmem>> -> memref<1x128xi32, #tpu.memory_space<vmem>>
        %dma_wait3A_481 = tpu.memref_squeeze %dma_wait3A_480 : memref<1x128xi32, #tpu.memory_space<vmem>> -> memref<128xi32, #tpu.memory_space<vmem>>
        %dma_wait3A_482 = arith.constant 0 : i32
        %dma_wait3A_483 = arith.constant 0 : i32
        %dma_wait3A_484 = tpu.memref_slice %arg10[%dma_wait3A_482, %dma_wait3A_483] : memref<10240x16xf32, #tpu.memory_space<vmem_shared>> -> memref<10240x16xf32, #tpu.memory_space<vmem_shared>>
        tpu.wait_indirect_dma semaphore(%arg23 : memref<!tpu.dma_semaphore, #tpu.memory_space<semaphore_mem>>) src(%dma_wait3A_478 : memref<128x16xf32, #tpu.memory_space<vmem>>) dst(%dma_wait3A_484 : memref<10240x16xf32, #tpu.memory_space<vmem_shared>>)
        %add3A_485 = arith.constant 8 : i32
        %add3A_486 = arith.addi %add3A_346, %add3A_485 : i32
        %dma_start3A_487 = arith.constant 4 : i32
        %dma_start3A_488 = arith.constant 0 : i32
        %dma_start3A_489 = arith.constant 0 : i32
        %dma_start3A_490 = tpu.memref_slice %arg8[%dma_start3A_487, %dma_start3A_488, %dma_start3A_489] : memref<8x128x16xf32, #tpu.memory_space<vmem>> -> memref<1x128x16xf32, #tpu.memory_space<vmem>>
        %dma_start3A_491 = tpu.memref_squeeze %dma_start3A_490 : memref<1x128x16xf32, #tpu.memory_space<vmem>> -> memref<128x16xf32, #tpu.memory_space<vmem>>
        %dma_start3A_492 = arith.constant 0 : i32
        %dma_start3A_493 = tpu.memref_slice %arg6[%add3A_486, %dma_start3A_492] : memref<80x128xi32, #tpu.memory_space<vmem>> -> memref<1x128xi32, #tpu.memory_space<vmem>>
        %dma_start3A_494 = tpu.memref_squeeze %dma_start3A_493 : memref<1x128xi32, #tpu.memory_space<vmem>> -> memref<128xi32, #tpu.memory_space<vmem>>
        %dma_start3A_495 = arith.constant 0 : i32
        %dma_start3A_496 = arith.constant 0 : i32
        %dma_start3A_497 = tpu.memref_slice %arg2[%dma_start3A_495, %dma_start3A_496] : memref<10000x16xf32, #tpu.memory_space<hbm>> -> memref<10000x16xf32, #tpu.memory_space<hbm>>
        tpu.enqueue_indirect_dma source(%dma_start3A_497 : memref<10000x16xf32, #tpu.memory_space<hbm>>) target(%dma_start3A_491 : memref<128x16xf32, #tpu.memory_space<vmem>>) offsets(%dma_start3A_494 : memref<128xi32, #tpu.memory_space<vmem>>) semaphore(%arg15 : memref<!tpu.dma_semaphore, #tpu.memory_space<semaphore_mem>>)
      } else {
      }
      %add3A_377 = arith.constant 5 : i32
      %add3A_378 = arith.addi %add3A_219, %add3A_377 : i32
      %dma_wait3A_379 = arith.constant 0 : i32
      %dma_wait3A_380 = arith.constant 5 : i32
      %dma_wait3A_381 = arith.constant 0 : i32
      %dma_wait3A_382 = arith.constant 0 : i32
      %dma_wait3A_383 = tpu.memref_slice %arg8[%dma_wait3A_380, %dma_wait3A_381, %dma_wait3A_382] : memref<8x128x16xf32, #tpu.memory_space<vmem>> -> memref<1x128x16xf32, #tpu.memory_space<vmem>>
      %dma_wait3A_384 = tpu.memref_squeeze %dma_wait3A_383 : memref<1x128x16xf32, #tpu.memory_space<vmem>> -> memref<128x16xf32, #tpu.memory_space<vmem>>
      %dma_wait3A_385 = arith.constant 0 : i32
      %dma_wait3A_386 = tpu.memref_slice %arg6[%dma_wait3A_379, %dma_wait3A_385] : memref<80x128xi32, #tpu.memory_space<vmem>> -> memref<1x128xi32, #tpu.memory_space<vmem>>
      %dma_wait3A_387 = tpu.memref_squeeze %dma_wait3A_386 : memref<1x128xi32, #tpu.memory_space<vmem>> -> memref<128xi32, #tpu.memory_space<vmem>>
      %dma_wait3A_388 = arith.constant 0 : i32
      %dma_wait3A_389 = arith.constant 0 : i32
      %dma_wait3A_390 = tpu.memref_slice %arg2[%dma_wait3A_388, %dma_wait3A_389] : memref<10000x16xf32, #tpu.memory_space<hbm>> -> memref<10000x16xf32, #tpu.memory_space<hbm>>
      tpu.wait_indirect_dma semaphore(%arg16 : memref<!tpu.dma_semaphore, #tpu.memory_space<semaphore_mem>>) src(%dma_wait3A_390 : memref<10000x16xf32, #tpu.memory_space<hbm>>) dst(%dma_wait3A_384 : memref<128x16xf32, #tpu.memory_space<vmem>>)
      %dma_start3A_391 = arith.constant 5 : i32
      %dma_start3A_392 = arith.constant 0 : i32
      %dma_start3A_393 = arith.constant 0 : i32
      %dma_start3A_394 = tpu.memref_slice %arg8[%dma_start3A_391, %dma_start3A_392, %dma_start3A_393] : memref<8x128x16xf32, #tpu.memory_space<vmem>> -> memref<1x128x16xf32, #tpu.memory_space<vmem>>
      %dma_start3A_395 = tpu.memref_squeeze %dma_start3A_394 : memref<1x128x16xf32, #tpu.memory_space<vmem>> -> memref<128x16xf32, #tpu.memory_space<vmem>>
      %dma_start3A_396 = arith.constant 0 : i32
      %dma_start3A_397 = tpu.memref_slice %arg7[%add3A_378, %dma_start3A_396] : memref<80x128xi32, #tpu.memory_space<vmem>> -> memref<1x128xi32, #tpu.memory_space<vmem>>
      %dma_start3A_398 = tpu.memref_squeeze %dma_start3A_397 : memref<1x128xi32, #tpu.memory_space<vmem>> -> memref<128xi32, #tpu.memory_space<vmem>>
      %dma_start3A_399 = arith.constant 0 : i32
      %dma_start3A_400 = arith.constant 0 : i32
      %dma_start3A_401 = tpu.memref_slice %arg10[%dma_start3A_399, %dma_start3A_400] : memref<10240x16xf32, #tpu.memory_space<vmem_shared>> -> memref<10240x16xf32, #tpu.memory_space<vmem_shared>>
      tpu.enqueue_indirect_dma source(%dma_start3A_395 : memref<128x16xf32, #tpu.memory_space<vmem>>) target(%dma_start3A_401 : memref<10240x16xf32, #tpu.memory_space<vmem_shared>>) offsets(%dma_start3A_398 : memref<128xi32, #tpu.memory_space<vmem>>) semaphore(%arg24 : memref<!tpu.dma_semaphore, #tpu.memory_space<semaphore_mem>>) {add = true}
      %add3A_402 = arith.constant 8 : i32
      %add3A_403 = arith.addi %add3A_378, %add3A_402 : i32
      %lt3A_404 = arith.constant 80 : i32
      %lt3A_405 = arith.cmpi slt, %add3A_403, %lt3A_404 : i32
      %convert_element_type3A_406 = arith.extui %lt3A_405 : i1 to i32
      %cond3A_407 = arith.constant 0 : i32
      %cond3A_408 = arith.cmpi ne, %convert_element_type3A_406, %cond3A_407 : i32
      scf.if %cond3A_408 {
        %dma_wait3A_473 = arith.constant 5 : i32
        %dma_wait3A_474 = arith.constant 0 : i32
        %dma_wait3A_475 = arith.constant 0 : i32
        %dma_wait3A_476 = arith.constant 0 : i32
        %dma_wait3A_477 = tpu.memref_slice %arg8[%dma_wait3A_473, %dma_wait3A_475, %dma_wait3A_476] : memref<8x128x16xf32, #tpu.memory_space<vmem>> -> memref<1x128x16xf32, #tpu.memory_space<vmem>>
        %dma_wait3A_478 = tpu.memref_squeeze %dma_wait3A_477 : memref<1x128x16xf32, #tpu.memory_space<vmem>> -> memref<128x16xf32, #tpu.memory_space<vmem>>
        %dma_wait3A_479 = arith.constant 0 : i32
        %dma_wait3A_480 = tpu.memref_slice %arg7[%dma_wait3A_474, %dma_wait3A_479] : memref<80x128xi32, #tpu.memory_space<vmem>> -> memref<1x128xi32, #tpu.memory_space<vmem>>
        %dma_wait3A_481 = tpu.memref_squeeze %dma_wait3A_480 : memref<1x128xi32, #tpu.memory_space<vmem>> -> memref<128xi32, #tpu.memory_space<vmem>>
        %dma_wait3A_482 = arith.constant 0 : i32
        %dma_wait3A_483 = arith.constant 0 : i32
        %dma_wait3A_484 = tpu.memref_slice %arg10[%dma_wait3A_482, %dma_wait3A_483] : memref<10240x16xf32, #tpu.memory_space<vmem_shared>> -> memref<10240x16xf32, #tpu.memory_space<vmem_shared>>
        tpu.wait_indirect_dma semaphore(%arg24 : memref<!tpu.dma_semaphore, #tpu.memory_space<semaphore_mem>>) src(%dma_wait3A_478 : memref<128x16xf32, #tpu.memory_space<vmem>>) dst(%dma_wait3A_484 : memref<10240x16xf32, #tpu.memory_space<vmem_shared>>)
        %add3A_485 = arith.constant 8 : i32
        %add3A_486 = arith.addi %add3A_378, %add3A_485 : i32
        %dma_start3A_487 = arith.constant 5 : i32
        %dma_start3A_488 = arith.constant 0 : i32
        %dma_start3A_489 = arith.constant 0 : i32
        %dma_start3A_490 = tpu.memref_slice %arg8[%dma_start3A_487, %dma_start3A_488, %dma_start3A_489] : memref<8x128x16xf32, #tpu.memory_space<vmem>> -> memref<1x128x16xf32, #tpu.memory_space<vmem>>
        %dma_start3A_491 = tpu.memref_squeeze %dma_start3A_490 : memref<1x128x16xf32, #tpu.memory_space<vmem>> -> memref<128x16xf32, #tpu.memory_space<vmem>>
        %dma_start3A_492 = arith.constant 0 : i32
        %dma_start3A_493 = tpu.memref_slice %arg6[%add3A_486, %dma_start3A_492] : memref<80x128xi32, #tpu.memory_space<vmem>> -> memref<1x128xi32, #tpu.memory_space<vmem>>
        %dma_start3A_494 = tpu.memref_squeeze %dma_start3A_493 : memref<1x128xi32, #tpu.memory_space<vmem>> -> memref<128xi32, #tpu.memory_space<vmem>>
        %dma_start3A_495 = arith.constant 0 : i32
        %dma_start3A_496 = arith.constant 0 : i32
        %dma_start3A_497 = tpu.memref_slice %arg2[%dma_start3A_495, %dma_start3A_496] : memref<10000x16xf32, #tpu.memory_space<hbm>> -> memref<10000x16xf32, #tpu.memory_space<hbm>>
        tpu.enqueue_indirect_dma source(%dma_start3A_497 : memref<10000x16xf32, #tpu.memory_space<hbm>>) target(%dma_start3A_491 : memref<128x16xf32, #tpu.memory_space<vmem>>) offsets(%dma_start3A_494 : memref<128xi32, #tpu.memory_space<vmem>>) semaphore(%arg16 : memref<!tpu.dma_semaphore, #tpu.memory_space<semaphore_mem>>)
      } else {
      }
      %add3A_409 = arith.constant 6 : i32
      %add3A_410 = arith.addi %add3A_219, %add3A_409 : i32
      %dma_wait3A_411 = arith.constant 0 : i32
      %dma_wait3A_412 = arith.constant 6 : i32
      %dma_wait3A_413 = arith.constant 0 : i32
      %dma_wait3A_414 = arith.constant 0 : i32
      %dma_wait3A_415 = tpu.memref_slice %arg8[%dma_wait3A_412, %dma_wait3A_413, %dma_wait3A_414] : memref<8x128x16xf32, #tpu.memory_space<vmem>> -> memref<1x128x16xf32, #tpu.memory_space<vmem>>
      %dma_wait3A_416 = tpu.memref_squeeze %dma_wait3A_415 : memref<1x128x16xf32, #tpu.memory_space<vmem>> -> memref<128x16xf32, #tpu.memory_space<vmem>>
      %dma_wait3A_417 = arith.constant 0 : i32
      %dma_wait3A_418 = tpu.memref_slice %arg6[%dma_wait3A_411, %dma_wait3A_417] : memref<80x128xi32, #tpu.memory_space<vmem>> -> memref<1x128xi32, #tpu.memory_space<vmem>>
      %dma_wait3A_419 = tpu.memref_squeeze %dma_wait3A_418 : memref<1x128xi32, #tpu.memory_space<vmem>> -> memref<128xi32, #tpu.memory_space<vmem>>
      %dma_wait3A_420 = arith.constant 0 : i32
      %dma_wait3A_421 = arith.constant 0 : i32
      %dma_wait3A_422 = tpu.memref_slice %arg2[%dma_wait3A_420, %dma_wait3A_421] : memref<10000x16xf32, #tpu.memory_space<hbm>> -> memref<10000x16xf32, #tpu.memory_space<hbm>>
      tpu.wait_indirect_dma semaphore(%arg17 : memref<!tpu.dma_semaphore, #tpu.memory_space<semaphore_mem>>) src(%dma_wait3A_422 : memref<10000x16xf32, #tpu.memory_space<hbm>>) dst(%dma_wait3A_416 : memref<128x16xf32, #tpu.memory_space<vmem>>)
      %dma_start3A_423 = arith.constant 6 : i32
      %dma_start3A_424 = arith.constant 0 : i32
      %dma_start3A_425 = arith.constant 0 : i32
      %dma_start3A_426 = tpu.memref_slice %arg8[%dma_start3A_423, %dma_start3A_424, %dma_start3A_425] : memref<8x128x16xf32, #tpu.memory_space<vmem>> -> memref<1x128x16xf32, #tpu.memory_space<vmem>>
      %dma_start3A_427 = tpu.memref_squeeze %dma_start3A_426 : memref<1x128x16xf32, #tpu.memory_space<vmem>> -> memref<128x16xf32, #tpu.memory_space<vmem>>
      %dma_start3A_428 = arith.constant 0 : i32
      %dma_start3A_429 = tpu.memref_slice %arg7[%add3A_410, %dma_start3A_428] : memref<80x128xi32, #tpu.memory_space<vmem>> -> memref<1x128xi32, #tpu.memory_space<vmem>>
      %dma_start3A_430 = tpu.memref_squeeze %dma_start3A_429 : memref<1x128xi32, #tpu.memory_space<vmem>> -> memref<128xi32, #tpu.memory_space<vmem>>
      %dma_start3A_431 = arith.constant 0 : i32
      %dma_start3A_432 = arith.constant 0 : i32
      %dma_start3A_433 = tpu.memref_slice %arg10[%dma_start3A_431, %dma_start3A_432] : memref<10240x16xf32, #tpu.memory_space<vmem_shared>> -> memref<10240x16xf32, #tpu.memory_space<vmem_shared>>
      tpu.enqueue_indirect_dma source(%dma_start3A_427 : memref<128x16xf32, #tpu.memory_space<vmem>>) target(%dma_start3A_433 : memref<10240x16xf32, #tpu.memory_space<vmem_shared>>) offsets(%dma_start3A_430 : memref<128xi32, #tpu.memory_space<vmem>>) semaphore(%arg25 : memref<!tpu.dma_semaphore, #tpu.memory_space<semaphore_mem>>) {add = true}
      %add3A_434 = arith.constant 8 : i32
      %add3A_435 = arith.addi %add3A_410, %add3A_434 : i32
      %lt3A_436 = arith.constant 80 : i32
      %lt3A_437 = arith.cmpi slt, %add3A_435, %lt3A_436 : i32
      %convert_element_type3A_438 = arith.extui %lt3A_437 : i1 to i32
      %cond3A_439 = arith.constant 0 : i32
      %cond3A_440 = arith.cmpi ne, %convert_element_type3A_438, %cond3A_439 : i32
      scf.if %cond3A_440 {
        %dma_wait3A_473 = arith.constant 6 : i32
        %dma_wait3A_474 = arith.constant 0 : i32
        %dma_wait3A_475 = arith.constant 0 : i32
        %dma_wait3A_476 = arith.constant 0 : i32
        %dma_wait3A_477 = tpu.memref_slice %arg8[%dma_wait3A_473, %dma_wait3A_475, %dma_wait3A_476] : memref<8x128x16xf32, #tpu.memory_space<vmem>> -> memref<1x128x16xf32, #tpu.memory_space<vmem>>
        %dma_wait3A_478 = tpu.memref_squeeze %dma_wait3A_477 : memref<1x128x16xf32, #tpu.memory_space<vmem>> -> memref<128x16xf32, #tpu.memory_space<vmem>>
        %dma_wait3A_479 = arith.constant 0 : i32
        %dma_wait3A_480 = tpu.memref_slice %arg7[%dma_wait3A_474, %dma_wait3A_479] : memref<80x128xi32, #tpu.memory_space<vmem>> -> memref<1x128xi32, #tpu.memory_space<vmem>>
        %dma_wait3A_481 = tpu.memref_squeeze %dma_wait3A_480 : memref<1x128xi32, #tpu.memory_space<vmem>> -> memref<128xi32, #tpu.memory_space<vmem>>
        %dma_wait3A_482 = arith.constant 0 : i32
        %dma_wait3A_483 = arith.constant 0 : i32
        %dma_wait3A_484 = tpu.memref_slice %arg10[%dma_wait3A_482, %dma_wait3A_483] : memref<10240x16xf32, #tpu.memory_space<vmem_shared>> -> memref<10240x16xf32, #tpu.memory_space<vmem_shared>>
        tpu.wait_indirect_dma semaphore(%arg25 : memref<!tpu.dma_semaphore, #tpu.memory_space<semaphore_mem>>) src(%dma_wait3A_478 : memref<128x16xf32, #tpu.memory_space<vmem>>) dst(%dma_wait3A_484 : memref<10240x16xf32, #tpu.memory_space<vmem_shared>>)
        %add3A_485 = arith.constant 8 : i32
        %add3A_486 = arith.addi %add3A_410, %add3A_485 : i32
        %dma_start3A_487 = arith.constant 6 : i32
        %dma_start3A_488 = arith.constant 0 : i32
        %dma_start3A_489 = arith.constant 0 : i32
        %dma_start3A_490 = tpu.memref_slice %arg8[%dma_start3A_487, %dma_start3A_488, %dma_start3A_489] : memref<8x128x16xf32, #tpu.memory_space<vmem>> -> memref<1x128x16xf32, #tpu.memory_space<vmem>>
        %dma_start3A_491 = tpu.memref_squeeze %dma_start3A_490 : memref<1x128x16xf32, #tpu.memory_space<vmem>> -> memref<128x16xf32, #tpu.memory_space<vmem>>
        %dma_start3A_492 = arith.constant 0 : i32
        %dma_start3A_493 = tpu.memref_slice %arg6[%add3A_486, %dma_start3A_492] : memref<80x128xi32, #tpu.memory_space<vmem>> -> memref<1x128xi32, #tpu.memory_space<vmem>>
        %dma_start3A_494 = tpu.memref_squeeze %dma_start3A_493 : memref<1x128xi32, #tpu.memory_space<vmem>> -> memref<128xi32, #tpu.memory_space<vmem>>
        %dma_start3A_495 = arith.constant 0 : i32
        %dma_start3A_496 = arith.constant 0 : i32
        %dma_start3A_497 = tpu.memref_slice %arg2[%dma_start3A_495, %dma_start3A_496] : memref<10000x16xf32, #tpu.memory_space<hbm>> -> memref<10000x16xf32, #tpu.memory_space<hbm>>
        tpu.enqueue_indirect_dma source(%dma_start3A_497 : memref<10000x16xf32, #tpu.memory_space<hbm>>) target(%dma_start3A_491 : memref<128x16xf32, #tpu.memory_space<vmem>>) offsets(%dma_start3A_494 : memref<128xi32, #tpu.memory_space<vmem>>) semaphore(%arg17 : memref<!tpu.dma_semaphore, #tpu.memory_space<semaphore_mem>>)
      } else {
      }
      %add3A_441 = arith.constant 7 : i32
      %add3A_442 = arith.addi %add3A_219, %add3A_441 : i32
      %dma_wait3A_443 = arith.constant 0 : i32
      %dma_wait3A_444 = arith.constant 7 : i32
      %dma_wait3A_445 = arith.constant 0 : i32
      %dma_wait3A_446 = arith.constant 0 : i32
      %dma_wait3A_447 = tpu.memref_slice %arg8[%dma_wait3A_444, %dma_wait3A_445, %dma_wait3A_446] : memref<8x128x16xf32, #tpu.memory_space<vmem>> -> memref<1x128x16xf32, #tpu.memory_space<vmem>>
      %dma_wait3A_448 = tpu.memref_squeeze %dma_wait3A_447 : memref<1x128x16xf32, #tpu.memory_space<vmem>> -> memref<128x16xf32, #tpu.memory_space<vmem>>
      %dma_wait3A_449 = arith.constant 0 : i32
      %dma_wait3A_450 = tpu.memref_slice %arg6[%dma_wait3A_443, %dma_wait3A_449] : memref<80x128xi32, #tpu.memory_space<vmem>> -> memref<1x128xi32, #tpu.memory_space<vmem>>
      %dma_wait3A_451 = tpu.memref_squeeze %dma_wait3A_450 : memref<1x128xi32, #tpu.memory_space<vmem>> -> memref<128xi32, #tpu.memory_space<vmem>>
      %dma_wait3A_452 = arith.constant 0 : i32
      %dma_wait3A_453 = arith.constant 0 : i32
      %dma_wait3A_454 = tpu.memref_slice %arg2[%dma_wait3A_452, %dma_wait3A_453] : memref<10000x16xf32, #tpu.memory_space<hbm>> -> memref<10000x16xf32, #tpu.memory_space<hbm>>
      tpu.wait_indirect_dma semaphore(%arg18 : memref<!tpu.dma_semaphore, #tpu.memory_space<semaphore_mem>>) src(%dma_wait3A_454 : memref<10000x16xf32, #tpu.memory_space<hbm>>) dst(%dma_wait3A_448 : memref<128x16xf32, #tpu.memory_space<vmem>>)
      %dma_start3A_455 = arith.constant 7 : i32
      %dma_start3A_456 = arith.constant 0 : i32
      %dma_start3A_457 = arith.constant 0 : i32
      %dma_start3A_458 = tpu.memref_slice %arg8[%dma_start3A_455, %dma_start3A_456, %dma_start3A_457] : memref<8x128x16xf32, #tpu.memory_space<vmem>> -> memref<1x128x16xf32, #tpu.memory_space<vmem>>
      %dma_start3A_459 = tpu.memref_squeeze %dma_start3A_458 : memref<1x128x16xf32, #tpu.memory_space<vmem>> -> memref<128x16xf32, #tpu.memory_space<vmem>>
      %dma_start3A_460 = arith.constant 0 : i32
      %dma_start3A_461 = tpu.memref_slice %arg7[%add3A_442, %dma_start3A_460] : memref<80x128xi32, #tpu.memory_space<vmem>> -> memref<1x128xi32, #tpu.memory_space<vmem>>
      %dma_start3A_462 = tpu.memref_squeeze %dma_start3A_461 : memref<1x128xi32, #tpu.memory_space<vmem>> -> memref<128xi32, #tpu.memory_space<vmem>>
      %dma_start3A_463 = arith.constant 0 : i32
      %dma_start3A_464 = arith.constant 0 : i32
      %dma_start3A_465 = tpu.memref_slice %arg10[%dma_start3A_463, %dma_start3A_464] : memref<10240x16xf32, #tpu.memory_space<vmem_shared>> -> memref<10240x16xf32, #tpu.memory_space<vmem_shared>>
      tpu.enqueue_indirect_dma source(%dma_start3A_459 : memref<128x16xf32, #tpu.memory_space<vmem>>) target(%dma_start3A_465 : memref<10240x16xf32, #tpu.memory_space<vmem_shared>>) offsets(%dma_start3A_462 : memref<128xi32, #tpu.memory_space<vmem>>) semaphore(%arg26 : memref<!tpu.dma_semaphore, #tpu.memory_space<semaphore_mem>>) {add = true}
      %add3A_466 = arith.constant 8 : i32
      %add3A_467 = arith.addi %add3A_442, %add3A_466 : i32
      %lt3A_468 = arith.constant 80 : i32
      %lt3A_469 = arith.cmpi slt, %add3A_467, %lt3A_468 : i32
      %convert_element_type3A_470 = arith.extui %lt3A_469 : i1 to i32
      %cond3A_471 = arith.constant 0 : i32
      %cond3A_472 = arith.cmpi ne, %convert_element_type3A_470, %cond3A_471 : i32
      scf.if %cond3A_472 {
        %dma_wait3A_473 = arith.constant 7 : i32
        %dma_wait3A_474 = arith.constant 0 : i32
        %dma_wait3A_475 = arith.constant 0 : i32
        %dma_wait3A_476 = arith.constant 0 : i32
        %dma_wait3A_477 = tpu.memref_slice %arg8[%dma_wait3A_473, %dma_wait3A_475, %dma_wait3A_476] : memref<8x128x16xf32, #tpu.memory_space<vmem>> -> memref<1x128x16xf32, #tpu.memory_space<vmem>>
        %dma_wait3A_478 = tpu.memref_squeeze %dma_wait3A_477 : memref<1x128x16xf32, #tpu.memory_space<vmem>> -> memref<128x16xf32, #tpu.memory_space<vmem>>
        %dma_wait3A_479 = arith.constant 0 : i32
        %dma_wait3A_480 = tpu.memref_slice %arg7[%dma_wait3A_474, %dma_wait3A_479] : memref<80x128xi32, #tpu.memory_space<vmem>> -> memref<1x128xi32, #tpu.memory_space<vmem>>
        %dma_wait3A_481 = tpu.memref_squeeze %dma_wait3A_480 : memref<1x128xi32, #tpu.memory_space<vmem>> -> memref<128xi32, #tpu.memory_space<vmem>>
        %dma_wait3A_482 = arith.constant 0 : i32
        %dma_wait3A_483 = arith.constant 0 : i32
        %dma_wait3A_484 = tpu.memref_slice %arg10[%dma_wait3A_482, %dma_wait3A_483] : memref<10240x16xf32, #tpu.memory_space<vmem_shared>> -> memref<10240x16xf32, #tpu.memory_space<vmem_shared>>
        tpu.wait_indirect_dma semaphore(%arg26 : memref<!tpu.dma_semaphore, #tpu.memory_space<semaphore_mem>>) src(%dma_wait3A_478 : memref<128x16xf32, #tpu.memory_space<vmem>>) dst(%dma_wait3A_484 : memref<10240x16xf32, #tpu.memory_space<vmem_shared>>)
        %add3A_485 = arith.constant 8 : i32
        %add3A_486 = arith.addi %add3A_442, %add3A_485 : i32
        %dma_start3A_487 = arith.constant 7 : i32
        %dma_start3A_488 = arith.constant 0 : i32
        %dma_start3A_489 = arith.constant 0 : i32
        %dma_start3A_490 = tpu.memref_slice %arg8[%dma_start3A_487, %dma_start3A_488, %dma_start3A_489] : memref<8x128x16xf32, #tpu.memory_space<vmem>> -> memref<1x128x16xf32, #tpu.memory_space<vmem>>
        %dma_start3A_491 = tpu.memref_squeeze %dma_start3A_490 : memref<1x128x16xf32, #tpu.memory_space<vmem>> -> memref<128x16xf32, #tpu.memory_space<vmem>>
        %dma_start3A_492 = arith.constant 0 : i32
        %dma_start3A_493 = tpu.memref_slice %arg6[%add3A_486, %dma_start3A_492] : memref<80x128xi32, #tpu.memory_space<vmem>> -> memref<1x128xi32, #tpu.memory_space<vmem>>
        %dma_start3A_494 = tpu.memref_squeeze %dma_start3A_493 : memref<1x128xi32, #tpu.memory_space<vmem>> -> memref<128xi32, #tpu.memory_space<vmem>>
        %dma_start3A_495 = arith.constant 0 : i32
        %dma_start3A_496 = arith.constant 0 : i32
        %dma_start3A_497 = tpu.memref_slice %arg2[%dma_start3A_495, %dma_start3A_496] : memref<10000x16xf32, #tpu.memory_space<hbm>> -> memref<10000x16xf32, #tpu.memory_space<hbm>>
        tpu.enqueue_indirect_dma source(%dma_start3A_497 : memref<10000x16xf32, #tpu.memory_space<hbm>>) target(%dma_start3A_491 : memref<128x16xf32, #tpu.memory_space<vmem>>) offsets(%dma_start3A_494 : memref<128xi32, #tpu.memory_space<vmem>>) semaphore(%arg18 : memref<!tpu.dma_semaphore, #tpu.memory_space<semaphore_mem>>)
      } else {
      }
    }
    %scan3A_116 = arith.constant 10 : i32
    %dma_wait3A = arith.constant 0 : i32
    %dma_wait3A_117 = arith.constant 0 : i32
    %dma_wait3A_118 = arith.constant 0 : i32
    %dma_wait3A_119 = arith.constant 0 : i32
    %dma_wait3A_120 = tpu.memref_slice %arg8[%dma_wait3A, %dma_wait3A_118, %dma_wait3A_119] : memref<8x128x16xf32, #tpu.memory_space<vmem>> -> memref<1x128x16xf32, #tpu.memory_space<vmem>>
    %dma_wait3A_121 = tpu.memref_squeeze %dma_wait3A_120 : memref<1x128x16xf32, #tpu.memory_space<vmem>> -> memref<128x16xf32, #tpu.memory_space<vmem>>
    %dma_wait3A_122 = arith.constant 0 : i32
    %dma_wait3A_123 = tpu.memref_slice %arg7[%dma_wait3A_117, %dma_wait3A_122] : memref<80x128xi32, #tpu.memory_space<vmem>> -> memref<1x128xi32, #tpu.memory_space<vmem>>
    %dma_wait3A_124 = tpu.memref_squeeze %dma_wait3A_123 : memref<1x128xi32, #tpu.memory_space<vmem>> -> memref<128xi32, #tpu.memory_space<vmem>>
    %dma_wait3A_125 = arith.constant 0 : i32
    %dma_wait3A_126 = arith.constant 0 : i32
    %dma_wait3A_127 = tpu.memref_slice %arg10[%dma_wait3A_125, %dma_wait3A_126] : memref<10240x16xf32, #tpu.memory_space<vmem_shared>> -> memref<10240x16xf32, #tpu.memory_space<vmem_shared>>
    tpu.wait_indirect_dma semaphore(%arg19 : memref<!tpu.dma_semaphore, #tpu.memory_space<semaphore_mem>>) src(%dma_wait3A_121 : memref<128x16xf32, #tpu.memory_space<vmem>>) dst(%dma_wait3A_127 : memref<10240x16xf32, #tpu.memory_space<vmem_shared>>)
    %dma_wait3A_128 = arith.constant 1 : i32
    %dma_wait3A_129 = arith.constant 0 : i32
    %dma_wait3A_130 = arith.constant 0 : i32
    %dma_wait3A_131 = arith.constant 0 : i32
    %dma_wait3A_132 = tpu.memref_slice %arg8[%dma_wait3A_128, %dma_wait3A_130, %dma_wait3A_131] : memref<8x128x16xf32, #tpu.memory_space<vmem>> -> memref<1x128x16xf32, #tpu.memory_space<vmem>>
    %dma_wait3A_133 = tpu.memref_squeeze %dma_wait3A_132 : memref<1x128x16xf32, #tpu.memory_space<vmem>> -> memref<128x16xf32, #tpu.memory_space<vmem>>
    %dma_wait3A_134 = arith.constant 0 : i32
    %dma_wait3A_135 = tpu.memref_slice %arg7[%dma_wait3A_129, %dma_wait3A_134] : memref<80x128xi32, #tpu.memory_space<vmem>> -> memref<1x128xi32, #tpu.memory_space<vmem>>
    %dma_wait3A_136 = tpu.memref_squeeze %dma_wait3A_135 : memref<1x128xi32, #tpu.memory_space<vmem>> -> memref<128xi32, #tpu.memory_space<vmem>>
    %dma_wait3A_137 = arith.constant 0 : i32
    %dma_wait3A_138 = arith.constant 0 : i32
    %dma_wait3A_139 = tpu.memref_slice %arg10[%dma_wait3A_137, %dma_wait3A_138] : memref<10240x16xf32, #tpu.memory_space<vmem_shared>> -> memref<10240x16xf32, #tpu.memory_space<vmem_shared>>
    tpu.wait_indirect_dma semaphore(%arg20 : memref<!tpu.dma_semaphore, #tpu.memory_space<semaphore_mem>>) src(%dma_wait3A_133 : memref<128x16xf32, #tpu.memory_space<vmem>>) dst(%dma_wait3A_139 : memref<10240x16xf32, #tpu.memory_space<vmem_shared>>)
    %dma_wait3A_140 = arith.constant 2 : i32
    %dma_wait3A_141 = arith.constant 0 : i32
    %dma_wait3A_142 = arith.constant 0 : i32
    %dma_wait3A_143 = arith.constant 0 : i32
    %dma_wait3A_144 = tpu.memref_slice %arg8[%dma_wait3A_140, %dma_wait3A_142, %dma_wait3A_143] : memref<8x128x16xf32, #tpu.memory_space<vmem>> -> memref<1x128x16xf32, #tpu.memory_space<vmem>>
    %dma_wait3A_145 = tpu.memref_squeeze %dma_wait3A_144 : memref<1x128x16xf32, #tpu.memory_space<vmem>> -> memref<128x16xf32, #tpu.memory_space<vmem>>
    %dma_wait3A_146 = arith.constant 0 : i32
    %dma_wait3A_147 = tpu.memref_slice %arg7[%dma_wait3A_141, %dma_wait3A_146] : memref<80x128xi32, #tpu.memory_space<vmem>> -> memref<1x128xi32, #tpu.memory_space<vmem>>
    %dma_wait3A_148 = tpu.memref_squeeze %dma_wait3A_147 : memref<1x128xi32, #tpu.memory_space<vmem>> -> memref<128xi32, #tpu.memory_space<vmem>>
    %dma_wait3A_149 = arith.constant 0 : i32
    %dma_wait3A_150 = arith.constant 0 : i32
    %dma_wait3A_151 = tpu.memref_slice %arg10[%dma_wait3A_149, %dma_wait3A_150] : memref<10240x16xf32, #tpu.memory_space<vmem_shared>> -> memref<10240x16xf32, #tpu.memory_space<vmem_shared>>
    tpu.wait_indirect_dma semaphore(%arg21 : memref<!tpu.dma_semaphore, #tpu.memory_space<semaphore_mem>>) src(%dma_wait3A_145 : memref<128x16xf32, #tpu.memory_space<vmem>>) dst(%dma_wait3A_151 : memref<10240x16xf32, #tpu.memory_space<vmem_shared>>)
    %dma_wait3A_152 = arith.constant 3 : i32
    %dma_wait3A_153 = arith.constant 0 : i32
    %dma_wait3A_154 = arith.constant 0 : i32
    %dma_wait3A_155 = arith.constant 0 : i32
    %dma_wait3A_156 = tpu.memref_slice %arg8[%dma_wait3A_152, %dma_wait3A_154, %dma_wait3A_155] : memref<8x128x16xf32, #tpu.memory_space<vmem>> -> memref<1x128x16xf32, #tpu.memory_space<vmem>>
    %dma_wait3A_157 = tpu.memref_squeeze %dma_wait3A_156 : memref<1x128x16xf32, #tpu.memory_space<vmem>> -> memref<128x16xf32, #tpu.memory_space<vmem>>
    %dma_wait3A_158 = arith.constant 0 : i32
    %dma_wait3A_159 = tpu.memref_slice %arg7[%dma_wait3A_153, %dma_wait3A_158] : memref<80x128xi32, #tpu.memory_space<vmem>> -> memref<1x128xi32, #tpu.memory_space<vmem>>
    %dma_wait3A_160 = tpu.memref_squeeze %dma_wait3A_159 : memref<1x128xi32, #tpu.memory_space<vmem>> -> memref<128xi32, #tpu.memory_space<vmem>>
    %dma_wait3A_161 = arith.constant 0 : i32
    %dma_wait3A_162 = arith.constant 0 : i32
    %dma_wait3A_163 = tpu.memref_slice %arg10[%dma_wait3A_161, %dma_wait3A_162] : memref<10240x16xf32, #tpu.memory_space<vmem_shared>> -> memref<10240x16xf32, #tpu.memory_space<vmem_shared>>
    tpu.wait_indirect_dma semaphore(%arg22 : memref<!tpu.dma_semaphore, #tpu.memory_space<semaphore_mem>>) src(%dma_wait3A_157 : memref<128x16xf32, #tpu.memory_space<vmem>>) dst(%dma_wait3A_163 : memref<10240x16xf32, #tpu.memory_space<vmem_shared>>)
    %dma_wait3A_164 = arith.constant 4 : i32
    %dma_wait3A_165 = arith.constant 0 : i32
    %dma_wait3A_166 = arith.constant 0 : i32
    %dma_wait3A_167 = arith.constant 0 : i32
    %dma_wait3A_168 = tpu.memref_slice %arg8[%dma_wait3A_164, %dma_wait3A_166, %dma_wait3A_167] : memref<8x128x16xf32, #tpu.memory_space<vmem>> -> memref<1x128x16xf32, #tpu.memory_space<vmem>>
    %dma_wait3A_169 = tpu.memref_squeeze %dma_wait3A_168 : memref<1x128x16xf32, #tpu.memory_space<vmem>> -> memref<128x16xf32, #tpu.memory_space<vmem>>
    %dma_wait3A_170 = arith.constant 0 : i32
    %dma_wait3A_171 = tpu.memref_slice %arg7[%dma_wait3A_165, %dma_wait3A_170] : memref<80x128xi32, #tpu.memory_space<vmem>> -> memref<1x128xi32, #tpu.memory_space<vmem>>
    %dma_wait3A_172 = tpu.memref_squeeze %dma_wait3A_171 : memref<1x128xi32, #tpu.memory_space<vmem>> -> memref<128xi32, #tpu.memory_space<vmem>>
    %dma_wait3A_173 = arith.constant 0 : i32
    %dma_wait3A_174 = arith.constant 0 : i32
    %dma_wait3A_175 = tpu.memref_slice %arg10[%dma_wait3A_173, %dma_wait3A_174] : memref<10240x16xf32, #tpu.memory_space<vmem_shared>> -> memref<10240x16xf32, #tpu.memory_space<vmem_shared>>
    tpu.wait_indirect_dma semaphore(%arg23 : memref<!tpu.dma_semaphore, #tpu.memory_space<semaphore_mem>>) src(%dma_wait3A_169 : memref<128x16xf32, #tpu.memory_space<vmem>>) dst(%dma_wait3A_175 : memref<10240x16xf32, #tpu.memory_space<vmem_shared>>)
    %dma_wait3A_176 = arith.constant 5 : i32
    %dma_wait3A_177 = arith.constant 0 : i32
    %dma_wait3A_178 = arith.constant 0 : i32
    %dma_wait3A_179 = arith.constant 0 : i32
    %dma_wait3A_180 = tpu.memref_slice %arg8[%dma_wait3A_176, %dma_wait3A_178, %dma_wait3A_179] : memref<8x128x16xf32, #tpu.memory_space<vmem>> -> memref<1x128x16xf32, #tpu.memory_space<vmem>>
    %dma_wait3A_181 = tpu.memref_squeeze %dma_wait3A_180 : memref<1x128x16xf32, #tpu.memory_space<vmem>> -> memref<128x16xf32, #tpu.memory_space<vmem>>
    %dma_wait3A_182 = arith.constant 0 : i32
    %dma_wait3A_183 = tpu.memref_slice %arg7[%dma_wait3A_177, %dma_wait3A_182] : memref<80x128xi32, #tpu.memory_space<vmem>> -> memref<1x128xi32, #tpu.memory_space<vmem>>
    %dma_wait3A_184 = tpu.memref_squeeze %dma_wait3A_183 : memref<1x128xi32, #tpu.memory_space<vmem>> -> memref<128xi32, #tpu.memory_space<vmem>>
    %dma_wait3A_185 = arith.constant 0 : i32
    %dma_wait3A_186 = arith.constant 0 : i32
    %dma_wait3A_187 = tpu.memref_slice %arg10[%dma_wait3A_185, %dma_wait3A_186] : memref<10240x16xf32, #tpu.memory_space<vmem_shared>> -> memref<10240x16xf32, #tpu.memory_space<vmem_shared>>
    tpu.wait_indirect_dma semaphore(%arg24 : memref<!tpu.dma_semaphore, #tpu.memory_space<semaphore_mem>>) src(%dma_wait3A_181 : memref<128x16xf32, #tpu.memory_space<vmem>>) dst(%dma_wait3A_187 : memref<10240x16xf32, #tpu.memory_space<vmem_shared>>)
    %dma_wait3A_188 = arith.constant 6 : i32
    %dma_wait3A_189 = arith.constant 0 : i32
    %dma_wait3A_190 = arith.constant 0 : i32
    %dma_wait3A_191 = arith.constant 0 : i32
    %dma_wait3A_192 = tpu.memref_slice %arg8[%dma_wait3A_188, %dma_wait3A_190, %dma_wait3A_191] : memref<8x128x16xf32, #tpu.memory_space<vmem>> -> memref<1x128x16xf32, #tpu.memory_space<vmem>>
    %dma_wait3A_193 = tpu.memref_squeeze %dma_wait3A_192 : memref<1x128x16xf32, #tpu.memory_space<vmem>> -> memref<128x16xf32, #tpu.memory_space<vmem>>
    %dma_wait3A_194 = arith.constant 0 : i32
    %dma_wait3A_195 = tpu.memref_slice %arg7[%dma_wait3A_189, %dma_wait3A_194] : memref<80x128xi32, #tpu.memory_space<vmem>> -> memref<1x128xi32, #tpu.memory_space<vmem>>
    %dma_wait3A_196 = tpu.memref_squeeze %dma_wait3A_195 : memref<1x128xi32, #tpu.memory_space<vmem>> -> memref<128xi32, #tpu.memory_space<vmem>>
    %dma_wait3A_197 = arith.constant 0 : i32
    %dma_wait3A_198 = arith.constant 0 : i32
    %dma_wait3A_199 = tpu.memref_slice %arg10[%dma_wait3A_197, %dma_wait3A_198] : memref<10240x16xf32, #tpu.memory_space<vmem_shared>> -> memref<10240x16xf32, #tpu.memory_space<vmem_shared>>
    tpu.wait_indirect_dma semaphore(%arg25 : memref<!tpu.dma_semaphore, #tpu.memory_space<semaphore_mem>>) src(%dma_wait3A_193 : memref<128x16xf32, #tpu.memory_space<vmem>>) dst(%dma_wait3A_199 : memref<10240x16xf32, #tpu.memory_space<vmem_shared>>)
    %dma_wait3A_200 = arith.constant 7 : i32
    %dma_wait3A_201 = arith.constant 0 : i32
    %dma_wait3A_202 = arith.constant 0 : i32
    %dma_wait3A_203 = arith.constant 0 : i32
    %dma_wait3A_204 = tpu.memref_slice %arg8[%dma_wait3A_200, %dma_wait3A_202, %dma_wait3A_203] : memref<8x128x16xf32, #tpu.memory_space<vmem>> -> memref<1x128x16xf32, #tpu.memory_space<vmem>>
    %dma_wait3A_205 = tpu.memref_squeeze %dma_wait3A_204 : memref<1x128x16xf32, #tpu.memory_space<vmem>> -> memref<128x16xf32, #tpu.memory_space<vmem>>
    %dma_wait3A_206 = arith.constant 0 : i32
    %dma_wait3A_207 = tpu.memref_slice %arg7[%dma_wait3A_201, %dma_wait3A_206] : memref<80x128xi32, #tpu.memory_space<vmem>> -> memref<1x128xi32, #tpu.memory_space<vmem>>
    %dma_wait3A_208 = tpu.memref_squeeze %dma_wait3A_207 : memref<1x128xi32, #tpu.memory_space<vmem>> -> memref<128xi32, #tpu.memory_space<vmem>>
    %dma_wait3A_209 = arith.constant 0 : i32
    %dma_wait3A_210 = arith.constant 0 : i32
    %dma_wait3A_211 = tpu.memref_slice %arg10[%dma_wait3A_209, %dma_wait3A_210] : memref<10240x16xf32, #tpu.memory_space<vmem_shared>> -> memref<10240x16xf32, #tpu.memory_space<vmem_shared>>
    tpu.wait_indirect_dma semaphore(%arg26 : memref<!tpu.dma_semaphore, #tpu.memory_space<semaphore_mem>>) src(%dma_wait3A_205 : memref<128x16xf32, #tpu.memory_space<vmem>>) dst(%dma_wait3A_211 : memref<10240x16xf32, #tpu.memory_space<vmem_shared>>)
    %barrier3A_212 = arith.constant 0 : index
    tpu.barrier barrier_id(%barrier3A_212)
    %mul3A_213 = arith.constant 640 : i32
    %mul3A_214 = arith.muli %arg1, %mul3A_213 : i32
    %multiple_of3A = tpu.assume_multiple %mul3A_214, 8 : i32
    "tpu.region"() ({
      %run_scoped3A = tpu.sem_alloc : memref<!tpu.dma_semaphore, #tpu.memory_space<semaphore_mem>>
      %dma_start3A_215 = arith.constant 0 : i32
      %dma_start3A_216 = tpu.memref_slice %arg5[%arg0, %multiple_of3A, %dma_start3A_215] : memref<2x10240x16xf32, #tpu.memory_space<hbm>> -> memref<1x640x16xf32, #tpu.memory_space<hbm>>
      %dma_start3A_217 = tpu.memref_squeeze %dma_start3A_216 : memref<1x640x16xf32, #tpu.memory_space<hbm>> -> memref<640x16xf32, #tpu.memory_space<hbm>>
      %dma_start3A_218 = arith.constant 0 : i32
      %dma_start3A_219 = tpu.memref_slice %arg10[%multiple_of3A, %dma_start3A_218] : memref<10240x16xf32, #tpu.memory_space<vmem_shared>> -> memref<640x16xf32, #tpu.memory_space<vmem_shared>>
      tpu.enqueue_dma source(%dma_start3A_219 : memref<640x16xf32, #tpu.memory_space<vmem_shared>>) target(%dma_start3A_217 : memref<640x16xf32, #tpu.memory_space<hbm>>) target_semaphore(%run_scoped3A : memref<!tpu.dma_semaphore, #tpu.memory_space<semaphore_mem>>)
      %dma_wait3A_220 = arith.constant 0 : i32
      %dma_wait3A_221 = tpu.memref_slice %arg5[%arg0, %multiple_of3A, %dma_wait3A_220] : memref<2x10240x16xf32, #tpu.memory_space<hbm>> -> memref<1x640x16xf32, #tpu.memory_space<hbm>>
      %dma_wait3A_222 = tpu.memref_squeeze %dma_wait3A_221 : memref<1x640x16xf32, #tpu.memory_space<hbm>> -> memref<640x16xf32, #tpu.memory_space<hbm>>
      %dma_wait3A_223 = arith.constant 0 : i32
      %dma_wait3A_224 = tpu.memref_slice %arg10[%multiple_of3A, %dma_wait3A_223] : memref<10240x16xf32, #tpu.memory_space<vmem_shared>> -> memref<640x16xf32, #tpu.memory_space<vmem_shared>>
      tpu.wait_dma2 semaphore(%run_scoped3A : memref<!tpu.dma_semaphore, #tpu.memory_space<semaphore_mem>>) src(%dma_wait3A_224 : memref<640x16xf32, #tpu.memory_space<vmem_shared>>) dst(%dma_wait3A_222 : memref<640x16xf32, #tpu.memory_space<hbm>>)
      tpu.yield
    }) : () -> ()
    return
  }
}

#map = affine_map<(d0, d1) -> (0, 0, 0)>
#map1 = affine_map<(d0, d1) -> (0, 0)>
module attributes {stable_mosaic.version = 14 : i64} {
  func.func @agg_kernel(%arg0: i32, %arg1: i32, %arg2: memref<2x10000x64xf32, #tpu.memory_space<hbm>>, %arg3: memref<2560x128xi32, #tpu.memory_space<hbm>>, %arg4: memref<2560x128xi32, #tpu.memory_space<hbm>>, %arg5: memref<2x10240x64xf32, #tpu.memory_space<hbm>>, %arg6: memref<80x128xi32, #tpu.memory_space<vmem>>, %arg7: memref<80x128xi32, #tpu.memory_space<vmem>>, %arg8: memref<5x128x64xf32, #tpu.memory_space<vmem>>, %arg9: memref<40x64xf32, #tpu.memory_space<vmem>>, %arg10: memref<10240x64xf32, #tpu.memory_space<vmem_shared>>, %arg11: memref<!tpu.dma_semaphore, #tpu.memory_space<semaphore_mem>>, %arg12: memref<!tpu.dma_semaphore, #tpu.memory_space<semaphore_mem>>, %arg13: memref<!tpu.dma_semaphore, #tpu.memory_space<semaphore_mem>>, %arg14: memref<!tpu.dma_semaphore, #tpu.memory_space<semaphore_mem>>, %arg15: memref<!tpu.dma_semaphore, #tpu.memory_space<semaphore_mem>>, %arg16: memref<!tpu.dma_semaphore, #tpu.memory_space<semaphore_mem>>, %arg17: memref<!tpu.dma_semaphore, #tpu.memory_space<semaphore_mem>>, %arg18: memref<!tpu.dma_semaphore, #tpu.memory_space<semaphore_mem>>, %arg19: memref<!tpu.dma_semaphore, #tpu.memory_space<semaphore_mem>>, %arg20: memref<!tpu.dma_semaphore, #tpu.memory_space<semaphore_mem>>) attributes {dimension_semantics = [#tpu.dimension_semantics<core_parallel>, #tpu.dimension_semantics<subcore_parallel>], iteration_bounds = array<i64: 2, 16>, scalar_prefetch = 0 : i64, scratch_operands = 15 : i64, tpu.core_type = #tpu.core_type<sc_vector_subcore>, window_params = [{transform_indices = #map}, {transform_indices = #map1}, {transform_indices = #map1}, {transform_indices = #map}]} {
    %broadcast_in_dim3A = arith.constant 0.000000e+00 : f32
    %broadcast_in_dim3A_0 = vector.broadcast %broadcast_in_dim3A : f32 to vector<16xf32>
    %scan3A = arith.constant 0 : i32
    %scan3A_1 = arith.constant 0 : i32
    %scan3A_2 = arith.constant 160 : i32
    %scan3A_3 = arith.addi %scan3A_1, %scan3A_2 : i32
    %scan3A_4 = arith.constant 1 : i32
    scf.for %scan3A_309 = %scan3A_1 to %scan3A_3 step %scan3A_4  : i32 {
      %jit3A = arith.constant 4 : i32
      %div3A = arith.divsi %scan3A_309, %jit3A : i32
      %sign3A = arith.constant 0 : i32
      %sign3A_310 = arith.cmpi sgt, %scan3A_309, %sign3A : i32
      %sign3A_311 = arith.extui %sign3A_310 : i1 to i32
      %sign3A_312 = arith.constant 0 : i32
      %sign3A_313 = arith.cmpi slt, %scan3A_309, %sign3A_312 : i32
      %sign3A_314 = arith.extui %sign3A_313 : i1 to i32
      %sign3A_315 = arith.subi %sign3A_311, %sign3A_314 : i32
      %sign3A_316 = arith.constant 0 : i32
      %sign3A_317 = arith.cmpi sgt, %jit3A, %sign3A_316 : i32
      %sign3A_318 = arith.extui %sign3A_317 : i1 to i32
      %sign3A_319 = arith.constant 0 : i32
      %sign3A_320 = arith.cmpi slt, %jit3A, %sign3A_319 : i32
      %sign3A_321 = arith.extui %sign3A_320 : i1 to i32
      %sign3A_322 = arith.subi %sign3A_318, %sign3A_321 : i32
      %ne3A = arith.cmpi ne, %sign3A_315, %sign3A_322 : i32
      %rem3A = arith.remsi %scan3A_309, %jit3A : i32
      %ne3A_323 = arith.constant 0 : i32
      %ne3A_324 = arith.cmpi ne, %rem3A, %ne3A_323 : i32
      %and3A = arith.andi %ne3A, %ne3A_324 : i1
      %sub3A = arith.constant 1 : i32
      %sub3A_325 = arith.subi %div3A, %sub3A : i32
      %select_n3A = arith.select %and3A, %sub3A_325, %div3A : i32
      %jit3A_326 = arith.constant 4 : i32
      %eq3A = arith.constant 0 : i32
      %eq3A_327 = arith.cmpi eq, %jit3A_326, %eq3A : i32
      %jit3A_328 = arith.constant 1 : i32
      %select_n3A_329 = arith.select %eq3A_327, %jit3A_328, %jit3A_326 : i32
      %rem3A_330 = arith.remsi %scan3A_309, %select_n3A_329 : i32
      %ne3A_331 = arith.constant 0 : i32
      %ne3A_332 = arith.cmpi ne, %rem3A_330, %ne3A_331 : i32
      %lt3A = arith.constant 0 : i32
      %lt3A_333 = arith.cmpi slt, %rem3A_330, %lt3A : i32
      %lt3A_334 = arith.constant 0 : i32
      %lt3A_335 = arith.cmpi slt, %select_n3A_329, %lt3A_334 : i32
      %ne3A_336 = arith.xori %lt3A_333, %lt3A_335 : i1
      %and3A_337 = arith.andi %ne3A_336, %ne3A_332 : i1
      %add3A_338 = arith.addi %rem3A_330, %select_n3A_329 : i32
      %select_n3A_339 = arith.select %and3A_337, %add3A_338, %rem3A_330 : i32
      %mul3A_340 = arith.constant 16 : i32
      %mul3A_341 = arith.muli %select_n3A_339, %mul3A_340 : i32
      %swap3A = arith.index_cast %select_n3A : i32 to index
      %swap3A_342 = arith.index_cast %mul3A_341 : i32 to index
      %swap3A_343 = tpu.vector_load %arg9[%swap3A, %swap3A_342] {strides = array<i32>} : memref<40x64xf32, #tpu.memory_space<vmem>>, vector<1x16xf32>,
      %swap3A_344 = vector.shape_cast %swap3A_343 : vector<1x16xf32> to vector<16xf32>
      %swap3A_345 = vector.shape_cast %broadcast_in_dim3A_0 : vector<16xf32> to vector<1x16xf32>
      tpu.vector_store %arg9[%swap3A, %swap3A_342], %swap3A_345 {strides = array<i32>} : memref<40x64xf32, #tpu.memory_space<vmem>>, vector<1x16xf32>,
    }
    %scan3A_5 = arith.constant 160 : i32
    %scan3A_6 = arith.constant 0 : i32
    %scan3A_7 = arith.constant 0 : i32
    %scan3A_8 = arith.constant 16 : i32
    %scan3A_9 = arith.addi %scan3A_7, %scan3A_8 : i32
    %scan3A_10 = arith.constant 1 : i32
    scf.for %scan3A_309 = %scan3A_7 to %scan3A_9 step %scan3A_10  : i32 {
      %mul3A_310 = arith.constant 640 : i32
      %mul3A_311 = arith.muli %arg1, %mul3A_310 : i32
      %mul3A_312 = arith.constant 40 : i32
      %mul3A_313 = arith.muli %scan3A_309, %mul3A_312 : i32
      %add3A_314 = arith.addi %mul3A_311, %mul3A_313 : i32
      %multiple_of3A_315 = tpu.assume_multiple %add3A_314, 8 : i32
      "tpu.region"() ({
        %run_scoped3A = tpu.sem_alloc : memref<!tpu.dma_semaphore, #tpu.memory_space<semaphore_mem>>
        %dma_start3A_316 = arith.constant 0 : i32
        %dma_start3A_317 = tpu.memref_slice %arg10[%multiple_of3A_315, %dma_start3A_316] : memref<10240x64xf32, #tpu.memory_space<vmem_shared>> -> memref<40x64xf32, #tpu.memory_space<vmem_shared>>
        %dma_start3A_318 = arith.constant 0 : i32
        %dma_start3A_319 = tpu.memref_slice %arg10[%multiple_of3A_315, %dma_start3A_318] : memref<10240x64xf32, #tpu.memory_space<vmem_shared>> -> memref<40x64xf32, #tpu.memory_space<vmem_shared>>
        tpu.enqueue_dma source(%arg9 : memref<40x64xf32, #tpu.memory_space<vmem>>) target(%dma_start3A_319 : memref<40x64xf32, #tpu.memory_space<vmem_shared>>) target_semaphore(%run_scoped3A : memref<!tpu.dma_semaphore, #tpu.memory_space<semaphore_mem>>)
        %dma_wait3A_320 = arith.constant 0 : i32
        %dma_wait3A_321 = tpu.memref_slice %arg10[%multiple_of3A_315, %dma_wait3A_320] : memref<10240x64xf32, #tpu.memory_space<vmem_shared>> -> memref<40x64xf32, #tpu.memory_space<vmem_shared>>
        %dma_wait3A_322 = arith.constant 0 : i32
        %dma_wait3A_323 = tpu.memref_slice %arg10[%multiple_of3A_315, %dma_wait3A_322] : memref<10240x64xf32, #tpu.memory_space<vmem_shared>> -> memref<40x64xf32, #tpu.memory_space<vmem_shared>>
        tpu.wait_dma2 semaphore(%run_scoped3A : memref<!tpu.dma_semaphore, #tpu.memory_space<semaphore_mem>>) src(%arg9 : memref<40x64xf32, #tpu.memory_space<vmem>>) dst(%dma_wait3A_323 : memref<40x64xf32, #tpu.memory_space<vmem_shared>>)
        tpu.yield
      }) : () -> ()
    }
    %scan3A_11 = arith.constant 16 : i32
    %barrier3A = arith.constant 0 : index
    tpu.barrier barrier_id(%barrier3A)
    %mul3A = arith.constant 160 : i32
    %mul3A_12 = arith.muli %arg1, %mul3A : i32
    %add3A = arith.constant 0 : i32
    %add3A_13 = arith.addi %mul3A_12, %add3A : i32
    "tpu.region"() ({
      %run_scoped3A = tpu.sem_alloc : memref<!tpu.dma_semaphore, #tpu.memory_space<semaphore_mem>>
      %dma_start3A_309 = arith.constant 0 : i32
      %dma_start3A_310 = tpu.memref_slice %arg3[%add3A_13, %dma_start3A_309] : memref<2560x128xi32, #tpu.memory_space<hbm>> -> memref<80x128xi32, #tpu.memory_space<hbm>>
      %dma_start3A_311 = arith.constant 0 : i32
      %dma_start3A_312 = tpu.memref_slice %arg3[%add3A_13, %dma_start3A_311] : memref<2560x128xi32, #tpu.memory_space<hbm>> -> memref<80x128xi32, #tpu.memory_space<hbm>>
      tpu.enqueue_dma source(%dma_start3A_312 : memref<80x128xi32, #tpu.memory_space<hbm>>) target(%arg6 : memref<80x128xi32, #tpu.memory_space<vmem>>) target_semaphore(%run_scoped3A : memref<!tpu.dma_semaphore, #tpu.memory_space<semaphore_mem>>)
      %dma_wait3A_313 = arith.constant 0 : i32
      %dma_wait3A_314 = tpu.memref_slice %arg3[%add3A_13, %dma_wait3A_313] : memref<2560x128xi32, #tpu.memory_space<hbm>> -> memref<80x128xi32, #tpu.memory_space<hbm>>
      %dma_wait3A_315 = arith.constant 0 : i32
      %dma_wait3A_316 = tpu.memref_slice %arg3[%add3A_13, %dma_wait3A_315] : memref<2560x128xi32, #tpu.memory_space<hbm>> -> memref<80x128xi32, #tpu.memory_space<hbm>>
      tpu.wait_dma2 semaphore(%run_scoped3A : memref<!tpu.dma_semaphore, #tpu.memory_space<semaphore_mem>>) src(%dma_wait3A_316 : memref<80x128xi32, #tpu.memory_space<hbm>>) dst(%arg6 : memref<80x128xi32, #tpu.memory_space<vmem>>)
      tpu.yield
    }) : () -> ()
    "tpu.region"() ({
      %run_scoped3A = tpu.sem_alloc : memref<!tpu.dma_semaphore, #tpu.memory_space<semaphore_mem>>
      %dma_start3A_309 = arith.constant 0 : i32
      %dma_start3A_310 = tpu.memref_slice %arg4[%add3A_13, %dma_start3A_309] : memref<2560x128xi32, #tpu.memory_space<hbm>> -> memref<80x128xi32, #tpu.memory_space<hbm>>
      %dma_start3A_311 = arith.constant 0 : i32
      %dma_start3A_312 = tpu.memref_slice %arg4[%add3A_13, %dma_start3A_311] : memref<2560x128xi32, #tpu.memory_space<hbm>> -> memref<80x128xi32, #tpu.memory_space<hbm>>
      tpu.enqueue_dma source(%dma_start3A_312 : memref<80x128xi32, #tpu.memory_space<hbm>>) target(%arg7 : memref<80x128xi32, #tpu.memory_space<vmem>>) target_semaphore(%run_scoped3A : memref<!tpu.dma_semaphore, #tpu.memory_space<semaphore_mem>>)
      %dma_wait3A_313 = arith.constant 0 : i32
      %dma_wait3A_314 = tpu.memref_slice %arg4[%add3A_13, %dma_wait3A_313] : memref<2560x128xi32, #tpu.memory_space<hbm>> -> memref<80x128xi32, #tpu.memory_space<hbm>>
      %dma_wait3A_315 = arith.constant 0 : i32
      %dma_wait3A_316 = tpu.memref_slice %arg4[%add3A_13, %dma_wait3A_315] : memref<2560x128xi32, #tpu.memory_space<hbm>> -> memref<80x128xi32, #tpu.memory_space<hbm>>
      tpu.wait_dma2 semaphore(%run_scoped3A : memref<!tpu.dma_semaphore, #tpu.memory_space<semaphore_mem>>) src(%dma_wait3A_316 : memref<80x128xi32, #tpu.memory_space<hbm>>) dst(%arg7 : memref<80x128xi32, #tpu.memory_space<vmem>>)
      tpu.yield
    }) : () -> ()
    %dma_start3A = arith.constant 0 : i32
    %dma_start3A_14 = arith.constant 0 : i32
    %dma_start3A_15 = arith.constant 0 : i32
    %dma_start3A_16 = arith.constant 0 : i32
    %dma_start3A_17 = tpu.memref_slice %arg8[%dma_start3A_14, %dma_start3A_15, %dma_start3A_16] : memref<5x128x64xf32, #tpu.memory_space<vmem>> -> memref<1x128x64xf32, #tpu.memory_space<vmem>>
    %dma_start3A_18 = tpu.memref_squeeze %dma_start3A_17 : memref<1x128x64xf32, #tpu.memory_space<vmem>> -> memref<128x64xf32, #tpu.memory_space<vmem>>
    %dma_start3A_19 = arith.constant 0 : i32
    %dma_start3A_20 = tpu.memref_slice %arg6[%dma_start3A, %dma_start3A_19] : memref<80x128xi32, #tpu.memory_space<vmem>> -> memref<1x128xi32, #tpu.memory_space<vmem>>
    %dma_start3A_21 = tpu.memref_squeeze %dma_start3A_20 : memref<1x128xi32, #tpu.memory_space<vmem>> -> memref<128xi32, #tpu.memory_space<vmem>>
    %dma_start3A_22 = arith.constant 0 : i32
    %dma_start3A_23 = arith.constant 0 : i32
    %dma_start3A_24 = tpu.memref_slice %arg2[%arg0, %dma_start3A_22, %dma_start3A_23] : memref<2x10000x64xf32, #tpu.memory_space<hbm>> -> memref<1x10000x64xf32, #tpu.memory_space<hbm>>
    %dma_start3A_25 = tpu.memref_squeeze %dma_start3A_24 : memref<1x10000x64xf32, #tpu.memory_space<hbm>> -> memref<10000x64xf32, #tpu.memory_space<hbm>>
    %dma_start3A_26 = arith.constant 0 : i32
    %dma_start3A_27 = arith.constant 0 : i32
    %dma_start3A_28 = tpu.memref_slice %dma_start3A_25[%dma_start3A_26, %dma_start3A_27] : memref<10000x64xf32, #tpu.memory_space<hbm>> -> memref<10000x64xf32, #tpu.memory_space<hbm>>
    tpu.enqueue_indirect_dma source(%dma_start3A_28 : memref<10000x64xf32, #tpu.memory_space<hbm>>) target(%dma_start3A_18 : memref<128x64xf32, #tpu.memory_space<vmem>>) offsets(%dma_start3A_21 : memref<128xi32, #tpu.memory_space<vmem>>) semaphore(%arg11 : memref<!tpu.dma_semaphore, #tpu.memory_space<semaphore_mem>>)
    %dma_start3A_29 = arith.constant 1 : i32
    %dma_start3A_30 = arith.constant 1 : i32
    %dma_start3A_31 = arith.constant 0 : i32
    %dma_start3A_32 = arith.constant 0 : i32
    %dma_start3A_33 = tpu.memref_slice %arg8[%dma_start3A_30, %dma_start3A_31, %dma_start3A_32] : memref<5x128x64xf32, #tpu.memory_space<vmem>> -> memref<1x128x64xf32, #tpu.memory_space<vmem>>
    %dma_start3A_34 = tpu.memref_squeeze %dma_start3A_33 : memref<1x128x64xf32, #tpu.memory_space<vmem>> -> memref<128x64xf32, #tpu.memory_space<vmem>>
    %dma_start3A_35 = arith.constant 0 : i32
    %dma_start3A_36 = tpu.memref_slice %arg6[%dma_start3A_29, %dma_start3A_35] : memref<80x128xi32, #tpu.memory_space<vmem>> -> memref<1x128xi32, #tpu.memory_space<vmem>>
    %dma_start3A_37 = tpu.memref_squeeze %dma_start3A_36 : memref<1x128xi32, #tpu.memory_space<vmem>> -> memref<128xi32, #tpu.memory_space<vmem>>
    %dma_start3A_38 = arith.constant 0 : i32
    %dma_start3A_39 = arith.constant 0 : i32
    %dma_start3A_40 = tpu.memref_slice %arg2[%arg0, %dma_start3A_38, %dma_start3A_39] : memref<2x10000x64xf32, #tpu.memory_space<hbm>> -> memref<1x10000x64xf32, #tpu.memory_space<hbm>>
    %dma_start3A_41 = tpu.memref_squeeze %dma_start3A_40 : memref<1x10000x64xf32, #tpu.memory_space<hbm>> -> memref<10000x64xf32, #tpu.memory_space<hbm>>
    %dma_start3A_42 = arith.constant 0 : i32
    %dma_start3A_43 = arith.constant 0 : i32
    %dma_start3A_44 = tpu.memref_slice %dma_start3A_41[%dma_start3A_42, %dma_start3A_43] : memref<10000x64xf32, #tpu.memory_space<hbm>> -> memref<10000x64xf32, #tpu.memory_space<hbm>>
    tpu.enqueue_indirect_dma source(%dma_start3A_44 : memref<10000x64xf32, #tpu.memory_space<hbm>>) target(%dma_start3A_34 : memref<128x64xf32, #tpu.memory_space<vmem>>) offsets(%dma_start3A_37 : memref<128xi32, #tpu.memory_space<vmem>>) semaphore(%arg12 : memref<!tpu.dma_semaphore, #tpu.memory_space<semaphore_mem>>)
    %dma_start3A_45 = arith.constant 2 : i32
    %dma_start3A_46 = arith.constant 2 : i32
    %dma_start3A_47 = arith.constant 0 : i32
    %dma_start3A_48 = arith.constant 0 : i32
    %dma_start3A_49 = tpu.memref_slice %arg8[%dma_start3A_46, %dma_start3A_47, %dma_start3A_48] : memref<5x128x64xf32, #tpu.memory_space<vmem>> -> memref<1x128x64xf32, #tpu.memory_space<vmem>>
    %dma_start3A_50 = tpu.memref_squeeze %dma_start3A_49 : memref<1x128x64xf32, #tpu.memory_space<vmem>> -> memref<128x64xf32, #tpu.memory_space<vmem>>
    %dma_start3A_51 = arith.constant 0 : i32
    %dma_start3A_52 = tpu.memref_slice %arg6[%dma_start3A_45, %dma_start3A_51] : memref<80x128xi32, #tpu.memory_space<vmem>> -> memref<1x128xi32, #tpu.memory_space<vmem>>
    %dma_start3A_53 = tpu.memref_squeeze %dma_start3A_52 : memref<1x128xi32, #tpu.memory_space<vmem>> -> memref<128xi32, #tpu.memory_space<vmem>>
    %dma_start3A_54 = arith.constant 0 : i32
    %dma_start3A_55 = arith.constant 0 : i32
    %dma_start3A_56 = tpu.memref_slice %arg2[%arg0, %dma_start3A_54, %dma_start3A_55] : memref<2x10000x64xf32, #tpu.memory_space<hbm>> -> memref<1x10000x64xf32, #tpu.memory_space<hbm>>
    %dma_start3A_57 = tpu.memref_squeeze %dma_start3A_56 : memref<1x10000x64xf32, #tpu.memory_space<hbm>> -> memref<10000x64xf32, #tpu.memory_space<hbm>>
    %dma_start3A_58 = arith.constant 0 : i32
    %dma_start3A_59 = arith.constant 0 : i32
    %dma_start3A_60 = tpu.memref_slice %dma_start3A_57[%dma_start3A_58, %dma_start3A_59] : memref<10000x64xf32, #tpu.memory_space<hbm>> -> memref<10000x64xf32, #tpu.memory_space<hbm>>
    tpu.enqueue_indirect_dma source(%dma_start3A_60 : memref<10000x64xf32, #tpu.memory_space<hbm>>) target(%dma_start3A_50 : memref<128x64xf32, #tpu.memory_space<vmem>>) offsets(%dma_start3A_53 : memref<128xi32, #tpu.memory_space<vmem>>) semaphore(%arg13 : memref<!tpu.dma_semaphore, #tpu.memory_space<semaphore_mem>>)
    %dma_start3A_61 = arith.constant 3 : i32
    %dma_start3A_62 = arith.constant 3 : i32
    %dma_start3A_63 = arith.constant 0 : i32
    %dma_start3A_64 = arith.constant 0 : i32
    %dma_start3A_65 = tpu.memref_slice %arg8[%dma_start3A_62, %dma_start3A_63, %dma_start3A_64] : memref<5x128x64xf32, #tpu.memory_space<vmem>> -> memref<1x128x64xf32, #tpu.memory_space<vmem>>
    %dma_start3A_66 = tpu.memref_squeeze %dma_start3A_65 : memref<1x128x64xf32, #tpu.memory_space<vmem>> -> memref<128x64xf32, #tpu.memory_space<vmem>>
    %dma_start3A_67 = arith.constant 0 : i32
    %dma_start3A_68 = tpu.memref_slice %arg6[%dma_start3A_61, %dma_start3A_67] : memref<80x128xi32, #tpu.memory_space<vmem>> -> memref<1x128xi32, #tpu.memory_space<vmem>>
    %dma_start3A_69 = tpu.memref_squeeze %dma_start3A_68 : memref<1x128xi32, #tpu.memory_space<vmem>> -> memref<128xi32, #tpu.memory_space<vmem>>
    %dma_start3A_70 = arith.constant 0 : i32
    %dma_start3A_71 = arith.constant 0 : i32
    %dma_start3A_72 = tpu.memref_slice %arg2[%arg0, %dma_start3A_70, %dma_start3A_71] : memref<2x10000x64xf32, #tpu.memory_space<hbm>> -> memref<1x10000x64xf32, #tpu.memory_space<hbm>>
    %dma_start3A_73 = tpu.memref_squeeze %dma_start3A_72 : memref<1x10000x64xf32, #tpu.memory_space<hbm>> -> memref<10000x64xf32, #tpu.memory_space<hbm>>
    %dma_start3A_74 = arith.constant 0 : i32
    %dma_start3A_75 = arith.constant 0 : i32
    %dma_start3A_76 = tpu.memref_slice %dma_start3A_73[%dma_start3A_74, %dma_start3A_75] : memref<10000x64xf32, #tpu.memory_space<hbm>> -> memref<10000x64xf32, #tpu.memory_space<hbm>>
    tpu.enqueue_indirect_dma source(%dma_start3A_76 : memref<10000x64xf32, #tpu.memory_space<hbm>>) target(%dma_start3A_66 : memref<128x64xf32, #tpu.memory_space<vmem>>) offsets(%dma_start3A_69 : memref<128xi32, #tpu.memory_space<vmem>>) semaphore(%arg14 : memref<!tpu.dma_semaphore, #tpu.memory_space<semaphore_mem>>)
    %dma_start3A_77 = arith.constant 4 : i32
    %dma_start3A_78 = arith.constant 4 : i32
    %dma_start3A_79 = arith.constant 0 : i32
    %dma_start3A_80 = arith.constant 0 : i32
    %dma_start3A_81 = tpu.memref_slice %arg8[%dma_start3A_78, %dma_start3A_79, %dma_start3A_80] : memref<5x128x64xf32, #tpu.memory_space<vmem>> -> memref<1x128x64xf32, #tpu.memory_space<vmem>>
    %dma_start3A_82 = tpu.memref_squeeze %dma_start3A_81 : memref<1x128x64xf32, #tpu.memory_space<vmem>> -> memref<128x64xf32, #tpu.memory_space<vmem>>
    %dma_start3A_83 = arith.constant 0 : i32
    %dma_start3A_84 = tpu.memref_slice %arg6[%dma_start3A_77, %dma_start3A_83] : memref<80x128xi32, #tpu.memory_space<vmem>> -> memref<1x128xi32, #tpu.memory_space<vmem>>
    %dma_start3A_85 = tpu.memref_squeeze %dma_start3A_84 : memref<1x128xi32, #tpu.memory_space<vmem>> -> memref<128xi32, #tpu.memory_space<vmem>>
    %dma_start3A_86 = arith.constant 0 : i32
    %dma_start3A_87 = arith.constant 0 : i32
    %dma_start3A_88 = tpu.memref_slice %arg2[%arg0, %dma_start3A_86, %dma_start3A_87] : memref<2x10000x64xf32, #tpu.memory_space<hbm>> -> memref<1x10000x64xf32, #tpu.memory_space<hbm>>
    %dma_start3A_89 = tpu.memref_squeeze %dma_start3A_88 : memref<1x10000x64xf32, #tpu.memory_space<hbm>> -> memref<10000x64xf32, #tpu.memory_space<hbm>>
    %dma_start3A_90 = arith.constant 0 : i32
    %dma_start3A_91 = arith.constant 0 : i32
    %dma_start3A_92 = tpu.memref_slice %dma_start3A_89[%dma_start3A_90, %dma_start3A_91] : memref<10000x64xf32, #tpu.memory_space<hbm>> -> memref<10000x64xf32, #tpu.memory_space<hbm>>
    tpu.enqueue_indirect_dma source(%dma_start3A_92 : memref<10000x64xf32, #tpu.memory_space<hbm>>) target(%dma_start3A_82 : memref<128x64xf32, #tpu.memory_space<vmem>>) offsets(%dma_start3A_85 : memref<128xi32, #tpu.memory_space<vmem>>) semaphore(%arg15 : memref<!tpu.dma_semaphore, #tpu.memory_space<semaphore_mem>>)
    %scan3A_93 = arith.constant 0 : i32
    %scan3A_94 = arith.constant 16 : i32
    %scan3A_95 = arith.addi %scan3A_93, %scan3A_94 : i32
    %scan3A_96 = arith.constant 1 : i32
    scf.for %scan3A_309 = %scan3A_93 to %scan3A_95 step %scan3A_96  : i32 {
      %mul3A_310 = arith.constant 5 : i32
      %mul3A_311 = arith.muli %scan3A_309, %mul3A_310 : i32
      %add3A_312 = arith.constant 0 : i32
      %add3A_313 = arith.addi %add3A_312, %mul3A_311 : i32
      %add3A_314 = arith.constant 0 : i32
      %add3A_315 = arith.addi %add3A_313, %add3A_314 : i32
      %dma_wait3A_316 = arith.constant 0 : i32
      %dma_wait3A_317 = arith.constant 0 : i32
      %dma_wait3A_318 = arith.constant 0 : i32
      %dma_wait3A_319 = arith.constant 0 : i32
      %dma_wait3A_320 = tpu.memref_slice %arg8[%dma_wait3A_317, %dma_wait3A_318, %dma_wait3A_319] : memref<5x128x64xf32, #tpu.memory_space<vmem>> -> memref<1x128x64xf32, #tpu.memory_space<vmem>>
      %dma_wait3A_321 = tpu.memref_squeeze %dma_wait3A_320 : memref<1x128x64xf32, #tpu.memory_space<vmem>> -> memref<128x64xf32, #tpu.memory_space<vmem>>
      %dma_wait3A_322 = arith.constant 0 : i32
      %dma_wait3A_323 = tpu.memref_slice %arg6[%dma_wait3A_316, %dma_wait3A_322] : memref<80x128xi32, #tpu.memory_space<vmem>> -> memref<1x128xi32, #tpu.memory_space<vmem>>
      %dma_wait3A_324 = tpu.memref_squeeze %dma_wait3A_323 : memref<1x128xi32, #tpu.memory_space<vmem>> -> memref<128xi32, #tpu.memory_space<vmem>>
      %dma_wait3A_325 = arith.constant 0 : i32
      %dma_wait3A_326 = arith.constant 0 : i32
      %dma_wait3A_327 = tpu.memref_slice %arg2[%arg0, %dma_wait3A_325, %dma_wait3A_326] : memref<2x10000x64xf32, #tpu.memory_space<hbm>> -> memref<1x10000x64xf32, #tpu.memory_space<hbm>>
      %dma_wait3A_328 = tpu.memref_squeeze %dma_wait3A_327 : memref<1x10000x64xf32, #tpu.memory_space<hbm>> -> memref<10000x64xf32, #tpu.memory_space<hbm>>
      %dma_wait3A_329 = arith.constant 0 : i32
      %dma_wait3A_330 = arith.constant 0 : i32
      %dma_wait3A_331 = tpu.memref_slice %dma_wait3A_328[%dma_wait3A_329, %dma_wait3A_330] : memref<10000x64xf32, #tpu.memory_space<hbm>> -> memref<10000x64xf32, #tpu.memory_space<hbm>>
      tpu.wait_indirect_dma semaphore(%arg11 : memref<!tpu.dma_semaphore, #tpu.memory_space<semaphore_mem>>) src(%dma_wait3A_331 : memref<10000x64xf32, #tpu.memory_space<hbm>>) dst(%dma_wait3A_321 : memref<128x64xf32, #tpu.memory_space<vmem>>)
      %dma_start3A_332 = arith.constant 0 : i32
      %dma_start3A_333 = arith.constant 0 : i32
      %dma_start3A_334 = arith.constant 0 : i32
      %dma_start3A_335 = tpu.memref_slice %arg8[%dma_start3A_332, %dma_start3A_333, %dma_start3A_334] : memref<5x128x64xf32, #tpu.memory_space<vmem>> -> memref<1x128x64xf32, #tpu.memory_space<vmem>>
      %dma_start3A_336 = tpu.memref_squeeze %dma_start3A_335 : memref<1x128x64xf32, #tpu.memory_space<vmem>> -> memref<128x64xf32, #tpu.memory_space<vmem>>
      %dma_start3A_337 = arith.constant 0 : i32
      %dma_start3A_338 = tpu.memref_slice %arg7[%add3A_315, %dma_start3A_337] : memref<80x128xi32, #tpu.memory_space<vmem>> -> memref<1x128xi32, #tpu.memory_space<vmem>>
      %dma_start3A_339 = tpu.memref_squeeze %dma_start3A_338 : memref<1x128xi32, #tpu.memory_space<vmem>> -> memref<128xi32, #tpu.memory_space<vmem>>
      %dma_start3A_340 = arith.constant 0 : i32
      %dma_start3A_341 = arith.constant 0 : i32
      %dma_start3A_342 = tpu.memref_slice %arg10[%dma_start3A_340, %dma_start3A_341] : memref<10240x64xf32, #tpu.memory_space<vmem_shared>> -> memref<10240x64xf32, #tpu.memory_space<vmem_shared>>
      tpu.enqueue_indirect_dma source(%dma_start3A_336 : memref<128x64xf32, #tpu.memory_space<vmem>>) target(%dma_start3A_342 : memref<10240x64xf32, #tpu.memory_space<vmem_shared>>) offsets(%dma_start3A_339 : memref<128xi32, #tpu.memory_space<vmem>>) semaphore(%arg16 : memref<!tpu.dma_semaphore, #tpu.memory_space<semaphore_mem>>) {add = true}
      %add3A_343 = arith.constant 5 : i32
      %add3A_344 = arith.addi %add3A_315, %add3A_343 : i32
      %lt3A = arith.constant 80 : i32
      %lt3A_345 = arith.cmpi slt, %add3A_344, %lt3A : i32
      %convert_element_type3A = arith.extui %lt3A_345 : i1 to i32
      %cond3A = arith.constant 0 : i32
      %cond3A_346 = arith.cmpi ne, %convert_element_type3A, %cond3A : i32
      scf.if %cond3A_346 {
        %dma_wait3A_491 = arith.constant 0 : i32
        %dma_wait3A_492 = arith.constant 0 : i32
        %dma_wait3A_493 = arith.constant 0 : i32
        %dma_wait3A_494 = arith.constant 0 : i32
        %dma_wait3A_495 = tpu.memref_slice %arg8[%dma_wait3A_491, %dma_wait3A_493, %dma_wait3A_494] : memref<5x128x64xf32, #tpu.memory_space<vmem>> -> memref<1x128x64xf32, #tpu.memory_space<vmem>>
        %dma_wait3A_496 = tpu.memref_squeeze %dma_wait3A_495 : memref<1x128x64xf32, #tpu.memory_space<vmem>> -> memref<128x64xf32, #tpu.memory_space<vmem>>
        %dma_wait3A_497 = arith.constant 0 : i32
        %dma_wait3A_498 = tpu.memref_slice %arg7[%dma_wait3A_492, %dma_wait3A_497] : memref<80x128xi32, #tpu.memory_space<vmem>> -> memref<1x128xi32, #tpu.memory_space<vmem>>
        %dma_wait3A_499 = tpu.memref_squeeze %dma_wait3A_498 : memref<1x128xi32, #tpu.memory_space<vmem>> -> memref<128xi32, #tpu.memory_space<vmem>>
        %dma_wait3A_500 = arith.constant 0 : i32
        %dma_wait3A_501 = arith.constant 0 : i32
        %dma_wait3A_502 = tpu.memref_slice %arg10[%dma_wait3A_500, %dma_wait3A_501] : memref<10240x64xf32, #tpu.memory_space<vmem_shared>> -> memref<10240x64xf32, #tpu.memory_space<vmem_shared>>
        tpu.wait_indirect_dma semaphore(%arg16 : memref<!tpu.dma_semaphore, #tpu.memory_space<semaphore_mem>>) src(%dma_wait3A_496 : memref<128x64xf32, #tpu.memory_space<vmem>>) dst(%dma_wait3A_502 : memref<10240x64xf32, #tpu.memory_space<vmem_shared>>)
        %add3A_503 = arith.constant 5 : i32
        %add3A_504 = arith.addi %add3A_315, %add3A_503 : i32
        %dma_start3A_505 = arith.constant 0 : i32
        %dma_start3A_506 = arith.constant 0 : i32
        %dma_start3A_507 = arith.constant 0 : i32
        %dma_start3A_508 = tpu.memref_slice %arg8[%dma_start3A_505, %dma_start3A_506, %dma_start3A_507] : memref<5x128x64xf32, #tpu.memory_space<vmem>> -> memref<1x128x64xf32, #tpu.memory_space<vmem>>
        %dma_start3A_509 = tpu.memref_squeeze %dma_start3A_508 : memref<1x128x64xf32, #tpu.memory_space<vmem>> -> memref<128x64xf32, #tpu.memory_space<vmem>>
        %dma_start3A_510 = arith.constant 0 : i32
        %dma_start3A_511 = tpu.memref_slice %arg6[%add3A_504, %dma_start3A_510] : memref<80x128xi32, #tpu.memory_space<vmem>> -> memref<1x128xi32, #tpu.memory_space<vmem>>
        %dma_start3A_512 = tpu.memref_squeeze %dma_start3A_511 : memref<1x128xi32, #tpu.memory_space<vmem>> -> memref<128xi32, #tpu.memory_space<vmem>>
        %dma_start3A_513 = arith.constant 0 : i32
        %dma_start3A_514 = arith.constant 0 : i32
        %dma_start3A_515 = tpu.memref_slice %arg2[%arg0, %dma_start3A_513, %dma_start3A_514] : memref<2x10000x64xf32, #tpu.memory_space<hbm>> -> memref<1x10000x64xf32, #tpu.memory_space<hbm>>
        %dma_start3A_516 = tpu.memref_squeeze %dma_start3A_515 : memref<1x10000x64xf32, #tpu.memory_space<hbm>> -> memref<10000x64xf32, #tpu.memory_space<hbm>>
        %dma_start3A_517 = arith.constant 0 : i32
        %dma_start3A_518 = arith.constant 0 : i32
        %dma_start3A_519 = tpu.memref_slice %dma_start3A_516[%dma_start3A_517, %dma_start3A_518] : memref<10000x64xf32, #tpu.memory_space<hbm>> -> memref<10000x64xf32, #tpu.memory_space<hbm>>
        tpu.enqueue_indirect_dma source(%dma_start3A_519 : memref<10000x64xf32, #tpu.memory_space<hbm>>) target(%dma_start3A_509 : memref<128x64xf32, #tpu.memory_space<vmem>>) offsets(%dma_start3A_512 : memref<128xi32, #tpu.memory_space<vmem>>) semaphore(%arg11 : memref<!tpu.dma_semaphore, #tpu.memory_space<semaphore_mem>>)
      } else {
      }
      %add3A_347 = arith.constant 1 : i32
      %add3A_348 = arith.addi %add3A_313, %add3A_347 : i32
      %dma_wait3A_349 = arith.constant 0 : i32
      %dma_wait3A_350 = arith.constant 1 : i32
      %dma_wait3A_351 = arith.constant 0 : i32
      %dma_wait3A_352 = arith.constant 0 : i32
      %dma_wait3A_353 = tpu.memref_slice %arg8[%dma_wait3A_350, %dma_wait3A_351, %dma_wait3A_352] : memref<5x128x64xf32, #tpu.memory_space<vmem>> -> memref<1x128x64xf32, #tpu.memory_space<vmem>>
      %dma_wait3A_354 = tpu.memref_squeeze %dma_wait3A_353 : memref<1x128x64xf32, #tpu.memory_space<vmem>> -> memref<128x64xf32, #tpu.memory_space<vmem>>
      %dma_wait3A_355 = arith.constant 0 : i32
      %dma_wait3A_356 = tpu.memref_slice %arg6[%dma_wait3A_349, %dma_wait3A_355] : memref<80x128xi32, #tpu.memory_space<vmem>> -> memref<1x128xi32, #tpu.memory_space<vmem>>
      %dma_wait3A_357 = tpu.memref_squeeze %dma_wait3A_356 : memref<1x128xi32, #tpu.memory_space<vmem>> -> memref<128xi32, #tpu.memory_space<vmem>>
      %dma_wait3A_358 = arith.constant 0 : i32
      %dma_wait3A_359 = arith.constant 0 : i32
      %dma_wait3A_360 = tpu.memref_slice %arg2[%arg0, %dma_wait3A_358, %dma_wait3A_359] : memref<2x10000x64xf32, #tpu.memory_space<hbm>> -> memref<1x10000x64xf32, #tpu.memory_space<hbm>>
      %dma_wait3A_361 = tpu.memref_squeeze %dma_wait3A_360 : memref<1x10000x64xf32, #tpu.memory_space<hbm>> -> memref<10000x64xf32, #tpu.memory_space<hbm>>
      %dma_wait3A_362 = arith.constant 0 : i32
      %dma_wait3A_363 = arith.constant 0 : i32
      %dma_wait3A_364 = tpu.memref_slice %dma_wait3A_361[%dma_wait3A_362, %dma_wait3A_363] : memref<10000x64xf32, #tpu.memory_space<hbm>> -> memref<10000x64xf32, #tpu.memory_space<hbm>>
      tpu.wait_indirect_dma semaphore(%arg12 : memref<!tpu.dma_semaphore, #tpu.memory_space<semaphore_mem>>) src(%dma_wait3A_364 : memref<10000x64xf32, #tpu.memory_space<hbm>>) dst(%dma_wait3A_354 : memref<128x64xf32, #tpu.memory_space<vmem>>)
      %dma_start3A_365 = arith.constant 1 : i32
      %dma_start3A_366 = arith.constant 0 : i32
      %dma_start3A_367 = arith.constant 0 : i32
      %dma_start3A_368 = tpu.memref_slice %arg8[%dma_start3A_365, %dma_start3A_366, %dma_start3A_367] : memref<5x128x64xf32, #tpu.memory_space<vmem>> -> memref<1x128x64xf32, #tpu.memory_space<vmem>>
      %dma_start3A_369 = tpu.memref_squeeze %dma_start3A_368 : memref<1x128x64xf32, #tpu.memory_space<vmem>> -> memref<128x64xf32, #tpu.memory_space<vmem>>
      %dma_start3A_370 = arith.constant 0 : i32
      %dma_start3A_371 = tpu.memref_slice %arg7[%add3A_348, %dma_start3A_370] : memref<80x128xi32, #tpu.memory_space<vmem>> -> memref<1x128xi32, #tpu.memory_space<vmem>>
      %dma_start3A_372 = tpu.memref_squeeze %dma_start3A_371 : memref<1x128xi32, #tpu.memory_space<vmem>> -> memref<128xi32, #tpu.memory_space<vmem>>
      %dma_start3A_373 = arith.constant 0 : i32
      %dma_start3A_374 = arith.constant 0 : i32
      %dma_start3A_375 = tpu.memref_slice %arg10[%dma_start3A_373, %dma_start3A_374] : memref<10240x64xf32, #tpu.memory_space<vmem_shared>> -> memref<10240x64xf32, #tpu.memory_space<vmem_shared>>
      tpu.enqueue_indirect_dma source(%dma_start3A_369 : memref<128x64xf32, #tpu.memory_space<vmem>>) target(%dma_start3A_375 : memref<10240x64xf32, #tpu.memory_space<vmem_shared>>) offsets(%dma_start3A_372 : memref<128xi32, #tpu.memory_space<vmem>>) semaphore(%arg17 : memref<!tpu.dma_semaphore, #tpu.memory_space<semaphore_mem>>) {add = true}
      %add3A_376 = arith.constant 5 : i32
      %add3A_377 = arith.addi %add3A_348, %add3A_376 : i32
      %lt3A_378 = arith.constant 80 : i32
      %lt3A_379 = arith.cmpi slt, %add3A_377, %lt3A_378 : i32
      %convert_element_type3A_380 = arith.extui %lt3A_379 : i1 to i32
      %cond3A_381 = arith.constant 0 : i32
      %cond3A_382 = arith.cmpi ne, %convert_element_type3A_380, %cond3A_381 : i32
      scf.if %cond3A_382 {
        %dma_wait3A_491 = arith.constant 1 : i32
        %dma_wait3A_492 = arith.constant 0 : i32
        %dma_wait3A_493 = arith.constant 0 : i32
        %dma_wait3A_494 = arith.constant 0 : i32
        %dma_wait3A_495 = tpu.memref_slice %arg8[%dma_wait3A_491, %dma_wait3A_493, %dma_wait3A_494] : memref<5x128x64xf32, #tpu.memory_space<vmem>> -> memref<1x128x64xf32, #tpu.memory_space<vmem>>
        %dma_wait3A_496 = tpu.memref_squeeze %dma_wait3A_495 : memref<1x128x64xf32, #tpu.memory_space<vmem>> -> memref<128x64xf32, #tpu.memory_space<vmem>>
        %dma_wait3A_497 = arith.constant 0 : i32
        %dma_wait3A_498 = tpu.memref_slice %arg7[%dma_wait3A_492, %dma_wait3A_497] : memref<80x128xi32, #tpu.memory_space<vmem>> -> memref<1x128xi32, #tpu.memory_space<vmem>>
        %dma_wait3A_499 = tpu.memref_squeeze %dma_wait3A_498 : memref<1x128xi32, #tpu.memory_space<vmem>> -> memref<128xi32, #tpu.memory_space<vmem>>
        %dma_wait3A_500 = arith.constant 0 : i32
        %dma_wait3A_501 = arith.constant 0 : i32
        %dma_wait3A_502 = tpu.memref_slice %arg10[%dma_wait3A_500, %dma_wait3A_501] : memref<10240x64xf32, #tpu.memory_space<vmem_shared>> -> memref<10240x64xf32, #tpu.memory_space<vmem_shared>>
        tpu.wait_indirect_dma semaphore(%arg17 : memref<!tpu.dma_semaphore, #tpu.memory_space<semaphore_mem>>) src(%dma_wait3A_496 : memref<128x64xf32, #tpu.memory_space<vmem>>) dst(%dma_wait3A_502 : memref<10240x64xf32, #tpu.memory_space<vmem_shared>>)
        %add3A_503 = arith.constant 5 : i32
        %add3A_504 = arith.addi %add3A_348, %add3A_503 : i32
        %dma_start3A_505 = arith.constant 1 : i32
        %dma_start3A_506 = arith.constant 0 : i32
        %dma_start3A_507 = arith.constant 0 : i32
        %dma_start3A_508 = tpu.memref_slice %arg8[%dma_start3A_505, %dma_start3A_506, %dma_start3A_507] : memref<5x128x64xf32, #tpu.memory_space<vmem>> -> memref<1x128x64xf32, #tpu.memory_space<vmem>>
        %dma_start3A_509 = tpu.memref_squeeze %dma_start3A_508 : memref<1x128x64xf32, #tpu.memory_space<vmem>> -> memref<128x64xf32, #tpu.memory_space<vmem>>
        %dma_start3A_510 = arith.constant 0 : i32
        %dma_start3A_511 = tpu.memref_slice %arg6[%add3A_504, %dma_start3A_510] : memref<80x128xi32, #tpu.memory_space<vmem>> -> memref<1x128xi32, #tpu.memory_space<vmem>>
        %dma_start3A_512 = tpu.memref_squeeze %dma_start3A_511 : memref<1x128xi32, #tpu.memory_space<vmem>> -> memref<128xi32, #tpu.memory_space<vmem>>
        %dma_start3A_513 = arith.constant 0 : i32
        %dma_start3A_514 = arith.constant 0 : i32
        %dma_start3A_515 = tpu.memref_slice %arg2[%arg0, %dma_start3A_513, %dma_start3A_514] : memref<2x10000x64xf32, #tpu.memory_space<hbm>> -> memref<1x10000x64xf32, #tpu.memory_space<hbm>>
        %dma_start3A_516 = tpu.memref_squeeze %dma_start3A_515 : memref<1x10000x64xf32, #tpu.memory_space<hbm>> -> memref<10000x64xf32, #tpu.memory_space<hbm>>
        %dma_start3A_517 = arith.constant 0 : i32
        %dma_start3A_518 = arith.constant 0 : i32
        %dma_start3A_519 = tpu.memref_slice %dma_start3A_516[%dma_start3A_517, %dma_start3A_518] : memref<10000x64xf32, #tpu.memory_space<hbm>> -> memref<10000x64xf32, #tpu.memory_space<hbm>>
        tpu.enqueue_indirect_dma source(%dma_start3A_519 : memref<10000x64xf32, #tpu.memory_space<hbm>>) target(%dma_start3A_509 : memref<128x64xf32, #tpu.memory_space<vmem>>) offsets(%dma_start3A_512 : memref<128xi32, #tpu.memory_space<vmem>>) semaphore(%arg12 : memref<!tpu.dma_semaphore, #tpu.memory_space<semaphore_mem>>)
      } else {
      }
      %add3A_383 = arith.constant 2 : i32
      %add3A_384 = arith.addi %add3A_313, %add3A_383 : i32
      %dma_wait3A_385 = arith.constant 0 : i32
      %dma_wait3A_386 = arith.constant 2 : i32
      %dma_wait3A_387 = arith.constant 0 : i32
      %dma_wait3A_388 = arith.constant 0 : i32
      %dma_wait3A_389 = tpu.memref_slice %arg8[%dma_wait3A_386, %dma_wait3A_387, %dma_wait3A_388] : memref<5x128x64xf32, #tpu.memory_space<vmem>> -> memref<1x128x64xf32, #tpu.memory_space<vmem>>
      %dma_wait3A_390 = tpu.memref_squeeze %dma_wait3A_389 : memref<1x128x64xf32, #tpu.memory_space<vmem>> -> memref<128x64xf32, #tpu.memory_space<vmem>>
      %dma_wait3A_391 = arith.constant 0 : i32
      %dma_wait3A_392 = tpu.memref_slice %arg6[%dma_wait3A_385, %dma_wait3A_391] : memref<80x128xi32, #tpu.memory_space<vmem>> -> memref<1x128xi32, #tpu.memory_space<vmem>>
      %dma_wait3A_393 = tpu.memref_squeeze %dma_wait3A_392 : memref<1x128xi32, #tpu.memory_space<vmem>> -> memref<128xi32, #tpu.memory_space<vmem>>
      %dma_wait3A_394 = arith.constant 0 : i32
      %dma_wait3A_395 = arith.constant 0 : i32
      %dma_wait3A_396 = tpu.memref_slice %arg2[%arg0, %dma_wait3A_394, %dma_wait3A_395] : memref<2x10000x64xf32, #tpu.memory_space<hbm>> -> memref<1x10000x64xf32, #tpu.memory_space<hbm>>
      %dma_wait3A_397 = tpu.memref_squeeze %dma_wait3A_396 : memref<1x10000x64xf32, #tpu.memory_space<hbm>> -> memref<10000x64xf32, #tpu.memory_space<hbm>>
      %dma_wait3A_398 = arith.constant 0 : i32
      %dma_wait3A_399 = arith.constant 0 : i32
      %dma_wait3A_400 = tpu.memref_slice %dma_wait3A_397[%dma_wait3A_398, %dma_wait3A_399] : memref<10000x64xf32, #tpu.memory_space<hbm>> -> memref<10000x64xf32, #tpu.memory_space<hbm>>
      tpu.wait_indirect_dma semaphore(%arg13 : memref<!tpu.dma_semaphore, #tpu.memory_space<semaphore_mem>>) src(%dma_wait3A_400 : memref<10000x64xf32, #tpu.memory_space<hbm>>) dst(%dma_wait3A_390 : memref<128x64xf32, #tpu.memory_space<vmem>>)
      %dma_start3A_401 = arith.constant 2 : i32
      %dma_start3A_402 = arith.constant 0 : i32
      %dma_start3A_403 = arith.constant 0 : i32
      %dma_start3A_404 = tpu.memref_slice %arg8[%dma_start3A_401, %dma_start3A_402, %dma_start3A_403] : memref<5x128x64xf32, #tpu.memory_space<vmem>> -> memref<1x128x64xf32, #tpu.memory_space<vmem>>
      %dma_start3A_405 = tpu.memref_squeeze %dma_start3A_404 : memref<1x128x64xf32, #tpu.memory_space<vmem>> -> memref<128x64xf32, #tpu.memory_space<vmem>>
      %dma_start3A_406 = arith.constant 0 : i32
      %dma_start3A_407 = tpu.memref_slice %arg7[%add3A_384, %dma_start3A_406] : memref<80x128xi32, #tpu.memory_space<vmem>> -> memref<1x128xi32, #tpu.memory_space<vmem>>
      %dma_start3A_408 = tpu.memref_squeeze %dma_start3A_407 : memref<1x128xi32, #tpu.memory_space<vmem>> -> memref<128xi32, #tpu.memory_space<vmem>>
      %dma_start3A_409 = arith.constant 0 : i32
      %dma_start3A_410 = arith.constant 0 : i32
      %dma_start3A_411 = tpu.memref_slice %arg10[%dma_start3A_409, %dma_start3A_410] : memref<10240x64xf32, #tpu.memory_space<vmem_shared>> -> memref<10240x64xf32, #tpu.memory_space<vmem_shared>>
      tpu.enqueue_indirect_dma source(%dma_start3A_405 : memref<128x64xf32, #tpu.memory_space<vmem>>) target(%dma_start3A_411 : memref<10240x64xf32, #tpu.memory_space<vmem_shared>>) offsets(%dma_start3A_408 : memref<128xi32, #tpu.memory_space<vmem>>) semaphore(%arg18 : memref<!tpu.dma_semaphore, #tpu.memory_space<semaphore_mem>>) {add = true}
      %add3A_412 = arith.constant 5 : i32
      %add3A_413 = arith.addi %add3A_384, %add3A_412 : i32
      %lt3A_414 = arith.constant 80 : i32
      %lt3A_415 = arith.cmpi slt, %add3A_413, %lt3A_414 : i32
      %convert_element_type3A_416 = arith.extui %lt3A_415 : i1 to i32
      %cond3A_417 = arith.constant 0 : i32
      %cond3A_418 = arith.cmpi ne, %convert_element_type3A_416, %cond3A_417 : i32
      scf.if %cond3A_418 {
        %dma_wait3A_491 = arith.constant 2 : i32
        %dma_wait3A_492 = arith.constant 0 : i32
        %dma_wait3A_493 = arith.constant 0 : i32
        %dma_wait3A_494 = arith.constant 0 : i32
        %dma_wait3A_495 = tpu.memref_slice %arg8[%dma_wait3A_491, %dma_wait3A_493, %dma_wait3A_494] : memref<5x128x64xf32, #tpu.memory_space<vmem>> -> memref<1x128x64xf32, #tpu.memory_space<vmem>>
        %dma_wait3A_496 = tpu.memref_squeeze %dma_wait3A_495 : memref<1x128x64xf32, #tpu.memory_space<vmem>> -> memref<128x64xf32, #tpu.memory_space<vmem>>
        %dma_wait3A_497 = arith.constant 0 : i32
        %dma_wait3A_498 = tpu.memref_slice %arg7[%dma_wait3A_492, %dma_wait3A_497] : memref<80x128xi32, #tpu.memory_space<vmem>> -> memref<1x128xi32, #tpu.memory_space<vmem>>
        %dma_wait3A_499 = tpu.memref_squeeze %dma_wait3A_498 : memref<1x128xi32, #tpu.memory_space<vmem>> -> memref<128xi32, #tpu.memory_space<vmem>>
        %dma_wait3A_500 = arith.constant 0 : i32
        %dma_wait3A_501 = arith.constant 0 : i32
        %dma_wait3A_502 = tpu.memref_slice %arg10[%dma_wait3A_500, %dma_wait3A_501] : memref<10240x64xf32, #tpu.memory_space<vmem_shared>> -> memref<10240x64xf32, #tpu.memory_space<vmem_shared>>
        tpu.wait_indirect_dma semaphore(%arg18 : memref<!tpu.dma_semaphore, #tpu.memory_space<semaphore_mem>>) src(%dma_wait3A_496 : memref<128x64xf32, #tpu.memory_space<vmem>>) dst(%dma_wait3A_502 : memref<10240x64xf32, #tpu.memory_space<vmem_shared>>)
        %add3A_503 = arith.constant 5 : i32
        %add3A_504 = arith.addi %add3A_384, %add3A_503 : i32
        %dma_start3A_505 = arith.constant 2 : i32
        %dma_start3A_506 = arith.constant 0 : i32
        %dma_start3A_507 = arith.constant 0 : i32
        %dma_start3A_508 = tpu.memref_slice %arg8[%dma_start3A_505, %dma_start3A_506, %dma_start3A_507] : memref<5x128x64xf32, #tpu.memory_space<vmem>> -> memref<1x128x64xf32, #tpu.memory_space<vmem>>
        %dma_start3A_509 = tpu.memref_squeeze %dma_start3A_508 : memref<1x128x64xf32, #tpu.memory_space<vmem>> -> memref<128x64xf32, #tpu.memory_space<vmem>>
        %dma_start3A_510 = arith.constant 0 : i32
        %dma_start3A_511 = tpu.memref_slice %arg6[%add3A_504, %dma_start3A_510] : memref<80x128xi32, #tpu.memory_space<vmem>> -> memref<1x128xi32, #tpu.memory_space<vmem>>
        %dma_start3A_512 = tpu.memref_squeeze %dma_start3A_511 : memref<1x128xi32, #tpu.memory_space<vmem>> -> memref<128xi32, #tpu.memory_space<vmem>>
        %dma_start3A_513 = arith.constant 0 : i32
        %dma_start3A_514 = arith.constant 0 : i32
        %dma_start3A_515 = tpu.memref_slice %arg2[%arg0, %dma_start3A_513, %dma_start3A_514] : memref<2x10000x64xf32, #tpu.memory_space<hbm>> -> memref<1x10000x64xf32, #tpu.memory_space<hbm>>
        %dma_start3A_516 = tpu.memref_squeeze %dma_start3A_515 : memref<1x10000x64xf32, #tpu.memory_space<hbm>> -> memref<10000x64xf32, #tpu.memory_space<hbm>>
        %dma_start3A_517 = arith.constant 0 : i32
        %dma_start3A_518 = arith.constant 0 : i32
        %dma_start3A_519 = tpu.memref_slice %dma_start3A_516[%dma_start3A_517, %dma_start3A_518] : memref<10000x64xf32, #tpu.memory_space<hbm>> -> memref<10000x64xf32, #tpu.memory_space<hbm>>
        tpu.enqueue_indirect_dma source(%dma_start3A_519 : memref<10000x64xf32, #tpu.memory_space<hbm>>) target(%dma_start3A_509 : memref<128x64xf32, #tpu.memory_space<vmem>>) offsets(%dma_start3A_512 : memref<128xi32, #tpu.memory_space<vmem>>) semaphore(%arg13 : memref<!tpu.dma_semaphore, #tpu.memory_space<semaphore_mem>>)
      } else {
      }
      %add3A_419 = arith.constant 3 : i32
      %add3A_420 = arith.addi %add3A_313, %add3A_419 : i32
      %dma_wait3A_421 = arith.constant 0 : i32
      %dma_wait3A_422 = arith.constant 3 : i32
      %dma_wait3A_423 = arith.constant 0 : i32
      %dma_wait3A_424 = arith.constant 0 : i32
      %dma_wait3A_425 = tpu.memref_slice %arg8[%dma_wait3A_422, %dma_wait3A_423, %dma_wait3A_424] : memref<5x128x64xf32, #tpu.memory_space<vmem>> -> memref<1x128x64xf32, #tpu.memory_space<vmem>>
      %dma_wait3A_426 = tpu.memref_squeeze %dma_wait3A_425 : memref<1x128x64xf32, #tpu.memory_space<vmem>> -> memref<128x64xf32, #tpu.memory_space<vmem>>
      %dma_wait3A_427 = arith.constant 0 : i32
      %dma_wait3A_428 = tpu.memref_slice %arg6[%dma_wait3A_421, %dma_wait3A_427] : memref<80x128xi32, #tpu.memory_space<vmem>> -> memref<1x128xi32, #tpu.memory_space<vmem>>
      %dma_wait3A_429 = tpu.memref_squeeze %dma_wait3A_428 : memref<1x128xi32, #tpu.memory_space<vmem>> -> memref<128xi32, #tpu.memory_space<vmem>>
      %dma_wait3A_430 = arith.constant 0 : i32
      %dma_wait3A_431 = arith.constant 0 : i32
      %dma_wait3A_432 = tpu.memref_slice %arg2[%arg0, %dma_wait3A_430, %dma_wait3A_431] : memref<2x10000x64xf32, #tpu.memory_space<hbm>> -> memref<1x10000x64xf32, #tpu.memory_space<hbm>>
      %dma_wait3A_433 = tpu.memref_squeeze %dma_wait3A_432 : memref<1x10000x64xf32, #tpu.memory_space<hbm>> -> memref<10000x64xf32, #tpu.memory_space<hbm>>
      %dma_wait3A_434 = arith.constant 0 : i32
      %dma_wait3A_435 = arith.constant 0 : i32
      %dma_wait3A_436 = tpu.memref_slice %dma_wait3A_433[%dma_wait3A_434, %dma_wait3A_435] : memref<10000x64xf32, #tpu.memory_space<hbm>> -> memref<10000x64xf32, #tpu.memory_space<hbm>>
      tpu.wait_indirect_dma semaphore(%arg14 : memref<!tpu.dma_semaphore, #tpu.memory_space<semaphore_mem>>) src(%dma_wait3A_436 : memref<10000x64xf32, #tpu.memory_space<hbm>>) dst(%dma_wait3A_426 : memref<128x64xf32, #tpu.memory_space<vmem>>)
      %dma_start3A_437 = arith.constant 3 : i32
      %dma_start3A_438 = arith.constant 0 : i32
      %dma_start3A_439 = arith.constant 0 : i32
      %dma_start3A_440 = tpu.memref_slice %arg8[%dma_start3A_437, %dma_start3A_438, %dma_start3A_439] : memref<5x128x64xf32, #tpu.memory_space<vmem>> -> memref<1x128x64xf32, #tpu.memory_space<vmem>>
      %dma_start3A_441 = tpu.memref_squeeze %dma_start3A_440 : memref<1x128x64xf32, #tpu.memory_space<vmem>> -> memref<128x64xf32, #tpu.memory_space<vmem>>
      %dma_start3A_442 = arith.constant 0 : i32
      %dma_start3A_443 = tpu.memref_slice %arg7[%add3A_420, %dma_start3A_442] : memref<80x128xi32, #tpu.memory_space<vmem>> -> memref<1x128xi32, #tpu.memory_space<vmem>>
      %dma_start3A_444 = tpu.memref_squeeze %dma_start3A_443 : memref<1x128xi32, #tpu.memory_space<vmem>> -> memref<128xi32, #tpu.memory_space<vmem>>
      %dma_start3A_445 = arith.constant 0 : i32
      %dma_start3A_446 = arith.constant 0 : i32
      %dma_start3A_447 = tpu.memref_slice %arg10[%dma_start3A_445, %dma_start3A_446] : memref<10240x64xf32, #tpu.memory_space<vmem_shared>> -> memref<10240x64xf32, #tpu.memory_space<vmem_shared>>
      tpu.enqueue_indirect_dma source(%dma_start3A_441 : memref<128x64xf32, #tpu.memory_space<vmem>>) target(%dma_start3A_447 : memref<10240x64xf32, #tpu.memory_space<vmem_shared>>) offsets(%dma_start3A_444 : memref<128xi32, #tpu.memory_space<vmem>>) semaphore(%arg19 : memref<!tpu.dma_semaphore, #tpu.memory_space<semaphore_mem>>) {add = true}
      %add3A_448 = arith.constant 5 : i32
      %add3A_449 = arith.addi %add3A_420, %add3A_448 : i32
      %lt3A_450 = arith.constant 80 : i32
      %lt3A_451 = arith.cmpi slt, %add3A_449, %lt3A_450 : i32
      %convert_element_type3A_452 = arith.extui %lt3A_451 : i1 to i32
      %cond3A_453 = arith.constant 0 : i32
      %cond3A_454 = arith.cmpi ne, %convert_element_type3A_452, %cond3A_453 : i32
      scf.if %cond3A_454 {
        %dma_wait3A_491 = arith.constant 3 : i32
        %dma_wait3A_492 = arith.constant 0 : i32
        %dma_wait3A_493 = arith.constant 0 : i32
        %dma_wait3A_494 = arith.constant 0 : i32
        %dma_wait3A_495 = tpu.memref_slice %arg8[%dma_wait3A_491, %dma_wait3A_493, %dma_wait3A_494] : memref<5x128x64xf32, #tpu.memory_space<vmem>> -> memref<1x128x64xf32, #tpu.memory_space<vmem>>
        %dma_wait3A_496 = tpu.memref_squeeze %dma_wait3A_495 : memref<1x128x64xf32, #tpu.memory_space<vmem>> -> memref<128x64xf32, #tpu.memory_space<vmem>>
        %dma_wait3A_497 = arith.constant 0 : i32
        %dma_wait3A_498 = tpu.memref_slice %arg7[%dma_wait3A_492, %dma_wait3A_497] : memref<80x128xi32, #tpu.memory_space<vmem>> -> memref<1x128xi32, #tpu.memory_space<vmem>>
        %dma_wait3A_499 = tpu.memref_squeeze %dma_wait3A_498 : memref<1x128xi32, #tpu.memory_space<vmem>> -> memref<128xi32, #tpu.memory_space<vmem>>
        %dma_wait3A_500 = arith.constant 0 : i32
        %dma_wait3A_501 = arith.constant 0 : i32
        %dma_wait3A_502 = tpu.memref_slice %arg10[%dma_wait3A_500, %dma_wait3A_501] : memref<10240x64xf32, #tpu.memory_space<vmem_shared>> -> memref<10240x64xf32, #tpu.memory_space<vmem_shared>>
        tpu.wait_indirect_dma semaphore(%arg19 : memref<!tpu.dma_semaphore, #tpu.memory_space<semaphore_mem>>) src(%dma_wait3A_496 : memref<128x64xf32, #tpu.memory_space<vmem>>) dst(%dma_wait3A_502 : memref<10240x64xf32, #tpu.memory_space<vmem_shared>>)
        %add3A_503 = arith.constant 5 : i32
        %add3A_504 = arith.addi %add3A_420, %add3A_503 : i32
        %dma_start3A_505 = arith.constant 3 : i32
        %dma_start3A_506 = arith.constant 0 : i32
        %dma_start3A_507 = arith.constant 0 : i32
        %dma_start3A_508 = tpu.memref_slice %arg8[%dma_start3A_505, %dma_start3A_506, %dma_start3A_507] : memref<5x128x64xf32, #tpu.memory_space<vmem>> -> memref<1x128x64xf32, #tpu.memory_space<vmem>>
        %dma_start3A_509 = tpu.memref_squeeze %dma_start3A_508 : memref<1x128x64xf32, #tpu.memory_space<vmem>> -> memref<128x64xf32, #tpu.memory_space<vmem>>
        %dma_start3A_510 = arith.constant 0 : i32
        %dma_start3A_511 = tpu.memref_slice %arg6[%add3A_504, %dma_start3A_510] : memref<80x128xi32, #tpu.memory_space<vmem>> -> memref<1x128xi32, #tpu.memory_space<vmem>>
        %dma_start3A_512 = tpu.memref_squeeze %dma_start3A_511 : memref<1x128xi32, #tpu.memory_space<vmem>> -> memref<128xi32, #tpu.memory_space<vmem>>
        %dma_start3A_513 = arith.constant 0 : i32
        %dma_start3A_514 = arith.constant 0 : i32
        %dma_start3A_515 = tpu.memref_slice %arg2[%arg0, %dma_start3A_513, %dma_start3A_514] : memref<2x10000x64xf32, #tpu.memory_space<hbm>> -> memref<1x10000x64xf32, #tpu.memory_space<hbm>>
        %dma_start3A_516 = tpu.memref_squeeze %dma_start3A_515 : memref<1x10000x64xf32, #tpu.memory_space<hbm>> -> memref<10000x64xf32, #tpu.memory_space<hbm>>
        %dma_start3A_517 = arith.constant 0 : i32
        %dma_start3A_518 = arith.constant 0 : i32
        %dma_start3A_519 = tpu.memref_slice %dma_start3A_516[%dma_start3A_517, %dma_start3A_518] : memref<10000x64xf32, #tpu.memory_space<hbm>> -> memref<10000x64xf32, #tpu.memory_space<hbm>>
        tpu.enqueue_indirect_dma source(%dma_start3A_519 : memref<10000x64xf32, #tpu.memory_space<hbm>>) target(%dma_start3A_509 : memref<128x64xf32, #tpu.memory_space<vmem>>) offsets(%dma_start3A_512 : memref<128xi32, #tpu.memory_space<vmem>>) semaphore(%arg14 : memref<!tpu.dma_semaphore, #tpu.memory_space<semaphore_mem>>)
      } else {
      }
      %add3A_455 = arith.constant 4 : i32
      %add3A_456 = arith.addi %add3A_313, %add3A_455 : i32
      %dma_wait3A_457 = arith.constant 0 : i32
      %dma_wait3A_458 = arith.constant 4 : i32
      %dma_wait3A_459 = arith.constant 0 : i32
      %dma_wait3A_460 = arith.constant 0 : i32
      %dma_wait3A_461 = tpu.memref_slice %arg8[%dma_wait3A_458, %dma_wait3A_459, %dma_wait3A_460] : memref<5x128x64xf32, #tpu.memory_space<vmem>> -> memref<1x128x64xf32, #tpu.memory_space<vmem>>
      %dma_wait3A_462 = tpu.memref_squeeze %dma_wait3A_461 : memref<1x128x64xf32, #tpu.memory_space<vmem>> -> memref<128x64xf32, #tpu.memory_space<vmem>>
      %dma_wait3A_463 = arith.constant 0 : i32
      %dma_wait3A_464 = tpu.memref_slice %arg6[%dma_wait3A_457, %dma_wait3A_463] : memref<80x128xi32, #tpu.memory_space<vmem>> -> memref<1x128xi32, #tpu.memory_space<vmem>>
      %dma_wait3A_465 = tpu.memref_squeeze %dma_wait3A_464 : memref<1x128xi32, #tpu.memory_space<vmem>> -> memref<128xi32, #tpu.memory_space<vmem>>
      %dma_wait3A_466 = arith.constant 0 : i32
      %dma_wait3A_467 = arith.constant 0 : i32
      %dma_wait3A_468 = tpu.memref_slice %arg2[%arg0, %dma_wait3A_466, %dma_wait3A_467] : memref<2x10000x64xf32, #tpu.memory_space<hbm>> -> memref<1x10000x64xf32, #tpu.memory_space<hbm>>
      %dma_wait3A_469 = tpu.memref_squeeze %dma_wait3A_468 : memref<1x10000x64xf32, #tpu.memory_space<hbm>> -> memref<10000x64xf32, #tpu.memory_space<hbm>>
      %dma_wait3A_470 = arith.constant 0 : i32
      %dma_wait3A_471 = arith.constant 0 : i32
      %dma_wait3A_472 = tpu.memref_slice %dma_wait3A_469[%dma_wait3A_470, %dma_wait3A_471] : memref<10000x64xf32, #tpu.memory_space<hbm>> -> memref<10000x64xf32, #tpu.memory_space<hbm>>
      tpu.wait_indirect_dma semaphore(%arg15 : memref<!tpu.dma_semaphore, #tpu.memory_space<semaphore_mem>>) src(%dma_wait3A_472 : memref<10000x64xf32, #tpu.memory_space<hbm>>) dst(%dma_wait3A_462 : memref<128x64xf32, #tpu.memory_space<vmem>>)
      %dma_start3A_473 = arith.constant 4 : i32
      %dma_start3A_474 = arith.constant 0 : i32
      %dma_start3A_475 = arith.constant 0 : i32
      %dma_start3A_476 = tpu.memref_slice %arg8[%dma_start3A_473, %dma_start3A_474, %dma_start3A_475] : memref<5x128x64xf32, #tpu.memory_space<vmem>> -> memref<1x128x64xf32, #tpu.memory_space<vmem>>
      %dma_start3A_477 = tpu.memref_squeeze %dma_start3A_476 : memref<1x128x64xf32, #tpu.memory_space<vmem>> -> memref<128x64xf32, #tpu.memory_space<vmem>>
      %dma_start3A_478 = arith.constant 0 : i32
      %dma_start3A_479 = tpu.memref_slice %arg7[%add3A_456, %dma_start3A_478] : memref<80x128xi32, #tpu.memory_space<vmem>> -> memref<1x128xi32, #tpu.memory_space<vmem>>
      %dma_start3A_480 = tpu.memref_squeeze %dma_start3A_479 : memref<1x128xi32, #tpu.memory_space<vmem>> -> memref<128xi32, #tpu.memory_space<vmem>>
      %dma_start3A_481 = arith.constant 0 : i32
      %dma_start3A_482 = arith.constant 0 : i32
      %dma_start3A_483 = tpu.memref_slice %arg10[%dma_start3A_481, %dma_start3A_482] : memref<10240x64xf32, #tpu.memory_space<vmem_shared>> -> memref<10240x64xf32, #tpu.memory_space<vmem_shared>>
      tpu.enqueue_indirect_dma source(%dma_start3A_477 : memref<128x64xf32, #tpu.memory_space<vmem>>) target(%dma_start3A_483 : memref<10240x64xf32, #tpu.memory_space<vmem_shared>>) offsets(%dma_start3A_480 : memref<128xi32, #tpu.memory_space<vmem>>) semaphore(%arg20 : memref<!tpu.dma_semaphore, #tpu.memory_space<semaphore_mem>>) {add = true}
      %add3A_484 = arith.constant 5 : i32
      %add3A_485 = arith.addi %add3A_456, %add3A_484 : i32
      %lt3A_486 = arith.constant 80 : i32
      %lt3A_487 = arith.cmpi slt, %add3A_485, %lt3A_486 : i32
      %convert_element_type3A_488 = arith.extui %lt3A_487 : i1 to i32
      %cond3A_489 = arith.constant 0 : i32
      %cond3A_490 = arith.cmpi ne, %convert_element_type3A_488, %cond3A_489 : i32
      scf.if %cond3A_490 {
        %dma_wait3A_491 = arith.constant 4 : i32
        %dma_wait3A_492 = arith.constant 0 : i32
        %dma_wait3A_493 = arith.constant 0 : i32
        %dma_wait3A_494 = arith.constant 0 : i32
        %dma_wait3A_495 = tpu.memref_slice %arg8[%dma_wait3A_491, %dma_wait3A_493, %dma_wait3A_494] : memref<5x128x64xf32, #tpu.memory_space<vmem>> -> memref<1x128x64xf32, #tpu.memory_space<vmem>>
        %dma_wait3A_496 = tpu.memref_squeeze %dma_wait3A_495 : memref<1x128x64xf32, #tpu.memory_space<vmem>> -> memref<128x64xf32, #tpu.memory_space<vmem>>
        %dma_wait3A_497 = arith.constant 0 : i32
        %dma_wait3A_498 = tpu.memref_slice %arg7[%dma_wait3A_492, %dma_wait3A_497] : memref<80x128xi32, #tpu.memory_space<vmem>> -> memref<1x128xi32, #tpu.memory_space<vmem>>
        %dma_wait3A_499 = tpu.memref_squeeze %dma_wait3A_498 : memref<1x128xi32, #tpu.memory_space<vmem>> -> memref<128xi32, #tpu.memory_space<vmem>>
        %dma_wait3A_500 = arith.constant 0 : i32
        %dma_wait3A_501 = arith.constant 0 : i32
        %dma_wait3A_502 = tpu.memref_slice %arg10[%dma_wait3A_500, %dma_wait3A_501] : memref<10240x64xf32, #tpu.memory_space<vmem_shared>> -> memref<10240x64xf32, #tpu.memory_space<vmem_shared>>
        tpu.wait_indirect_dma semaphore(%arg20 : memref<!tpu.dma_semaphore, #tpu.memory_space<semaphore_mem>>) src(%dma_wait3A_496 : memref<128x64xf32, #tpu.memory_space<vmem>>) dst(%dma_wait3A_502 : memref<10240x64xf32, #tpu.memory_space<vmem_shared>>)
        %add3A_503 = arith.constant 5 : i32
        %add3A_504 = arith.addi %add3A_456, %add3A_503 : i32
        %dma_start3A_505 = arith.constant 4 : i32
        %dma_start3A_506 = arith.constant 0 : i32
        %dma_start3A_507 = arith.constant 0 : i32
        %dma_start3A_508 = tpu.memref_slice %arg8[%dma_start3A_505, %dma_start3A_506, %dma_start3A_507] : memref<5x128x64xf32, #tpu.memory_space<vmem>> -> memref<1x128x64xf32, #tpu.memory_space<vmem>>
        %dma_start3A_509 = tpu.memref_squeeze %dma_start3A_508 : memref<1x128x64xf32, #tpu.memory_space<vmem>> -> memref<128x64xf32, #tpu.memory_space<vmem>>
        %dma_start3A_510 = arith.constant 0 : i32
        %dma_start3A_511 = tpu.memref_slice %arg6[%add3A_504, %dma_start3A_510] : memref<80x128xi32, #tpu.memory_space<vmem>> -> memref<1x128xi32, #tpu.memory_space<vmem>>
        %dma_start3A_512 = tpu.memref_squeeze %dma_start3A_511 : memref<1x128xi32, #tpu.memory_space<vmem>> -> memref<128xi32, #tpu.memory_space<vmem>>
        %dma_start3A_513 = arith.constant 0 : i32
        %dma_start3A_514 = arith.constant 0 : i32
        %dma_start3A_515 = tpu.memref_slice %arg2[%arg0, %dma_start3A_513, %dma_start3A_514] : memref<2x10000x64xf32, #tpu.memory_space<hbm>> -> memref<1x10000x64xf32, #tpu.memory_space<hbm>>
        %dma_start3A_516 = tpu.memref_squeeze %dma_start3A_515 : memref<1x10000x64xf32, #tpu.memory_space<hbm>> -> memref<10000x64xf32, #tpu.memory_space<hbm>>
        %dma_start3A_517 = arith.constant 0 : i32
        %dma_start3A_518 = arith.constant 0 : i32
        %dma_start3A_519 = tpu.memref_slice %dma_start3A_516[%dma_start3A_517, %dma_start3A_518] : memref<10000x64xf32, #tpu.memory_space<hbm>> -> memref<10000x64xf32, #tpu.memory_space<hbm>>
        tpu.enqueue_indirect_dma source(%dma_start3A_519 : memref<10000x64xf32, #tpu.memory_space<hbm>>) target(%dma_start3A_509 : memref<128x64xf32, #tpu.memory_space<vmem>>) offsets(%dma_start3A_512 : memref<128xi32, #tpu.memory_space<vmem>>) semaphore(%arg15 : memref<!tpu.dma_semaphore, #tpu.memory_space<semaphore_mem>>)
      } else {
      }
    }
    %scan3A_97 = arith.constant 16 : i32
    %dma_wait3A = arith.constant 0 : i32
    %dma_wait3A_98 = arith.constant 0 : i32
    %dma_wait3A_99 = arith.constant 0 : i32
    %dma_wait3A_100 = arith.constant 0 : i32
    %dma_wait3A_101 = tpu.memref_slice %arg8[%dma_wait3A, %dma_wait3A_99, %dma_wait3A_100] : memref<5x128x64xf32, #tpu.memory_space<vmem>> -> memref<1x128x64xf32, #tpu.memory_space<vmem>>
    %dma_wait3A_102 = tpu.memref_squeeze %dma_wait3A_101 : memref<1x128x64xf32, #tpu.memory_space<vmem>> -> memref<128x64xf32, #tpu.memory_space<vmem>>
    %dma_wait3A_103 = arith.constant 0 : i32
    %dma_wait3A_104 = tpu.memref_slice %arg7[%dma_wait3A_98, %dma_wait3A_103] : memref<80x128xi32, #tpu.memory_space<vmem>> -> memref<1x128xi32, #tpu.memory_space<vmem>>
    %dma_wait3A_105 = tpu.memref_squeeze %dma_wait3A_104 : memref<1x128xi32, #tpu.memory_space<vmem>> -> memref<128xi32, #tpu.memory_space<vmem>>
    %dma_wait3A_106 = arith.constant 0 : i32
    %dma_wait3A_107 = arith.constant 0 : i32
    %dma_wait3A_108 = tpu.memref_slice %arg10[%dma_wait3A_106, %dma_wait3A_107] : memref<10240x64xf32, #tpu.memory_space<vmem_shared>> -> memref<10240x64xf32, #tpu.memory_space<vmem_shared>>
    tpu.wait_indirect_dma semaphore(%arg16 : memref<!tpu.dma_semaphore, #tpu.memory_space<semaphore_mem>>) src(%dma_wait3A_102 : memref<128x64xf32, #tpu.memory_space<vmem>>) dst(%dma_wait3A_108 : memref<10240x64xf32, #tpu.memory_space<vmem_shared>>)
    %dma_wait3A_109 = arith.constant 1 : i32
    %dma_wait3A_110 = arith.constant 0 : i32
    %dma_wait3A_111 = arith.constant 0 : i32
    %dma_wait3A_112 = arith.constant 0 : i32
    %dma_wait3A_113 = tpu.memref_slice %arg8[%dma_wait3A_109, %dma_wait3A_111, %dma_wait3A_112] : memref<5x128x64xf32, #tpu.memory_space<vmem>> -> memref<1x128x64xf32, #tpu.memory_space<vmem>>
    %dma_wait3A_114 = tpu.memref_squeeze %dma_wait3A_113 : memref<1x128x64xf32, #tpu.memory_space<vmem>> -> memref<128x64xf32, #tpu.memory_space<vmem>>
    %dma_wait3A_115 = arith.constant 0 : i32
    %dma_wait3A_116 = tpu.memref_slice %arg7[%dma_wait3A_110, %dma_wait3A_115] : memref<80x128xi32, #tpu.memory_space<vmem>> -> memref<1x128xi32, #tpu.memory_space<vmem>>
    %dma_wait3A_117 = tpu.memref_squeeze %dma_wait3A_116 : memref<1x128xi32, #tpu.memory_space<vmem>> -> memref<128xi32, #tpu.memory_space<vmem>>
    %dma_wait3A_118 = arith.constant 0 : i32
    %dma_wait3A_119 = arith.constant 0 : i32
    %dma_wait3A_120 = tpu.memref_slice %arg10[%dma_wait3A_118, %dma_wait3A_119] : memref<10240x64xf32, #tpu.memory_space<vmem_shared>> -> memref<10240x64xf32, #tpu.memory_space<vmem_shared>>
    tpu.wait_indirect_dma semaphore(%arg17 : memref<!tpu.dma_semaphore, #tpu.memory_space<semaphore_mem>>) src(%dma_wait3A_114 : memref<128x64xf32, #tpu.memory_space<vmem>>) dst(%dma_wait3A_120 : memref<10240x64xf32, #tpu.memory_space<vmem_shared>>)
    %dma_wait3A_121 = arith.constant 2 : i32
    %dma_wait3A_122 = arith.constant 0 : i32
    %dma_wait3A_123 = arith.constant 0 : i32
    %dma_wait3A_124 = arith.constant 0 : i32
    %dma_wait3A_125 = tpu.memref_slice %arg8[%dma_wait3A_121, %dma_wait3A_123, %dma_wait3A_124] : memref<5x128x64xf32, #tpu.memory_space<vmem>> -> memref<1x128x64xf32, #tpu.memory_space<vmem>>
    %dma_wait3A_126 = tpu.memref_squeeze %dma_wait3A_125 : memref<1x128x64xf32, #tpu.memory_space<vmem>> -> memref<128x64xf32, #tpu.memory_space<vmem>>
    %dma_wait3A_127 = arith.constant 0 : i32
    %dma_wait3A_128 = tpu.memref_slice %arg7[%dma_wait3A_122, %dma_wait3A_127] : memref<80x128xi32, #tpu.memory_space<vmem>> -> memref<1x128xi32, #tpu.memory_space<vmem>>
    %dma_wait3A_129 = tpu.memref_squeeze %dma_wait3A_128 : memref<1x128xi32, #tpu.memory_space<vmem>> -> memref<128xi32, #tpu.memory_space<vmem>>
    %dma_wait3A_130 = arith.constant 0 : i32
    %dma_wait3A_131 = arith.constant 0 : i32
    %dma_wait3A_132 = tpu.memref_slice %arg10[%dma_wait3A_130, %dma_wait3A_131] : memref<10240x64xf32, #tpu.memory_space<vmem_shared>> -> memref<10240x64xf32, #tpu.memory_space<vmem_shared>>
    tpu.wait_indirect_dma semaphore(%arg18 : memref<!tpu.dma_semaphore, #tpu.memory_space<semaphore_mem>>) src(%dma_wait3A_126 : memref<128x64xf32, #tpu.memory_space<vmem>>) dst(%dma_wait3A_132 : memref<10240x64xf32, #tpu.memory_space<vmem_shared>>)
    %dma_wait3A_133 = arith.constant 3 : i32
    %dma_wait3A_134 = arith.constant 0 : i32
    %dma_wait3A_135 = arith.constant 0 : i32
    %dma_wait3A_136 = arith.constant 0 : i32
    %dma_wait3A_137 = tpu.memref_slice %arg8[%dma_wait3A_133, %dma_wait3A_135, %dma_wait3A_136] : memref<5x128x64xf32, #tpu.memory_space<vmem>> -> memref<1x128x64xf32, #tpu.memory_space<vmem>>
    %dma_wait3A_138 = tpu.memref_squeeze %dma_wait3A_137 : memref<1x128x64xf32, #tpu.memory_space<vmem>> -> memref<128x64xf32, #tpu.memory_space<vmem>>
    %dma_wait3A_139 = arith.constant 0 : i32
    %dma_wait3A_140 = tpu.memref_slice %arg7[%dma_wait3A_134, %dma_wait3A_139] : memref<80x128xi32, #tpu.memory_space<vmem>> -> memref<1x128xi32, #tpu.memory_space<vmem>>
    %dma_wait3A_141 = tpu.memref_squeeze %dma_wait3A_140 : memref<1x128xi32, #tpu.memory_space<vmem>> -> memref<128xi32, #tpu.memory_space<vmem>>
    %dma_wait3A_142 = arith.constant 0 : i32
    %dma_wait3A_143 = arith.constant 0 : i32
    %dma_wait3A_144 = tpu.memref_slice %arg10[%dma_wait3A_142, %dma_wait3A_143] : memref<10240x64xf32, #tpu.memory_space<vmem_shared>> -> memref<10240x64xf32, #tpu.memory_space<vmem_shared>>
    tpu.wait_indirect_dma semaphore(%arg19 : memref<!tpu.dma_semaphore, #tpu.memory_space<semaphore_mem>>) src(%dma_wait3A_138 : memref<128x64xf32, #tpu.memory_space<vmem>>) dst(%dma_wait3A_144 : memref<10240x64xf32, #tpu.memory_space<vmem_shared>>)
    %dma_wait3A_145 = arith.constant 4 : i32
    %dma_wait3A_146 = arith.constant 0 : i32
    %dma_wait3A_147 = arith.constant 0 : i32
    %dma_wait3A_148 = arith.constant 0 : i32
    %dma_wait3A_149 = tpu.memref_slice %arg8[%dma_wait3A_145, %dma_wait3A_147, %dma_wait3A_148] : memref<5x128x64xf32, #tpu.memory_space<vmem>> -> memref<1x128x64xf32, #tpu.memory_space<vmem>>
    %dma_wait3A_150 = tpu.memref_squeeze %dma_wait3A_149 : memref<1x128x64xf32, #tpu.memory_space<vmem>> -> memref<128x64xf32, #tpu.memory_space<vmem>>
    %dma_wait3A_151 = arith.constant 0 : i32
    %dma_wait3A_152 = tpu.memref_slice %arg7[%dma_wait3A_146, %dma_wait3A_151] : memref<80x128xi32, #tpu.memory_space<vmem>> -> memref<1x128xi32, #tpu.memory_space<vmem>>
    %dma_wait3A_153 = tpu.memref_squeeze %dma_wait3A_152 : memref<1x128xi32, #tpu.memory_space<vmem>> -> memref<128xi32, #tpu.memory_space<vmem>>
    %dma_wait3A_154 = arith.constant 0 : i32
    %dma_wait3A_155 = arith.constant 0 : i32
    %dma_wait3A_156 = tpu.memref_slice %arg10[%dma_wait3A_154, %dma_wait3A_155] : memref<10240x64xf32, #tpu.memory_space<vmem_shared>> -> memref<10240x64xf32, #tpu.memory_space<vmem_shared>>
    tpu.wait_indirect_dma semaphore(%arg20 : memref<!tpu.dma_semaphore, #tpu.memory_space<semaphore_mem>>) src(%dma_wait3A_150 : memref<128x64xf32, #tpu.memory_space<vmem>>) dst(%dma_wait3A_156 : memref<10240x64xf32, #tpu.memory_space<vmem_shared>>)
    %mul3A_157 = arith.constant 160 : i32
    %mul3A_158 = arith.muli %arg1, %mul3A_157 : i32
    %add3A_159 = arith.constant 80 : i32
    %add3A_160 = arith.addi %mul3A_158, %add3A_159 : i32
    "tpu.region"() ({
      %run_scoped3A = tpu.sem_alloc : memref<!tpu.dma_semaphore, #tpu.memory_space<semaphore_mem>>
      %dma_start3A_309 = arith.constant 0 : i32
      %dma_start3A_310 = tpu.memref_slice %arg3[%add3A_160, %dma_start3A_309] : memref<2560x128xi32, #tpu.memory_space<hbm>> -> memref<80x128xi32, #tpu.memory_space<hbm>>
      %dma_start3A_311 = arith.constant 0 : i32
      %dma_start3A_312 = tpu.memref_slice %arg3[%add3A_160, %dma_start3A_311] : memref<2560x128xi32, #tpu.memory_space<hbm>> -> memref<80x128xi32, #tpu.memory_space<hbm>>
      tpu.enqueue_dma source(%dma_start3A_312 : memref<80x128xi32, #tpu.memory_space<hbm>>) target(%arg6 : memref<80x128xi32, #tpu.memory_space<vmem>>) target_semaphore(%run_scoped3A : memref<!tpu.dma_semaphore, #tpu.memory_space<semaphore_mem>>)
      %dma_wait3A_313 = arith.constant 0 : i32
      %dma_wait3A_314 = tpu.memref_slice %arg3[%add3A_160, %dma_wait3A_313] : memref<2560x128xi32, #tpu.memory_space<hbm>> -> memref<80x128xi32, #tpu.memory_space<hbm>>
      %dma_wait3A_315 = arith.constant 0 : i32
      %dma_wait3A_316 = tpu.memref_slice %arg3[%add3A_160, %dma_wait3A_315] : memref<2560x128xi32, #tpu.memory_space<hbm>> -> memref<80x128xi32, #tpu.memory_space<hbm>>
      tpu.wait_dma2 semaphore(%run_scoped3A : memref<!tpu.dma_semaphore, #tpu.memory_space<semaphore_mem>>) src(%dma_wait3A_316 : memref<80x128xi32, #tpu.memory_space<hbm>>) dst(%arg6 : memref<80x128xi32, #tpu.memory_space<vmem>>)
      tpu.yield
    }) : () -> ()
    "tpu.region"() ({
      %run_scoped3A = tpu.sem_alloc : memref<!tpu.dma_semaphore, #tpu.memory_space<semaphore_mem>>
      %dma_start3A_309 = arith.constant 0 : i32
      %dma_start3A_310 = tpu.memref_slice %arg4[%add3A_160, %dma_start3A_309] : memref<2560x128xi32, #tpu.memory_space<hbm>> -> memref<80x128xi32, #tpu.memory_space<hbm>>
      %dma_start3A_311 = arith.constant 0 : i32
      %dma_start3A_312 = tpu.memref_slice %arg4[%add3A_160, %dma_start3A_311] : memref<2560x128xi32, #tpu.memory_space<hbm>> -> memref<80x128xi32, #tpu.memory_space<hbm>>
      tpu.enqueue_dma source(%dma_start3A_312 : memref<80x128xi32, #tpu.memory_space<hbm>>) target(%arg7 : memref<80x128xi32, #tpu.memory_space<vmem>>) target_semaphore(%run_scoped3A : memref<!tpu.dma_semaphore, #tpu.memory_space<semaphore_mem>>)
      %dma_wait3A_313 = arith.constant 0 : i32
      %dma_wait3A_314 = tpu.memref_slice %arg4[%add3A_160, %dma_wait3A_313] : memref<2560x128xi32, #tpu.memory_space<hbm>> -> memref<80x128xi32, #tpu.memory_space<hbm>>
      %dma_wait3A_315 = arith.constant 0 : i32
      %dma_wait3A_316 = tpu.memref_slice %arg4[%add3A_160, %dma_wait3A_315] : memref<2560x128xi32, #tpu.memory_space<hbm>> -> memref<80x128xi32, #tpu.memory_space<hbm>>
      tpu.wait_dma2 semaphore(%run_scoped3A : memref<!tpu.dma_semaphore, #tpu.memory_space<semaphore_mem>>) src(%dma_wait3A_316 : memref<80x128xi32, #tpu.memory_space<hbm>>) dst(%arg7 : memref<80x128xi32, #tpu.memory_space<vmem>>)
      tpu.yield
    }) : () -> ()
    %dma_start3A_161 = arith.constant 0 : i32
    %dma_start3A_162 = arith.constant 0 : i32
    %dma_start3A_163 = arith.constant 0 : i32
    %dma_start3A_164 = arith.constant 0 : i32
    %dma_start3A_165 = tpu.memref_slice %arg8[%dma_start3A_162, %dma_start3A_163, %dma_start3A_164] : memref<5x128x64xf32, #tpu.memory_space<vmem>> -> memref<1x128x64xf32, #tpu.memory_space<vmem>>
    %dma_start3A_166 = tpu.memref_squeeze %dma_start3A_165 : memref<1x128x64xf32, #tpu.memory_space<vmem>> -> memref<128x64xf32, #tpu.memory_space<vmem>>
    %dma_start3A_167 = arith.constant 0 : i32
    %dma_start3A_168 = tpu.memref_slice %arg6[%dma_start3A_161, %dma_start3A_167] : memref<80x128xi32, #tpu.memory_space<vmem>> -> memref<1x128xi32, #tpu.memory_space<vmem>>
    %dma_start3A_169 = tpu.memref_squeeze %dma_start3A_168 : memref<1x128xi32, #tpu.memory_space<vmem>> -> memref<128xi32, #tpu.memory_space<vmem>>
    %dma_start3A_170 = arith.constant 0 : i32
    %dma_start3A_171 = arith.constant 0 : i32
    %dma_start3A_172 = tpu.memref_slice %arg2[%arg0, %dma_start3A_170, %dma_start3A_171] : memref<2x10000x64xf32, #tpu.memory_space<hbm>> -> memref<1x10000x64xf32, #tpu.memory_space<hbm>>
    %dma_start3A_173 = tpu.memref_squeeze %dma_start3A_172 : memref<1x10000x64xf32, #tpu.memory_space<hbm>> -> memref<10000x64xf32, #tpu.memory_space<hbm>>
    %dma_start3A_174 = arith.constant 0 : i32
    %dma_start3A_175 = arith.constant 0 : i32
    %dma_start3A_176 = tpu.memref_slice %dma_start3A_173[%dma_start3A_174, %dma_start3A_175] : memref<10000x64xf32, #tpu.memory_space<hbm>> -> memref<10000x64xf32, #tpu.memory_space<hbm>>
    tpu.enqueue_indirect_dma source(%dma_start3A_176 : memref<10000x64xf32, #tpu.memory_space<hbm>>) target(%dma_start3A_166 : memref<128x64xf32, #tpu.memory_space<vmem>>) offsets(%dma_start3A_169 : memref<128xi32, #tpu.memory_space<vmem>>) semaphore(%arg11 : memref<!tpu.dma_semaphore, #tpu.memory_space<semaphore_mem>>)
    %dma_start3A_177 = arith.constant 1 : i32
    %dma_start3A_178 = arith.constant 1 : i32
    %dma_start3A_179 = arith.constant 0 : i32
    %dma_start3A_180 = arith.constant 0 : i32
    %dma_start3A_181 = tpu.memref_slice %arg8[%dma_start3A_178, %dma_start3A_179, %dma_start3A_180] : memref<5x128x64xf32, #tpu.memory_space<vmem>> -> memref<1x128x64xf32, #tpu.memory_space<vmem>>
    %dma_start3A_182 = tpu.memref_squeeze %dma_start3A_181 : memref<1x128x64xf32, #tpu.memory_space<vmem>> -> memref<128x64xf32, #tpu.memory_space<vmem>>
    %dma_start3A_183 = arith.constant 0 : i32
    %dma_start3A_184 = tpu.memref_slice %arg6[%dma_start3A_177, %dma_start3A_183] : memref<80x128xi32, #tpu.memory_space<vmem>> -> memref<1x128xi32, #tpu.memory_space<vmem>>
    %dma_start3A_185 = tpu.memref_squeeze %dma_start3A_184 : memref<1x128xi32, #tpu.memory_space<vmem>> -> memref<128xi32, #tpu.memory_space<vmem>>
    %dma_start3A_186 = arith.constant 0 : i32
    %dma_start3A_187 = arith.constant 0 : i32
    %dma_start3A_188 = tpu.memref_slice %arg2[%arg0, %dma_start3A_186, %dma_start3A_187] : memref<2x10000x64xf32, #tpu.memory_space<hbm>> -> memref<1x10000x64xf32, #tpu.memory_space<hbm>>
    %dma_start3A_189 = tpu.memref_squeeze %dma_start3A_188 : memref<1x10000x64xf32, #tpu.memory_space<hbm>> -> memref<10000x64xf32, #tpu.memory_space<hbm>>
    %dma_start3A_190 = arith.constant 0 : i32
    %dma_start3A_191 = arith.constant 0 : i32
    %dma_start3A_192 = tpu.memref_slice %dma_start3A_189[%dma_start3A_190, %dma_start3A_191] : memref<10000x64xf32, #tpu.memory_space<hbm>> -> memref<10000x64xf32, #tpu.memory_space<hbm>>
    tpu.enqueue_indirect_dma source(%dma_start3A_192 : memref<10000x64xf32, #tpu.memory_space<hbm>>) target(%dma_start3A_182 : memref<128x64xf32, #tpu.memory_space<vmem>>) offsets(%dma_start3A_185 : memref<128xi32, #tpu.memory_space<vmem>>) semaphore(%arg12 : memref<!tpu.dma_semaphore, #tpu.memory_space<semaphore_mem>>)
    %dma_start3A_193 = arith.constant 2 : i32
    %dma_start3A_194 = arith.constant 2 : i32
    %dma_start3A_195 = arith.constant 0 : i32
    %dma_start3A_196 = arith.constant 0 : i32
    %dma_start3A_197 = tpu.memref_slice %arg8[%dma_start3A_194, %dma_start3A_195, %dma_start3A_196] : memref<5x128x64xf32, #tpu.memory_space<vmem>> -> memref<1x128x64xf32, #tpu.memory_space<vmem>>
    %dma_start3A_198 = tpu.memref_squeeze %dma_start3A_197 : memref<1x128x64xf32, #tpu.memory_space<vmem>> -> memref<128x64xf32, #tpu.memory_space<vmem>>
    %dma_start3A_199 = arith.constant 0 : i32
    %dma_start3A_200 = tpu.memref_slice %arg6[%dma_start3A_193, %dma_start3A_199] : memref<80x128xi32, #tpu.memory_space<vmem>> -> memref<1x128xi32, #tpu.memory_space<vmem>>
    %dma_start3A_201 = tpu.memref_squeeze %dma_start3A_200 : memref<1x128xi32, #tpu.memory_space<vmem>> -> memref<128xi32, #tpu.memory_space<vmem>>
    %dma_start3A_202 = arith.constant 0 : i32
    %dma_start3A_203 = arith.constant 0 : i32
    %dma_start3A_204 = tpu.memref_slice %arg2[%arg0, %dma_start3A_202, %dma_start3A_203] : memref<2x10000x64xf32, #tpu.memory_space<hbm>> -> memref<1x10000x64xf32, #tpu.memory_space<hbm>>
    %dma_start3A_205 = tpu.memref_squeeze %dma_start3A_204 : memref<1x10000x64xf32, #tpu.memory_space<hbm>> -> memref<10000x64xf32, #tpu.memory_space<hbm>>
    %dma_start3A_206 = arith.constant 0 : i32
    %dma_start3A_207 = arith.constant 0 : i32
    %dma_start3A_208 = tpu.memref_slice %dma_start3A_205[%dma_start3A_206, %dma_start3A_207] : memref<10000x64xf32, #tpu.memory_space<hbm>> -> memref<10000x64xf32, #tpu.memory_space<hbm>>
    tpu.enqueue_indirect_dma source(%dma_start3A_208 : memref<10000x64xf32, #tpu.memory_space<hbm>>) target(%dma_start3A_198 : memref<128x64xf32, #tpu.memory_space<vmem>>) offsets(%dma_start3A_201 : memref<128xi32, #tpu.memory_space<vmem>>) semaphore(%arg13 : memref<!tpu.dma_semaphore, #tpu.memory_space<semaphore_mem>>)
    %dma_start3A_209 = arith.constant 3 : i32
    %dma_start3A_210 = arith.constant 3 : i32
    %dma_start3A_211 = arith.constant 0 : i32
    %dma_start3A_212 = arith.constant 0 : i32
    %dma_start3A_213 = tpu.memref_slice %arg8[%dma_start3A_210, %dma_start3A_211, %dma_start3A_212] : memref<5x128x64xf32, #tpu.memory_space<vmem>> -> memref<1x128x64xf32, #tpu.memory_space<vmem>>
    %dma_start3A_214 = tpu.memref_squeeze %dma_start3A_213 : memref<1x128x64xf32, #tpu.memory_space<vmem>> -> memref<128x64xf32, #tpu.memory_space<vmem>>
    %dma_start3A_215 = arith.constant 0 : i32
    %dma_start3A_216 = tpu.memref_slice %arg6[%dma_start3A_209, %dma_start3A_215] : memref<80x128xi32, #tpu.memory_space<vmem>> -> memref<1x128xi32, #tpu.memory_space<vmem>>
    %dma_start3A_217 = tpu.memref_squeeze %dma_start3A_216 : memref<1x128xi32, #tpu.memory_space<vmem>> -> memref<128xi32, #tpu.memory_space<vmem>>
    %dma_start3A_218 = arith.constant 0 : i32
    %dma_start3A_219 = arith.constant 0 : i32
    %dma_start3A_220 = tpu.memref_slice %arg2[%arg0, %dma_start3A_218, %dma_start3A_219] : memref<2x10000x64xf32, #tpu.memory_space<hbm>> -> memref<1x10000x64xf32, #tpu.memory_space<hbm>>
    %dma_start3A_221 = tpu.memref_squeeze %dma_start3A_220 : memref<1x10000x64xf32, #tpu.memory_space<hbm>> -> memref<10000x64xf32, #tpu.memory_space<hbm>>
    %dma_start3A_222 = arith.constant 0 : i32
    %dma_start3A_223 = arith.constant 0 : i32
    %dma_start3A_224 = tpu.memref_slice %dma_start3A_221[%dma_start3A_222, %dma_start3A_223] : memref<10000x64xf32, #tpu.memory_space<hbm>> -> memref<10000x64xf32, #tpu.memory_space<hbm>>
    tpu.enqueue_indirect_dma source(%dma_start3A_224 : memref<10000x64xf32, #tpu.memory_space<hbm>>) target(%dma_start3A_214 : memref<128x64xf32, #tpu.memory_space<vmem>>) offsets(%dma_start3A_217 : memref<128xi32, #tpu.memory_space<vmem>>) semaphore(%arg14 : memref<!tpu.dma_semaphore, #tpu.memory_space<semaphore_mem>>)
    %dma_start3A_225 = arith.constant 4 : i32
    %dma_start3A_226 = arith.constant 4 : i32
    %dma_start3A_227 = arith.constant 0 : i32
    %dma_start3A_228 = arith.constant 0 : i32
    %dma_start3A_229 = tpu.memref_slice %arg8[%dma_start3A_226, %dma_start3A_227, %dma_start3A_228] : memref<5x128x64xf32, #tpu.memory_space<vmem>> -> memref<1x128x64xf32, #tpu.memory_space<vmem>>
    %dma_start3A_230 = tpu.memref_squeeze %dma_start3A_229 : memref<1x128x64xf32, #tpu.memory_space<vmem>> -> memref<128x64xf32, #tpu.memory_space<vmem>>
    %dma_start3A_231 = arith.constant 0 : i32
    %dma_start3A_232 = tpu.memref_slice %arg6[%dma_start3A_225, %dma_start3A_231] : memref<80x128xi32, #tpu.memory_space<vmem>> -> memref<1x128xi32, #tpu.memory_space<vmem>>
    %dma_start3A_233 = tpu.memref_squeeze %dma_start3A_232 : memref<1x128xi32, #tpu.memory_space<vmem>> -> memref<128xi32, #tpu.memory_space<vmem>>
    %dma_start3A_234 = arith.constant 0 : i32
    %dma_start3A_235 = arith.constant 0 : i32
    %dma_start3A_236 = tpu.memref_slice %arg2[%arg0, %dma_start3A_234, %dma_start3A_235] : memref<2x10000x64xf32, #tpu.memory_space<hbm>> -> memref<1x10000x64xf32, #tpu.memory_space<hbm>>
    %dma_start3A_237 = tpu.memref_squeeze %dma_start3A_236 : memref<1x10000x64xf32, #tpu.memory_space<hbm>> -> memref<10000x64xf32, #tpu.memory_space<hbm>>
    %dma_start3A_238 = arith.constant 0 : i32
    %dma_start3A_239 = arith.constant 0 : i32
    %dma_start3A_240 = tpu.memref_slice %dma_start3A_237[%dma_start3A_238, %dma_start3A_239] : memref<10000x64xf32, #tpu.memory_space<hbm>> -> memref<10000x64xf32, #tpu.memory_space<hbm>>
    tpu.enqueue_indirect_dma source(%dma_start3A_240 : memref<10000x64xf32, #tpu.memory_space<hbm>>) target(%dma_start3A_230 : memref<128x64xf32, #tpu.memory_space<vmem>>) offsets(%dma_start3A_233 : memref<128xi32, #tpu.memory_space<vmem>>) semaphore(%arg15 : memref<!tpu.dma_semaphore, #tpu.memory_space<semaphore_mem>>)
    %scan3A_241 = arith.constant 0 : i32
    %scan3A_242 = arith.constant 16 : i32
    %scan3A_243 = arith.addi %scan3A_241, %scan3A_242 : i32
    %scan3A_244 = arith.constant 1 : i32
    scf.for %scan3A_309 = %scan3A_241 to %scan3A_243 step %scan3A_244  : i32 {
      %mul3A_310 = arith.constant 5 : i32
      %mul3A_311 = arith.muli %scan3A_309, %mul3A_310 : i32
      %add3A_312 = arith.constant 0 : i32
      %add3A_313 = arith.addi %add3A_312, %mul3A_311 : i32
      %add3A_314 = arith.constant 0 : i32
      %add3A_315 = arith.addi %add3A_313, %add3A_314 : i32
      %dma_wait3A_316 = arith.constant 0 : i32
      %dma_wait3A_317 = arith.constant 0 : i32
      %dma_wait3A_318 = arith.constant 0 : i32
      %dma_wait3A_319 = arith.constant 0 : i32
      %dma_wait3A_320 = tpu.memref_slice %arg8[%dma_wait3A_317, %dma_wait3A_318, %dma_wait3A_319] : memref<5x128x64xf32, #tpu.memory_space<vmem>> -> memref<1x128x64xf32, #tpu.memory_space<vmem>>
      %dma_wait3A_321 = tpu.memref_squeeze %dma_wait3A_320 : memref<1x128x64xf32, #tpu.memory_space<vmem>> -> memref<128x64xf32, #tpu.memory_space<vmem>>
      %dma_wait3A_322 = arith.constant 0 : i32
      %dma_wait3A_323 = tpu.memref_slice %arg6[%dma_wait3A_316, %dma_wait3A_322] : memref<80x128xi32, #tpu.memory_space<vmem>> -> memref<1x128xi32, #tpu.memory_space<vmem>>
      %dma_wait3A_324 = tpu.memref_squeeze %dma_wait3A_323 : memref<1x128xi32, #tpu.memory_space<vmem>> -> memref<128xi32, #tpu.memory_space<vmem>>
      %dma_wait3A_325 = arith.constant 0 : i32
      %dma_wait3A_326 = arith.constant 0 : i32
      %dma_wait3A_327 = tpu.memref_slice %arg2[%arg0, %dma_wait3A_325, %dma_wait3A_326] : memref<2x10000x64xf32, #tpu.memory_space<hbm>> -> memref<1x10000x64xf32, #tpu.memory_space<hbm>>
      %dma_wait3A_328 = tpu.memref_squeeze %dma_wait3A_327 : memref<1x10000x64xf32, #tpu.memory_space<hbm>> -> memref<10000x64xf32, #tpu.memory_space<hbm>>
      %dma_wait3A_329 = arith.constant 0 : i32
      %dma_wait3A_330 = arith.constant 0 : i32
      %dma_wait3A_331 = tpu.memref_slice %dma_wait3A_328[%dma_wait3A_329, %dma_wait3A_330] : memref<10000x64xf32, #tpu.memory_space<hbm>> -> memref<10000x64xf32, #tpu.memory_space<hbm>>
      tpu.wait_indirect_dma semaphore(%arg11 : memref<!tpu.dma_semaphore, #tpu.memory_space<semaphore_mem>>) src(%dma_wait3A_331 : memref<10000x64xf32, #tpu.memory_space<hbm>>) dst(%dma_wait3A_321 : memref<128x64xf32, #tpu.memory_space<vmem>>)
      %dma_start3A_332 = arith.constant 0 : i32
      %dma_start3A_333 = arith.constant 0 : i32
      %dma_start3A_334 = arith.constant 0 : i32
      %dma_start3A_335 = tpu.memref_slice %arg8[%dma_start3A_332, %dma_start3A_333, %dma_start3A_334] : memref<5x128x64xf32, #tpu.memory_space<vmem>> -> memref<1x128x64xf32, #tpu.memory_space<vmem>>
      %dma_start3A_336 = tpu.memref_squeeze %dma_start3A_335 : memref<1x128x64xf32, #tpu.memory_space<vmem>> -> memref<128x64xf32, #tpu.memory_space<vmem>>
      %dma_start3A_337 = arith.constant 0 : i32
      %dma_start3A_338 = tpu.memref_slice %arg7[%add3A_315, %dma_start3A_337] : memref<80x128xi32, #tpu.memory_space<vmem>> -> memref<1x128xi32, #tpu.memory_space<vmem>>
      %dma_start3A_339 = tpu.memref_squeeze %dma_start3A_338 : memref<1x128xi32, #tpu.memory_space<vmem>> -> memref<128xi32, #tpu.memory_space<vmem>>
      %dma_start3A_340 = arith.constant 0 : i32
      %dma_start3A_341 = arith.constant 0 : i32
      %dma_start3A_342 = tpu.memref_slice %arg10[%dma_start3A_340, %dma_start3A_341] : memref<10240x64xf32, #tpu.memory_space<vmem_shared>> -> memref<10240x64xf32, #tpu.memory_space<vmem_shared>>
      tpu.enqueue_indirect_dma source(%dma_start3A_336 : memref<128x64xf32, #tpu.memory_space<vmem>>) target(%dma_start3A_342 : memref<10240x64xf32, #tpu.memory_space<vmem_shared>>) offsets(%dma_start3A_339 : memref<128xi32, #tpu.memory_space<vmem>>) semaphore(%arg16 : memref<!tpu.dma_semaphore, #tpu.memory_space<semaphore_mem>>) {add = true}
      %add3A_343 = arith.constant 5 : i32
      %add3A_344 = arith.addi %add3A_315, %add3A_343 : i32
      %lt3A = arith.constant 80 : i32
      %lt3A_345 = arith.cmpi slt, %add3A_344, %lt3A : i32
      %convert_element_type3A = arith.extui %lt3A_345 : i1 to i32
      %cond3A = arith.constant 0 : i32
      %cond3A_346 = arith.cmpi ne, %convert_element_type3A, %cond3A : i32
      scf.if %cond3A_346 {
        %dma_wait3A_491 = arith.constant 0 : i32
        %dma_wait3A_492 = arith.constant 0 : i32
        %dma_wait3A_493 = arith.constant 0 : i32
        %dma_wait3A_494 = arith.constant 0 : i32
        %dma_wait3A_495 = tpu.memref_slice %arg8[%dma_wait3A_491, %dma_wait3A_493, %dma_wait3A_494] : memref<5x128x64xf32, #tpu.memory_space<vmem>> -> memref<1x128x64xf32, #tpu.memory_space<vmem>>
        %dma_wait3A_496 = tpu.memref_squeeze %dma_wait3A_495 : memref<1x128x64xf32, #tpu.memory_space<vmem>> -> memref<128x64xf32, #tpu.memory_space<vmem>>
        %dma_wait3A_497 = arith.constant 0 : i32
        %dma_wait3A_498 = tpu.memref_slice %arg7[%dma_wait3A_492, %dma_wait3A_497] : memref<80x128xi32, #tpu.memory_space<vmem>> -> memref<1x128xi32, #tpu.memory_space<vmem>>
        %dma_wait3A_499 = tpu.memref_squeeze %dma_wait3A_498 : memref<1x128xi32, #tpu.memory_space<vmem>> -> memref<128xi32, #tpu.memory_space<vmem>>
        %dma_wait3A_500 = arith.constant 0 : i32
        %dma_wait3A_501 = arith.constant 0 : i32
        %dma_wait3A_502 = tpu.memref_slice %arg10[%dma_wait3A_500, %dma_wait3A_501] : memref<10240x64xf32, #tpu.memory_space<vmem_shared>> -> memref<10240x64xf32, #tpu.memory_space<vmem_shared>>
        tpu.wait_indirect_dma semaphore(%arg16 : memref<!tpu.dma_semaphore, #tpu.memory_space<semaphore_mem>>) src(%dma_wait3A_496 : memref<128x64xf32, #tpu.memory_space<vmem>>) dst(%dma_wait3A_502 : memref<10240x64xf32, #tpu.memory_space<vmem_shared>>)
        %add3A_503 = arith.constant 5 : i32
        %add3A_504 = arith.addi %add3A_315, %add3A_503 : i32
        %dma_start3A_505 = arith.constant 0 : i32
        %dma_start3A_506 = arith.constant 0 : i32
        %dma_start3A_507 = arith.constant 0 : i32
        %dma_start3A_508 = tpu.memref_slice %arg8[%dma_start3A_505, %dma_start3A_506, %dma_start3A_507] : memref<5x128x64xf32, #tpu.memory_space<vmem>> -> memref<1x128x64xf32, #tpu.memory_space<vmem>>
        %dma_start3A_509 = tpu.memref_squeeze %dma_start3A_508 : memref<1x128x64xf32, #tpu.memory_space<vmem>> -> memref<128x64xf32, #tpu.memory_space<vmem>>
        %dma_start3A_510 = arith.constant 0 : i32
        %dma_start3A_511 = tpu.memref_slice %arg6[%add3A_504, %dma_start3A_510] : memref<80x128xi32, #tpu.memory_space<vmem>> -> memref<1x128xi32, #tpu.memory_space<vmem>>
        %dma_start3A_512 = tpu.memref_squeeze %dma_start3A_511 : memref<1x128xi32, #tpu.memory_space<vmem>> -> memref<128xi32, #tpu.memory_space<vmem>>
        %dma_start3A_513 = arith.constant 0 : i32
        %dma_start3A_514 = arith.constant 0 : i32
        %dma_start3A_515 = tpu.memref_slice %arg2[%arg0, %dma_start3A_513, %dma_start3A_514] : memref<2x10000x64xf32, #tpu.memory_space<hbm>> -> memref<1x10000x64xf32, #tpu.memory_space<hbm>>
        %dma_start3A_516 = tpu.memref_squeeze %dma_start3A_515 : memref<1x10000x64xf32, #tpu.memory_space<hbm>> -> memref<10000x64xf32, #tpu.memory_space<hbm>>
        %dma_start3A_517 = arith.constant 0 : i32
        %dma_start3A_518 = arith.constant 0 : i32
        %dma_start3A_519 = tpu.memref_slice %dma_start3A_516[%dma_start3A_517, %dma_start3A_518] : memref<10000x64xf32, #tpu.memory_space<hbm>> -> memref<10000x64xf32, #tpu.memory_space<hbm>>
        tpu.enqueue_indirect_dma source(%dma_start3A_519 : memref<10000x64xf32, #tpu.memory_space<hbm>>) target(%dma_start3A_509 : memref<128x64xf32, #tpu.memory_space<vmem>>) offsets(%dma_start3A_512 : memref<128xi32, #tpu.memory_space<vmem>>) semaphore(%arg11 : memref<!tpu.dma_semaphore, #tpu.memory_space<semaphore_mem>>)
      } else {
      }
      %add3A_347 = arith.constant 1 : i32
      %add3A_348 = arith.addi %add3A_313, %add3A_347 : i32
      %dma_wait3A_349 = arith.constant 0 : i32
      %dma_wait3A_350 = arith.constant 1 : i32
      %dma_wait3A_351 = arith.constant 0 : i32
      %dma_wait3A_352 = arith.constant 0 : i32
      %dma_wait3A_353 = tpu.memref_slice %arg8[%dma_wait3A_350, %dma_wait3A_351, %dma_wait3A_352] : memref<5x128x64xf32, #tpu.memory_space<vmem>> -> memref<1x128x64xf32, #tpu.memory_space<vmem>>
      %dma_wait3A_354 = tpu.memref_squeeze %dma_wait3A_353 : memref<1x128x64xf32, #tpu.memory_space<vmem>> -> memref<128x64xf32, #tpu.memory_space<vmem>>
      %dma_wait3A_355 = arith.constant 0 : i32
      %dma_wait3A_356 = tpu.memref_slice %arg6[%dma_wait3A_349, %dma_wait3A_355] : memref<80x128xi32, #tpu.memory_space<vmem>> -> memref<1x128xi32, #tpu.memory_space<vmem>>
      %dma_wait3A_357 = tpu.memref_squeeze %dma_wait3A_356 : memref<1x128xi32, #tpu.memory_space<vmem>> -> memref<128xi32, #tpu.memory_space<vmem>>
      %dma_wait3A_358 = arith.constant 0 : i32
      %dma_wait3A_359 = arith.constant 0 : i32
      %dma_wait3A_360 = tpu.memref_slice %arg2[%arg0, %dma_wait3A_358, %dma_wait3A_359] : memref<2x10000x64xf32, #tpu.memory_space<hbm>> -> memref<1x10000x64xf32, #tpu.memory_space<hbm>>
      %dma_wait3A_361 = tpu.memref_squeeze %dma_wait3A_360 : memref<1x10000x64xf32, #tpu.memory_space<hbm>> -> memref<10000x64xf32, #tpu.memory_space<hbm>>
      %dma_wait3A_362 = arith.constant 0 : i32
      %dma_wait3A_363 = arith.constant 0 : i32
      %dma_wait3A_364 = tpu.memref_slice %dma_wait3A_361[%dma_wait3A_362, %dma_wait3A_363] : memref<10000x64xf32, #tpu.memory_space<hbm>> -> memref<10000x64xf32, #tpu.memory_space<hbm>>
      tpu.wait_indirect_dma semaphore(%arg12 : memref<!tpu.dma_semaphore, #tpu.memory_space<semaphore_mem>>) src(%dma_wait3A_364 : memref<10000x64xf32, #tpu.memory_space<hbm>>) dst(%dma_wait3A_354 : memref<128x64xf32, #tpu.memory_space<vmem>>)
      %dma_start3A_365 = arith.constant 1 : i32
      %dma_start3A_366 = arith.constant 0 : i32
      %dma_start3A_367 = arith.constant 0 : i32
      %dma_start3A_368 = tpu.memref_slice %arg8[%dma_start3A_365, %dma_start3A_366, %dma_start3A_367] : memref<5x128x64xf32, #tpu.memory_space<vmem>> -> memref<1x128x64xf32, #tpu.memory_space<vmem>>
      %dma_start3A_369 = tpu.memref_squeeze %dma_start3A_368 : memref<1x128x64xf32, #tpu.memory_space<vmem>> -> memref<128x64xf32, #tpu.memory_space<vmem>>
      %dma_start3A_370 = arith.constant 0 : i32
      %dma_start3A_371 = tpu.memref_slice %arg7[%add3A_348, %dma_start3A_370] : memref<80x128xi32, #tpu.memory_space<vmem>> -> memref<1x128xi32, #tpu.memory_space<vmem>>
      %dma_start3A_372 = tpu.memref_squeeze %dma_start3A_371 : memref<1x128xi32, #tpu.memory_space<vmem>> -> memref<128xi32, #tpu.memory_space<vmem>>
      %dma_start3A_373 = arith.constant 0 : i32
      %dma_start3A_374 = arith.constant 0 : i32
      %dma_start3A_375 = tpu.memref_slice %arg10[%dma_start3A_373, %dma_start3A_374] : memref<10240x64xf32, #tpu.memory_space<vmem_shared>> -> memref<10240x64xf32, #tpu.memory_space<vmem_shared>>
      tpu.enqueue_indirect_dma source(%dma_start3A_369 : memref<128x64xf32, #tpu.memory_space<vmem>>) target(%dma_start3A_375 : memref<10240x64xf32, #tpu.memory_space<vmem_shared>>) offsets(%dma_start3A_372 : memref<128xi32, #tpu.memory_space<vmem>>) semaphore(%arg17 : memref<!tpu.dma_semaphore, #tpu.memory_space<semaphore_mem>>) {add = true}
      %add3A_376 = arith.constant 5 : i32
      %add3A_377 = arith.addi %add3A_348, %add3A_376 : i32
      %lt3A_378 = arith.constant 80 : i32
      %lt3A_379 = arith.cmpi slt, %add3A_377, %lt3A_378 : i32
      %convert_element_type3A_380 = arith.extui %lt3A_379 : i1 to i32
      %cond3A_381 = arith.constant 0 : i32
      %cond3A_382 = arith.cmpi ne, %convert_element_type3A_380, %cond3A_381 : i32
      scf.if %cond3A_382 {
        %dma_wait3A_491 = arith.constant 1 : i32
        %dma_wait3A_492 = arith.constant 0 : i32
        %dma_wait3A_493 = arith.constant 0 : i32
        %dma_wait3A_494 = arith.constant 0 : i32
        %dma_wait3A_495 = tpu.memref_slice %arg8[%dma_wait3A_491, %dma_wait3A_493, %dma_wait3A_494] : memref<5x128x64xf32, #tpu.memory_space<vmem>> -> memref<1x128x64xf32, #tpu.memory_space<vmem>>
        %dma_wait3A_496 = tpu.memref_squeeze %dma_wait3A_495 : memref<1x128x64xf32, #tpu.memory_space<vmem>> -> memref<128x64xf32, #tpu.memory_space<vmem>>
        %dma_wait3A_497 = arith.constant 0 : i32
        %dma_wait3A_498 = tpu.memref_slice %arg7[%dma_wait3A_492, %dma_wait3A_497] : memref<80x128xi32, #tpu.memory_space<vmem>> -> memref<1x128xi32, #tpu.memory_space<vmem>>
        %dma_wait3A_499 = tpu.memref_squeeze %dma_wait3A_498 : memref<1x128xi32, #tpu.memory_space<vmem>> -> memref<128xi32, #tpu.memory_space<vmem>>
        %dma_wait3A_500 = arith.constant 0 : i32
        %dma_wait3A_501 = arith.constant 0 : i32
        %dma_wait3A_502 = tpu.memref_slice %arg10[%dma_wait3A_500, %dma_wait3A_501] : memref<10240x64xf32, #tpu.memory_space<vmem_shared>> -> memref<10240x64xf32, #tpu.memory_space<vmem_shared>>
        tpu.wait_indirect_dma semaphore(%arg17 : memref<!tpu.dma_semaphore, #tpu.memory_space<semaphore_mem>>) src(%dma_wait3A_496 : memref<128x64xf32, #tpu.memory_space<vmem>>) dst(%dma_wait3A_502 : memref<10240x64xf32, #tpu.memory_space<vmem_shared>>)
        %add3A_503 = arith.constant 5 : i32
        %add3A_504 = arith.addi %add3A_348, %add3A_503 : i32
        %dma_start3A_505 = arith.constant 1 : i32
        %dma_start3A_506 = arith.constant 0 : i32
        %dma_start3A_507 = arith.constant 0 : i32
        %dma_start3A_508 = tpu.memref_slice %arg8[%dma_start3A_505, %dma_start3A_506, %dma_start3A_507] : memref<5x128x64xf32, #tpu.memory_space<vmem>> -> memref<1x128x64xf32, #tpu.memory_space<vmem>>
        %dma_start3A_509 = tpu.memref_squeeze %dma_start3A_508 : memref<1x128x64xf32, #tpu.memory_space<vmem>> -> memref<128x64xf32, #tpu.memory_space<vmem>>
        %dma_start3A_510 = arith.constant 0 : i32
        %dma_start3A_511 = tpu.memref_slice %arg6[%add3A_504, %dma_start3A_510] : memref<80x128xi32, #tpu.memory_space<vmem>> -> memref<1x128xi32, #tpu.memory_space<vmem>>
        %dma_start3A_512 = tpu.memref_squeeze %dma_start3A_511 : memref<1x128xi32, #tpu.memory_space<vmem>> -> memref<128xi32, #tpu.memory_space<vmem>>
        %dma_start3A_513 = arith.constant 0 : i32
        %dma_start3A_514 = arith.constant 0 : i32
        %dma_start3A_515 = tpu.memref_slice %arg2[%arg0, %dma_start3A_513, %dma_start3A_514] : memref<2x10000x64xf32, #tpu.memory_space<hbm>> -> memref<1x10000x64xf32, #tpu.memory_space<hbm>>
        %dma_start3A_516 = tpu.memref_squeeze %dma_start3A_515 : memref<1x10000x64xf32, #tpu.memory_space<hbm>> -> memref<10000x64xf32, #tpu.memory_space<hbm>>
        %dma_start3A_517 = arith.constant 0 : i32
        %dma_start3A_518 = arith.constant 0 : i32
        %dma_start3A_519 = tpu.memref_slice %dma_start3A_516[%dma_start3A_517, %dma_start3A_518] : memref<10000x64xf32, #tpu.memory_space<hbm>> -> memref<10000x64xf32, #tpu.memory_space<hbm>>
        tpu.enqueue_indirect_dma source(%dma_start3A_519 : memref<10000x64xf32, #tpu.memory_space<hbm>>) target(%dma_start3A_509 : memref<128x64xf32, #tpu.memory_space<vmem>>) offsets(%dma_start3A_512 : memref<128xi32, #tpu.memory_space<vmem>>) semaphore(%arg12 : memref<!tpu.dma_semaphore, #tpu.memory_space<semaphore_mem>>)
      } else {
      }
      %add3A_383 = arith.constant 2 : i32
      %add3A_384 = arith.addi %add3A_313, %add3A_383 : i32
      %dma_wait3A_385 = arith.constant 0 : i32
      %dma_wait3A_386 = arith.constant 2 : i32
      %dma_wait3A_387 = arith.constant 0 : i32
      %dma_wait3A_388 = arith.constant 0 : i32
      %dma_wait3A_389 = tpu.memref_slice %arg8[%dma_wait3A_386, %dma_wait3A_387, %dma_wait3A_388] : memref<5x128x64xf32, #tpu.memory_space<vmem>> -> memref<1x128x64xf32, #tpu.memory_space<vmem>>
      %dma_wait3A_390 = tpu.memref_squeeze %dma_wait3A_389 : memref<1x128x64xf32, #tpu.memory_space<vmem>> -> memref<128x64xf32, #tpu.memory_space<vmem>>
      %dma_wait3A_391 = arith.constant 0 : i32
      %dma_wait3A_392 = tpu.memref_slice %arg6[%dma_wait3A_385, %dma_wait3A_391] : memref<80x128xi32, #tpu.memory_space<vmem>> -> memref<1x128xi32, #tpu.memory_space<vmem>>
      %dma_wait3A_393 = tpu.memref_squeeze %dma_wait3A_392 : memref<1x128xi32, #tpu.memory_space<vmem>> -> memref<128xi32, #tpu.memory_space<vmem>>
      %dma_wait3A_394 = arith.constant 0 : i32
      %dma_wait3A_395 = arith.constant 0 : i32
      %dma_wait3A_396 = tpu.memref_slice %arg2[%arg0, %dma_wait3A_394, %dma_wait3A_395] : memref<2x10000x64xf32, #tpu.memory_space<hbm>> -> memref<1x10000x64xf32, #tpu.memory_space<hbm>>
      %dma_wait3A_397 = tpu.memref_squeeze %dma_wait3A_396 : memref<1x10000x64xf32, #tpu.memory_space<hbm>> -> memref<10000x64xf32, #tpu.memory_space<hbm>>
      %dma_wait3A_398 = arith.constant 0 : i32
      %dma_wait3A_399 = arith.constant 0 : i32
      %dma_wait3A_400 = tpu.memref_slice %dma_wait3A_397[%dma_wait3A_398, %dma_wait3A_399] : memref<10000x64xf32, #tpu.memory_space<hbm>> -> memref<10000x64xf32, #tpu.memory_space<hbm>>
      tpu.wait_indirect_dma semaphore(%arg13 : memref<!tpu.dma_semaphore, #tpu.memory_space<semaphore_mem>>) src(%dma_wait3A_400 : memref<10000x64xf32, #tpu.memory_space<hbm>>) dst(%dma_wait3A_390 : memref<128x64xf32, #tpu.memory_space<vmem>>)
      %dma_start3A_401 = arith.constant 2 : i32
      %dma_start3A_402 = arith.constant 0 : i32
      %dma_start3A_403 = arith.constant 0 : i32
      %dma_start3A_404 = tpu.memref_slice %arg8[%dma_start3A_401, %dma_start3A_402, %dma_start3A_403] : memref<5x128x64xf32, #tpu.memory_space<vmem>> -> memref<1x128x64xf32, #tpu.memory_space<vmem>>
      %dma_start3A_405 = tpu.memref_squeeze %dma_start3A_404 : memref<1x128x64xf32, #tpu.memory_space<vmem>> -> memref<128x64xf32, #tpu.memory_space<vmem>>
      %dma_start3A_406 = arith.constant 0 : i32
      %dma_start3A_407 = tpu.memref_slice %arg7[%add3A_384, %dma_start3A_406] : memref<80x128xi32, #tpu.memory_space<vmem>> -> memref<1x128xi32, #tpu.memory_space<vmem>>
      %dma_start3A_408 = tpu.memref_squeeze %dma_start3A_407 : memref<1x128xi32, #tpu.memory_space<vmem>> -> memref<128xi32, #tpu.memory_space<vmem>>
      %dma_start3A_409 = arith.constant 0 : i32
      %dma_start3A_410 = arith.constant 0 : i32
      %dma_start3A_411 = tpu.memref_slice %arg10[%dma_start3A_409, %dma_start3A_410] : memref<10240x64xf32, #tpu.memory_space<vmem_shared>> -> memref<10240x64xf32, #tpu.memory_space<vmem_shared>>
      tpu.enqueue_indirect_dma source(%dma_start3A_405 : memref<128x64xf32, #tpu.memory_space<vmem>>) target(%dma_start3A_411 : memref<10240x64xf32, #tpu.memory_space<vmem_shared>>) offsets(%dma_start3A_408 : memref<128xi32, #tpu.memory_space<vmem>>) semaphore(%arg18 : memref<!tpu.dma_semaphore, #tpu.memory_space<semaphore_mem>>) {add = true}
      %add3A_412 = arith.constant 5 : i32
      %add3A_413 = arith.addi %add3A_384, %add3A_412 : i32
      %lt3A_414 = arith.constant 80 : i32
      %lt3A_415 = arith.cmpi slt, %add3A_413, %lt3A_414 : i32
      %convert_element_type3A_416 = arith.extui %lt3A_415 : i1 to i32
      %cond3A_417 = arith.constant 0 : i32
      %cond3A_418 = arith.cmpi ne, %convert_element_type3A_416, %cond3A_417 : i32
      scf.if %cond3A_418 {
        %dma_wait3A_491 = arith.constant 2 : i32
        %dma_wait3A_492 = arith.constant 0 : i32
        %dma_wait3A_493 = arith.constant 0 : i32
        %dma_wait3A_494 = arith.constant 0 : i32
        %dma_wait3A_495 = tpu.memref_slice %arg8[%dma_wait3A_491, %dma_wait3A_493, %dma_wait3A_494] : memref<5x128x64xf32, #tpu.memory_space<vmem>> -> memref<1x128x64xf32, #tpu.memory_space<vmem>>
        %dma_wait3A_496 = tpu.memref_squeeze %dma_wait3A_495 : memref<1x128x64xf32, #tpu.memory_space<vmem>> -> memref<128x64xf32, #tpu.memory_space<vmem>>
        %dma_wait3A_497 = arith.constant 0 : i32
        %dma_wait3A_498 = tpu.memref_slice %arg7[%dma_wait3A_492, %dma_wait3A_497] : memref<80x128xi32, #tpu.memory_space<vmem>> -> memref<1x128xi32, #tpu.memory_space<vmem>>
        %dma_wait3A_499 = tpu.memref_squeeze %dma_wait3A_498 : memref<1x128xi32, #tpu.memory_space<vmem>> -> memref<128xi32, #tpu.memory_space<vmem>>
        %dma_wait3A_500 = arith.constant 0 : i32
        %dma_wait3A_501 = arith.constant 0 : i32
        %dma_wait3A_502 = tpu.memref_slice %arg10[%dma_wait3A_500, %dma_wait3A_501] : memref<10240x64xf32, #tpu.memory_space<vmem_shared>> -> memref<10240x64xf32, #tpu.memory_space<vmem_shared>>
        tpu.wait_indirect_dma semaphore(%arg18 : memref<!tpu.dma_semaphore, #tpu.memory_space<semaphore_mem>>) src(%dma_wait3A_496 : memref<128x64xf32, #tpu.memory_space<vmem>>) dst(%dma_wait3A_502 : memref<10240x64xf32, #tpu.memory_space<vmem_shared>>)
        %add3A_503 = arith.constant 5 : i32
        %add3A_504 = arith.addi %add3A_384, %add3A_503 : i32
        %dma_start3A_505 = arith.constant 2 : i32
        %dma_start3A_506 = arith.constant 0 : i32
        %dma_start3A_507 = arith.constant 0 : i32
        %dma_start3A_508 = tpu.memref_slice %arg8[%dma_start3A_505, %dma_start3A_506, %dma_start3A_507] : memref<5x128x64xf32, #tpu.memory_space<vmem>> -> memref<1x128x64xf32, #tpu.memory_space<vmem>>
        %dma_start3A_509 = tpu.memref_squeeze %dma_start3A_508 : memref<1x128x64xf32, #tpu.memory_space<vmem>> -> memref<128x64xf32, #tpu.memory_space<vmem>>
        %dma_start3A_510 = arith.constant 0 : i32
        %dma_start3A_511 = tpu.memref_slice %arg6[%add3A_504, %dma_start3A_510] : memref<80x128xi32, #tpu.memory_space<vmem>> -> memref<1x128xi32, #tpu.memory_space<vmem>>
        %dma_start3A_512 = tpu.memref_squeeze %dma_start3A_511 : memref<1x128xi32, #tpu.memory_space<vmem>> -> memref<128xi32, #tpu.memory_space<vmem>>
        %dma_start3A_513 = arith.constant 0 : i32
        %dma_start3A_514 = arith.constant 0 : i32
        %dma_start3A_515 = tpu.memref_slice %arg2[%arg0, %dma_start3A_513, %dma_start3A_514] : memref<2x10000x64xf32, #tpu.memory_space<hbm>> -> memref<1x10000x64xf32, #tpu.memory_space<hbm>>
        %dma_start3A_516 = tpu.memref_squeeze %dma_start3A_515 : memref<1x10000x64xf32, #tpu.memory_space<hbm>> -> memref<10000x64xf32, #tpu.memory_space<hbm>>
        %dma_start3A_517 = arith.constant 0 : i32
        %dma_start3A_518 = arith.constant 0 : i32
        %dma_start3A_519 = tpu.memref_slice %dma_start3A_516[%dma_start3A_517, %dma_start3A_518] : memref<10000x64xf32, #tpu.memory_space<hbm>> -> memref<10000x64xf32, #tpu.memory_space<hbm>>
        tpu.enqueue_indirect_dma source(%dma_start3A_519 : memref<10000x64xf32, #tpu.memory_space<hbm>>) target(%dma_start3A_509 : memref<128x64xf32, #tpu.memory_space<vmem>>) offsets(%dma_start3A_512 : memref<128xi32, #tpu.memory_space<vmem>>) semaphore(%arg13 : memref<!tpu.dma_semaphore, #tpu.memory_space<semaphore_mem>>)
      } else {
      }
      %add3A_419 = arith.constant 3 : i32
      %add3A_420 = arith.addi %add3A_313, %add3A_419 : i32
      %dma_wait3A_421 = arith.constant 0 : i32
      %dma_wait3A_422 = arith.constant 3 : i32
      %dma_wait3A_423 = arith.constant 0 : i32
      %dma_wait3A_424 = arith.constant 0 : i32
      %dma_wait3A_425 = tpu.memref_slice %arg8[%dma_wait3A_422, %dma_wait3A_423, %dma_wait3A_424] : memref<5x128x64xf32, #tpu.memory_space<vmem>> -> memref<1x128x64xf32, #tpu.memory_space<vmem>>
      %dma_wait3A_426 = tpu.memref_squeeze %dma_wait3A_425 : memref<1x128x64xf32, #tpu.memory_space<vmem>> -> memref<128x64xf32, #tpu.memory_space<vmem>>
      %dma_wait3A_427 = arith.constant 0 : i32
      %dma_wait3A_428 = tpu.memref_slice %arg6[%dma_wait3A_421, %dma_wait3A_427] : memref<80x128xi32, #tpu.memory_space<vmem>> -> memref<1x128xi32, #tpu.memory_space<vmem>>
      %dma_wait3A_429 = tpu.memref_squeeze %dma_wait3A_428 : memref<1x128xi32, #tpu.memory_space<vmem>> -> memref<128xi32, #tpu.memory_space<vmem>>
      %dma_wait3A_430 = arith.constant 0 : i32
      %dma_wait3A_431 = arith.constant 0 : i32
      %dma_wait3A_432 = tpu.memref_slice %arg2[%arg0, %dma_wait3A_430, %dma_wait3A_431] : memref<2x10000x64xf32, #tpu.memory_space<hbm>> -> memref<1x10000x64xf32, #tpu.memory_space<hbm>>
      %dma_wait3A_433 = tpu.memref_squeeze %dma_wait3A_432 : memref<1x10000x64xf32, #tpu.memory_space<hbm>> -> memref<10000x64xf32, #tpu.memory_space<hbm>>
      %dma_wait3A_434 = arith.constant 0 : i32
      %dma_wait3A_435 = arith.constant 0 : i32
      %dma_wait3A_436 = tpu.memref_slice %dma_wait3A_433[%dma_wait3A_434, %dma_wait3A_435] : memref<10000x64xf32, #tpu.memory_space<hbm>> -> memref<10000x64xf32, #tpu.memory_space<hbm>>
      tpu.wait_indirect_dma semaphore(%arg14 : memref<!tpu.dma_semaphore, #tpu.memory_space<semaphore_mem>>) src(%dma_wait3A_436 : memref<10000x64xf32, #tpu.memory_space<hbm>>) dst(%dma_wait3A_426 : memref<128x64xf32, #tpu.memory_space<vmem>>)
      %dma_start3A_437 = arith.constant 3 : i32
      %dma_start3A_438 = arith.constant 0 : i32
      %dma_start3A_439 = arith.constant 0 : i32
      %dma_start3A_440 = tpu.memref_slice %arg8[%dma_start3A_437, %dma_start3A_438, %dma_start3A_439] : memref<5x128x64xf32, #tpu.memory_space<vmem>> -> memref<1x128x64xf32, #tpu.memory_space<vmem>>
      %dma_start3A_441 = tpu.memref_squeeze %dma_start3A_440 : memref<1x128x64xf32, #tpu.memory_space<vmem>> -> memref<128x64xf32, #tpu.memory_space<vmem>>
      %dma_start3A_442 = arith.constant 0 : i32
      %dma_start3A_443 = tpu.memref_slice %arg7[%add3A_420, %dma_start3A_442] : memref<80x128xi32, #tpu.memory_space<vmem>> -> memref<1x128xi32, #tpu.memory_space<vmem>>
      %dma_start3A_444 = tpu.memref_squeeze %dma_start3A_443 : memref<1x128xi32, #tpu.memory_space<vmem>> -> memref<128xi32, #tpu.memory_space<vmem>>
      %dma_start3A_445 = arith.constant 0 : i32
      %dma_start3A_446 = arith.constant 0 : i32
      %dma_start3A_447 = tpu.memref_slice %arg10[%dma_start3A_445, %dma_start3A_446] : memref<10240x64xf32, #tpu.memory_space<vmem_shared>> -> memref<10240x64xf32, #tpu.memory_space<vmem_shared>>
      tpu.enqueue_indirect_dma source(%dma_start3A_441 : memref<128x64xf32, #tpu.memory_space<vmem>>) target(%dma_start3A_447 : memref<10240x64xf32, #tpu.memory_space<vmem_shared>>) offsets(%dma_start3A_444 : memref<128xi32, #tpu.memory_space<vmem>>) semaphore(%arg19 : memref<!tpu.dma_semaphore, #tpu.memory_space<semaphore_mem>>) {add = true}
      %add3A_448 = arith.constant 5 : i32
      %add3A_449 = arith.addi %add3A_420, %add3A_448 : i32
      %lt3A_450 = arith.constant 80 : i32
      %lt3A_451 = arith.cmpi slt, %add3A_449, %lt3A_450 : i32
      %convert_element_type3A_452 = arith.extui %lt3A_451 : i1 to i32
      %cond3A_453 = arith.constant 0 : i32
      %cond3A_454 = arith.cmpi ne, %convert_element_type3A_452, %cond3A_453 : i32
      scf.if %cond3A_454 {
        %dma_wait3A_491 = arith.constant 3 : i32
        %dma_wait3A_492 = arith.constant 0 : i32
        %dma_wait3A_493 = arith.constant 0 : i32
        %dma_wait3A_494 = arith.constant 0 : i32
        %dma_wait3A_495 = tpu.memref_slice %arg8[%dma_wait3A_491, %dma_wait3A_493, %dma_wait3A_494] : memref<5x128x64xf32, #tpu.memory_space<vmem>> -> memref<1x128x64xf32, #tpu.memory_space<vmem>>
        %dma_wait3A_496 = tpu.memref_squeeze %dma_wait3A_495 : memref<1x128x64xf32, #tpu.memory_space<vmem>> -> memref<128x64xf32, #tpu.memory_space<vmem>>
        %dma_wait3A_497 = arith.constant 0 : i32
        %dma_wait3A_498 = tpu.memref_slice %arg7[%dma_wait3A_492, %dma_wait3A_497] : memref<80x128xi32, #tpu.memory_space<vmem>> -> memref<1x128xi32, #tpu.memory_space<vmem>>
        %dma_wait3A_499 = tpu.memref_squeeze %dma_wait3A_498 : memref<1x128xi32, #tpu.memory_space<vmem>> -> memref<128xi32, #tpu.memory_space<vmem>>
        %dma_wait3A_500 = arith.constant 0 : i32
        %dma_wait3A_501 = arith.constant 0 : i32
        %dma_wait3A_502 = tpu.memref_slice %arg10[%dma_wait3A_500, %dma_wait3A_501] : memref<10240x64xf32, #tpu.memory_space<vmem_shared>> -> memref<10240x64xf32, #tpu.memory_space<vmem_shared>>
        tpu.wait_indirect_dma semaphore(%arg19 : memref<!tpu.dma_semaphore, #tpu.memory_space<semaphore_mem>>) src(%dma_wait3A_496 : memref<128x64xf32, #tpu.memory_space<vmem>>) dst(%dma_wait3A_502 : memref<10240x64xf32, #tpu.memory_space<vmem_shared>>)
        %add3A_503 = arith.constant 5 : i32
        %add3A_504 = arith.addi %add3A_420, %add3A_503 : i32
        %dma_start3A_505 = arith.constant 3 : i32
        %dma_start3A_506 = arith.constant 0 : i32
        %dma_start3A_507 = arith.constant 0 : i32
        %dma_start3A_508 = tpu.memref_slice %arg8[%dma_start3A_505, %dma_start3A_506, %dma_start3A_507] : memref<5x128x64xf32, #tpu.memory_space<vmem>> -> memref<1x128x64xf32, #tpu.memory_space<vmem>>
        %dma_start3A_509 = tpu.memref_squeeze %dma_start3A_508 : memref<1x128x64xf32, #tpu.memory_space<vmem>> -> memref<128x64xf32, #tpu.memory_space<vmem>>
        %dma_start3A_510 = arith.constant 0 : i32
        %dma_start3A_511 = tpu.memref_slice %arg6[%add3A_504, %dma_start3A_510] : memref<80x128xi32, #tpu.memory_space<vmem>> -> memref<1x128xi32, #tpu.memory_space<vmem>>
        %dma_start3A_512 = tpu.memref_squeeze %dma_start3A_511 : memref<1x128xi32, #tpu.memory_space<vmem>> -> memref<128xi32, #tpu.memory_space<vmem>>
        %dma_start3A_513 = arith.constant 0 : i32
        %dma_start3A_514 = arith.constant 0 : i32
        %dma_start3A_515 = tpu.memref_slice %arg2[%arg0, %dma_start3A_513, %dma_start3A_514] : memref<2x10000x64xf32, #tpu.memory_space<hbm>> -> memref<1x10000x64xf32, #tpu.memory_space<hbm>>
        %dma_start3A_516 = tpu.memref_squeeze %dma_start3A_515 : memref<1x10000x64xf32, #tpu.memory_space<hbm>> -> memref<10000x64xf32, #tpu.memory_space<hbm>>
        %dma_start3A_517 = arith.constant 0 : i32
        %dma_start3A_518 = arith.constant 0 : i32
        %dma_start3A_519 = tpu.memref_slice %dma_start3A_516[%dma_start3A_517, %dma_start3A_518] : memref<10000x64xf32, #tpu.memory_space<hbm>> -> memref<10000x64xf32, #tpu.memory_space<hbm>>
        tpu.enqueue_indirect_dma source(%dma_start3A_519 : memref<10000x64xf32, #tpu.memory_space<hbm>>) target(%dma_start3A_509 : memref<128x64xf32, #tpu.memory_space<vmem>>) offsets(%dma_start3A_512 : memref<128xi32, #tpu.memory_space<vmem>>) semaphore(%arg14 : memref<!tpu.dma_semaphore, #tpu.memory_space<semaphore_mem>>)
      } else {
      }
      %add3A_455 = arith.constant 4 : i32
      %add3A_456 = arith.addi %add3A_313, %add3A_455 : i32
      %dma_wait3A_457 = arith.constant 0 : i32
      %dma_wait3A_458 = arith.constant 4 : i32
      %dma_wait3A_459 = arith.constant 0 : i32
      %dma_wait3A_460 = arith.constant 0 : i32
      %dma_wait3A_461 = tpu.memref_slice %arg8[%dma_wait3A_458, %dma_wait3A_459, %dma_wait3A_460] : memref<5x128x64xf32, #tpu.memory_space<vmem>> -> memref<1x128x64xf32, #tpu.memory_space<vmem>>
      %dma_wait3A_462 = tpu.memref_squeeze %dma_wait3A_461 : memref<1x128x64xf32, #tpu.memory_space<vmem>> -> memref<128x64xf32, #tpu.memory_space<vmem>>
      %dma_wait3A_463 = arith.constant 0 : i32
      %dma_wait3A_464 = tpu.memref_slice %arg6[%dma_wait3A_457, %dma_wait3A_463] : memref<80x128xi32, #tpu.memory_space<vmem>> -> memref<1x128xi32, #tpu.memory_space<vmem>>
      %dma_wait3A_465 = tpu.memref_squeeze %dma_wait3A_464 : memref<1x128xi32, #tpu.memory_space<vmem>> -> memref<128xi32, #tpu.memory_space<vmem>>
      %dma_wait3A_466 = arith.constant 0 : i32
      %dma_wait3A_467 = arith.constant 0 : i32
      %dma_wait3A_468 = tpu.memref_slice %arg2[%arg0, %dma_wait3A_466, %dma_wait3A_467] : memref<2x10000x64xf32, #tpu.memory_space<hbm>> -> memref<1x10000x64xf32, #tpu.memory_space<hbm>>
      %dma_wait3A_469 = tpu.memref_squeeze %dma_wait3A_468 : memref<1x10000x64xf32, #tpu.memory_space<hbm>> -> memref<10000x64xf32, #tpu.memory_space<hbm>>
      %dma_wait3A_470 = arith.constant 0 : i32
      %dma_wait3A_471 = arith.constant 0 : i32
      %dma_wait3A_472 = tpu.memref_slice %dma_wait3A_469[%dma_wait3A_470, %dma_wait3A_471] : memref<10000x64xf32, #tpu.memory_space<hbm>> -> memref<10000x64xf32, #tpu.memory_space<hbm>>
      tpu.wait_indirect_dma semaphore(%arg15 : memref<!tpu.dma_semaphore, #tpu.memory_space<semaphore_mem>>) src(%dma_wait3A_472 : memref<10000x64xf32, #tpu.memory_space<hbm>>) dst(%dma_wait3A_462 : memref<128x64xf32, #tpu.memory_space<vmem>>)
      %dma_start3A_473 = arith.constant 4 : i32
      %dma_start3A_474 = arith.constant 0 : i32
      %dma_start3A_475 = arith.constant 0 : i32
      %dma_start3A_476 = tpu.memref_slice %arg8[%dma_start3A_473, %dma_start3A_474, %dma_start3A_475] : memref<5x128x64xf32, #tpu.memory_space<vmem>> -> memref<1x128x64xf32, #tpu.memory_space<vmem>>
      %dma_start3A_477 = tpu.memref_squeeze %dma_start3A_476 : memref<1x128x64xf32, #tpu.memory_space<vmem>> -> memref<128x64xf32, #tpu.memory_space<vmem>>
      %dma_start3A_478 = arith.constant 0 : i32
      %dma_start3A_479 = tpu.memref_slice %arg7[%add3A_456, %dma_start3A_478] : memref<80x128xi32, #tpu.memory_space<vmem>> -> memref<1x128xi32, #tpu.memory_space<vmem>>
      %dma_start3A_480 = tpu.memref_squeeze %dma_start3A_479 : memref<1x128xi32, #tpu.memory_space<vmem>> -> memref<128xi32, #tpu.memory_space<vmem>>
      %dma_start3A_481 = arith.constant 0 : i32
      %dma_start3A_482 = arith.constant 0 : i32
      %dma_start3A_483 = tpu.memref_slice %arg10[%dma_start3A_481, %dma_start3A_482] : memref<10240x64xf32, #tpu.memory_space<vmem_shared>> -> memref<10240x64xf32, #tpu.memory_space<vmem_shared>>
      tpu.enqueue_indirect_dma source(%dma_start3A_477 : memref<128x64xf32, #tpu.memory_space<vmem>>) target(%dma_start3A_483 : memref<10240x64xf32, #tpu.memory_space<vmem_shared>>) offsets(%dma_start3A_480 : memref<128xi32, #tpu.memory_space<vmem>>) semaphore(%arg20 : memref<!tpu.dma_semaphore, #tpu.memory_space<semaphore_mem>>) {add = true}
      %add3A_484 = arith.constant 5 : i32
      %add3A_485 = arith.addi %add3A_456, %add3A_484 : i32
      %lt3A_486 = arith.constant 80 : i32
      %lt3A_487 = arith.cmpi slt, %add3A_485, %lt3A_486 : i32
      %convert_element_type3A_488 = arith.extui %lt3A_487 : i1 to i32
      %cond3A_489 = arith.constant 0 : i32
      %cond3A_490 = arith.cmpi ne, %convert_element_type3A_488, %cond3A_489 : i32
      scf.if %cond3A_490 {
        %dma_wait3A_491 = arith.constant 4 : i32
        %dma_wait3A_492 = arith.constant 0 : i32
        %dma_wait3A_493 = arith.constant 0 : i32
        %dma_wait3A_494 = arith.constant 0 : i32
        %dma_wait3A_495 = tpu.memref_slice %arg8[%dma_wait3A_491, %dma_wait3A_493, %dma_wait3A_494] : memref<5x128x64xf32, #tpu.memory_space<vmem>> -> memref<1x128x64xf32, #tpu.memory_space<vmem>>
        %dma_wait3A_496 = tpu.memref_squeeze %dma_wait3A_495 : memref<1x128x64xf32, #tpu.memory_space<vmem>> -> memref<128x64xf32, #tpu.memory_space<vmem>>
        %dma_wait3A_497 = arith.constant 0 : i32
        %dma_wait3A_498 = tpu.memref_slice %arg7[%dma_wait3A_492, %dma_wait3A_497] : memref<80x128xi32, #tpu.memory_space<vmem>> -> memref<1x128xi32, #tpu.memory_space<vmem>>
        %dma_wait3A_499 = tpu.memref_squeeze %dma_wait3A_498 : memref<1x128xi32, #tpu.memory_space<vmem>> -> memref<128xi32, #tpu.memory_space<vmem>>
        %dma_wait3A_500 = arith.constant 0 : i32
        %dma_wait3A_501 = arith.constant 0 : i32
        %dma_wait3A_502 = tpu.memref_slice %arg10[%dma_wait3A_500, %dma_wait3A_501] : memref<10240x64xf32, #tpu.memory_space<vmem_shared>> -> memref<10240x64xf32, #tpu.memory_space<vmem_shared>>
        tpu.wait_indirect_dma semaphore(%arg20 : memref<!tpu.dma_semaphore, #tpu.memory_space<semaphore_mem>>) src(%dma_wait3A_496 : memref<128x64xf32, #tpu.memory_space<vmem>>) dst(%dma_wait3A_502 : memref<10240x64xf32, #tpu.memory_space<vmem_shared>>)
        %add3A_503 = arith.constant 5 : i32
        %add3A_504 = arith.addi %add3A_456, %add3A_503 : i32
        %dma_start3A_505 = arith.constant 4 : i32
        %dma_start3A_506 = arith.constant 0 : i32
        %dma_start3A_507 = arith.constant 0 : i32
        %dma_start3A_508 = tpu.memref_slice %arg8[%dma_start3A_505, %dma_start3A_506, %dma_start3A_507] : memref<5x128x64xf32, #tpu.memory_space<vmem>> -> memref<1x128x64xf32, #tpu.memory_space<vmem>>
        %dma_start3A_509 = tpu.memref_squeeze %dma_start3A_508 : memref<1x128x64xf32, #tpu.memory_space<vmem>> -> memref<128x64xf32, #tpu.memory_space<vmem>>
        %dma_start3A_510 = arith.constant 0 : i32
        %dma_start3A_511 = tpu.memref_slice %arg6[%add3A_504, %dma_start3A_510] : memref<80x128xi32, #tpu.memory_space<vmem>> -> memref<1x128xi32, #tpu.memory_space<vmem>>
        %dma_start3A_512 = tpu.memref_squeeze %dma_start3A_511 : memref<1x128xi32, #tpu.memory_space<vmem>> -> memref<128xi32, #tpu.memory_space<vmem>>
        %dma_start3A_513 = arith.constant 0 : i32
        %dma_start3A_514 = arith.constant 0 : i32
        %dma_start3A_515 = tpu.memref_slice %arg2[%arg0, %dma_start3A_513, %dma_start3A_514] : memref<2x10000x64xf32, #tpu.memory_space<hbm>> -> memref<1x10000x64xf32, #tpu.memory_space<hbm>>
        %dma_start3A_516 = tpu.memref_squeeze %dma_start3A_515 : memref<1x10000x64xf32, #tpu.memory_space<hbm>> -> memref<10000x64xf32, #tpu.memory_space<hbm>>
        %dma_start3A_517 = arith.constant 0 : i32
        %dma_start3A_518 = arith.constant 0 : i32
        %dma_start3A_519 = tpu.memref_slice %dma_start3A_516[%dma_start3A_517, %dma_start3A_518] : memref<10000x64xf32, #tpu.memory_space<hbm>> -> memref<10000x64xf32, #tpu.memory_space<hbm>>
        tpu.enqueue_indirect_dma source(%dma_start3A_519 : memref<10000x64xf32, #tpu.memory_space<hbm>>) target(%dma_start3A_509 : memref<128x64xf32, #tpu.memory_space<vmem>>) offsets(%dma_start3A_512 : memref<128xi32, #tpu.memory_space<vmem>>) semaphore(%arg15 : memref<!tpu.dma_semaphore, #tpu.memory_space<semaphore_mem>>)
      } else {
      }
    }
    %scan3A_245 = arith.constant 16 : i32
    %dma_wait3A_246 = arith.constant 0 : i32
    %dma_wait3A_247 = arith.constant 0 : i32
    %dma_wait3A_248 = arith.constant 0 : i32
    %dma_wait3A_249 = arith.constant 0 : i32
    %dma_wait3A_250 = tpu.memref_slice %arg8[%dma_wait3A_246, %dma_wait3A_248, %dma_wait3A_249] : memref<5x128x64xf32, #tpu.memory_space<vmem>> -> memref<1x128x64xf32, #tpu.memory_space<vmem>>
    %dma_wait3A_251 = tpu.memref_squeeze %dma_wait3A_250 : memref<1x128x64xf32, #tpu.memory_space<vmem>> -> memref<128x64xf32, #tpu.memory_space<vmem>>
    %dma_wait3A_252 = arith.constant 0 : i32
    %dma_wait3A_253 = tpu.memref_slice %arg7[%dma_wait3A_247, %dma_wait3A_252] : memref<80x128xi32, #tpu.memory_space<vmem>> -> memref<1x128xi32, #tpu.memory_space<vmem>>
    %dma_wait3A_254 = tpu.memref_squeeze %dma_wait3A_253 : memref<1x128xi32, #tpu.memory_space<vmem>> -> memref<128xi32, #tpu.memory_space<vmem>>
    %dma_wait3A_255 = arith.constant 0 : i32
    %dma_wait3A_256 = arith.constant 0 : i32
    %dma_wait3A_257 = tpu.memref_slice %arg10[%dma_wait3A_255, %dma_wait3A_256] : memref<10240x64xf32, #tpu.memory_space<vmem_shared>> -> memref<10240x64xf32, #tpu.memory_space<vmem_shared>>
    tpu.wait_indirect_dma semaphore(%arg16 : memref<!tpu.dma_semaphore, #tpu.memory_space<semaphore_mem>>) src(%dma_wait3A_251 : memref<128x64xf32, #tpu.memory_space<vmem>>) dst(%dma_wait3A_257 : memref<10240x64xf32, #tpu.memory_space<vmem_shared>>)
    %dma_wait3A_258 = arith.constant 1 : i32
    %dma_wait3A_259 = arith.constant 0 : i32
    %dma_wait3A_260 = arith.constant 0 : i32
    %dma_wait3A_261 = arith.constant 0 : i32
    %dma_wait3A_262 = tpu.memref_slice %arg8[%dma_wait3A_258, %dma_wait3A_260, %dma_wait3A_261] : memref<5x128x64xf32, #tpu.memory_space<vmem>> -> memref<1x128x64xf32, #tpu.memory_space<vmem>>
    %dma_wait3A_263 = tpu.memref_squeeze %dma_wait3A_262 : memref<1x128x64xf32, #tpu.memory_space<vmem>> -> memref<128x64xf32, #tpu.memory_space<vmem>>
    %dma_wait3A_264 = arith.constant 0 : i32
    %dma_wait3A_265 = tpu.memref_slice %arg7[%dma_wait3A_259, %dma_wait3A_264] : memref<80x128xi32, #tpu.memory_space<vmem>> -> memref<1x128xi32, #tpu.memory_space<vmem>>
    %dma_wait3A_266 = tpu.memref_squeeze %dma_wait3A_265 : memref<1x128xi32, #tpu.memory_space<vmem>> -> memref<128xi32, #tpu.memory_space<vmem>>
    %dma_wait3A_267 = arith.constant 0 : i32
    %dma_wait3A_268 = arith.constant 0 : i32
    %dma_wait3A_269 = tpu.memref_slice %arg10[%dma_wait3A_267, %dma_wait3A_268] : memref<10240x64xf32, #tpu.memory_space<vmem_shared>> -> memref<10240x64xf32, #tpu.memory_space<vmem_shared>>
    tpu.wait_indirect_dma semaphore(%arg17 : memref<!tpu.dma_semaphore, #tpu.memory_space<semaphore_mem>>) src(%dma_wait3A_263 : memref<128x64xf32, #tpu.memory_space<vmem>>) dst(%dma_wait3A_269 : memref<10240x64xf32, #tpu.memory_space<vmem_shared>>)
    %dma_wait3A_270 = arith.constant 2 : i32
    %dma_wait3A_271 = arith.constant 0 : i32
    %dma_wait3A_272 = arith.constant 0 : i32
    %dma_wait3A_273 = arith.constant 0 : i32
    %dma_wait3A_274 = tpu.memref_slice %arg8[%dma_wait3A_270, %dma_wait3A_272, %dma_wait3A_273] : memref<5x128x64xf32, #tpu.memory_space<vmem>> -> memref<1x128x64xf32, #tpu.memory_space<vmem>>
    %dma_wait3A_275 = tpu.memref_squeeze %dma_wait3A_274 : memref<1x128x64xf32, #tpu.memory_space<vmem>> -> memref<128x64xf32, #tpu.memory_space<vmem>>
    %dma_wait3A_276 = arith.constant 0 : i32
    %dma_wait3A_277 = tpu.memref_slice %arg7[%dma_wait3A_271, %dma_wait3A_276] : memref<80x128xi32, #tpu.memory_space<vmem>> -> memref<1x128xi32, #tpu.memory_space<vmem>>
    %dma_wait3A_278 = tpu.memref_squeeze %dma_wait3A_277 : memref<1x128xi32, #tpu.memory_space<vmem>> -> memref<128xi32, #tpu.memory_space<vmem>>
    %dma_wait3A_279 = arith.constant 0 : i32
    %dma_wait3A_280 = arith.constant 0 : i32
    %dma_wait3A_281 = tpu.memref_slice %arg10[%dma_wait3A_279, %dma_wait3A_280] : memref<10240x64xf32, #tpu.memory_space<vmem_shared>> -> memref<10240x64xf32, #tpu.memory_space<vmem_shared>>
    tpu.wait_indirect_dma semaphore(%arg18 : memref<!tpu.dma_semaphore, #tpu.memory_space<semaphore_mem>>) src(%dma_wait3A_275 : memref<128x64xf32, #tpu.memory_space<vmem>>) dst(%dma_wait3A_281 : memref<10240x64xf32, #tpu.memory_space<vmem_shared>>)
    %dma_wait3A_282 = arith.constant 3 : i32
    %dma_wait3A_283 = arith.constant 0 : i32
    %dma_wait3A_284 = arith.constant 0 : i32
    %dma_wait3A_285 = arith.constant 0 : i32
    %dma_wait3A_286 = tpu.memref_slice %arg8[%dma_wait3A_282, %dma_wait3A_284, %dma_wait3A_285] : memref<5x128x64xf32, #tpu.memory_space<vmem>> -> memref<1x128x64xf32, #tpu.memory_space<vmem>>
    %dma_wait3A_287 = tpu.memref_squeeze %dma_wait3A_286 : memref<1x128x64xf32, #tpu.memory_space<vmem>> -> memref<128x64xf32, #tpu.memory_space<vmem>>
    %dma_wait3A_288 = arith.constant 0 : i32
    %dma_wait3A_289 = tpu.memref_slice %arg7[%dma_wait3A_283, %dma_wait3A_288] : memref<80x128xi32, #tpu.memory_space<vmem>> -> memref<1x128xi32, #tpu.memory_space<vmem>>
    %dma_wait3A_290 = tpu.memref_squeeze %dma_wait3A_289 : memref<1x128xi32, #tpu.memory_space<vmem>> -> memref<128xi32, #tpu.memory_space<vmem>>
    %dma_wait3A_291 = arith.constant 0 : i32
    %dma_wait3A_292 = arith.constant 0 : i32
    %dma_wait3A_293 = tpu.memref_slice %arg10[%dma_wait3A_291, %dma_wait3A_292] : memref<10240x64xf32, #tpu.memory_space<vmem_shared>> -> memref<10240x64xf32, #tpu.memory_space<vmem_shared>>
    tpu.wait_indirect_dma semaphore(%arg19 : memref<!tpu.dma_semaphore, #tpu.memory_space<semaphore_mem>>) src(%dma_wait3A_287 : memref<128x64xf32, #tpu.memory_space<vmem>>) dst(%dma_wait3A_293 : memref<10240x64xf32, #tpu.memory_space<vmem_shared>>)
    %dma_wait3A_294 = arith.constant 4 : i32
    %dma_wait3A_295 = arith.constant 0 : i32
    %dma_wait3A_296 = arith.constant 0 : i32
    %dma_wait3A_297 = arith.constant 0 : i32
    %dma_wait3A_298 = tpu.memref_slice %arg8[%dma_wait3A_294, %dma_wait3A_296, %dma_wait3A_297] : memref<5x128x64xf32, #tpu.memory_space<vmem>> -> memref<1x128x64xf32, #tpu.memory_space<vmem>>
    %dma_wait3A_299 = tpu.memref_squeeze %dma_wait3A_298 : memref<1x128x64xf32, #tpu.memory_space<vmem>> -> memref<128x64xf32, #tpu.memory_space<vmem>>
    %dma_wait3A_300 = arith.constant 0 : i32
    %dma_wait3A_301 = tpu.memref_slice %arg7[%dma_wait3A_295, %dma_wait3A_300] : memref<80x128xi32, #tpu.memory_space<vmem>> -> memref<1x128xi32, #tpu.memory_space<vmem>>
    %dma_wait3A_302 = tpu.memref_squeeze %dma_wait3A_301 : memref<1x128xi32, #tpu.memory_space<vmem>> -> memref<128xi32, #tpu.memory_space<vmem>>
    %dma_wait3A_303 = arith.constant 0 : i32
    %dma_wait3A_304 = arith.constant 0 : i32
    %dma_wait3A_305 = tpu.memref_slice %arg10[%dma_wait3A_303, %dma_wait3A_304] : memref<10240x64xf32, #tpu.memory_space<vmem_shared>> -> memref<10240x64xf32, #tpu.memory_space<vmem_shared>>
    tpu.wait_indirect_dma semaphore(%arg20 : memref<!tpu.dma_semaphore, #tpu.memory_space<semaphore_mem>>) src(%dma_wait3A_299 : memref<128x64xf32, #tpu.memory_space<vmem>>) dst(%dma_wait3A_305 : memref<10240x64xf32, #tpu.memory_space<vmem_shared>>)
    %barrier3A_306 = arith.constant 0 : index
    tpu.barrier barrier_id(%barrier3A_306)
    %mul3A_307 = arith.constant 640 : i32
    %mul3A_308 = arith.muli %arg1, %mul3A_307 : i32
    %multiple_of3A = tpu.assume_multiple %mul3A_308, 8 : i32
    "tpu.region"() ({
      %run_scoped3A = tpu.sem_alloc : memref<!tpu.dma_semaphore, #tpu.memory_space<semaphore_mem>>
      %dma_start3A_309 = arith.constant 0 : i32
      %dma_start3A_310 = tpu.memref_slice %arg5[%arg0, %multiple_of3A, %dma_start3A_309] : memref<2x10240x64xf32, #tpu.memory_space<hbm>> -> memref<1x640x64xf32, #tpu.memory_space<hbm>>
      %dma_start3A_311 = tpu.memref_squeeze %dma_start3A_310 : memref<1x640x64xf32, #tpu.memory_space<hbm>> -> memref<640x64xf32, #tpu.memory_space<hbm>>
      %dma_start3A_312 = arith.constant 0 : i32
      %dma_start3A_313 = tpu.memref_slice %arg10[%multiple_of3A, %dma_start3A_312] : memref<10240x64xf32, #tpu.memory_space<vmem_shared>> -> memref<640x64xf32, #tpu.memory_space<vmem_shared>>
      tpu.enqueue_dma source(%dma_start3A_313 : memref<640x64xf32, #tpu.memory_space<vmem_shared>>) target(%dma_start3A_311 : memref<640x64xf32, #tpu.memory_space<hbm>>) target_semaphore(%run_scoped3A : memref<!tpu.dma_semaphore, #tpu.memory_space<semaphore_mem>>)
      %dma_wait3A_314 = arith.constant 0 : i32
      %dma_wait3A_315 = tpu.memref_slice %arg5[%arg0, %multiple_of3A, %dma_wait3A_314] : memref<2x10240x64xf32, #tpu.memory_space<hbm>> -> memref<1x640x64xf32, #tpu.memory_space<hbm>>
      %dma_wait3A_316 = tpu.memref_squeeze %dma_wait3A_315 : memref<1x640x64xf32, #tpu.memory_space<hbm>> -> memref<640x64xf32, #tpu.memory_space<hbm>>
      %dma_wait3A_317 = arith.constant 0 : i32
      %dma_wait3A_318 = tpu.memref_slice %arg10[%multiple_of3A, %dma_wait3A_317] : memref<10240x64xf32, #tpu.memory_space<vmem_shared>> -> memref<640x64xf32, #tpu.memory_space<vmem_shared>>
      tpu.wait_dma2 semaphore(%run_scoped3A : memref<!tpu.dma_semaphore, #tpu.memory_space<semaphore_mem>>) src(%dma_wait3A_318 : memref<640x64xf32, #tpu.memory_space<vmem_shared>>) dst(%dma_wait3A_316 : memref<640x64xf32, #tpu.memory_space<hbm>>)
      tpu.yield
    }) : () -> ()
    return
  }
}

module attributes {stable_mosaic.version = 14 : i64} {
  func.func @body(%arg0: i32, %arg1: memref<1000x128xf32, #tpu.memory_space<vmem>>, %arg2: memref<128x128xf32, #tpu.memory_space<vmem>>, %arg3: memref<1000x2xf32, #tpu.memory_space<vmem>>, %arg4: memref<2x1000x64xf32, #tpu.memory_space<vmem>>) attributes {dimension_semantics = [#tpu.dimension_semantics<arbitrary>], iteration_bounds = array<i64: 10>, scalar_prefetch = 0 : i64, scratch_operands = 0 : i64, tpu.core_type = #tpu.core_type<tc>, window_params = [{transform_indices = @transform_0, window_bounds = array<i64: 1000, 128>}, {pipeline_mode = #tpu.pipeline_mode<synchronous>, transform_indices = @transform_1, window_bounds = array<i64: 128, 128>}, {transform_indices = @transform_2, window_bounds = array<i64: 1000, 2>}, {transform_indices = @transform_3, window_bounds = array<i64: 2, 1000, 64>}]} {
    %iota3A = tpu.iota {dimensions = array<i32: 1>} : vector<1x1000xi32>
    %iota3A_0 = vector.shape_cast %iota3A : vector<1x1000xi32> to vector<1000xi32>
    %mul3A = arith.constant 1000 : i32
    %mul3A_1 = arith.muli %arg0, %mul3A : i32
    %add3A = vector.broadcast %mul3A_1 : i32 to vector<1000xi32>
    %add3A_2 = arith.addi %iota3A_0, %add3A : vector<1000xi32>
    %get3A = arith.constant 0 : index
    %get3A_3 = arith.constant 0 : index
    %get3A_4 = vector.load %arg3[%get3A, %get3A_3] : memref<1000x2xf32, #tpu.memory_space<vmem>>, vector<1000x1xf32>
    %get3A_5 = vector.shape_cast %get3A_4 : vector<1000x1xf32> to vector<1000xf32>
    %lt3A = arith.constant 7680 : i32
    %lt3A_6 = vector.broadcast %lt3A : i32 to vector<1000xi32>
    %lt3A_7 = arith.cmpi slt, %add3A_2, %lt3A_6 : vector<1000xi32>
    %jit3A = arith.constant 1.000000e+00 : f32
    %jit3A_8 = arith.constant 0.000000e+00 : f32
    %broadcast_in_dim3A = vector.broadcast %jit3A : f32 to vector<1000xf32>
    %broadcast_in_dim3A_9 = vector.broadcast %jit3A_8 : f32 to vector<1000xf32>
    %select_n3A = arith.select %lt3A_7, %broadcast_in_dim3A, %broadcast_in_dim3A_9 : vector<1000xi1>, vector<1000xf32>
    %sub3A = arith.subf %get3A_5, %select_n3A : vector<1000xf32>
    %gt3A = arith.constant 0.000000e+00 : f32
    %gt3A_10 = vector.broadcast %gt3A : f32 to vector<1000xf32>
    %gt3A_11 = arith.cmpf ogt, %sub3A, %gt3A_10 : vector<1000xf32>
    %rsqrt3A = math.rsqrt %sub3A : vector<1000xf32>
    %jit3A_12 = arith.constant 0.000000e+00 : f32
    %broadcast_in_dim3A_13 = vector.broadcast %jit3A_12 : f32 to vector<1000xf32>
    %select_n3A_14 = arith.select %gt3A_11, %rsqrt3A, %broadcast_in_dim3A_13 : vector<1000xi1>, vector<1000xf32>
    %get3A_15 = arith.constant 0 : index
    %get3A_16 = arith.constant 0 : index
    %get3A_17 = vector.load %arg1[%get3A_15, %get3A_16] : memref<1000x128xf32, #tpu.memory_space<vmem>>, vector<1000x128xf32>
    %get3A_18 = arith.constant 0 : index
    %get3A_19 = arith.constant 0 : index
    %get3A_20 = vector.load %arg2[%get3A_18, %get3A_19] : memref<128x128xf32, #tpu.memory_space<vmem>>, vector<128x128xf32>
    %dot_general3A = arith.constant dense<0.000000e+00> : vector<1000x128xf32>
    %dot_general3A_21 = tpu.matmul %get3A_17, %get3A_20, %dot_general3A {dimension_numbers = #tpu.dot_dimension_numbers<[1], [0], [0], [1], [0, 0, 1, 1], [], []>, transpose_lhs_hint = false} : vector<1000x128xf32>, vector<128x128xf32>, vector<1000x128xf32> -> vector<1000x128xf32>
    %broadcast_in_dim3A_22 = vector.shape_cast %select_n3A_14 : vector<1000xf32> to vector<1000x1xf32>
    %mul3A_23 = vector.broadcast %broadcast_in_dim3A_22 : vector<1000x1xf32> to vector<1000x128xf32>
    %mul3A_24 = arith.mulf %dot_general3A_21, %mul3A_23 : vector<1000x128xf32>
    %slice3A = vector.extract_strided_slice %mul3A_24 {offsets = [0, 0], sizes = [1000, 64], strides = [1, 1]} : vector<1000x128xf32> to vector<1000x64xf32>
    %swap3A = arith.constant 0 : index
    %swap3A_25 = arith.constant 0 : index
    %swap3A_26 = arith.constant 0 : index
    %swap3A_27 = vector.load %arg4[%swap3A, %swap3A_25, %swap3A_26] : memref<2x1000x64xf32, #tpu.memory_space<vmem>>, vector<1x1000x64xf32>
    %swap3A_28 = vector.shape_cast %swap3A_27 : vector<1x1000x64xf32> to vector<1000x64xf32>
    %swap3A_29 = vector.shape_cast %slice3A : vector<1000x64xf32> to vector<1x1000x64xf32>
    tpu.vector_store %arg4[%swap3A, %swap3A_25, %swap3A_26], %swap3A_29 {strides = array<i32>} : memref<2x1000x64xf32, #tpu.memory_space<vmem>>, vector<1x1000x64xf32>,
    %slice3A_30 = vector.extract_strided_slice %mul3A_24 {offsets = [0, 64], sizes = [1000, 64], strides = [1, 1]} : vector<1000x128xf32> to vector<1000x64xf32>
    %swap3A_31 = arith.constant 1 : index
    %swap3A_32 = arith.constant 0 : index
    %swap3A_33 = arith.constant 0 : index
    %swap3A_34 = vector.load %arg4[%swap3A_31, %swap3A_32, %swap3A_33] : memref<2x1000x64xf32, #tpu.memory_space<vmem>>, vector<1x1000x64xf32>
    %swap3A_35 = vector.shape_cast %swap3A_34 : vector<1x1000x64xf32> to vector<1000x64xf32>
    %swap3A_36 = vector.shape_cast %slice3A_30 : vector<1000x64xf32> to vector<1x1000x64xf32>
    tpu.vector_store %arg4[%swap3A_31, %swap3A_32, %swap3A_33], %swap3A_36 {strides = array<i32>} : memref<2x1000x64xf32, #tpu.memory_space<vmem>>, vector<1x1000x64xf32>,
    return
  }
  func.func @transform_0(%arg0: i32) -> (i32, i32) {
    %c0_i32 = arith.constant 0 : i32
    %c0_i32_0 = arith.constant 0 : i32
    return %arg0, %c0_i32 : i32, i32
  }
  func.func @transform_1(%arg0: i32) -> (i32, i32) {
    %c0_i32 = arith.constant 0 : i32
    %c0_i32_0 = arith.constant 0 : i32
    %c0_i32_1 = arith.constant 0 : i32
    return %c0_i32, %c0_i32_0 : i32, i32
  }
  func.func @transform_2(%arg0: i32) -> (i32, i32) {
    %c0_i32 = arith.constant 0 : i32
    %c0_i32_0 = arith.constant 0 : i32
    return %arg0, %c0_i32 : i32, i32
  }
  func.func @transform_3(%arg0: i32) -> (i32, i32, i32) {
    %c0_i32 = arith.constant 0 : i32
    %c0_i32_0 = arith.constant 0 : i32
    %c0_i32_1 = arith.constant 0 : i32
    return %c0_i32, %arg0, %c0_i32_0 : i32, i32, i32
  }
}

module attributes {stable_mosaic.version = 14 : i64} {
  func.func @body(%arg0: i32, %arg1: memref<2x1000x64xf32, #tpu.memory_space<vmem>>, %arg2: memref<1000x2xf32, #tpu.memory_space<vmem>>, %arg3: memref<128xf32, #tpu.memory_space<vmem>>, %arg4: memref<128x16xf32, #tpu.memory_space<vmem>>, %arg5: memref<1000x16xf32, #tpu.memory_space<vmem>>) attributes {dimension_semantics = [#tpu.dimension_semantics<arbitrary>], iteration_bounds = array<i64: 10>, scalar_prefetch = 0 : i64, scratch_operands = 0 : i64, tpu.core_type = #tpu.core_type<tc>, window_params = [{transform_indices = @transform_0, window_bounds = array<i64: 2, 1000, 64>}, {transform_indices = @transform_1, window_bounds = array<i64: 1000, 2>}, {pipeline_mode = #tpu.pipeline_mode<synchronous>, transform_indices = @transform_2, window_bounds = array<i64: 128>}, {pipeline_mode = #tpu.pipeline_mode<synchronous>, transform_indices = @transform_3, window_bounds = array<i64: 128, 16>}, {transform_indices = @transform_4, window_bounds = array<i64: 1000, 16>}]} {
    %get3A = arith.constant 0 : index
    %get3A_0 = arith.constant 0 : index
    %get3A_1 = arith.constant 0 : index
    %get3A_2 = vector.load %arg1[%get3A, %get3A_0, %get3A_1] : memref<2x1000x64xf32, #tpu.memory_space<vmem>>, vector<1x1000x64xf32>
    %get3A_3 = vector.shape_cast %get3A_2 : vector<1x1000x64xf32> to vector<1000x64xf32>
    %get3A_4 = arith.constant 1 : index
    %get3A_5 = arith.constant 0 : index
    %get3A_6 = arith.constant 0 : index
    %get3A_7 = vector.load %arg1[%get3A_4, %get3A_5, %get3A_6] : memref<2x1000x64xf32, #tpu.memory_space<vmem>>, vector<1x1000x64xf32>
    %get3A_8 = vector.shape_cast %get3A_7 : vector<1x1000x64xf32> to vector<1000x64xf32>
    %concatenate3A = tpu.concatenate %get3A_3, %get3A_8 in 1 : vector<1000x64xf32>, vector<1000x64xf32> -> vector<1000x128xf32>
    %get3A_9 = arith.constant 0 : index
    %get3A_10 = arith.constant 1 : index
    %get3A_11 = vector.load %arg2[%get3A_9, %get3A_10] : memref<1000x2xf32, #tpu.memory_space<vmem>>, vector<1000x1xf32>
    %get3A_12 = vector.shape_cast %get3A_11 : vector<1000x1xf32> to vector<1000xf32>
    %gt3A = arith.constant 0.000000e+00 : f32
    %gt3A_13 = vector.broadcast %gt3A : f32 to vector<1000xf32>
    %gt3A_14 = arith.cmpf ogt, %get3A_12, %gt3A_13 : vector<1000xf32>
    %rsqrt3A = math.rsqrt %get3A_12 : vector<1000xf32>
    %jit3A = arith.constant 0.000000e+00 : f32
    %broadcast_in_dim3A = vector.broadcast %jit3A : f32 to vector<1000xf32>
    %select_n3A = arith.select %gt3A_14, %rsqrt3A, %broadcast_in_dim3A : vector<1000xi1>, vector<1000xf32>
    %iota3A = tpu.iota {dimensions = array<i32: 1>} : vector<1x1000xi32>
    %iota3A_15 = vector.shape_cast %iota3A : vector<1x1000xi32> to vector<1000xi32>
    %mul3A = arith.constant 1000 : i32
    %mul3A_16 = arith.muli %arg0, %mul3A : i32
    %add3A = vector.broadcast %mul3A_16 : i32 to vector<1000xi32>
    %add3A_17 = arith.addi %iota3A_15, %add3A : vector<1000xi32>
    %get3A_18 = arith.constant 0 : index
    %get3A_19 = arith.constant 0 : index
    %get3A_20 = vector.load %arg2[%get3A_18, %get3A_19] : memref<1000x2xf32, #tpu.memory_space<vmem>>, vector<1000x1xf32>
    %get3A_21 = vector.shape_cast %get3A_20 : vector<1000x1xf32> to vector<1000xf32>
    %lt3A = arith.constant 7680 : i32
    %lt3A_22 = vector.broadcast %lt3A : i32 to vector<1000xi32>
    %lt3A_23 = arith.cmpi slt, %add3A_17, %lt3A_22 : vector<1000xi32>
    %jit3A_24 = arith.constant 1.000000e+00 : f32
    %jit3A_25 = arith.constant 0.000000e+00 : f32
    %broadcast_in_dim3A_26 = vector.broadcast %jit3A_24 : f32 to vector<1000xf32>
    %broadcast_in_dim3A_27 = vector.broadcast %jit3A_25 : f32 to vector<1000xf32>
    %select_n3A_28 = arith.select %lt3A_23, %broadcast_in_dim3A_26, %broadcast_in_dim3A_27 : vector<1000xi1>, vector<1000xf32>
    %sub3A = arith.subf %get3A_21, %select_n3A_28 : vector<1000xf32>
    %gt3A_29 = arith.constant 0.000000e+00 : f32
    %gt3A_30 = vector.broadcast %gt3A_29 : f32 to vector<1000xf32>
    %gt3A_31 = arith.cmpf ogt, %sub3A, %gt3A_30 : vector<1000xf32>
    %rsqrt3A_32 = math.rsqrt %sub3A : vector<1000xf32>
    %jit3A_33 = arith.constant 0.000000e+00 : f32
    %broadcast_in_dim3A_34 = vector.broadcast %jit3A_33 : f32 to vector<1000xf32>
    %select_n3A_35 = arith.select %gt3A_31, %rsqrt3A_32, %broadcast_in_dim3A_34 : vector<1000xi1>, vector<1000xf32>
    %broadcast_in_dim3A_36 = vector.shape_cast %select_n3A : vector<1000xf32> to vector<1000x1xf32>
    %mul3A_37 = vector.broadcast %broadcast_in_dim3A_36 : vector<1000x1xf32> to vector<1000x128xf32>
    %mul3A_38 = arith.mulf %concatenate3A, %mul3A_37 : vector<1000x128xf32>
    %get3A_39 = arith.constant 0 : index
    %get3A_40 = vector.load %arg3[%get3A_39] : memref<128xf32, #tpu.memory_space<vmem>>, vector<128xf32>
    %broadcast_in_dim3A_41 = vector.shape_cast %get3A_40 : vector<128xf32> to vector<1x128xf32>
    %add3A_42 = vector.broadcast %broadcast_in_dim3A_41 : vector<1x128xf32> to vector<1000x128xf32>
    %add3A_43 = arith.addf %mul3A_38, %add3A_42 : vector<1000x128xf32>
    %max3A = arith.constant 0.000000e+00 : f32
    %max3A_44 = vector.broadcast %max3A : f32 to vector<1000x128xf32>
    %max3A_45 = arith.maximumf %add3A_43, %max3A_44 : vector<1000x128xf32>
    %broadcast_in_dim3A_46 = vector.shape_cast %select_n3A_35 : vector<1000xf32> to vector<1000x1xf32>
    %mul3A_47 = vector.broadcast %broadcast_in_dim3A_46 : vector<1000x1xf32> to vector<1000x128xf32>
    %mul3A_48 = arith.mulf %max3A_45, %mul3A_47 : vector<1000x128xf32>
    %get3A_49 = arith.constant 0 : index
    %get3A_50 = arith.constant 0 : index
    %get3A_51 = vector.load %arg4[%get3A_49, %get3A_50] : memref<128x16xf32, #tpu.memory_space<vmem>>, vector<128x16xf32>
    %dot_general3A = arith.constant dense<0.000000e+00> : vector<1000x16xf32>
    %dot_general3A_52 = tpu.matmul %mul3A_48, %get3A_51, %dot_general3A {dimension_numbers = #tpu.dot_dimension_numbers<[1], [0], [0], [1], [0, 0, 1, 1], [], []>, transpose_lhs_hint = false} : vector<1000x128xf32>, vector<128x16xf32>, vector<1000x16xf32> -> vector<1000x16xf32>
    %swap3A = arith.constant 0 : index
    %swap3A_53 = arith.constant 0 : index
    %swap3A_54 = vector.load %arg5[%swap3A, %swap3A_53] : memref<1000x16xf32, #tpu.memory_space<vmem>>, vector<1000x16xf32>
    tpu.vector_store %arg5[%swap3A, %swap3A_53], %dot_general3A_52 {strides = array<i32>} : memref<1000x16xf32, #tpu.memory_space<vmem>>, vector<1000x16xf32>,
    return
  }
  func.func @transform_0(%arg0: i32) -> (i32, i32, i32) {
    %c0_i32 = arith.constant 0 : i32
    %c0_i32_0 = arith.constant 0 : i32
    %c0_i32_1 = arith.constant 0 : i32
    return %c0_i32, %arg0, %c0_i32_0 : i32, i32, i32
  }
  func.func @transform_1(%arg0: i32) -> (i32, i32) {
    %c0_i32 = arith.constant 0 : i32
    %c0_i32_0 = arith.constant 0 : i32
    return %arg0, %c0_i32 : i32, i32
  }
  func.func @transform_2(%arg0: i32) -> i32 {
    %c0_i32 = arith.constant 0 : i32
    %c0_i32_0 = arith.constant 0 : i32
    return %c0_i32 : i32
  }
  func.func @transform_3(%arg0: i32) -> (i32, i32) {
    %c0_i32 = arith.constant 0 : i32
    %c0_i32_0 = arith.constant 0 : i32
    %c0_i32_1 = arith.constant 0 : i32
    return %c0_i32, %c0_i32_0 : i32, i32
  }
  func.func @transform_4(%arg0: i32) -> (i32, i32) {
    %c0_i32 = arith.constant 0 : i32
    %c0_i32_0 = arith.constant 0 : i32
    return %arg0, %c0_i32 : i32, i32
  }
}

</mosaic_0001>

<sc_bundles>
// kernel: kernel.10.cloned.1.call-start
scs
__scs_entry_jumppad:
0x0: {  	(pc) =	sbr.rel $0x88, $3  }
0x1: {  	(tag) =	ssettag $0x0;
	lr =	simm.s32 $0x1  }
0x2: {  	[smem:$0x3F9B] =	sst lr;
	_ =	strace $0xD0000000  }
0x3: {  	_ = 	snop  }
0x4: {  	_ = 	snop  }
0x5: {  	_ = 	snop  }
0x6: {  	_ = 	snop  }
0x7: {  	_ = 	snop  }
__scs_overlays_trampoline_lowered:
0x8: {  	[smem:$0x3FAA] =	sst s0  }
0x9: {  	[smem:$0x3FAB] =	sst s1  }
0xa: {  	[smem:$0x3FAC] =	sst s2  }
0xb: {  	[smem:$0x3FAD] =	sst s3  }
0xc: {  	[smem:$0x3FAE] =	sst s4  }
0xd: {  	[smem:$0x3FAF] =	sst s5  }
0xe: {  	[smem:$0x3FB0] =	sst s6  }
0xf: {  	[smem:$0x3FB1] =	sst s7  }
0x10: {  	[smem:$0x3FB2] =	sst s8  }
0x11: {  	[smem:$0x3FB3] =	sst s9;
	s0 =	simm.s32 @!p0 $0x0  }
0x12: {  	s1 =	sld [smem:$0x3F99];
	s0 =	simm.s32 @p0 $0x1  }
0x13: {  	[smem:$0x3FB4] =	sst s0;
	s0 =	simm.s32 @!p1 $0x0  }
0x14: {  	s2 =	sld [smem:$0x3F98];
	s0 =	simm.s32 @p1 $0x1  }
0x15: {  	[smem:$0x3FB5] =	sst s0;
	s0 =	simm.s32 @!p2 $0x0  }
0x16: {  	s3 =	sld [smem:$0x3FDB];
	s0 =	simm.s32 @p2 $0x1  }
0x17: {  	s4 =	simm.s32 $0x1BF5;
	[smem:$0x3FB7] =	sst s0  }
0x18: {  	s0 =	sld [smem:$0x3F9A];
	_ =	swait.ge [sflag:s4], $0x0  }
0x19: {  	s7 =	sld [smem:$0x3F9B]  }
0x1a: {  	s8 =	sadd.s32 $0xFFFFE003, lr  }
0x1b: {  	s9 =	sadd.s32 $0xFFFFFEF7, lr;
	s5 =	simm.s32 $0xFFFFFFFF;
	p2 =	slt.u32 s8, $0xFFFFF086  }
0x1c: {  	p1 =	slt.u32 s9, $0xF7A;
	s5 =	simm.s32 @!p2 $0x0  }
0x1d: {  	s5 =	simm.s32 @p1 $0x1;
	p0 =	seq.s32 s7, s2  }
0x1e: {  	s7 =	smul.u32 @!p0 $0xF7A, s2;
	p2 =	seq.s32 @!p0 s5, $0x0  }
0x1f: {  	s9 =	smul.u32 $0xF7A, s1;
	s8 =	simm.s32 @!p0 $0x1BF5;
	p2 =	por !p2, p0  }
0x20: {  	[sflag:s8] =	ssyncset.s32 @!p0 $0xFFFFF086;
	s6 =	sadd.s32 @!p0 s3, s7;
	s7 =	simm.s32 @!p0 $0x108  }
0x21: {  	s3 =	sadd.s32 s3, s9;
	s6 =	sadd.s32 @!p0 $0x88, s6;
	s7 =	simm.s32 @p2 $0x1082  }
0x22: {  	[simem:s7], [sflag:s8] =	dma.local @!p0 [hbm:s6], $0xF7A  }
0x23: {  	s9 =	sor.u32 $0xD0000000, s2;
	s6 =	simm.s32 $0x108;
	_ =	swait.ge @!p0 [sflag:s8], $0x0  }
0x24: {  	s3 =	sadd.s32 $0x88, s3;
	s6 =	simm.s32 @!p1 $0x1082;
	[sflag:s4] =	ssyncset.s32 $0xFFFFF086  }
0x25: {  	[simem:s6], [sflag:s4] =	dma.local [hbm:s3], $0xF7A  }
0x26: {  	[smem:$0x3F9B] =	sst s1;
	(tag) =	ssettag s2;
	_ =	strace s9  }
0x27: {  	s1 =	sld [smem:$0x3FAB]  }
0x28: {  	s2 =	sld [smem:$0x3FAC]  }
0x29: {  	s4 =	sld [smem:$0x3FAE]  }
0x2a: {  	p0 =	seq.s32 s5, $0x0;
	s5 =	sld [smem:$0x3FAF]  }
0x2b: {  	s6 =	sld [smem:$0x3FB0]  }
0x2c: {  	s7 =	sld [smem:$0x3FB1]  }
0x2d: {  	s3 =	simm.s32 $0x108;
	s8 =	sld [smem:$0x3FB2]  }
0x2e: {  	s3 =	simm.s32 @!p0 $0x1082;
	s9 =	sld [smem:$0x3FB3]  }
0x2f: {  	lr =	sadd.s32 s0, s3;
	s0 =	sld [smem:$0x3FAA]  }
0x30: {  	s3 =	sld [smem:$0x3FAD]  }
0x31: {  	[smem:$0x3FB6] =	sst s10  }
0x32: {  	s10 =	sld [smem:$0x3FB4];
	_ =	sdelay $0x3  }
0x33: {  	p0 =	seq.s32 s10, $0x1;
	s10 =	sld [smem:$0x3FB6];
	_ =	sdelay $0x3  }
0x34: {  	[smem:$0x3FB6] =	sst s10  }
0x35: {  	s10 =	sld [smem:$0x3FB5];
	_ =	sdelay $0x3  }
0x36: {  	p1 =	seq.s32 s10, $0x1;
	s10 =	sld [smem:$0x3FB6];
	_ =	sdelay $0x3  }
0x37: {  	[smem:$0x3FB6] =	sst s10  }
0x38: {  	s10 =	sld [smem:$0x3FB7]  }
0x39: {  	_ = 	snop;
	(pc) =	sbr.ind lr, $3  }
0x3a: {  	_ = 	snop  }
0x3b: {  	_ = 	snop  }
0x3c: {  	p2 =	seq.s32 s10, $0x1;
	s10 =	sld [smem:$0x3FB6]  }
0x3d: {  	_ =	shalt  }
0x3e: {  	_ =	shalt  }
0x3f: {  	_ =	shalt  }
0x40: {  	_ =	shalt  }
0x41: {  	_ =	shalt  }
0x42: {  	_ =	shalt  }
0x43: {  	_ =	shalt  }
0x44: {  	_ =	shalt  }
0x45: {  	_ =	shalt  }
0x46: {  	_ =	shalt  }
0x47: {  	_ =	shalt  }
0x48: {  	_ =	shalt  }
0x49: {  	_ =	shalt  }
0x4a: {  	_ =	shalt  }
0x4b: {  	_ =	shalt  }
0x4c: {  	_ =	shalt  }
0x4d: {  	_ =	shalt  }
0x4e: {  	_ =	shalt  }
0x4f: {  	_ =	shalt  }
0x50: {  	_ =	shalt  }
0x51: {  	_ =	shalt  }
0x52: {  	_ =	shalt  }
0x53: {  	_ =	shalt  }
0x54: {  	_ =	shalt  }
0x55: {  	_ =	shalt  }
0x56: {  	_ =	shalt  }
0x57: {  	_ =	shalt  }
0x58: {  	_ =	shalt  }
0x59: {  	_ =	shalt  }
0x5a: {  	_ =	shalt  }
0x5b: {  	_ =	shalt  }
0x5c: {  	_ =	shalt  }
0x5d: {  	_ =	shalt  }
0x5e: {  	_ =	shalt  }
0x5f: {  	_ =	shalt  }
0x60: {  	_ =	shalt  }
0x61: {  	_ =	shalt  }
0x62: {  	_ =	shalt  }
0x63: {  	_ =	shalt  }
0x64: {  	_ =	shalt  }
0x65: {  	_ =	shalt  }
0x66: {  	_ =	shalt  }
0x67: {  	_ =	shalt  }
0x68: {  	_ =	shalt  }
0x69: {  	_ =	shalt  }
0x6a: {  	_ =	shalt  }
0x6b: {  	_ =	shalt  }
0x6c: {  	_ =	shalt  }
0x6d: {  	_ =	shalt  }
0x6e: {  	_ =	shalt  }
0x6f: {  	_ =	shalt  }
0x70: {  	_ =	shalt  }
0x71: {  	_ =	shalt  }
0x72: {  	_ =	shalt  }
0x73: {  	_ =	shalt  }
0x74: {  	_ =	shalt  }
0x75: {  	_ =	shalt  }
0x76: {  	_ =	shalt  }
0x77: {  	_ =	shalt  }
0x78: {  	_ =	shalt  }
0x79: {  	_ =	shalt  }
0x7a: {  	_ =	shalt  }
0x7b: {  	_ =	shalt  }
0x7c: {  	_ =	shalt  }
0x7d: {  	_ =	shalt  }
0x7e: {  	_ =	shalt  }
0x7f: {  	_ =	shalt  }
0x80: {  	_ =	shalt  }
0x81: {  	_ =	shalt  }
0x82: {  	_ =	shalt  }
0x83: {  	_ =	shalt  }
0x84: {  	_ =	shalt  }
0x85: {  	_ =	shalt  }
0x86: {  	_ =	shalt  }
0x87: {  	_ =	shalt  }
.Lfunc_end0:
.L_simem_size_0:
called_computation.1_lowered:
.L_overlay_start_0:
0x88: {  	s2 =	sld [smem:$0x3FD9]  }
0x89: {  	s3 =	sld [smem:$0x3FFE];
	_ =	sdelay $0x1  }
0x8a: {  	s1 =	srdreg.scid  }
0x8b: {  	s0 =	sand.u32 $0x1, s1  }
0x8c: {  	s16 =	sshll.u32 s0, $0xA;
	s2 =	sadd.s32 s3, s2  }
0x8d: {  	s2 =	sadd.s32 s2, s16  }
0x8e: {  	[smem:$0x3FC2] =	sst s2  }
0x8f: {  	_ = 	snop  }
0x90: {  	(tm) =	ssettm $0x1  }
0x91: {  	s17 =	sld [smem:$0x3FFB];
	_ =	sdelay $0x3  }
0x92: {  	_ =	strace s17  }
0x93: {  	s2 =	sld [smem:$0x3FFC];
	_ =	sdelay $0x3  }
0x94: {  	_ =	strace s2  }
0x95: {  	s2 =	sld [smem:$0x3FFD];
	_ =	sdelay $0x3  }
0x96: {  	_ =	strace s2  }
0x97: {  	_ =	strace $0x8FFFFFFF  }
0x98: {  	s18 =	sld [smem:$0x3FDB];
	_ =	sdelay $0x1  }
0x99: {  	s19 =	simm.s32 $_scs_section_size  }
0x9a: {  	s4 =	simm.s32 $_size__tile_overlayer_lowered;
	s5 =	simm.s32 $_tile_overlayer_lowered  }
0x9b: {  	s22 =	simm.s32 $0x1BFF;
	s21 =	sshll.u32 s5, $0x1;
	s2 =	sadd.s32 s19, s18  }
0x9c: {  	s6 =	simm.s32 $0x0;
	s20 =	sshll.u32 s4, $0x1;
	s4 =	sadd.s32 s21, s2  }
0x9d: {  	[timem:s6], [sflag:s22] =	dma.local [hbm:s4], s20  }
0x9e: {  	_ =	swait.ge [sflag:s22], s20  }
0x9f: {  	s3 =	ssub.s32 $0x0, s20;
	[sflag:s22] =	ssyncset.done $0x0  }
0xa0: {  	[sflag:s22] =	ssyncadd.s32 s3;
	_ =	sdelay $0x1  }
0xa1: {  	s23 =	simm.s32 $0x1B8B  }
0xa2: {  	_ =	swait.ge [sflag:s23], $0x1  }
0xa3: {  	[sflag:s23] =	ssyncset.done $0x0  }
0xa4: {  	s25 =	simm.s32 $0x1B8E;
	s24 =	sld [smem:$0x3FFE];
	[sflag:s23] =	ssyncadd.s32 $0xFFFFFFFF  }
0xa5: {  	s26 =	simm.s32 $execute0_lowered;
	[smem:$0x3FD2] =	sst s25  }
0xa6: {  	s4 =	sshll.u32 s26, $0x1;
	_ =	strace $0x80000049;
	[dreg:$0x1] =	wrdreg $0xFFFFFFFF  }
0xa7: {  	s28 =	simm.s32 $_size_execute0_lowered;
	s2 =	sadd.s32 s2, s4;
	[dreg:$0x0] =	wrdreg $0x0  }
0xa8: {  	s4 =	sshll.u32 s28, $0x1;
	[dreg:$0x2] =	wrdreg s2  }
0xa9: {  	[dreg:$0x3] =	wrdreg s4  }
0xaa: {  	[dreg:$0x4] =	wrdreg $0xC0  }
0xab: {  	_ =	task [dreg:s6], $0x5FFFF  }
0xac: {  	[dreg:$0x1] =	wrdreg $0xFFFFFFFF  }
0xad: {  	[dreg:$0x0] =	wrdreg $0x60  }
0xae: {  	[dreg:$0x2] =	wrdreg s24  }
0xaf: {  	[dreg:$0x3] =	wrdreg $0xFA000  }
0xb0: {  	[dreg:$0x4] =	wrdreg $0x9  }
0xb1: {  	_ =	task.clear_ibuf [dreg:s6], $0x5FFFF;
	_ =	strace $0x90000049  }
0xb2: {  	s29 =	simm.s32 $0x9;
	_ =	strace $0x8000004B  }
0xb3: {  	_ =	swait.ge [sflag:s29], $0x1  }
0xb4: {  	[sflag:s29] =	ssyncadd.s32 $0xFFFFFFFF  }
0xb5: {  	_ =	strace $0x9000004B  }
0xb6: {  	_ =	sfence  }
0xb7: {  	s30 =	sld [smem:$0x0];
	_ =	sdelay $0x2  }
0xb8: {  	s31 =	sshll.u32 s1, $0xD;
	s1 =	sshrl.u32 s1, $0x2  }
0xb9: {  	s3 =	sand.u32 $0x4000, s31;
	s1 =	sadd.s32 s1, s30  }
0xba: {  	s0 =	sor.u32 s3, s0;
	s1 =	sshll.u32 s1, $0x11  }
0xbb: {  	s0 =	sor.u32 s1, s0  }
0xbc: {  	s0 =	sadd.s32 $0x8F2B, s0  }
0xbd: {  	[sflag:s0] =	ssyncadd.remote.s32 $0x1  }
0xbe: {  	_ =	sfence.sel $0xFFFF  }
0xbf: {  	[dreg:$0x0] =	wrdreg $0xFFFFFFFF;
	(pc) =	sbr.abs _section_cstart, $3  }
0xc0: {  	[dreg:$0x1] =	wrdreg $0xFFFFFFFF  }
0xc1: {  	_ =	task.clear_ibuf [dreg:s6], $0x2FFFF;
	_ =	strace $0x9FFFFFFF  }
0xc2: {  	(tm) =	ssettm $0x7FFFFFFF  }
0xc3: {  	_ =	shalt  }
tec
execute0_lowered:
.L_overlay_start_1:
0x0: {  	(tag) =	ssettag $0x1  }
0x1: {  	s11 =	stileid.u32  }
0x2: {  	s0 =	rddreg [dreg:$0x0];
	s24 =	smul.u32 $0xA000, s11  }
0x3: {  	s2 =	srdreg.scid;
	s6 =	smul.u32 $0xA00, s11  }
0x4: {  	s1 =	rddreg [dreg:$0x1];
	s9 =	smul.u32 $0x5000, s11  }
0x5: {  	s5 =	simm.s32 $0x0;
	s2 =	sand.u32 $0x1, s2;
	s28 =	smul.u32 $0x28000, s11  }
0x6: {  	[smem:$0x7FF] =	sst s5;
	s7 =	sadd.s32 $0x1200, s0;
	s3 =	smul.u32 $0x13880, s2  }
0x7: {  	s10 =	sadd.s32 $0xB200, s0;
	s4 =	smul.u32 $0xA0000, s2;
	s2 =	ssub.s32 $0x2, s2  }
0x8: {  	_ =	strace $0x8000004A;
	s8 =	sshrl.u32 s2, $0x1;
	s25 =	sadd.s32 s7, s6  }
0x9: {  	s26 =	sshrl.u32 s9, $0x3;
	s6 =	sadd.s32 s10, s6;
	s11 =	sshrl.u32 s28, $0x2  }
0xa: {  	s3 =	sadd.s32 s3, s0;
	s4 =	sadd.s32 s24, s4;
	[dreg:$0x3] =	wrdreg s25  }
0xb: {  	s2 =	ssub.s32 s2, s8;
	[dreg:$0x4] =	wrdreg s6;
	s9 =	sadd.s32 $0x500, s26  }
0xc: {  	s4 =	sshrl.u32 s4, $0x3;
	s6 =	sadd.s32 $0x15200, s3;
	s3 =	sadd.s32 s10, s9  }
0xd: {  	s10 =	sadd.s32 s11, s1;
	s2 =	smax.u32 s2, $0x1;
	[dreg:$0x6] =	wrdreg s3  }
0xe: {  	s0 =	sadd.s32 s4, s0;
	s4 =	sadd.s32 s7, s9;
	[dreg:$0x8] =	wrdreg s2  }
0xf: {  	s13 =	sadd.s32 $0xA00, s10;
	[dreg:$0x5] =	wrdreg s4  }
0x10: {  	s14 =	sadd.s32 $0x1400, s10;
	[dreg:$0x9] =	wrdreg s13  }
0x11: {  	s15 =	sadd.s32 $0x1E00, s10;
	[dreg:$0xa] =	wrdreg s14  }
0x12: {  	s16 =	sadd.s32 $0x2800, s10;
	[dreg:$0xb] =	wrdreg s15  }
0x13: {  	s17 =	sadd.s32 $0x3200, s10;
	[dreg:$0xc] =	wrdreg s16  }
0x14: {  	s18 =	sadd.s32 $0x3C00, s10;
	[dreg:$0xd] =	wrdreg s17  }
0x15: {  	s29 =	simm.s32 $0xF000;
	s19 =	sadd.s32 $0x4600, s10;
	[dreg:$0xe] =	wrdreg s18  }
0x16: {  	s30 =	simm.s32 $0xB;
	s20 =	sadd.s32 $0x5000, s10;
	[dreg:$0xf] =	wrdreg s19  }
0x17: {  	s31 =	simm.s32 $0x4D80;
	s21 =	sadd.s32 $0x5A00, s10;
	[dreg:$0x10] =	wrdreg s20  }
0x18: {  	s5 =	simm.s32 $0x9000;
	s22 =	sadd.s32 $0x6400, s10;
	[dreg:$0x11] =	wrdreg s21  }
0x19: {  	s12 =	sadd.s32 s24, s1;
	s23 =	sadd.s32 $0x6E00, s10;
	[dreg:$0x12] =	wrdreg s22  }
0x1a: {  	s8 =	simm.s32 $0xB000;
	s24 =	sadd.s32 $0x7800, s10;
	[dreg:$0x13] =	wrdreg s23  }
0x1b: {  	s11 =	simm.s32 $0xD000;
	s25 =	sadd.s32 $0x8200, s10;
	[dreg:$0x14] =	wrdreg s24  }
0x1c: {  	s26 =	sadd.s32 $0x8C00, s10;
	s28 =	sadd.s32 $0x9600, s10;
	[dreg:$0x15] =	wrdreg s25  }
0x1d: {  	s2 =	simm.s32 $0x5000;
	s3 =	simm.s32 $0x7000;
	[dreg:$0x17] =	wrdreg s26  }
0x1e: {  	s0 =	sadd.s32 $0x3C400, s0;
	[dreg:$0x18] =	wrdreg s28;
	s13 =	simm.s32 $0x6  }
0x1f: {  	s14 =	simm.s32 $0x2;
	s15 =	simm.s32 $0x7;
	s16 =	simm.s32 $0x3  }
0x20: {  	s17 =	simm.s32 $0x8;
	s18 =	simm.s32 $0x4;
	s19 =	simm.s32 $0x9  }
0x21: {  	s20 =	simm.s32 $0x5;
	s21 =	simm.s32 $0xA;
	s22 =	simm.s32 $0x4E00  }
0x22: {  	s23 =	simm.s32 $0x4E80;
	s24 =	simm.s32 $0x4F00;
	s25 =	simm.s32 $0x4F80  }
0x23: {  	s4 =	simm.s32 $0x0;
	[dreg:$0x7] =	wrdreg s0;
	s0 =	sshrl.u32 s12, $0x3  }
0x24: {  	v0 =	vimm.f32 $0.0e+00;
	s12 =	simm.s32 $0x1;
	[dreg:$0x16] =	wrdreg s0;
	s0 =	simm.s32 $0x80  }
.LBB2_1:
0x25: {  	s9 =	simm.s32 $0x0  }
0x26: {  	s7 =	sand.u32 $0x3F00, s9  }
0x27: {  	s28 =	sand.u32 $0x30, s9;
	s7 =	sshrl.u32 s7, $0x2  }
0x28: {  	s26 =	simm.s32 $0x40;
	s7 =	sor.u32 s28, s7;
	s28 =	simm.s32 $0x0  }
.LBB2_2:
0x29: {  	p0 =	sne.s32 s26, $0x27C0  }
0x2a: {  	[tilespmem:s7+$0xF000] =	vst v0;
	s28 =	sadd.s32 $0x10, s28;
	s7 =	smov.u32 s26;
	s26 =	sadd.s32 $0x40, s26  }
.Ltmp0:
0x2b: {  	(pc) =	sbr.rel @p0 .LBB2_2-.Ltmp0, $4  }
0x2c: {  	_ = 	snop  }
0x2d: {  	s7 =	sand.u32 $0x3F00, s7  }
0x2e: {  	s9 =	sand.u32 $0x30, s28;
	s7 =	sshrl.u32 s7, $0x2  }
0x2f: {  	s7 =	sor.u32 s9, s7  }
0x30: {  	[tilespmem:s7+$0xF000] =	vst v0  }
0x31: {  	[spmem:s10] =	stream.linear.scatter [tilespmem:s29], [sflag:$0xB], $0xA00, $0x38;
	[tilespmem:$0x19A00] =	vst v63  }
0x32: {  	_ =	swait.ge [sflag:s30], $0xA00  }
0x33: {  	[sflag:s30] =	ssyncset.done $0x0  }
0x34: {  	s28 =	rddreg [dreg:$0x9];
	[sflag:s30] =	ssyncadd.s32 $0xFFFFF600  }
0x35: {  	[spmem:s28] =	stream.linear.scatter [tilespmem:s29], [sflag:$0xB], $0xA00, $0x38;
	[tilespmem:$0x19A00] =	vst v63  }
0x36: {  	_ =	swait.ge [sflag:s30], $0xA00  }
0x37: {  	[sflag:s30] =	ssyncset.done $0x0  }
0x38: {  	s9 =	rddreg [dreg:$0xa];
	[sflag:s30] =	ssyncadd.s32 $0xFFFFF600  }
0x39: {  	[spmem:s9] =	stream.linear.scatter [tilespmem:s29], [sflag:$0xB], $0xA00, $0x38;
	[tilespmem:$0x19A00] =	vst v63  }
0x3a: {  	_ =	swait.ge [sflag:s30], $0xA00  }
0x3b: {  	[sflag:s30] =	ssyncset.done $0x0  }
0x3c: {  	s26 =	rddreg [dreg:$0xb];
	[sflag:s30] =	ssyncadd.s32 $0xFFFFF600  }
0x3d: {  	[spmem:s26] =	stream.linear.scatter [tilespmem:s29], [sflag:$0xB], $0xA00, $0x38;
	[tilespmem:$0x19A00] =	vst v63  }
0x3e: {  	_ =	swait.ge [sflag:s30], $0xA00  }
0x3f: {  	[sflag:s30] =	ssyncset.done $0x0  }
0x40: {  	s28 =	rddreg [dreg:$0xc];
	[sflag:s30] =	ssyncadd.s32 $0xFFFFF600  }
0x41: {  	[spmem:s28] =	stream.linear.scatter [tilespmem:s29], [sflag:$0xB], $0xA00, $0x38;
	[tilespmem:$0x19A00] =	vst v63  }
0x42: {  	_ =	swait.ge [sflag:s30], $0xA00  }
0x43: {  	[sflag:s30] =	ssyncset.done $0x0  }
0x44: {  	s9 =	rddreg [dreg:$0xd];
	[sflag:s30] =	ssyncadd.s32 $0xFFFFF600  }
0x45: {  	[spmem:s9] =	stream.linear.scatter [tilespmem:s29], [sflag:$0xB], $0xA00, $0x38;
	[tilespmem:$0x19A00] =	vst v63  }
0x46: {  	_ =	swait.ge [sflag:s30], $0xA00  }
0x47: {  	[sflag:s30] =	ssyncset.done $0x0  }
0x48: {  	s26 =	rddreg [dreg:$0xe];
	[sflag:s30] =	ssyncadd.s32 $0xFFFFF600  }
0x49: {  	[spmem:s26] =	stream.linear.scatter [tilespmem:s29], [sflag:$0xB], $0xA00, $0x38;
	[tilespmem:$0x19A00] =	vst v63  }
0x4a: {  	_ =	swait.ge [sflag:s30], $0xA00  }
0x4b: {  	[sflag:s30] =	ssyncset.done $0x0  }
0x4c: {  	s28 =	rddreg [dreg:$0xf];
	[sflag:s30] =	ssyncadd.s32 $0xFFFFF600  }
0x4d: {  	[spmem:s28] =	stream.linear.scatter [tilespmem:s29], [sflag:$0xB], $0xA00, $0x38;
	[tilespmem:$0x19A00] =	vst v63  }
0x4e: {  	_ =	swait.ge [sflag:s30], $0xA00  }
0x4f: {  	[sflag:s30] =	ssyncset.done $0x0  }
0x50: {  	s9 =	rddreg [dreg:$0x10];
	[sflag:s30] =	ssyncadd.s32 $0xFFFFF600  }
0x51: {  	[spmem:s9] =	stream.linear.scatter [tilespmem:s29], [sflag:$0xB], $0xA00, $0x38;
	[tilespmem:$0x19A00] =	vst v63  }
0x52: {  	_ =	swait.ge [sflag:s30], $0xA00  }
0x53: {  	[sflag:s30] =	ssyncset.done $0x0  }
0x54: {  	s26 =	rddreg [dreg:$0x11];
	[sflag:s30] =	ssyncadd.s32 $0xFFFFF600  }
0x55: {  	[spmem:s26] =	stream.linear.scatter [tilespmem:s29], [sflag:$0xB], $0xA00, $0x38;
	[tilespmem:$0x19A00] =	vst v63  }
0x56: {  	_ =	swait.ge [sflag:s30], $0xA00  }
0x57: {  	[sflag:s30] =	ssyncset.done $0x0  }
0x58: {  	s28 =	rddreg [dreg:$0x12];
	[sflag:s30] =	ssyncadd.s32 $0xFFFFF600  }
0x59: {  	[spmem:s28] =	stream.linear.scatter [tilespmem:s29], [sflag:$0xB], $0xA00, $0x38;
	[tilespmem:$0x19A00] =	vst v63  }
0x5a: {  	_ =	swait.ge [sflag:s30], $0xA00  }
0x5b: {  	[sflag:s30] =	ssyncset.done $0x0  }
0x5c: {  	s9 =	rddreg [dreg:$0x13];
	[sflag:s30] =	ssyncadd.s32 $0xFFFFF600  }
0x5d: {  	[spmem:s9] =	stream.linear.scatter [tilespmem:s29], [sflag:$0xB], $0xA00, $0x38;
	[tilespmem:$0x19A00] =	vst v63  }
0x5e: {  	_ =	swait.ge [sflag:s30], $0xA00  }
0x5f: {  	[sflag:s30] =	ssyncset.done $0x0  }
0x60: {  	s26 =	rddreg [dreg:$0x14];
	[sflag:s30] =	ssyncadd.s32 $0xFFFFF600  }
0x61: {  	[spmem:s26] =	stream.linear.scatter [tilespmem:s29], [sflag:$0xB], $0xA00, $0x38;
	[tilespmem:$0x19A00] =	vst v63  }
0x62: {  	_ =	swait.ge [sflag:s30], $0xA00  }
0x63: {  	[sflag:s30] =	ssyncset.done $0x0  }
0x64: {  	s28 =	rddreg [dreg:$0x15];
	[sflag:s30] =	ssyncadd.s32 $0xFFFFF600  }
0x65: {  	[spmem:s28] =	stream.linear.scatter [tilespmem:s29], [sflag:$0xB], $0xA00, $0x38;
	[tilespmem:$0x19A00] =	vst v63  }
0x66: {  	_ =	swait.ge [sflag:s30], $0xA00  }
0x67: {  	[sflag:s30] =	ssyncset.done $0x0  }
0x68: {  	s9 =	rddreg [dreg:$0x17];
	[sflag:s30] =	ssyncadd.s32 $0xFFFFF600  }
0x69: {  	[spmem:s9] =	stream.linear.scatter [tilespmem:s29], [sflag:$0xB], $0xA00, $0x38;
	[tilespmem:$0x19A00] =	vst v63  }
0x6a: {  	_ =	swait.ge [sflag:s30], $0xA00  }
0x6b: {  	[sflag:s30] =	ssyncset.done $0x0  }
0x6c: {  	s26 =	rddreg [dreg:$0x18];
	[sflag:s30] =	ssyncadd.s32 $0xFFFFF600  }
0x6d: {  	[spmem:s26] =	stream.linear.scatter [tilespmem:s29], [sflag:$0xB], $0xA00, $0x38;
	[tilespmem:$0x19A00] =	vst v63  }
0x6e: {  	_ =	swait.ge [sflag:s30], $0xA00  }
0x6f: {  	[sflag:s30] =	ssyncset.done $0x0  }
0x70: {  	[sflag:s30] =	ssyncadd.s32 $0xFFFFF600  }
0x71: {  	[bflag:$0x0] =	sbarrier.arrive $0xFFFF  }
0x72: {  	s7 =	simm.s32 $0x0;
	s9 =	rddreg [dreg:$0x3]  }
0x73: {  	[tilespmem:s7], [sflag:$0xB] =	stream.linear.gather [hbm4b:s9+s7], $0x2800, $0x38;
	[tilespmem:$0x19A00] =	vst v63  }
0x74: {  	_ =	swait.ge [sflag:s30], $0x2800  }
0x75: {  	[sflag:s30] =	ssyncset.done $0x0  }
0x76: {  	s26 =	simm.s32 $0x2800;
	s28 =	rddreg [dreg:$0x4];
	[sflag:s30] =	ssyncadd.s32 $0xFFFFD800  }
0x77: {  	[tilespmem:s26], [sflag:$0xB] =	stream.linear.gather [hbm4b:s28+s7], $0x2800, $0x38;
	[tilespmem:$0x19A00] =	vst v63  }
0x78: {  	_ =	swait.ge [sflag:s30], $0x2800  }
0x79: {  	[sflag:s30] =	ssyncset.done $0x0  }
0x7a: {  	[sflag:s30] =	ssyncadd.s32 $0xFFFFD800  }
0x7b: {  	[tilespmem:s2], [sflag:$0x1] =	stream.indirect.gather [hbm4b:s6+s0], $0x40, s7, s0, $0xb8;
	[tilespmem:$0x19A00] =	vst v63  }
0x7c: {  	_ = 	snop  }
0x7d: {  	[tilespmem:s3], [sflag:$0x2] =	stream.indirect.gather [hbm4b:s6+s0], $0x40, s0, s0, $0xb8;
	[tilespmem:$0x19A00] =	vst v63  }
0x7e: {  	s9 =	simm.s32 $0x100  }
0x7f: {  	[tilespmem:s5], [sflag:$0x3] =	stream.indirect.gather [hbm4b:s6+s0], $0x40, s9, s0, $0xb8;
	[tilespmem:$0x19A00] =	vst v63  }
0x80: {  	s26 =	simm.s32 $0x180  }
0x81: {  	[tilespmem:s8], [sflag:$0x4] =	stream.indirect.gather [hbm4b:s6+s0], $0x40, s26, s0, $0xb8;
	[tilespmem:$0x19A00] =	vst v63  }
0x82: {  	s28 =	simm.s32 $0x200  }
0x83: {  	[tilespmem:s11], [sflag:$0x5] =	stream.indirect.gather [hbm4b:s6+s0], $0x40, s28, s0, $0xb8;
	[tilespmem:$0x19A00] =	vst v63  }
0x84: {  	_ =	swait.ge [sflag:s12], $0x2000  }
0x85: {  	[sflag:s12] =	ssyncset.done $0x0  }
0x86: {  	s9 =	simm.s32 $0x2800;
	[sflag:s12] =	ssyncadd.s32 $0xFFFFE000  }
0x87: {  	[spmem:s1] =	stream.indirect.scatter.add.f32 [tilespmem:s2], [sflag:$0x6], $0x40, s9, s0, $0xb8;
	[tilespmem:$0x19A00] =	vst v63  }
0x88: {  	_ =	swait.ge [sflag:s13], $0x2000  }
0x89: {  	[sflag:s13] =	ssyncset.done $0x0  }
0x8a: {  	s26 =	simm.s32 $0x280;
	[sflag:s13] =	ssyncadd.s32 $0xFFFFE000  }
0x8b: {  	[tilespmem:s2], [sflag:$0x1] =	stream.indirect.gather [hbm4b:s6+s0], $0x40, s26, s0, $0xb8;
	[tilespmem:$0x19A00] =	vst v63  }
0x8c: {  	_ =	swait.ge [sflag:s14], $0x2000  }
0x8d: {  	[sflag:s14] =	ssyncset.done $0x0  }
0x8e: {  	s28 =	simm.s32 $0x2880;
	[sflag:s14] =	ssyncadd.s32 $0xFFFFE000  }
0x8f: {  	[spmem:s1] =	stream.indirect.scatter.add.f32 [tilespmem:s3], [sflag:$0x7], $0x40, s28, s0, $0xb8;
	[tilespmem:$0x19A00] =	vst v63  }
0x90: {  	_ =	swait.ge [sflag:s15], $0x2000  }
0x91: {  	[sflag:s15] =	ssyncset.done $0x0  }
0x92: {  	s9 =	simm.s32 $0x300;
	[sflag:s15] =	ssyncadd.s32 $0xFFFFE000  }
0x93: {  	[tilespmem:s3], [sflag:$0x2] =	stream.indirect.gather [hbm4b:s6+s0], $0x40, s9, s0, $0xb8;
	[tilespmem:$0x19A00] =	vst v63  }
0x94: {  	_ =	swait.ge [sflag:s16], $0x2000  }
0x95: {  	[sflag:s16] =	ssyncset.done $0x0  }
0x96: {  	s26 =	simm.s32 $0x2900;
	[sflag:s16] =	ssyncadd.s32 $0xFFFFE000  }
0x97: {  	[spmem:s1] =	stream.indirect.scatter.add.f32 [tilespmem:s5], [sflag:$0x8], $0x40, s26, s0, $0xb8;
	[tilespmem:$0x19A00] =	vst v63  }
0x98: {  	_ =	swait.ge [sflag:s17], $0x2000  }
0x99: {  	[sflag:s17] =	ssyncset.done $0x0  }
0x9a: {  	s28 =	simm.s32 $0x380;
	[sflag:s17] =	ssyncadd.s32 $0xFFFFE000  }
0x9b: {  	[tilespmem:s5], [sflag:$0x3] =	stream.indirect.gather [hbm4b:s6+s0], $0x40, s28, s0, $0xb8;
	[tilespmem:$0x19A00] =	vst v63  }
0x9c: {  	_ =	swait.ge [sflag:s18], $0x2000  }
0x9d: {  	[sflag:s18] =	ssyncset.done $0x0  }
0x9e: {  	s9 =	simm.s32 $0x2980;
	[sflag:s18] =	ssyncadd.s32 $0xFFFFE000  }
0x9f: {  	[spmem:s1] =	stream.indirect.scatter.add.f32 [tilespmem:s8], [sflag:$0x9], $0x40, s9, s0, $0xb8;
	[tilespmem:$0x19A00] =	vst v63  }
0xa0: {  	_ =	swait.ge [sflag:s19], $0x2000  }
0xa1: {  	[sflag:s19] =	ssyncset.done $0x0  }
0xa2: {  	s26 =	simm.s32 $0x400;
	[sflag:s19] =	ssyncadd.s32 $0xFFFFE000  }
0xa3: {  	[tilespmem:s8], [sflag:$0x4] =	stream.indirect.gather [hbm4b:s6+s0], $0x40, s26, s0, $0xb8;
	[tilespmem:$0x19A00] =	vst v63  }
0xa4: {  	_ =	swait.ge [sflag:s20], $0x2000  }
0xa5: {  	[sflag:s20] =	ssyncset.done $0x0  }
0xa6: {  	s28 =	simm.s32 $0x2A00;
	[sflag:s20] =	ssyncadd.s32 $0xFFFFE000  }
0xa7: {  	[spmem:s1] =	stream.indirect.scatter.add.f32 [tilespmem:s11], [sflag:$0xA], $0x40, s28, s0, $0xb8;
	[tilespmem:$0x19A00] =	vst v63  }
0xa8: {  	_ =	swait.ge [sflag:s21], $0x2000  }
0xa9: {  	[sflag:s21] =	ssyncset.done $0x0  }
0xaa: {  	s7 =	simm.s32 $0x480;
	s26 =	simm.s32 $0xA00;
	[sflag:s21] =	ssyncadd.s32 $0xFFFFE000  }
.LBB2_4:
0xab: {  	[tilespmem:s11], [sflag:$0x5] =	stream.indirect.gather [hbm4b:s6+s0], $0x40, s7, s0, $0xb8;
	[tilespmem:$0x19A00] =	vst v63  }
0xac: {  	s7 =	smov.u32 s26  }
0xad: {  	p0 =	sne.s32 s26, $0x8C00;
	s26 =	sadd.s32 $0xA00, s26;
	_ =	swait.ge [sflag:s12], $0x2000  }
0xae: {  	s28 =	sshra.s32 s7, $0x2;
	[sflag:s12] =	ssyncset.done $0x0  }
0xaf: {  	s7 =	sadd.s32 $0x2800, s28;
	[sflag:s12] =	ssyncadd.s32 $0xFFFFE000  }
0xb0: {  	[spmem:s1] =	stream.indirect.scatter.add.f32 [tilespmem:s2], [sflag:$0x6], $0x40, s7, s0, $0xb8;
	[tilespmem:$0x19A00] =	vst v63  }
0xb1: {  	_ =	swait.ge [sflag:s13], $0x2000  }
0xb2: {  	[sflag:s13] =	ssyncset.done $0x0  }
0xb3: {  	s7 =	sadd.s32 $0x280, s28;
	[sflag:s13] =	ssyncadd.s32 $0xFFFFE000  }
0xb4: {  	[tilespmem:s2], [sflag:$0x1] =	stream.indirect.gather [hbm4b:s6+s0], $0x40, s7, s0, $0xb8;
	[tilespmem:$0x19A00] =	vst v63  }
0xb5: {  	_ =	swait.ge [sflag:s14], $0x2000  }
0xb6: {  	[sflag:s14] =	ssyncset.done $0x0  }
0xb7: {  	s7 =	sadd.s32 $0x2880, s28;
	[sflag:s14] =	ssyncadd.s32 $0xFFFFE000  }
0xb8: {  	[spmem:s1] =	stream.indirect.scatter.add.f32 [tilespmem:s3], [sflag:$0x7], $0x40, s7, s0, $0xb8;
	[tilespmem:$0x19A00] =	vst v63  }
0xb9: {  	_ =	swait.ge [sflag:s15], $0x2000  }
0xba: {  	[sflag:s15] =	ssyncset.done $0x0  }
0xbb: {  	s7 =	sadd.s32 $0x300, s28;
	[sflag:s15] =	ssyncadd.s32 $0xFFFFE000  }
0xbc: {  	[tilespmem:s3], [sflag:$0x2] =	stream.indirect.gather [hbm4b:s6+s0], $0x40, s7, s0, $0xb8;
	[tilespmem:$0x19A00] =	vst v63  }
0xbd: {  	_ =	swait.ge [sflag:s16], $0x2000  }
0xbe: {  	[sflag:s16] =	ssyncset.done $0x0  }
0xbf: {  	s7 =	sadd.s32 $0x2900, s28;
	[sflag:s16] =	ssyncadd.s32 $0xFFFFE000  }
0xc0: {  	[spmem:s1] =	stream.indirect.scatter.add.f32 [tilespmem:s5], [sflag:$0x8], $0x40, s7, s0, $0xb8;
	[tilespmem:$0x19A00] =	vst v63  }
0xc1: {  	_ =	swait.ge [sflag:s17], $0x2000  }
0xc2: {  	[sflag:s17] =	ssyncset.done $0x0  }
0xc3: {  	s7 =	sadd.s32 $0x380, s28;
	[sflag:s17] =	ssyncadd.s32 $0xFFFFE000  }
0xc4: {  	[tilespmem:s5], [sflag:$0x3] =	stream.indirect.gather [hbm4b:s6+s0], $0x40, s7, s0, $0xb8;
	[tilespmem:$0x19A00] =	vst v63  }
0xc5: {  	_ =	swait.ge [sflag:s18], $0x2000  }
0xc6: {  	[sflag:s18] =	ssyncset.done $0x0  }
0xc7: {  	s7 =	sadd.s32 $0x2980, s28;
	[sflag:s18] =	ssyncadd.s32 $0xFFFFE000  }
0xc8: {  	[spmem:s1] =	stream.indirect.scatter.add.f32 [tilespmem:s8], [sflag:$0x9], $0x40, s7, s0, $0xb8;
	[tilespmem:$0x19A00] =	vst v63  }
0xc9: {  	_ =	swait.ge [sflag:s19], $0x2000  }
0xca: {  	[sflag:s19] =	ssyncset.done $0x0  }
0xcb: {  	s7 =	sadd.s32 $0x400, s28;
	[sflag:s19] =	ssyncadd.s32 $0xFFFFE000  }
0xcc: {  	[tilespmem:s8], [sflag:$0x4] =	stream.indirect.gather [hbm4b:s6+s0], $0x40, s7, s0, $0xb8;
	[tilespmem:$0x19A00] =	vst v63  }
0xcd: {  	_ =	swait.ge [sflag:s20], $0x2000  }
0xce: {  	[sflag:s20] =	ssyncset.done $0x0  }
.Ltmp1:
0xcf: {  	s7 =	sadd.s32 $0x2A00, s28;
	[sflag:s20] =	ssyncadd.s32 $0xFFFFE000;
	(pc) =	sbr.rel @p0 .LBB2_4-.Ltmp1, $4  }
0xd0: {  	[spmem:s1] =	stream.indirect.scatter.add.f32 [tilespmem:s11], [sflag:$0xA], $0x40, s7, s0, $0xb8;
	[tilespmem:$0x19A00] =	vst v63  }
0xd1: {  	_ =	swait.ge [sflag:s21], $0x2000  }
0xd2: {  	[sflag:s21] =	ssyncset.done $0x0  }
0xd3: {  	s7 =	sadd.s32 $0x480, s28;
	[sflag:s21] =	ssyncadd.s32 $0xFFFFE000  }
0xd4: {  	[tilespmem:s11], [sflag:$0x5] =	stream.indirect.gather [hbm4b:s6+s0], $0x40, s7, s0, $0xb8;
	[tilespmem:$0x19A00] =	vst v63  }
0xd5: {  	_ =	swait.ge [sflag:s12], $0x2000  }
0xd6: {  	[sflag:s12] =	ssyncset.done $0x0  }
0xd7: {  	[sflag:s12] =	ssyncadd.s32 $0xFFFFE000  }
0xd8: {  	[spmem:s1] =	stream.indirect.scatter.add.f32 [tilespmem:s2], [sflag:$0x6], $0x40, s31, s0, $0xb8;
	[tilespmem:$0x19A00] =	vst v63  }
0xd9: {  	_ =	swait.ge [sflag:s14], $0x2000  }
0xda: {  	[sflag:s14] =	ssyncset.done $0x0  }
0xdb: {  	[sflag:s14] =	ssyncadd.s32 $0xFFFFE000  }
0xdc: {  	[spmem:s1] =	stream.indirect.scatter.add.f32 [tilespmem:s3], [sflag:$0x7], $0x40, s22, s0, $0xb8;
	[tilespmem:$0x19A00] =	vst v63  }
0xdd: {  	_ =	swait.ge [sflag:s16], $0x2000  }
0xde: {  	[sflag:s16] =	ssyncset.done $0x0  }
0xdf: {  	[sflag:s16] =	ssyncadd.s32 $0xFFFFE000  }
0xe0: {  	[spmem:s1] =	stream.indirect.scatter.add.f32 [tilespmem:s5], [sflag:$0x8], $0x40, s23, s0, $0xb8;
	[tilespmem:$0x19A00] =	vst v63  }
0xe1: {  	_ =	swait.ge [sflag:s18], $0x2000  }
0xe2: {  	[sflag:s18] =	ssyncset.done $0x0  }
0xe3: {  	[sflag:s18] =	ssyncadd.s32 $0xFFFFE000  }
0xe4: {  	[spmem:s1] =	stream.indirect.scatter.add.f32 [tilespmem:s8], [sflag:$0x9], $0x40, s24, s0, $0xb8;
	[tilespmem:$0x19A00] =	vst v63  }
0xe5: {  	_ =	swait.ge [sflag:s20], $0x2000  }
0xe6: {  	[sflag:s20] =	ssyncset.done $0x0  }
0xe7: {  	[sflag:s20] =	ssyncadd.s32 $0xFFFFE000  }
0xe8: {  	[spmem:s1] =	stream.indirect.scatter.add.f32 [tilespmem:s11], [sflag:$0xA], $0x40, s25, s0, $0xb8;
	[tilespmem:$0x19A00] =	vst v63  }
0xe9: {  	_ =	swait.ge [sflag:s13], $0x2000  }
0xea: {  	[sflag:s13] =	ssyncset.done $0x0  }
0xeb: {  	[sflag:s13] =	ssyncadd.s32 $0xFFFFE000  }
0xec: {  	_ =	swait.ge [sflag:s15], $0x2000  }
0xed: {  	[sflag:s15] =	ssyncset.done $0x0  }
0xee: {  	[sflag:s15] =	ssyncadd.s32 $0xFFFFE000  }
0xef: {  	_ =	swait.ge [sflag:s17], $0x2000  }
0xf0: {  	[sflag:s17] =	ssyncset.done $0x0  }
0xf1: {  	[sflag:s17] =	ssyncadd.s32 $0xFFFFE000  }
0xf2: {  	_ =	swait.ge [sflag:s19], $0x2000  }
0xf3: {  	[sflag:s19] =	ssyncset.done $0x0  }
0xf4: {  	[sflag:s19] =	ssyncadd.s32 $0xFFFFE000  }
0xf5: {  	_ =	swait.ge [sflag:s21], $0x2000  }
0xf6: {  	[sflag:s21] =	ssyncset.done $0x0  }
0xf7: {  	s7 =	simm.s32 $0x0;
	s9 =	rddreg [dreg:$0x5];
	[sflag:s21] =	ssyncadd.s32 $0xFFFFE000  }
0xf8: {  	[tilespmem:s7], [sflag:$0xB] =	stream.linear.gather [hbm4b:s9+s7], $0x2800, $0x38;
	[tilespmem:$0x19A00] =	vst v63  }
0xf9: {  	_ =	swait.ge [sflag:s30], $0x2800  }
0xfa: {  	[sflag:s30] =	ssyncset.done $0x0  }
0xfb: {  	s26 =	simm.s32 $0x2800;
	s28 =	rddreg [dreg:$0x6];
	[sflag:s30] =	ssyncadd.s32 $0xFFFFD800  }
0xfc: {  	[tilespmem:s26], [sflag:$0xB] =	stream.linear.gather [hbm4b:s28+s7], $0x2800, $0x38;
	[tilespmem:$0x19A00] =	vst v63  }
0xfd: {  	_ =	swait.ge [sflag:s30], $0x2800  }
0xfe: {  	[sflag:s30] =	ssyncset.done $0x0  }
0xff: {  	[sflag:s30] =	ssyncadd.s32 $0xFFFFD800  }
0x100: {  	[tilespmem:s2], [sflag:$0x1] =	stream.indirect.gather [hbm4b:s6+s0], $0x40, s7, s0, $0xb8;
	[tilespmem:$0x19A00] =	vst v63  }
0x101: {  	_ = 	snop  }
0x102: {  	[tilespmem:s3], [sflag:$0x2] =	stream.indirect.gather [hbm4b:s6+s0], $0x40, s0, s0, $0xb8;
	[tilespmem:$0x19A00] =	vst v63  }
0x103: {  	s9 =	simm.s32 $0x100  }
0x104: {  	[tilespmem:s5], [sflag:$0x3] =	stream.indirect.gather [hbm4b:s6+s0], $0x40, s9, s0, $0xb8;
	[tilespmem:$0x19A00] =	vst v63  }
0x105: {  	s26 =	simm.s32 $0x180  }
0x106: {  	[tilespmem:s8], [sflag:$0x4] =	stream.indirect.gather [hbm4b:s6+s0], $0x40, s26, s0, $0xb8;
	[tilespmem:$0x19A00] =	vst v63  }
0x107: {  	s28 =	simm.s32 $0x200  }
0x108: {  	[tilespmem:s11], [sflag:$0x5] =	stream.indirect.gather [hbm4b:s6+s0], $0x40, s28, s0, $0xb8;
	[tilespmem:$0x19A00] =	vst v63  }
0x109: {  	_ =	swait.ge [sflag:s12], $0x2000  }
0x10a: {  	[sflag:s12] =	ssyncset.done $0x0  }
0x10b: {  	s9 =	simm.s32 $0x2800;
	[sflag:s12] =	ssyncadd.s32 $0xFFFFE000  }
0x10c: {  	[spmem:s1] =	stream.indirect.scatter.add.f32 [tilespmem:s2], [sflag:$0x6], $0x40, s9, s0, $0xb8;
	[tilespmem:$0x19A00] =	vst v63  }
0x10d: {  	_ =	swait.ge [sflag:s13], $0x2000  }
0x10e: {  	[sflag:s13] =	ssyncset.done $0x0  }
0x10f: {  	s26 =	simm.s32 $0x280;
	[sflag:s13] =	ssyncadd.s32 $0xFFFFE000  }
0x110: {  	[tilespmem:s2], [sflag:$0x1] =	stream.indirect.gather [hbm4b:s6+s0], $0x40, s26, s0, $0xb8;
	[tilespmem:$0x19A00] =	vst v63  }
0x111: {  	_ =	swait.ge [sflag:s14], $0x2000  }
0x112: {  	[sflag:s14] =	ssyncset.done $0x0  }
0x113: {  	s28 =	simm.s32 $0x2880;
	[sflag:s14] =	ssyncadd.s32 $0xFFFFE000  }
0x114: {  	[spmem:s1] =	stream.indirect.scatter.add.f32 [tilespmem:s3], [sflag:$0x7], $0x40, s28, s0, $0xb8;
	[tilespmem:$0x19A00] =	vst v63  }
0x115: {  	_ =	swait.ge [sflag:s15], $0x2000  }
0x116: {  	[sflag:s15] =	ssyncset.done $0x0  }
0x117: {  	s9 =	simm.s32 $0x300;
	[sflag:s15] =	ssyncadd.s32 $0xFFFFE000  }
0x118: {  	[tilespmem:s3], [sflag:$0x2] =	stream.indirect.gather [hbm4b:s6+s0], $0x40, s9, s0, $0xb8;
	[tilespmem:$0x19A00] =	vst v63  }
0x119: {  	_ =	swait.ge [sflag:s16], $0x2000  }
0x11a: {  	[sflag:s16] =	ssyncset.done $0x0  }
0x11b: {  	s26 =	simm.s32 $0x2900;
	[sflag:s16] =	ssyncadd.s32 $0xFFFFE000  }
0x11c: {  	[spmem:s1] =	stream.indirect.scatter.add.f32 [tilespmem:s5], [sflag:$0x8], $0x40, s26, s0, $0xb8;
	[tilespmem:$0x19A00] =	vst v63  }
0x11d: {  	_ =	swait.ge [sflag:s17], $0x2000  }
0x11e: {  	[sflag:s17] =	ssyncset.done $0x0  }
0x11f: {  	s28 =	simm.s32 $0x380;
	[sflag:s17] =	ssyncadd.s32 $0xFFFFE000  }
0x120: {  	[tilespmem:s5], [sflag:$0x3] =	stream.indirect.gather [hbm4b:s6+s0], $0x40, s28, s0, $0xb8;
	[tilespmem:$0x19A00] =	vst v63  }
0x121: {  	_ =	swait.ge [sflag:s18], $0x2000  }
0x122: {  	[sflag:s18] =	ssyncset.done $0x0  }
0x123: {  	s9 =	simm.s32 $0x2980;
	[sflag:s18] =	ssyncadd.s32 $0xFFFFE000  }
0x124: {  	[spmem:s1] =	stream.indirect.scatter.add.f32 [tilespmem:s8], [sflag:$0x9], $0x40, s9, s0, $0xb8;
	[tilespmem:$0x19A00] =	vst v63  }
0x125: {  	_ =	swait.ge [sflag:s19], $0x2000  }
0x126: {  	[sflag:s19] =	ssyncset.done $0x0  }
0x127: {  	s26 =	simm.s32 $0x400;
	[sflag:s19] =	ssyncadd.s32 $0xFFFFE000  }
0x128: {  	[tilespmem:s8], [sflag:$0x4] =	stream.indirect.gather [hbm4b:s6+s0], $0x40, s26, s0, $0xb8;
	[tilespmem:$0x19A00] =	vst v63  }
0x129: {  	_ =	swait.ge [sflag:s20], $0x2000  }
0x12a: {  	[sflag:s20] =	ssyncset.done $0x0  }
0x12b: {  	s28 =	simm.s32 $0x2A00;
	[sflag:s20] =	ssyncadd.s32 $0xFFFFE000  }
0x12c: {  	[spmem:s1] =	stream.indirect.scatter.add.f32 [tilespmem:s11], [sflag:$0xA], $0x40, s28, s0, $0xb8;
	[tilespmem:$0x19A00] =	vst v63  }
0x12d: {  	_ =	swait.ge [sflag:s21], $0x2000  }
0x12e: {  	[sflag:s21] =	ssyncset.done $0x0  }
0x12f: {  	s7 =	simm.s32 $0x480;
	s26 =	simm.s32 $0xA00;
	[sflag:s21] =	ssyncadd.s32 $0xFFFFE000  }
.LBB2_6:
0x130: {  	[tilespmem:s11], [sflag:$0x5] =	stream.indirect.gather [hbm4b:s6+s0], $0x40, s7, s0, $0xb8;
	[tilespmem:$0x19A00] =	vst v63  }
0x131: {  	s7 =	smov.u32 s26  }
0x132: {  	p0 =	sne.s32 s26, $0x8C00;
	s26 =	sadd.s32 $0xA00, s26;
	_ =	swait.ge [sflag:s12], $0x2000  }
0x133: {  	s28 =	sshra.s32 s7, $0x2;
	[sflag:s12] =	ssyncset.done $0x0  }
0x134: {  	s7 =	sadd.s32 $0x2800, s28;
	[sflag:s12] =	ssyncadd.s32 $0xFFFFE000  }
0x135: {  	[spmem:s1] =	stream.indirect.scatter.add.f32 [tilespmem:s2], [sflag:$0x6], $0x40, s7, s0, $0xb8;
	[tilespmem:$0x19A00] =	vst v63  }
0x136: {  	_ =	swait.ge [sflag:s13], $0x2000  }
0x137: {  	[sflag:s13] =	ssyncset.done $0x0  }
0x138: {  	s7 =	sadd.s32 $0x280, s28;
	[sflag:s13] =	ssyncadd.s32 $0xFFFFE000  }
0x139: {  	[tilespmem:s2], [sflag:$0x1] =	stream.indirect.gather [hbm4b:s6+s0], $0x40, s7, s0, $0xb8;
	[tilespmem:$0x19A00] =	vst v63  }
0x13a: {  	_ =	swait.ge [sflag:s14], $0x2000  }
0x13b: {  	[sflag:s14] =	ssyncset.done $0x0  }
0x13c: {  	s7 =	sadd.s32 $0x2880, s28;
	[sflag:s14] =	ssyncadd.s32 $0xFFFFE000  }
0x13d: {  	[spmem:s1] =	stream.indirect.scatter.add.f32 [tilespmem:s3], [sflag:$0x7], $0x40, s7, s0, $0xb8;
	[tilespmem:$0x19A00] =	vst v63  }
0x13e: {  	_ =	swait.ge [sflag:s15], $0x2000  }
0x13f: {  	[sflag:s15] =	ssyncset.done $0x0  }
0x140: {  	s7 =	sadd.s32 $0x300, s28;
	[sflag:s15] =	ssyncadd.s32 $0xFFFFE000  }
0x141: {  	[tilespmem:s3], [sflag:$0x2] =	stream.indirect.gather [hbm4b:s6+s0], $0x40, s7, s0, $0xb8;
	[tilespmem:$0x19A00] =	vst v63  }
0x142: {  	_ =	swait.ge [sflag:s16], $0x2000  }
0x143: {  	[sflag:s16] =	ssyncset.done $0x0  }
0x144: {  	s7 =	sadd.s32 $0x2900, s28;
	[sflag:s16] =	ssyncadd.s32 $0xFFFFE000  }
0x145: {  	[spmem:s1] =	stream.indirect.scatter.add.f32 [tilespmem:s5], [sflag:$0x8], $0x40, s7, s0, $0xb8;
	[tilespmem:$0x19A00] =	vst v63  }
0x146: {  	_ =	swait.ge [sflag:s17], $0x2000  }
0x147: {  	[sflag:s17] =	ssyncset.done $0x0  }
0x148: {  	s7 =	sadd.s32 $0x380, s28;
	[sflag:s17] =	ssyncadd.s32 $0xFFFFE000  }
0x149: {  	[tilespmem:s5], [sflag:$0x3] =	stream.indirect.gather [hbm4b:s6+s0], $0x40, s7, s0, $0xb8;
	[tilespmem:$0x19A00] =	vst v63  }
0x14a: {  	_ =	swait.ge [sflag:s18], $0x2000  }
0x14b: {  	[sflag:s18] =	ssyncset.done $0x0  }
0x14c: {  	s7 =	sadd.s32 $0x2980, s28;
	[sflag:s18] =	ssyncadd.s32 $0xFFFFE000  }
0x14d: {  	[spmem:s1] =	stream.indirect.scatter.add.f32 [tilespmem:s8], [sflag:$0x9], $0x40, s7, s0, $0xb8;
	[tilespmem:$0x19A00] =	vst v63  }
0x14e: {  	_ =	swait.ge [sflag:s19], $0x2000  }
0x14f: {  	[sflag:s19] =	ssyncset.done $0x0  }
0x150: {  	s7 =	sadd.s32 $0x400, s28;
	[sflag:s19] =	ssyncadd.s32 $0xFFFFE000  }
0x151: {  	[tilespmem:s8], [sflag:$0x4] =	stream.indirect.gather [hbm4b:s6+s0], $0x40, s7, s0, $0xb8;
	[tilespmem:$0x19A00] =	vst v63  }
0x152: {  	_ =	swait.ge [sflag:s20], $0x2000  }
0x153: {  	[sflag:s20] =	ssyncset.done $0x0  }
.Ltmp2:
0x154: {  	s7 =	sadd.s32 $0x2A00, s28;
	[sflag:s20] =	ssyncadd.s32 $0xFFFFE000;
	(pc) =	sbr.rel @p0 .LBB2_6-.Ltmp2, $4  }
0x155: {  	[spmem:s1] =	stream.indirect.scatter.add.f32 [tilespmem:s11], [sflag:$0xA], $0x40, s7, s0, $0xb8;
	[tilespmem:$0x19A00] =	vst v63  }
0x156: {  	_ =	swait.ge [sflag:s21], $0x2000  }
0x157: {  	[sflag:s21] =	ssyncset.done $0x0  }
0x158: {  	s7 =	sadd.s32 $0x480, s28;
	[sflag:s21] =	ssyncadd.s32 $0xFFFFE000  }
0x159: {  	[tilespmem:s11], [sflag:$0x5] =	stream.indirect.gather [hbm4b:s6+s0], $0x40, s7, s0, $0xb8;
	[tilespmem:$0x19A00] =	vst v63  }
0x15a: {  	_ =	swait.ge [sflag:s12], $0x2000  }
0x15b: {  	[sflag:s12] =	ssyncset.done $0x0  }
0x15c: {  	[sflag:s12] =	ssyncadd.s32 $0xFFFFE000  }
0x15d: {  	[spmem:s1] =	stream.indirect.scatter.add.f32 [tilespmem:s2], [sflag:$0x6], $0x40, s31, s0, $0xb8;
	[tilespmem:$0x19A00] =	vst v63  }
0x15e: {  	_ =	swait.ge [sflag:s14], $0x2000  }
0x15f: {  	[sflag:s14] =	ssyncset.done $0x0  }
0x160: {  	[sflag:s14] =	ssyncadd.s32 $0xFFFFE000  }
0x161: {  	[spmem:s1] =	stream.indirect.scatter.add.f32 [tilespmem:s3], [sflag:$0x7], $0x40, s22, s0, $0xb8;
	[tilespmem:$0x19A00] =	vst v63  }
0x162: {  	_ =	swait.ge [sflag:s16], $0x2000  }
0x163: {  	[sflag:s16] =	ssyncset.done $0x0  }
0x164: {  	[sflag:s16] =	ssyncadd.s32 $0xFFFFE000  }
0x165: {  	[spmem:s1] =	stream.indirect.scatter.add.f32 [tilespmem:s5], [sflag:$0x8], $0x40, s23, s0, $0xb8;
	[tilespmem:$0x19A00] =	vst v63  }
0x166: {  	_ =	swait.ge [sflag:s18], $0x2000  }
0x167: {  	[sflag:s18] =	ssyncset.done $0x0  }
0x168: {  	[sflag:s18] =	ssyncadd.s32 $0xFFFFE000  }
0x169: {  	[spmem:s1] =	stream.indirect.scatter.add.f32 [tilespmem:s8], [sflag:$0x9], $0x40, s24, s0, $0xb8;
	[tilespmem:$0x19A00] =	vst v63  }
0x16a: {  	_ =	swait.ge [sflag:s20], $0x2000  }
0x16b: {  	[sflag:s20] =	ssyncset.done $0x0  }
0x16c: {  	[sflag:s20] =	ssyncadd.s32 $0xFFFFE000  }
0x16d: {  	[spmem:s1] =	stream.indirect.scatter.add.f32 [tilespmem:s11], [sflag:$0xA], $0x40, s25, s0, $0xb8;
	[tilespmem:$0x19A00] =	vst v63  }
0x16e: {  	_ =	swait.ge [sflag:s13], $0x2000  }
0x16f: {  	[sflag:s13] =	ssyncset.done $0x0  }
0x170: {  	[sflag:s13] =	ssyncadd.s32 $0xFFFFE000  }
0x171: {  	_ =	swait.ge [sflag:s15], $0x2000  }
0x172: {  	[sflag:s15] =	ssyncset.done $0x0  }
0x173: {  	[sflag:s15] =	ssyncadd.s32 $0xFFFFE000  }
0x174: {  	_ =	swait.ge [sflag:s17], $0x2000  }
0x175: {  	[sflag:s17] =	ssyncset.done $0x0  }
0x176: {  	[sflag:s17] =	ssyncadd.s32 $0xFFFFE000  }
0x177: {  	_ =	swait.ge [sflag:s19], $0x2000  }
0x178: {  	[sflag:s19] =	ssyncset.done $0x0  }
0x179: {  	[sflag:s19] =	ssyncadd.s32 $0xFFFFE000  }
0x17a: {  	_ =	swait.ge [sflag:s21], $0x2000  }
0x17b: {  	[sflag:s21] =	ssyncset.done $0x0  }
0x17c: {  	[sflag:s21] =	ssyncadd.s32 $0xFFFFE000  }
0x17d: {  	s26 =	stileid.u32;
	[bflag:$0x0] =	sbarrier.arrive $0xFFFF  }
0x17e: {  	s7 =	sshll.u32 s26, $0x6;
	s9 =	rddreg [dreg:$0x7]  }
0x17f: {  	s7 =	sor.u32 $0x1C0B, s7;
	s26 =	rddreg [dreg:$0x16]  }
0x180: {  	[hbm:s9], [sflag:s7] =	dma.local [spmem:s26], $0x1400  }
0x181: {  	_ =	swait.ge [sflag:s30], $0x1400  }
0x182: {  	s4 =	sadd.s32 $0x1, s4;
	s28 =	rddreg [dreg:$0x8]  }
0x183: {  	p0 =	sne.s32 s4, s28  }
.Ltmp3:
0x184: {  	_ = 	snop;
	(pc) =	sbr.rel @p0 .LBB2_1-.Ltmp3, $3  }
0x185: {  	_ =	sdelay $0x1  }
0x186: {  	[sflag:s30] =	ssyncset.done $0x0  }
0x187: {  	[sflag:s30] =	ssyncadd.s32 $0xFFFFEC00  }
0x188: {  	_ =	sfence.sel $0x180000  }
0x189: {  	[bflag:$0x0] =	sbarrier.arrive $0xFFFF  }
0x18a: {  	_ =	strace $0x9000004A  }
0x18b: {  	s0 =	stileid.u32;
	[bflag:$0x2] =	sbarrier.arrive $0xFFFF  }
0x18c: {  	p0 =	sne.s32 s0, $0x0;
	s0 =	rddreg [dreg:$0x2]  }
0x18d: {  	s0 =	sadd.s32 @!p0 $0x100000, s0  }
0x18e: {  	[sflag:s0] =	ssyncadd.tile.s32 @!p0 $0x1;
	_ =	shalt  }
.Lfunc_end2:
_tile_overlayer_lowered:
.L_overlay_start_2:
0x18f: {  	(tag) =	ssettag $0x2  }
0x190: {  	s0 =	rddreg [dreg:$0x0];
	s2 =	stileid.u32  }
0x191: {  	s1 =	rddreg [dreg:$0x1];
	p0 =	sne.s32 s2, $0x0  }
0x192: {  	s3 =	rddreg [dreg:$0x2];
	[bflag:$0x3] =	sbarrier.arrive $0xFFFF;
	s2 =	simm.s32 @!p0 $0x1C0B  }
0x193: {  	[timem:s3], [sflag:s2] =	dma.local @!p0 [hbm:s0], s1  }
0x194: {  	s0 =	simm.s32 @!p0 $0xB  }
0x195: {  	_ =	swait.ge @!p0 [sflag:s0], s1  }
0x196: {  	s1 =	ssub.s32 @!p0 $0x0, s1;
	[sflag:s0] =	ssyncset.done @!p0 $0x0  }
0x197: {  	[sflag:s0] =	ssyncadd.s32 @!p0 s1  }
0x198: {  	[bflag:$0x3] =	sbarrier.arrive $0xFFFF  }
0x199: {  	_ =	shalt  }

// kernel: kernel.13.cloned.1.call-start
scs
__scs_entry_jumppad:
0x0: {  	(pc) =	sbr.rel $0x88, $3  }
0x1: {  	(tag) =	ssettag $0x0;
	lr =	simm.s32 $0x1  }
0x2: {  	[smem:$0x3F9B] =	sst lr;
	_ =	strace $0xD0000000  }
0x3: {  	_ = 	snop  }
0x4: {  	_ = 	snop  }
0x5: {  	_ = 	snop  }
0x6: {  	_ = 	snop  }
0x7: {  	_ = 	snop  }
__scs_overlays_trampoline_lowered:
0x8: {  	[smem:$0x3FAA] =	sst s0  }
0x9: {  	[smem:$0x3FAB] =	sst s1  }
0xa: {  	[smem:$0x3FAC] =	sst s2  }
0xb: {  	[smem:$0x3FAD] =	sst s3  }
0xc: {  	[smem:$0x3FAE] =	sst s4  }
0xd: {  	[smem:$0x3FAF] =	sst s5  }
0xe: {  	[smem:$0x3FB0] =	sst s6  }
0xf: {  	[smem:$0x3FB1] =	sst s7  }
0x10: {  	[smem:$0x3FB2] =	sst s8  }
0x11: {  	[smem:$0x3FB3] =	sst s9;
	s0 =	simm.s32 @!p0 $0x0  }
0x12: {  	s1 =	sld [smem:$0x3F99];
	s0 =	simm.s32 @p0 $0x1  }
0x13: {  	[smem:$0x3FB4] =	sst s0;
	s0 =	simm.s32 @!p1 $0x0  }
0x14: {  	s2 =	sld [smem:$0x3F98];
	s0 =	simm.s32 @p1 $0x1  }
0x15: {  	[smem:$0x3FB5] =	sst s0;
	s0 =	simm.s32 @!p2 $0x0  }
0x16: {  	s3 =	sld [smem:$0x3FDB];
	s0 =	simm.s32 @p2 $0x1  }
0x17: {  	s4 =	simm.s32 $0x1BF5;
	[smem:$0x3FB7] =	sst s0  }
0x18: {  	s0 =	sld [smem:$0x3F9A];
	_ =	swait.ge [sflag:s4], $0x0  }
0x19: {  	s7 =	sld [smem:$0x3F9B]  }
0x1a: {  	s8 =	sadd.s32 $0xFFFFE003, lr  }
0x1b: {  	s9 =	sadd.s32 $0xFFFFFEF7, lr;
	s5 =	simm.s32 $0xFFFFFFFF;
	p2 =	slt.u32 s8, $0xFFFFF086  }
0x1c: {  	p1 =	slt.u32 s9, $0xF7A;
	s5 =	simm.s32 @!p2 $0x0  }
0x1d: {  	s5 =	simm.s32 @p1 $0x1;
	p0 =	seq.s32 s7, s2  }
0x1e: {  	s7 =	smul.u32 @!p0 $0xF7A, s2;
	p2 =	seq.s32 @!p0 s5, $0x0  }
0x1f: {  	s9 =	smul.u32 $0xF7A, s1;
	s8 =	simm.s32 @!p0 $0x1BF5;
	p2 =	por !p2, p0  }
0x20: {  	[sflag:s8] =	ssyncset.s32 @!p0 $0xFFFFF086;
	s6 =	sadd.s32 @!p0 s3, s7;
	s7 =	simm.s32 @!p0 $0x108  }
0x21: {  	s3 =	sadd.s32 s3, s9;
	s6 =	sadd.s32 @!p0 $0x88, s6;
	s7 =	simm.s32 @p2 $0x1082  }
0x22: {  	[simem:s7], [sflag:s8] =	dma.local @!p0 [hbm:s6], $0xF7A  }
0x23: {  	s9 =	sor.u32 $0xD0000000, s2;
	s6 =	simm.s32 $0x108;
	_ =	swait.ge @!p0 [sflag:s8], $0x0  }
0x24: {  	s3 =	sadd.s32 $0x88, s3;
	s6 =	simm.s32 @!p1 $0x1082;
	[sflag:s4] =	ssyncset.s32 $0xFFFFF086  }
0x25: {  	[simem:s6], [sflag:s4] =	dma.local [hbm:s3], $0xF7A  }
0x26: {  	[smem:$0x3F9B] =	sst s1;
	(tag) =	ssettag s2;
	_ =	strace s9  }
0x27: {  	s1 =	sld [smem:$0x3FAB]  }
0x28: {  	s2 =	sld [smem:$0x3FAC]  }
0x29: {  	s4 =	sld [smem:$0x3FAE]  }
0x2a: {  	p0 =	seq.s32 s5, $0x0;
	s5 =	sld [smem:$0x3FAF]  }
0x2b: {  	s6 =	sld [smem:$0x3FB0]  }
0x2c: {  	s7 =	sld [smem:$0x3FB1]  }
0x2d: {  	s3 =	simm.s32 $0x108;
	s8 =	sld [smem:$0x3FB2]  }
0x2e: {  	s3 =	simm.s32 @!p0 $0x1082;
	s9 =	sld [smem:$0x3FB3]  }
0x2f: {  	lr =	sadd.s32 s0, s3;
	s0 =	sld [smem:$0x3FAA]  }
0x30: {  	s3 =	sld [smem:$0x3FAD]  }
0x31: {  	[smem:$0x3FB6] =	sst s10  }
0x32: {  	s10 =	sld [smem:$0x3FB4];
	_ =	sdelay $0x3  }
0x33: {  	p0 =	seq.s32 s10, $0x1;
	s10 =	sld [smem:$0x3FB6];
	_ =	sdelay $0x3  }
0x34: {  	[smem:$0x3FB6] =	sst s10  }
0x35: {  	s10 =	sld [smem:$0x3FB5];
	_ =	sdelay $0x3  }
0x36: {  	p1 =	seq.s32 s10, $0x1;
	s10 =	sld [smem:$0x3FB6];
	_ =	sdelay $0x3  }
0x37: {  	[smem:$0x3FB6] =	sst s10  }
0x38: {  	s10 =	sld [smem:$0x3FB7]  }
0x39: {  	_ = 	snop;
	(pc) =	sbr.ind lr, $3  }
0x3a: {  	_ = 	snop  }
0x3b: {  	_ = 	snop  }
0x3c: {  	p2 =	seq.s32 s10, $0x1;
	s10 =	sld [smem:$0x3FB6]  }
0x3d: {  	_ =	shalt  }
0x3e: {  	_ =	shalt  }
0x3f: {  	_ =	shalt  }
0x40: {  	_ =	shalt  }
0x41: {  	_ =	shalt  }
0x42: {  	_ =	shalt  }
0x43: {  	_ =	shalt  }
0x44: {  	_ =	shalt  }
0x45: {  	_ =	shalt  }
0x46: {  	_ =	shalt  }
0x47: {  	_ =	shalt  }
0x48: {  	_ =	shalt  }
0x49: {  	_ =	shalt  }
0x4a: {  	_ =	shalt  }
0x4b: {  	_ =	shalt  }
0x4c: {  	_ =	shalt  }
0x4d: {  	_ =	shalt  }
0x4e: {  	_ =	shalt  }
0x4f: {  	_ =	shalt  }
0x50: {  	_ =	shalt  }
0x51: {  	_ =	shalt  }
0x52: {  	_ =	shalt  }
0x53: {  	_ =	shalt  }
0x54: {  	_ =	shalt  }
0x55: {  	_ =	shalt  }
0x56: {  	_ =	shalt  }
0x57: {  	_ =	shalt  }
0x58: {  	_ =	shalt  }
0x59: {  	_ =	shalt  }
0x5a: {  	_ =	shalt  }
0x5b: {  	_ =	shalt  }
0x5c: {  	_ =	shalt  }
0x5d: {  	_ =	shalt  }
0x5e: {  	_ =	shalt  }
0x5f: {  	_ =	shalt  }
0x60: {  	_ =	shalt  }
0x61: {  	_ =	shalt  }
0x62: {  	_ =	shalt  }
0x63: {  	_ =	shalt  }
0x64: {  	_ =	shalt  }
0x65: {  	_ =	shalt  }
0x66: {  	_ =	shalt  }
0x67: {  	_ =	shalt  }
0x68: {  	_ =	shalt  }
0x69: {  	_ =	shalt  }
0x6a: {  	_ =	shalt  }
0x6b: {  	_ =	shalt  }
0x6c: {  	_ =	shalt  }
0x6d: {  	_ =	shalt  }
0x6e: {  	_ =	shalt  }
0x6f: {  	_ =	shalt  }
0x70: {  	_ =	shalt  }
0x71: {  	_ =	shalt  }
0x72: {  	_ =	shalt  }
0x73: {  	_ =	shalt  }
0x74: {  	_ =	shalt  }
0x75: {  	_ =	shalt  }
0x76: {  	_ =	shalt  }
0x77: {  	_ =	shalt  }
0x78: {  	_ =	shalt  }
0x79: {  	_ =	shalt  }
0x7a: {  	_ =	shalt  }
0x7b: {  	_ =	shalt  }
0x7c: {  	_ =	shalt  }
0x7d: {  	_ =	shalt  }
0x7e: {  	_ =	shalt  }
0x7f: {  	_ =	shalt  }
0x80: {  	_ =	shalt  }
0x81: {  	_ =	shalt  }
0x82: {  	_ =	shalt  }
0x83: {  	_ =	shalt  }
0x84: {  	_ =	shalt  }
0x85: {  	_ =	shalt  }
0x86: {  	_ =	shalt  }
0x87: {  	_ =	shalt  }
.Lfunc_end0:
.L_simem_size_0:
called_computation.2_lowered:
.L_overlay_start_0:
0x88: {  	s2 =	sld [smem:$0x3FD9]  }
0x89: {  	s3 =	sld [smem:$0x3FFE];
	_ =	sdelay $0x1  }
0x8a: {  	s1 =	srdreg.scid  }
0x8b: {  	s0 =	sand.u32 $0x1, s1  }
0x8c: {  	s17 =	sshll.u32 s0, $0xA;
	s2 =	sadd.s32 s3, s2  }
0x8d: {  	s2 =	sadd.s32 s2, s17  }
0x8e: {  	[smem:$0x3FC2] =	sst s2  }
0x8f: {  	_ = 	snop  }
0x90: {  	s2 =	sld [smem:$0x3FD0];
	(tm) =	ssettm $0x1  }
0x91: {  	s18 =	sld [smem:$0x3FFB];
	_ =	sdelay $0x3  }
0x92: {  	_ =	strace s18  }
0x93: {  	s3 =	sld [smem:$0x3FFC];
	_ =	sdelay $0x3  }
0x94: {  	_ =	strace s3  }
0x95: {  	s3 =	sld [smem:$0x3FFD];
	_ =	sdelay $0x3  }
0x96: {  	_ =	strace s3  }
0x97: {  	_ =	strace $0x8FFFFFFF  }
0x98: {  	s19 =	sld [smem:$0x3FDB];
	_ =	sdelay $0x1  }
0x99: {  	s4 =	simm.s32 $_scs_section_size  }
0x9a: {  	s5 =	simm.s32 $_size__tile_overlayer_lowered;
	s6 =	simm.s32 $_tile_overlayer_lowered  }
0x9b: {  	s22 =	simm.s32 $0x1BFF;
	s21 =	sshll.u32 s6, $0x1;
	s3 =	sadd.s32 s4, s19  }
0x9c: {  	s7 =	simm.s32 $0x0;
	s20 =	sshll.u32 s5, $0x1;
	s5 =	sadd.s32 s21, s3  }
0x9d: {  	[timem:s7], [sflag:s22] =	dma.local [hbm:s5], s20  }
0x9e: {  	_ =	swait.ge [sflag:s22], s20  }
0x9f: {  	s4 =	ssub.s32 $0x0, s20;
	[sflag:s22] =	ssyncset.done $0x0  }
0xa0: {  	[sflag:s22] =	ssyncadd.s32 s4;
	_ =	sdelay $0x1  }
0xa1: {  	s23 =	simm.s32 $0x1B8B  }
0xa2: {  	_ =	swait.ge [sflag:s23], $0x1  }
0xa3: {  	[sflag:s23] =	ssyncset.done $0x0  }
0xa4: {  	s25 =	simm.s32 $0x1B8E;
	s24 =	sld [smem:$0x3FFE];
	[sflag:s23] =	ssyncadd.s32 $0xFFFFFFFF  }
0xa5: {  	s26 =	simm.s32 $execute0_lowered;
	[smem:$0x3FD2] =	sst s25  }
0xa6: {  	s5 =	sshll.u32 s26, $0x1;
	_ =	strace $0x8000004C;
	[dreg:$0x1] =	wrdreg $0xFFFFFFFF  }
0xa7: {  	s28 =	simm.s32 $_size_execute0_lowered;
	s3 =	sadd.s32 s3, s5;
	[dreg:$0x0] =	wrdreg $0x0  }
0xa8: {  	s5 =	sshll.u32 s28, $0x1;
	[dreg:$0x2] =	wrdreg s3  }
0xa9: {  	[dreg:$0x3] =	wrdreg s5  }
0xaa: {  	[dreg:$0x4] =	wrdreg $0xC0  }
0xab: {  	_ =	task [dreg:s7], $0x5FFFF  }
0xac: {  	[dreg:$0x1] =	wrdreg $0xFFFFFFFF  }
0xad: {  	[dreg:$0x0] =	wrdreg $0x60  }
0xae: {  	[dreg:$0x2] =	wrdreg s2  }
0xaf: {  	[dreg:$0x3] =	wrdreg s24  }
0xb0: {  	[dreg:$0x4] =	wrdreg $0x92800  }
0xb1: {  	[dreg:$0x5] =	wrdreg $0x9  }
0xb2: {  	_ =	task.clear_ibuf [dreg:s7], $0x6FFFF;
	_ =	strace $0x9000004C  }
0xb3: {  	s29 =	simm.s32 $0x9;
	_ =	strace $0x8000004E  }
0xb4: {  	_ =	swait.ge [sflag:s29], $0x1  }
0xb5: {  	[sflag:s29] =	ssyncadd.s32 $0xFFFFFFFF  }
0xb6: {  	_ =	strace $0x9000004E  }
0xb7: {  	_ =	sfence  }
0xb8: {  	s30 =	sld [smem:$0x0];
	_ =	sdelay $0x2  }
0xb9: {  	s31 =	sshll.u32 s1, $0xD;
	s1 =	sshrl.u32 s1, $0x2  }
0xba: {  	s3 =	sand.u32 $0x4000, s31;
	s1 =	sadd.s32 s1, s30  }
0xbb: {  	s0 =	sor.u32 s3, s0;
	s1 =	sshll.u32 s1, $0x11  }
0xbc: {  	s0 =	sor.u32 s1, s0  }
0xbd: {  	s0 =	sadd.s32 $0x8F2B, s0  }
0xbe: {  	[sflag:s0] =	ssyncadd.remote.s32 $0x1  }
0xbf: {  	_ =	sfence.sel $0xFFFF  }
0xc0: {  	[dreg:$0x0] =	wrdreg $0xFFFFFFFF;
	(pc) =	sbr.abs _section_cstart, $3  }
0xc1: {  	[dreg:$0x1] =	wrdreg $0xFFFFFFFF  }
0xc2: {  	_ =	task.clear_ibuf [dreg:s7], $0x2FFFF;
	_ =	strace $0x9FFFFFFF  }
0xc3: {  	(tm) =	ssettm $0x7FFFFFFF  }
tec
execute0_lowered:
.L_overlay_start_1:
0x0: {  	(tag) =	ssettag $0x1  }
0x1: {  	s1 =	rddreg [dreg:$0x0]  }
0x2: {  	s0 =	srdreg.scid;
	s4 =	rddreg [dreg:$0x1]  }
0x3: {  	s8 =	stileid.u32;
	s3 =	rddreg [dreg:$0x2]  }
0x4: {  	s6 =	simm.s32 $0x0;
	s0 =	sand.u32 $0x1, s0;
	s26 =	smul.u32 $0x2800, s8  }
0x5: {  	s2 =	sshll.u32 s8, $0x1;
	[smem:$0x7FF] =	sst s6;
	s8 =	smul.u32 $0xA000, s8  }
0x6: {  	s2 =	sor.u32 s0, s2;
	s5 =	smul.u32 $0x28000, s0;
	s0 =	ssub.s32 $0x2, s0  }
0x7: {  	_ =	strace $0x8000004D;
	s7 =	sshrl.u32 s0, $0x1;
	s10 =	sshrl.u32 s8, $0x2  }
0x8: {  	s11 =	sadd.s32 s26, s3;
	s5 =	sadd.s32 s26, s5;
	s12 =	sadd.s32 s10, s3  }
0x9: {  	s0 =	ssub.s32 s0, s7;
	s26 =	sshrl.u32 s11, $0x3;
	[dreg:$0x8] =	wrdreg s12  }
0xa: {  	s0 =	smax.u32 s0, $0x1;
	[dreg:$0x18] =	wrdreg s26  }
0xb: {  	s28 =	simm.s32 $0x11;
	s13 =	sadd.s32 $0x500, s12;
	[dreg:$0x7] =	wrdreg s0  }
0xc: {  	s30 =	simm.s32 $0x80;
	s14 =	sadd.s32 $0x780, s12;
	[dreg:$0xa] =	wrdreg s13  }
0xd: {  	s31 =	simm.s32 $0x5000;
	s15 =	sadd.s32 $0xA00, s12;
	[dreg:$0xb] =	wrdreg s14  }
0xe: {  	s29 =	simm.s32 $0x6000;
	s16 =	sadd.s32 $0xC80, s12;
	[dreg:$0xc] =	wrdreg s15  }
0xf: {  	s6 =	simm.s32 $0x1;
	s17 =	sadd.s32 $0xF00, s12;
	[dreg:$0xd] =	wrdreg s16  }
0x10: {  	s2 =	smul.u32 $0x500, s2;
	s18 =	sadd.s32 $0x1180, s12;
	[dreg:$0xe] =	wrdreg s17  }
0x11: {  	s8 =	simm.s32 $0x5;
	s19 =	sadd.s32 $0x1400, s12;
	[dreg:$0xf] =	wrdreg s18  }
0x12: {  	s10 =	simm.s32 $0x7;
	s20 =	sadd.s32 $0x1680, s12;
	[dreg:$0x10] =	wrdreg s19  }
0x13: {  	s11 =	simm.s32 $0x8;
	s21 =	sadd.s32 $0x1900, s12;
	[dreg:$0x11] =	wrdreg s20  }
0x14: {  	s2 =	sadd.s32 s2, s4;
	s22 =	sadd.s32 $0x1B80, s12;
	[dreg:$0x12] =	wrdreg s21  }
0x15: {  	s5 =	sshrl.u32 s5, $0x3;
	s23 =	sadd.s32 $0x1E00, s12;
	[dreg:$0x13] =	wrdreg s22  }
0x16: {  	s24 =	sadd.s32 $0x2080, s12;
	s25 =	sadd.s32 $0x2300, s12;
	[dreg:$0x14] =	wrdreg s23  }
0x17: {  	s26 =	simm.s32 $0x9000;
	s4 =	sadd.s32 s5, s4;
	[dreg:$0x15] =	wrdreg s24  }
0x18: {  	s7 =	sadd.s32 $0x1200, s2;
	s2 =	sadd.s32 $0xB200, s2;
	[dreg:$0x16] =	wrdreg s25  }
0x19: {  	s0 =	sadd.s32 $0x2580, s12;
	s5 =	simm.s32 $0x8800;
	s13 =	simm.s32 $0xA  }
0x1a: {  	s14 =	simm.s32 $0xB;
	s15 =	simm.s32 $0xC;
	s16 =	simm.s32 $0xD  }
.Ltmp0:
0x1b: {  	s17 =	simm.s32 $0xE;
	[dreg:$0x4] =	wrdreg s7;
	(pc) =	sbr.rel .LBB2_1-.Ltmp0, $4  }
0x1c: {  	s18 =	simm.s32 $0xF;
	s19 =	simm.s32 $0x10;
	[dreg:$0x5] =	wrdreg s2  }
0x1d: {  	s20 =	simm.s32 $0x0;
	s9 =	sadd.s32 $0x15200, s4;
	[dreg:$0x17] =	wrdreg s0  }
0x1e: {  	s2 =	sadd.s32 $0x280, s12;
	s0 =	simm.s32 $0x7000;
	[dreg:$0x6] =	wrdreg s9  }
0x1f: {  	v0 =	vimm.f32 $0.0e+00;
	s7 =	simm.s32 $0x3;
	[dreg:$0x9] =	wrdreg s2;
	s2 =	simm.s32 $0x8000  }
.LBB2_4:
0x20: {  	_ =	swait.ge [sflag:s11], $0x800  }
0x21: {  	[sflag:s11] =	ssyncset.done $0x0  }
0x22: {  	s23 =	simm.s32 $0x9;
	[sflag:s11] =	ssyncadd.s32 $0xFFFFF800  }
0x23: {  	[spmem:s3] =	stream.indirect.scatter.add.f32 [tilespmem:s5], [sflag:$0x10], $0x10, s4, s30, $0xb8;
	[tilespmem:$0xBA80] =	vst v63  }
0x24: {  	_ =	swait.ge [sflag:s23], $0x800  }
0x25: {  	[sflag:s23] =	ssyncset.done $0x0  }
0x26: {  	[sflag:s23] =	ssyncadd.s32 $0xFFFFF800  }
0x27: {  	_ =	swait.ge [sflag:s13], $0x800  }
0x28: {  	[sflag:s13] =	ssyncset.done $0x0  }
0x29: {  	[sflag:s13] =	ssyncadd.s32 $0xFFFFF800  }
0x2a: {  	_ =	swait.ge [sflag:s14], $0x800  }
0x2b: {  	[sflag:s14] =	ssyncset.done $0x0  }
0x2c: {  	[sflag:s14] =	ssyncadd.s32 $0xFFFFF800  }
0x2d: {  	_ =	swait.ge [sflag:s15], $0x800  }
0x2e: {  	[sflag:s15] =	ssyncset.done $0x0  }
0x2f: {  	[sflag:s15] =	ssyncadd.s32 $0xFFFFF800  }
0x30: {  	_ =	swait.ge [sflag:s16], $0x800  }
0x31: {  	[sflag:s16] =	ssyncset.done $0x0  }
0x32: {  	[sflag:s16] =	ssyncadd.s32 $0xFFFFF800  }
0x33: {  	_ =	swait.ge [sflag:s17], $0x800  }
0x34: {  	[sflag:s17] =	ssyncset.done $0x0  }
0x35: {  	[sflag:s17] =	ssyncadd.s32 $0xFFFFF800  }
0x36: {  	_ =	swait.ge [sflag:s18], $0x800  }
0x37: {  	[sflag:s18] =	ssyncset.done $0x0  }
0x38: {  	[sflag:s18] =	ssyncadd.s32 $0xFFFFF800  }
0x39: {  	_ =	swait.ge [sflag:s19], $0x800  }
0x3a: {  	[sflag:s19] =	ssyncset.done $0x0  }
0x3b: {  	[sflag:s19] =	ssyncadd.s32 $0xFFFFF800  }
0x3c: {  	s24 =	stileid.u32;
	[bflag:$0x0] =	sbarrier.arrive $0xFFFF  }
0x3d: {  	s4 =	sshll.u32 s24, $0x6;
	s9 =	rddreg [dreg:$0x6]  }
0x3e: {  	s4 =	sor.u32 $0x1C11, s4;
	s12 =	rddreg [dreg:$0x18]  }
0x3f: {  	[hbm:s9], [sflag:s4] =	dma.local [spmem:s12], $0x500  }
0x40: {  	_ =	swait.ge [sflag:s28], $0x500  }
0x41: {  	s20 =	sadd.s32 $0x1, s20;
	s25 =	rddreg [dreg:$0x7]  }
0x42: {  	p0 =	sne.s32 s20, s25  }
.Ltmp1:
0x43: {  	_ = 	snop;
	(pc) =	sbr.rel @!p0 .LBB2_5-.Ltmp1, $3  }
0x44: {  	_ =	sdelay $0x1  }
0x45: {  	[sflag:s28] =	ssyncset.done $0x0  }
0x46: {  	[sflag:s28] =	ssyncadd.s32 $0xFFFFFB00  }
.LBB2_1:
0x47: {  	[tilespmem:$0x9000] =	vst v0  }
0x48: {  	[tilespmem:$0x9010] =	vst v0  }
0x49: {  	[tilespmem:$0x9020] =	vst v0  }
0x4a: {  	[tilespmem:$0x9030] =	vst v0  }
0x4b: {  	[tilespmem:$0x9040] =	vst v0  }
0x4c: {  	[tilespmem:$0x9050] =	vst v0  }
0x4d: {  	[tilespmem:$0x9060] =	vst v0  }
0x4e: {  	[tilespmem:$0x9070] =	vst v0  }
0x4f: {  	[tilespmem:$0x9080] =	vst v0  }
0x50: {  	[tilespmem:$0x9090] =	vst v0  }
0x51: {  	[tilespmem:$0x90A0] =	vst v0  }
0x52: {  	[tilespmem:$0x90B0] =	vst v0  }
0x53: {  	[tilespmem:$0x90C0] =	vst v0  }
0x54: {  	[tilespmem:$0x90D0] =	vst v0  }
0x55: {  	[tilespmem:$0x90E0] =	vst v0  }
0x56: {  	[tilespmem:$0x90F0] =	vst v0  }
0x57: {  	[tilespmem:$0x9100] =	vst v0  }
0x58: {  	[tilespmem:$0x9110] =	vst v0  }
0x59: {  	[tilespmem:$0x9120] =	vst v0  }
0x5a: {  	[tilespmem:$0x9130] =	vst v0  }
0x5b: {  	[tilespmem:$0x9140] =	vst v0  }
0x5c: {  	[tilespmem:$0x9150] =	vst v0  }
0x5d: {  	[tilespmem:$0x9160] =	vst v0  }
0x5e: {  	[tilespmem:$0x9170] =	vst v0  }
0x5f: {  	[tilespmem:$0x9180] =	vst v0  }
0x60: {  	[tilespmem:$0x9190] =	vst v0  }
0x61: {  	[tilespmem:$0x91A0] =	vst v0  }
0x62: {  	[tilespmem:$0x91B0] =	vst v0  }
0x63: {  	[tilespmem:$0x91C0] =	vst v0  }
0x64: {  	[tilespmem:$0x91D0] =	vst v0  }
0x65: {  	[tilespmem:$0x91E0] =	vst v0  }
0x66: {  	[tilespmem:$0x91F0] =	vst v0  }
0x67: {  	[tilespmem:$0x9200] =	vst v0  }
0x68: {  	[tilespmem:$0x9210] =	vst v0  }
0x69: {  	[tilespmem:$0x9220] =	vst v0  }
0x6a: {  	[tilespmem:$0x9230] =	vst v0  }
0x6b: {  	[tilespmem:$0x9240] =	vst v0  }
0x6c: {  	[tilespmem:$0x9250] =	vst v0  }
0x6d: {  	[tilespmem:$0x9260] =	vst v0  }
0x6e: {  	[tilespmem:$0x9270] =	vst v0;
	s4 =	rddreg [dreg:$0x8]  }
0x6f: {  	[spmem:s4] =	stream.linear.scatter [tilespmem:s26], [sflag:$0x11], $0x280, $0x38;
	[tilespmem:$0xBA80] =	vst v63  }
0x70: {  	_ =	swait.ge [sflag:s28], $0x280  }
0x71: {  	[sflag:s28] =	ssyncset.done $0x0  }
0x72: {  	s21 =	rddreg [dreg:$0x9];
	[sflag:s28] =	ssyncadd.s32 $0xFFFFFD80  }
0x73: {  	[spmem:s21] =	stream.linear.scatter [tilespmem:s26], [sflag:$0x11], $0x280, $0x38;
	[tilespmem:$0xBA80] =	vst v63  }
0x74: {  	_ =	swait.ge [sflag:s28], $0x280  }
0x75: {  	[sflag:s28] =	ssyncset.done $0x0  }
0x76: {  	s22 =	rddreg [dreg:$0xa];
	[sflag:s28] =	ssyncadd.s32 $0xFFFFFD80  }
0x77: {  	[spmem:s22] =	stream.linear.scatter [tilespmem:s26], [sflag:$0x11], $0x280, $0x38;
	[tilespmem:$0xBA80] =	vst v63  }
0x78: {  	_ =	swait.ge [sflag:s28], $0x280  }
0x79: {  	[sflag:s28] =	ssyncset.done $0x0  }
0x7a: {  	s23 =	rddreg [dreg:$0xb];
	[sflag:s28] =	ssyncadd.s32 $0xFFFFFD80  }
0x7b: {  	[spmem:s23] =	stream.linear.scatter [tilespmem:s26], [sflag:$0x11], $0x280, $0x38;
	[tilespmem:$0xBA80] =	vst v63  }
0x7c: {  	_ =	swait.ge [sflag:s28], $0x280  }
0x7d: {  	[sflag:s28] =	ssyncset.done $0x0  }
0x7e: {  	s24 =	rddreg [dreg:$0xc];
	[sflag:s28] =	ssyncadd.s32 $0xFFFFFD80  }
0x7f: {  	[spmem:s24] =	stream.linear.scatter [tilespmem:s26], [sflag:$0x11], $0x280, $0x38;
	[tilespmem:$0xBA80] =	vst v63  }
0x80: {  	_ =	swait.ge [sflag:s28], $0x280  }
0x81: {  	[sflag:s28] =	ssyncset.done $0x0  }
0x82: {  	s25 =	rddreg [dreg:$0xd];
	[sflag:s28] =	ssyncadd.s32 $0xFFFFFD80  }
0x83: {  	[spmem:s25] =	stream.linear.scatter [tilespmem:s26], [sflag:$0x11], $0x280, $0x38;
	[tilespmem:$0xBA80] =	vst v63  }
0x84: {  	_ =	swait.ge [sflag:s28], $0x280  }
0x85: {  	[sflag:s28] =	ssyncset.done $0x0  }
0x86: {  	s9 =	rddreg [dreg:$0xe];
	[sflag:s28] =	ssyncadd.s32 $0xFFFFFD80  }
0x87: {  	[spmem:s9] =	stream.linear.scatter [tilespmem:s26], [sflag:$0x11], $0x280, $0x38;
	[tilespmem:$0xBA80] =	vst v63  }
0x88: {  	_ =	swait.ge [sflag:s28], $0x280  }
0x89: {  	[sflag:s28] =	ssyncset.done $0x0  }
0x8a: {  	s12 =	rddreg [dreg:$0xf];
	[sflag:s28] =	ssyncadd.s32 $0xFFFFFD80  }
0x8b: {  	[spmem:s12] =	stream.linear.scatter [tilespmem:s26], [sflag:$0x11], $0x280, $0x38;
	[tilespmem:$0xBA80] =	vst v63  }
0x8c: {  	_ =	swait.ge [sflag:s28], $0x280  }
0x8d: {  	[sflag:s28] =	ssyncset.done $0x0  }
0x8e: {  	s21 =	rddreg [dreg:$0x10];
	[sflag:s28] =	ssyncadd.s32 $0xFFFFFD80  }
0x8f: {  	[spmem:s21] =	stream.linear.scatter [tilespmem:s26], [sflag:$0x11], $0x280, $0x38;
	[tilespmem:$0xBA80] =	vst v63  }
0x90: {  	_ =	swait.ge [sflag:s28], $0x280  }
0x91: {  	[sflag:s28] =	ssyncset.done $0x0  }
0x92: {  	s22 =	rddreg [dreg:$0x11];
	[sflag:s28] =	ssyncadd.s32 $0xFFFFFD80  }
0x93: {  	[spmem:s22] =	stream.linear.scatter [tilespmem:s26], [sflag:$0x11], $0x280, $0x38;
	[tilespmem:$0xBA80] =	vst v63  }
0x94: {  	_ =	swait.ge [sflag:s28], $0x280  }
0x95: {  	[sflag:s28] =	ssyncset.done $0x0  }
0x96: {  	s23 =	rddreg [dreg:$0x12];
	[sflag:s28] =	ssyncadd.s32 $0xFFFFFD80  }
0x97: {  	[spmem:s23] =	stream.linear.scatter [tilespmem:s26], [sflag:$0x11], $0x280, $0x38;
	[tilespmem:$0xBA80] =	vst v63  }
0x98: {  	_ =	swait.ge [sflag:s28], $0x280  }
0x99: {  	[sflag:s28] =	ssyncset.done $0x0  }
0x9a: {  	s24 =	rddreg [dreg:$0x13];
	[sflag:s28] =	ssyncadd.s32 $0xFFFFFD80  }
0x9b: {  	[spmem:s24] =	stream.linear.scatter [tilespmem:s26], [sflag:$0x11], $0x280, $0x38;
	[tilespmem:$0xBA80] =	vst v63  }
0x9c: {  	_ =	swait.ge [sflag:s28], $0x280  }
0x9d: {  	[sflag:s28] =	ssyncset.done $0x0  }
0x9e: {  	s25 =	rddreg [dreg:$0x14];
	[sflag:s28] =	ssyncadd.s32 $0xFFFFFD80  }
0x9f: {  	[spmem:s25] =	stream.linear.scatter [tilespmem:s26], [sflag:$0x11], $0x280, $0x38;
	[tilespmem:$0xBA80] =	vst v63  }
0xa0: {  	_ =	swait.ge [sflag:s28], $0x280  }
0xa1: {  	[sflag:s28] =	ssyncset.done $0x0  }
0xa2: {  	s9 =	rddreg [dreg:$0x15];
	[sflag:s28] =	ssyncadd.s32 $0xFFFFFD80  }
0xa3: {  	[spmem:s9] =	stream.linear.scatter [tilespmem:s26], [sflag:$0x11], $0x280, $0x38;
	[tilespmem:$0xBA80] =	vst v63  }
0xa4: {  	_ =	swait.ge [sflag:s28], $0x280  }
0xa5: {  	[sflag:s28] =	ssyncset.done $0x0  }
0xa6: {  	s12 =	rddreg [dreg:$0x16];
	[sflag:s28] =	ssyncadd.s32 $0xFFFFFD80  }
0xa7: {  	[spmem:s12] =	stream.linear.scatter [tilespmem:s26], [sflag:$0x11], $0x280, $0x38;
	[tilespmem:$0xBA80] =	vst v63  }
0xa8: {  	_ =	swait.ge [sflag:s28], $0x280  }
0xa9: {  	[sflag:s28] =	ssyncset.done $0x0  }
0xaa: {  	s21 =	rddreg [dreg:$0x17];
	[sflag:s28] =	ssyncadd.s32 $0xFFFFFD80  }
0xab: {  	[spmem:s21] =	stream.linear.scatter [tilespmem:s26], [sflag:$0x11], $0x280, $0x38;
	[tilespmem:$0xBA80] =	vst v63  }
0xac: {  	_ =	swait.ge [sflag:s28], $0x280  }
0xad: {  	[sflag:s28] =	ssyncset.done $0x0  }
0xae: {  	s22 =	simm.s32 $0x0;
	s9 =	rddreg [dreg:$0x4];
	[sflag:s28] =	ssyncadd.s32 $0xFFFFFD80  }
0xaf: {  	[tilespmem:s22], [sflag:$0x11] =	stream.linear.gather [hbm4b:s9+s22], $0x2800, $0x38;
	[tilespmem:$0xBA80] =	vst v63  }
0xb0: {  	_ =	swait.ge [sflag:s28], $0x2800  }
0xb1: {  	[sflag:s28] =	ssyncset.done $0x0  }
0xb2: {  	s12 =	simm.s32 $0x2800;
	s23 =	rddreg [dreg:$0x5];
	[sflag:s28] =	ssyncadd.s32 $0xFFFFD800  }
0xb3: {  	[tilespmem:s12], [sflag:$0x11] =	stream.linear.gather [hbm4b:s23+s22], $0x2800, $0x38;
	[tilespmem:$0xBA80] =	vst v63  }
0xb4: {  	_ =	swait.ge [sflag:s28], $0x2800  }
0xb5: {  	[sflag:s28] =	ssyncset.done $0x0  }
0xb6: {  	[sflag:s28] =	ssyncadd.s32 $0xFFFFD800  }
0xb7: {  	[bflag:$0x0] =	sbarrier.arrive $0xFFFF  }
0xb8: {  	[tilespmem:s31], [sflag:$0x1] =	stream.indirect.gather [hbm4b:s1+s30], $0x10, s22, s30, $0xb8;
	[tilespmem:$0xBA80] =	vst v63  }
0xb9: {  	s24 =	simm.s32 $0x5800  }
0xba: {  	[tilespmem:s24], [sflag:$0x2] =	stream.indirect.gather [hbm4b:s1+s30], $0x10, s30, s30, $0xb8;
	[tilespmem:$0xBA80] =	vst v63  }
0xbb: {  	s25 =	simm.s32 $0x100  }
0xbc: {  	[tilespmem:s29], [sflag:$0x3] =	stream.indirect.gather [hbm4b:s1+s30], $0x10, s25, s30, $0xb8;
	[tilespmem:$0xBA80] =	vst v63  }
0xbd: {  	s9 =	simm.s32 $0x180;
	s12 =	simm.s32 $0x6800  }
0xbe: {  	[tilespmem:s12], [sflag:$0x4] =	stream.indirect.gather [hbm4b:s1+s30], $0x10, s9, s30, $0xb8;
	[tilespmem:$0xBA80] =	vst v63  }
0xbf: {  	s21 =	simm.s32 $0x200  }
0xc0: {  	[tilespmem:s0], [sflag:$0x5] =	stream.indirect.gather [hbm4b:s1+s30], $0x10, s21, s30, $0xb8;
	[tilespmem:$0xBA80] =	vst v63  }
0xc1: {  	s23 =	simm.s32 $0x7800;
	s22 =	simm.s32 $0x280  }
0xc2: {  	[tilespmem:s23], [sflag:$0x6] =	stream.indirect.gather [hbm4b:s1+s30], $0x10, s22, s30, $0xb8;
	[tilespmem:$0xBA80] =	vst v63  }
0xc3: {  	s24 =	simm.s32 $0x300  }
0xc4: {  	[tilespmem:s2], [sflag:$0x7] =	stream.indirect.gather [hbm4b:s1+s30], $0x10, s24, s30, $0xb8;
	[tilespmem:$0xBA80] =	vst v63  }
0xc5: {  	s25 =	simm.s32 $0x380;
	s21 =	simm.s32 $0x0  }
0xc6: {  	[tilespmem:s5], [sflag:$0x8] =	stream.indirect.gather [hbm4b:s1+s30], $0x10, s25, s30, $0xb8;
	[tilespmem:$0xBA80] =	vst v63  }
.LBB2_2:
0xc7: {  	_ =	swait.ge [sflag:s6], $0x800  }
0xc8: {  	s22 =	sshra.s32 s21, $0x2;
	[sflag:s6] =	ssyncset.done $0x0  }
0xc9: {  	p0 =	seq.s32 s21, $0x9000;
	s4 =	sadd.s32 $0x2800, s22;
	[sflag:s6] =	ssyncadd.s32 $0xFFFFF800  }
0xca: {  	[spmem:s3] =	stream.indirect.scatter.add.f32 [tilespmem:s31], [sflag:$0x9], $0x10, s4, s30, $0xb8;
	[tilespmem:$0xBA80] =	vst v63  }
0xcb: {  	s4 =	simm.s32 @p0 $0x2  }
0xcc: {  	_ =	swait.ge @p0 [sflag:s4], $0x800  }
0xcd: {  	s25 =	sshra.s32 @p0 s21, $0x2;
	s24 =	simm.s32 @p0 $0x5800;
	[sflag:s4] =	ssyncset.done @p0 $0x0  }
0xce: {  	s23 =	sadd.s32 @p0 $0x2880, s25;
	[sflag:s4] =	ssyncadd.s32 @p0 $0xFFFFF800;
	s4 =	simm.s32 @p0 $0x80  }
0xcf: {  	[spmem:s3] =	stream.indirect.scatter.add.f32 @p0 [tilespmem:s24], [sflag:$0xA], $0x10, s23, s4, $0xb8;
	[tilespmem:$0xBA80] =	vst v63  }
0xd0: {  	s23 =	simm.s32 @!p0 $0x9  }
0xd1: {  	_ =	swait.ge @!p0 [sflag:s23], $0x800  }
0xd2: {  	[sflag:s23] =	ssyncset.done @!p0 $0x0  }
0xd3: {  	[sflag:s23] =	ssyncadd.s32 @!p0 $0xFFFFF800;
	s23 =	sshra.s32 @!p0 s21, $0x2  }
0xd4: {  	s12 =	simm.s32 @!p0 $0x5000;
	s24 =	simm.s32 @!p0 $0x80;
	s9 =	sadd.s32 @!p0 $0x400, s23  }
0xd5: {  	[tilespmem:s12], [sflag:$0x1] =	stream.indirect.gather @!p0 [hbm4b:s1+s24], $0x10, s9, s24, $0xb8;
	[tilespmem:$0xBA80] =	vst v63  }
0xd6: {  	s9 =	simm.s32 @!p0 $0x2  }
0xd7: {  	_ =	swait.ge @!p0 [sflag:s9], $0x800  }
0xd8: {  	[sflag:s9] =	ssyncset.done @!p0 $0x0  }
0xd9: {  	s12 =	simm.s32 @!p0 $0x5800;
	[sflag:s9] =	ssyncadd.s32 @!p0 $0xFFFFF800;
	s9 =	sadd.s32 @!p0 $0x2880, s23  }
0xda: {  	[spmem:s3] =	stream.indirect.scatter.add.f32 @!p0 [tilespmem:s12], [sflag:$0xA], $0x10, s9, s24, $0xb8;
	[tilespmem:$0xBA80] =	vst v63  }
0xdb: {  	s9 =	simm.s32 @!p0 $0xA  }
0xdc: {  	_ =	swait.ge @!p0 [sflag:s9], $0x800  }
0xdd: {  	[sflag:s9] =	ssyncset.done @!p0 $0x0  }
0xde: {  	[sflag:s9] =	ssyncadd.s32 @!p0 $0xFFFFF800;
	s9 =	sadd.s32 @!p0 $0x480, s23  }
0xdf: {  	[tilespmem:s12], [sflag:$0x2] =	stream.indirect.gather @!p0 [hbm4b:s1+s24], $0x10, s9, s24, $0xb8;
	[tilespmem:$0xBA80] =	vst v63  }
0xe0: {  	_ =	swait.ge [sflag:s7], $0x800  }
0xe1: {  	[sflag:s7] =	ssyncset.done $0x0  }
0xe2: {  	s12 =	sadd.s32 $0x2900, s22;
	s9 =	simm.s32 @p0 $0x4;
	[sflag:s7] =	ssyncadd.s32 $0xFFFFF800  }
0xe3: {  	[spmem:s3] =	stream.indirect.scatter.add.f32 [tilespmem:s29], [sflag:$0xB], $0x10, s12, s30, $0xb8;
	[tilespmem:$0xBA80] =	vst v63  }
0xe4: {  	_ =	swait.ge @p0 [sflag:s9], $0x800  }
0xe5: {  	[sflag:s9] =	ssyncset.done @p0 $0x0  }
0xe6: {  	s12 =	simm.s32 @p0 $0x6800;
	[sflag:s9] =	ssyncadd.s32 @p0 $0xFFFFF800;
	s9 =	sadd.s32 @p0 $0x2980, s25  }
0xe7: {  	[spmem:s3] =	stream.indirect.scatter.add.f32 @p0 [tilespmem:s12], [sflag:$0xC], $0x10, s9, s4, $0xb8;
	[tilespmem:$0xBA80] =	vst v63  }
0xe8: {  	s9 =	simm.s32 @!p0 $0xB  }
0xe9: {  	_ =	swait.ge @!p0 [sflag:s9], $0x800  }
0xea: {  	[sflag:s9] =	ssyncset.done @!p0 $0x0  }
0xeb: {  	s12 =	simm.s32 @!p0 $0x6000;
	[sflag:s9] =	ssyncadd.s32 @!p0 $0xFFFFF800;
	s9 =	sadd.s32 @!p0 $0x500, s23  }
0xec: {  	[tilespmem:s12], [sflag:$0x3] =	stream.indirect.gather @!p0 [hbm4b:s1+s24], $0x10, s9, s24, $0xb8;
	[tilespmem:$0xBA80] =	vst v63  }
0xed: {  	s9 =	simm.s32 @!p0 $0x4  }
0xee: {  	_ =	swait.ge @!p0 [sflag:s9], $0x800  }
0xef: {  	[sflag:s9] =	ssyncset.done @!p0 $0x0  }
0xf0: {  	s12 =	simm.s32 @!p0 $0x6800;
	[sflag:s9] =	ssyncadd.s32 @!p0 $0xFFFFF800;
	s9 =	sadd.s32 @!p0 $0x2980, s23  }
0xf1: {  	[spmem:s3] =	stream.indirect.scatter.add.f32 @!p0 [tilespmem:s12], [sflag:$0xC], $0x10, s9, s24, $0xb8;
	[tilespmem:$0xBA80] =	vst v63  }
0xf2: {  	s9 =	simm.s32 @!p0 $0xC  }
0xf3: {  	_ =	swait.ge @!p0 [sflag:s9], $0x800  }
0xf4: {  	[sflag:s9] =	ssyncset.done @!p0 $0x0  }
0xf5: {  	[sflag:s9] =	ssyncadd.s32 @!p0 $0xFFFFF800;
	s9 =	sadd.s32 @!p0 $0x580, s23  }
0xf6: {  	[tilespmem:s12], [sflag:$0x4] =	stream.indirect.gather @!p0 [hbm4b:s1+s24], $0x10, s9, s24, $0xb8;
	[tilespmem:$0xBA80] =	vst v63  }
0xf7: {  	_ =	swait.ge [sflag:s8], $0x800  }
0xf8: {  	[sflag:s8] =	ssyncset.done $0x0  }
0xf9: {  	s12 =	sadd.s32 $0x2A00, s22;
	s9 =	simm.s32 @p0 $0x6;
	[sflag:s8] =	ssyncadd.s32 $0xFFFFF800  }
0xfa: {  	[spmem:s3] =	stream.indirect.scatter.add.f32 [tilespmem:s0], [sflag:$0xD], $0x10, s12, s30, $0xb8;
	[tilespmem:$0xBA80] =	vst v63  }
0xfb: {  	_ =	swait.ge @p0 [sflag:s9], $0x800  }
0xfc: {  	[sflag:s9] =	ssyncset.done @p0 $0x0  }
0xfd: {  	s12 =	simm.s32 @p0 $0x7800;
	[sflag:s9] =	ssyncadd.s32 @p0 $0xFFFFF800;
	s9 =	sadd.s32 @p0 $0x2A80, s25  }
0xfe: {  	[spmem:s3] =	stream.indirect.scatter.add.f32 @p0 [tilespmem:s12], [sflag:$0xE], $0x10, s9, s4, $0xb8;
	[tilespmem:$0xBA80] =	vst v63  }
0xff: {  	s4 =	simm.s32 @!p0 $0xD  }
0x100: {  	_ =	swait.ge @!p0 [sflag:s4], $0x800  }
0x101: {  	[sflag:s4] =	ssyncset.done @!p0 $0x0  }
0x102: {  	s9 =	simm.s32 @!p0 $0x7000;
	[sflag:s4] =	ssyncadd.s32 @!p0 $0xFFFFF800;
	s4 =	sadd.s32 @!p0 $0x600, s23  }
0x103: {  	[tilespmem:s9], [sflag:$0x5] =	stream.indirect.gather @!p0 [hbm4b:s1+s24], $0x10, s4, s24, $0xb8;
	[tilespmem:$0xBA80] =	vst v63  }
0x104: {  	s4 =	simm.s32 @!p0 $0x6  }
0x105: {  	_ =	swait.ge @!p0 [sflag:s4], $0x800  }
0x106: {  	[sflag:s4] =	ssyncset.done @!p0 $0x0  }
0x107: {  	s9 =	simm.s32 @!p0 $0x7800;
	[sflag:s4] =	ssyncadd.s32 @!p0 $0xFFFFF800;
	s4 =	sadd.s32 @!p0 $0x2A80, s23  }
0x108: {  	[spmem:s3] =	stream.indirect.scatter.add.f32 @!p0 [tilespmem:s9], [sflag:$0xE], $0x10, s4, s24, $0xb8;
	[tilespmem:$0xBA80] =	vst v63  }
0x109: {  	s4 =	simm.s32 @!p0 $0xE  }
0x10a: {  	_ =	swait.ge @!p0 [sflag:s4], $0x800  }
0x10b: {  	[sflag:s4] =	ssyncset.done @!p0 $0x0  }
0x10c: {  	[sflag:s4] =	ssyncadd.s32 @!p0 $0xFFFFF800;
	s4 =	sadd.s32 @!p0 $0x680, s23  }
0x10d: {  	[tilespmem:s9], [sflag:$0x6] =	stream.indirect.gather @!p0 [hbm4b:s1+s24], $0x10, s4, s24, $0xb8;
	[tilespmem:$0xBA80] =	vst v63  }
.Ltmp2:
0x10e: {  	_ = 	snop;
	(pc) =	sbr.rel @p0 .LBB2_4-.Ltmp2, $4  }
0x10f: {  	_ =	swait.ge [sflag:s10], $0x800  }
0x110: {  	[sflag:s10] =	ssyncset.done $0x0  }
0x111: {  	s25 =	sadd.s32 $0x2B00, s22;
	s4 =	sadd.s32 $0x2B80, s22;
	[sflag:s10] =	ssyncadd.s32 $0xFFFFF800  }
0x112: {  	[spmem:s3] =	stream.indirect.scatter.add.f32 [tilespmem:s2], [sflag:$0xF], $0x10, s25, s30, $0xb8;
	[tilespmem:$0xBA80] =	vst v63  }
0x113: {  	_ =	swait.ge [sflag:s18], $0x800  }
0x114: {  	[sflag:s18] =	ssyncset.done $0x0  }
0x115: {  	s9 =	sadd.s32 $0x700, s22;
	[sflag:s18] =	ssyncadd.s32 $0xFFFFF800  }
0x116: {  	[tilespmem:s2], [sflag:$0x7] =	stream.indirect.gather [hbm4b:s1+s30], $0x10, s9, s30, $0xb8;
	[tilespmem:$0xBA80] =	vst v63  }
0x117: {  	_ =	swait.ge [sflag:s11], $0x800  }
0x118: {  	[sflag:s11] =	ssyncset.done $0x0  }
0x119: {  	[sflag:s11] =	ssyncadd.s32 $0xFFFFF800  }
0x11a: {  	[spmem:s3] =	stream.indirect.scatter.add.f32 [tilespmem:s5], [sflag:$0x10], $0x10, s4, s30, $0xb8;
	[tilespmem:$0xBA80] =	vst v63  }
.Ltmp3:
0x11b: {  	_ = 	snop;
	(pc) =	sbr.rel .LBB2_2-.Ltmp3, $4  }
0x11c: {  	_ =	swait.ge [sflag:s19], $0x800  }
0x11d: {  	[sflag:s19] =	ssyncset.done $0x0  }
0x11e: {  	s25 =	sadd.s32 $0x780, s22;
	s21 =	sadd.s32 $0x1000, s21;
	[sflag:s19] =	ssyncadd.s32 $0xFFFFF800  }
0x11f: {  	[tilespmem:s5], [sflag:$0x8] =	stream.indirect.gather [hbm4b:s1+s30], $0x10, s25, s30, $0xb8;
	[tilespmem:$0xBA80] =	vst v63  }
.LBB2_5:
0x120: {  	_ =	sfence.sel $0x180000  }
0x121: {  	[bflag:$0x0] =	sbarrier.arrive $0xFFFF  }
0x122: {  	_ =	strace $0x9000004D  }
0x123: {  	s0 =	stileid.u32;
	[bflag:$0x2] =	sbarrier.arrive $0xFFFF  }
0x124: {  	p0 =	sne.s32 s0, $0x0;
	s0 =	rddreg [dreg:$0x3]  }
0x125: {  	s0 =	sadd.s32 @!p0 $0x100000, s0  }
0x126: {  	[sflag:s0] =	ssyncadd.tile.s32 @!p0 $0x1;
	_ =	shalt  }
.Lfunc_end2:
_tile_overlayer_lowered:
.L_overlay_start_2:
0x127: {  	(tag) =	ssettag $0x2  }
0x128: {  	s0 =	rddreg [dreg:$0x0];
	s2 =	stileid.u32  }
0x129: {  	s1 =	rddreg [dreg:$0x1];
	p0 =	sne.s32 s2, $0x0  }
0x12a: {  	s3 =	rddreg [dreg:$0x2];
	[bflag:$0x3] =	sbarrier.arrive $0xFFFF;
	s2 =	simm.s32 @!p0 $0x1C11  }
0x12b: {  	[timem:s3], [sflag:s2] =	dma.local @!p0 [hbm:s0], s1  }
0x12c: {  	s0 =	simm.s32 @!p0 $0x11  }
0x12d: {  	_ =	swait.ge @!p0 [sflag:s0], s1  }
0x12e: {  	s1 =	ssub.s32 @!p0 $0x0, s1;
	[sflag:s0] =	ssyncset.done @!p0 $0x0  }
0x12f: {  	[sflag:s0] =	ssyncadd.s32 @!p0 s1  }
0x130: {  	[bflag:$0x3] =	sbarrier.arrive $0xFFFF  }
0x131: {  	_ =	shalt  }

// kernel: kernel.7.cloned.1.call-start
scs
__scs_entry_jumppad:
0x0: {  	(pc) =	sbr.rel $0x88, $3  }
0x1: {  	(tag) =	ssettag $0x0;
	lr =	simm.s32 $0x1  }
0x2: {  	[smem:$0x3F9B] =	sst lr;
	_ =	strace $0xD0000000  }
0x3: {  	_ = 	snop  }
0x4: {  	_ = 	snop  }
0x5: {  	_ = 	snop  }
0x6: {  	_ = 	snop  }
0x7: {  	_ = 	snop  }
__scs_overlays_trampoline_lowered:
0x8: {  	[smem:$0x3FAA] =	sst s0  }
0x9: {  	[smem:$0x3FAB] =	sst s1  }
0xa: {  	[smem:$0x3FAC] =	sst s2  }
0xb: {  	[smem:$0x3FAD] =	sst s3  }
0xc: {  	[smem:$0x3FAE] =	sst s4  }
0xd: {  	[smem:$0x3FAF] =	sst s5  }
0xe: {  	[smem:$0x3FB0] =	sst s6  }
0xf: {  	[smem:$0x3FB1] =	sst s7  }
0x10: {  	[smem:$0x3FB2] =	sst s8  }
0x11: {  	[smem:$0x3FB3] =	sst s9;
	s0 =	simm.s32 @!p0 $0x0  }
0x12: {  	s1 =	sld [smem:$0x3F99];
	s0 =	simm.s32 @p0 $0x1  }
0x13: {  	[smem:$0x3FB4] =	sst s0;
	s0 =	simm.s32 @!p1 $0x0  }
0x14: {  	s2 =	sld [smem:$0x3F98];
	s0 =	simm.s32 @p1 $0x1  }
0x15: {  	[smem:$0x3FB5] =	sst s0;
	s0 =	simm.s32 @!p2 $0x0  }
0x16: {  	s3 =	sld [smem:$0x3FDB];
	s0 =	simm.s32 @p2 $0x1  }
0x17: {  	s4 =	simm.s32 $0x1BF5;
	[smem:$0x3FB7] =	sst s0  }
0x18: {  	s0 =	sld [smem:$0x3F9A];
	_ =	swait.ge [sflag:s4], $0x0  }
0x19: {  	s7 =	sld [smem:$0x3F9B]  }
0x1a: {  	s8 =	sadd.s32 $0xFFFFE003, lr  }
0x1b: {  	s9 =	sadd.s32 $0xFFFFFEF7, lr;
	s5 =	simm.s32 $0xFFFFFFFF;
	p2 =	slt.u32 s8, $0xFFFFF086  }
0x1c: {  	p1 =	slt.u32 s9, $0xF7A;
	s5 =	simm.s32 @!p2 $0x0  }
0x1d: {  	s5 =	simm.s32 @p1 $0x1;
	p0 =	seq.s32 s7, s2  }
0x1e: {  	s7 =	smul.u32 @!p0 $0xF7A, s2;
	p2 =	seq.s32 @!p0 s5, $0x0  }
0x1f: {  	s9 =	smul.u32 $0xF7A, s1;
	s8 =	simm.s32 @!p0 $0x1BF5;
	p2 =	por !p2, p0  }
0x20: {  	[sflag:s8] =	ssyncset.s32 @!p0 $0xFFFFF086;
	s6 =	sadd.s32 @!p0 s3, s7;
	s7 =	simm.s32 @!p0 $0x108  }
0x21: {  	s3 =	sadd.s32 s3, s9;
	s6 =	sadd.s32 @!p0 $0x88, s6;
	s7 =	simm.s32 @p2 $0x1082  }
0x22: {  	[simem:s7], [sflag:s8] =	dma.local @!p0 [hbm:s6], $0xF7A  }
0x23: {  	s9 =	sor.u32 $0xD0000000, s2;
	s6 =	simm.s32 $0x108;
	_ =	swait.ge @!p0 [sflag:s8], $0x0  }
0x24: {  	s3 =	sadd.s32 $0x88, s3;
	s6 =	simm.s32 @!p1 $0x1082;
	[sflag:s4] =	ssyncset.s32 $0xFFFFF086  }
0x25: {  	[simem:s6], [sflag:s4] =	dma.local [hbm:s3], $0xF7A  }
0x26: {  	[smem:$0x3F9B] =	sst s1;
	(tag) =	ssettag s2;
	_ =	strace s9  }
0x27: {  	s1 =	sld [smem:$0x3FAB]  }
0x28: {  	s2 =	sld [smem:$0x3FAC]  }
0x29: {  	s4 =	sld [smem:$0x3FAE]  }
0x2a: {  	p0 =	seq.s32 s5, $0x0;
	s5 =	sld [smem:$0x3FAF]  }
0x2b: {  	s6 =	sld [smem:$0x3FB0]  }
0x2c: {  	s7 =	sld [smem:$0x3FB1]  }
0x2d: {  	s3 =	simm.s32 $0x108;
	s8 =	sld [smem:$0x3FB2]  }
0x2e: {  	s3 =	simm.s32 @!p0 $0x1082;
	s9 =	sld [smem:$0x3FB3]  }
0x2f: {  	lr =	sadd.s32 s0, s3;
	s0 =	sld [smem:$0x3FAA]  }
0x30: {  	s3 =	sld [smem:$0x3FAD]  }
0x31: {  	[smem:$0x3FB6] =	sst s10  }
0x32: {  	s10 =	sld [smem:$0x3FB4];
	_ =	sdelay $0x3  }
0x33: {  	p0 =	seq.s32 s10, $0x1;
	s10 =	sld [smem:$0x3FB6];
	_ =	sdelay $0x3  }
0x34: {  	[smem:$0x3FB6] =	sst s10  }
0x35: {  	s10 =	sld [smem:$0x3FB5];
	_ =	sdelay $0x3  }
0x36: {  	p1 =	seq.s32 s10, $0x1;
	s10 =	sld [smem:$0x3FB6];
	_ =	sdelay $0x3  }
0x37: {  	[smem:$0x3FB6] =	sst s10  }
0x38: {  	s10 =	sld [smem:$0x3FB7]  }
0x39: {  	_ = 	snop;
	(pc) =	sbr.ind lr, $3  }
0x3a: {  	_ = 	snop  }
0x3b: {  	_ = 	snop  }
0x3c: {  	p2 =	seq.s32 s10, $0x1;
	s10 =	sld [smem:$0x3FB6]  }
0x3d: {  	_ =	shalt  }
0x3e: {  	_ =	shalt  }
0x3f: {  	_ =	shalt  }
0x40: {  	_ =	shalt  }
0x41: {  	_ =	shalt  }
0x42: {  	_ =	shalt  }
0x43: {  	_ =	shalt  }
0x44: {  	_ =	shalt  }
0x45: {  	_ =	shalt  }
0x46: {  	_ =	shalt  }
0x47: {  	_ =	shalt  }
0x48: {  	_ =	shalt  }
0x49: {  	_ =	shalt  }
0x4a: {  	_ =	shalt  }
0x4b: {  	_ =	shalt  }
0x4c: {  	_ =	shalt  }
0x4d: {  	_ =	shalt  }
0x4e: {  	_ =	shalt  }
0x4f: {  	_ =	shalt  }
0x50: {  	_ =	shalt  }
0x51: {  	_ =	shalt  }
0x52: {  	_ =	shalt  }
0x53: {  	_ =	shalt  }
0x54: {  	_ =	shalt  }
0x55: {  	_ =	shalt  }
0x56: {  	_ =	shalt  }
0x57: {  	_ =	shalt  }
0x58: {  	_ =	shalt  }
0x59: {  	_ =	shalt  }
0x5a: {  	_ =	shalt  }
0x5b: {  	_ =	shalt  }
0x5c: {  	_ =	shalt  }
0x5d: {  	_ =	shalt  }
0x5e: {  	_ =	shalt  }
0x5f: {  	_ =	shalt  }
0x60: {  	_ =	shalt  }
0x61: {  	_ =	shalt  }
0x62: {  	_ =	shalt  }
0x63: {  	_ =	shalt  }
0x64: {  	_ =	shalt  }
0x65: {  	_ =	shalt  }
0x66: {  	_ =	shalt  }
0x67: {  	_ =	shalt  }
0x68: {  	_ =	shalt  }
0x69: {  	_ =	shalt  }
0x6a: {  	_ =	shalt  }
0x6b: {  	_ =	shalt  }
0x6c: {  	_ =	shalt  }
0x6d: {  	_ =	shalt  }
0x6e: {  	_ =	shalt  }
0x6f: {  	_ =	shalt  }
0x70: {  	_ =	shalt  }
0x71: {  	_ =	shalt  }
0x72: {  	_ =	shalt  }
0x73: {  	_ =	shalt  }
0x74: {  	_ =	shalt  }
0x75: {  	_ =	shalt  }
0x76: {  	_ =	shalt  }
0x77: {  	_ =	shalt  }
0x78: {  	_ =	shalt  }
0x79: {  	_ =	shalt  }
0x7a: {  	_ =	shalt  }
0x7b: {  	_ =	shalt  }
0x7c: {  	_ =	shalt  }
0x7d: {  	_ =	shalt  }
0x7e: {  	_ =	shalt  }
0x7f: {  	_ =	shalt  }
0x80: {  	_ =	shalt  }
0x81: {  	_ =	shalt  }
0x82: {  	_ =	shalt  }
0x83: {  	_ =	shalt  }
0x84: {  	_ =	shalt  }
0x85: {  	_ =	shalt  }
0x86: {  	_ =	shalt  }
0x87: {  	_ =	shalt  }
.Lfunc_end0:
.L_simem_size_0:
called_computation_lowered:
.L_overlay_start_0:
0x88: {  	s2 =	sld [smem:$0x3FD9]  }
0x89: {  	s3 =	sld [smem:$0x3FFE];
	_ =	sdelay $0x1  }
0x8a: {  	s1 =	srdreg.scid  }
0x8b: {  	s0 =	sand.u32 $0x1, s1  }
0x8c: {  	s17 =	sshll.u32 s0, $0xA;
	s2 =	sadd.s32 s3, s2  }
0x8d: {  	s2 =	sadd.s32 s2, s17  }
0x8e: {  	[smem:$0x3FC2] =	sst s2  }
0x8f: {  	_ = 	snop  }
0x90: {  	s2 =	sld [smem:$0x3FD0];
	(tm) =	ssettm $0x1  }
0x91: {  	s18 =	sld [smem:$0x3FFB];
	_ =	sdelay $0x3  }
0x92: {  	_ =	strace s18  }
0x93: {  	s3 =	sld [smem:$0x3FFC];
	_ =	sdelay $0x3  }
0x94: {  	_ =	strace s3  }
0x95: {  	s3 =	sld [smem:$0x3FFD];
	_ =	sdelay $0x3  }
0x96: {  	_ =	strace s3  }
0x97: {  	_ =	strace $0x8FFFFFFF  }
0x98: {  	s19 =	sld [smem:$0x3FDB];
	_ =	sdelay $0x1  }
0x99: {  	s4 =	simm.s32 $_scs_section_size  }
0x9a: {  	s5 =	simm.s32 $_size__tile_overlayer_lowered;
	s6 =	simm.s32 $_tile_overlayer_lowered  }
0x9b: {  	s22 =	simm.s32 $0x1BFF;
	s21 =	sshll.u32 s6, $0x1;
	s3 =	sadd.s32 s4, s19  }
0x9c: {  	s7 =	simm.s32 $0x0;
	s20 =	sshll.u32 s5, $0x1;
	s5 =	sadd.s32 s21, s3  }
0x9d: {  	[timem:s7], [sflag:s22] =	dma.local [hbm:s5], s20  }
0x9e: {  	_ =	swait.ge [sflag:s22], s20  }
0x9f: {  	s4 =	ssub.s32 $0x0, s20;
	[sflag:s22] =	ssyncset.done $0x0  }
0xa0: {  	[sflag:s22] =	ssyncadd.s32 s4;
	_ =	sdelay $0x1  }
0xa1: {  	s23 =	simm.s32 $0x1B8B  }
0xa2: {  	_ =	swait.ge [sflag:s23], $0x1  }
0xa3: {  	[sflag:s23] =	ssyncset.done $0x0  }
0xa4: {  	s25 =	simm.s32 $0x1B8E;
	s24 =	sld [smem:$0x3FFE];
	[sflag:s23] =	ssyncadd.s32 $0xFFFFFFFF  }
0xa5: {  	s26 =	simm.s32 $execute0_lowered;
	[smem:$0x3FD2] =	sst s25  }
0xa6: {  	s5 =	sshll.u32 s26, $0x1;
	_ =	strace $0x80000046;
	[dreg:$0x1] =	wrdreg $0xFFFFFFFF  }
0xa7: {  	s28 =	simm.s32 $_size_execute0_lowered;
	s3 =	sadd.s32 s3, s5;
	[dreg:$0x0] =	wrdreg $0x0  }
0xa8: {  	s5 =	sshll.u32 s28, $0x1;
	[dreg:$0x2] =	wrdreg s3  }
0xa9: {  	[dreg:$0x3] =	wrdreg s5  }
0xaa: {  	[dreg:$0x4] =	wrdreg $0xC0  }
0xab: {  	_ =	task [dreg:s7], $0x5FFFF  }
0xac: {  	[dreg:$0x1] =	wrdreg $0xFFFFFFFF  }
0xad: {  	[dreg:$0x0] =	wrdreg $0x60  }
0xae: {  	[dreg:$0x2] =	wrdreg s24  }
0xaf: {  	[dreg:$0x3] =	wrdreg s2  }
0xb0: {  	[dreg:$0x4] =	wrdreg $0x2B000  }
0xb1: {  	[dreg:$0x5] =	wrdreg $0x9  }
0xb2: {  	_ =	task.clear_ibuf [dreg:s7], $0x6FFFF;
	_ =	strace $0x90000046  }
0xb3: {  	s29 =	simm.s32 $0x9;
	_ =	strace $0x80000048  }
0xb4: {  	_ =	swait.ge [sflag:s29], $0x1  }
0xb5: {  	[sflag:s29] =	ssyncadd.s32 $0xFFFFFFFF  }
0xb6: {  	_ =	strace $0x90000048  }
0xb7: {  	_ =	sfence  }
0xb8: {  	s30 =	sld [smem:$0x0];
	_ =	sdelay $0x2  }
0xb9: {  	s31 =	sshll.u32 s1, $0xD;
	s1 =	sshrl.u32 s1, $0x2  }
0xba: {  	s3 =	sand.u32 $0x4000, s31;
	s1 =	sadd.s32 s1, s30  }
0xbb: {  	s0 =	sor.u32 s3, s0;
	s1 =	sshll.u32 s1, $0x11  }
0xbc: {  	s0 =	sor.u32 s1, s0  }
0xbd: {  	s0 =	sadd.s32 $0x8F2B, s0  }
0xbe: {  	[sflag:s0] =	ssyncadd.remote.s32 $0x1  }
0xbf: {  	_ =	sfence.sel $0xFFFF  }
0xc0: {  	[dreg:$0x0] =	wrdreg $0xFFFFFFFF;
	(pc) =	sbr.abs _section_cstart, $3  }
0xc1: {  	[dreg:$0x1] =	wrdreg $0xFFFFFFFF  }
0xc2: {  	_ =	task.clear_ibuf [dreg:s7], $0x2FFFF;
	_ =	strace $0x9FFFFFFF  }
0xc3: {  	(tm) =	ssettm $0x7FFFFFFF  }
tec
execute0_lowered:
.L_overlay_start_1:
0x0: {  	(tag) =	ssettag $0x1  }
0x1: {  	s4 =	rddreg [dreg:$0x0]  }
0x2: {  	s9 =	rddreg [dreg:$0x1]  }
0x3: {  	s2 =	rddreg [dreg:$0x2];
	s3 =	simm.s32 $0x0  }
0x4: {  	s5 =	srdreg.scid;
	s1 =	stileid.u32;
	s15 =	simm.s32 $0x100  }
0x5: {  	s16 =	simm.s32 $0x180;
	s17 =	simm.s32 $0x200;
	s18 =	simm.s32 $0x280  }
0x6: {  	s19 =	simm.s32 $0x300;
	s20 =	simm.s32 $0x380;
	s21 =	simm.s32 $0x1  }
0x7: {  	s22 =	simm.s32 $0x2;
	s23 =	simm.s32 $0x3;
	s24 =	simm.s32 $0x4  }
0x8: {  	s25 =	simm.s32 $0x5;
	s26 =	simm.s32 $0x6;
	s28 =	simm.s32 $0x7  }
0x9: {  	s29 =	simm.s32 $0x8;
	[smem:$0x7FF] =	sst s3;
	s6 =	smul.u32 $0x280, s1  }
0xa: {  	s5 =	sand.u32 $0x1, s5;
	s8 =	smul.u32 $0xA00, s1;
	s10 =	sadd.s32 $0x1200, s4  }
0xb: {  	s12 =	smul.u32 $0x5000, s1;
	s13 =	sadd.s32 $0xB200, s4;
	_ =	strace $0x80000047  }
0xc: {  	s7 =	ssub.s32 $0x2, s5;
	s30 =	smul.u32 $0x2800, s5;
	p0 =	seq.s32 s5, $0x1  }
0xd: {  	s11 =	sshrl.u32 s7, $0x1;
	s4 =	sadd.s32 s6, s2;
	s12 =	sshrl.u32 s12, $0x3  }
.Ltmp0:
0xe: {  	s5 =	sadd.s32 s10, s8;
	s11 =	ssub.s32 s7, s11;
	(pc) =	sbr.rel .LBB2_1-.Ltmp0, $4  }
0xf: {  	s12 =	sadd.s32 $0x500, s12;
	s14 =	sadd.s32 s6, s30;
	s7 =	sadd.s32 s13, s8  }
0x10: {  	s6 =	sadd.s32 s10, s12;
	s31 =	sshrl.u32 s14, $0x3;
	s8 =	sadd.s32 s13, s12  }
0x11: {  	s10 =	smax.u32 s11, $0x1;
	s11 =	simm.s32 $0x2880;
	s12 =	simm.s32 $0x9  }
0x12: {  	v0 =	vimm.f32 $1.000000000e+00;
	v1 =	vimm.f32 $0.0e+00;
	s13 =	simm.s32 $0x80;
	s14 =	simm.s32 $0x2800;
	s9 =	sadd.s32 s9, s31  }
.LBB2_11:
0x13: {  	[spmem:s2] =	stream.indirect.scatter.add.f32 [tilespmem:s14], [sflag:$0x8], $0x1, s31, s13, $0xb8;
	[tilespmem:$0x2D80] =	vst v63  }
.LBB2_12:
0x14: {  	_ =	swait.ge [sflag:s21], $0x80  }
0x15: {  	[sflag:s21] =	ssyncset.done $0x0  }
0x16: {  	[sflag:s21] =	ssyncadd.s32 $0xFFFFFF80  }
0x17: {  	_ =	swait.ge [sflag:s22], $0x80  }
0x18: {  	[sflag:s22] =	ssyncset.done $0x0  }
0x19: {  	[sflag:s22] =	ssyncadd.s32 $0xFFFFFF80  }
0x1a: {  	_ =	swait.ge [sflag:s23], $0x80  }
0x1b: {  	[sflag:s23] =	ssyncset.done $0x0  }
0x1c: {  	[sflag:s23] =	ssyncadd.s32 $0xFFFFFF80  }
0x1d: {  	_ =	swait.ge [sflag:s24], $0x80  }
0x1e: {  	[sflag:s24] =	ssyncset.done $0x0  }
0x1f: {  	[sflag:s24] =	ssyncadd.s32 $0xFFFFFF80  }
0x20: {  	_ =	swait.ge [sflag:s25], $0x80  }
0x21: {  	[sflag:s25] =	ssyncset.done $0x0  }
0x22: {  	[sflag:s25] =	ssyncadd.s32 $0xFFFFFF80  }
0x23: {  	_ =	swait.ge [sflag:s26], $0x80  }
0x24: {  	[sflag:s26] =	ssyncset.done $0x0  }
0x25: {  	[sflag:s26] =	ssyncadd.s32 $0xFFFFFF80  }
0x26: {  	_ =	swait.ge [sflag:s28], $0x80  }
0x27: {  	[sflag:s28] =	ssyncset.done $0x0  }
0x28: {  	[sflag:s28] =	ssyncadd.s32 $0xFFFFFF80  }
0x29: {  	_ =	swait.ge [sflag:s29], $0x80  }
0x2a: {  	s0 =	sshll.u32 s1, $0x6;
	s3 =	sadd.s32 $0x1, s3;
	[sflag:s29] =	ssyncset.done $0x0  }
0x2b: {  	s30 =	sshrl.u32 s4, $0x3;
	p1 =	sne.s32 s3, s10;
	[sflag:s29] =	ssyncadd.s32 $0xFFFFFF80  }
.Ltmp1:
0x2c: {  	s0 =	sor.u32 $0x1C09, s0;
	[bflag:$0x0] =	sbarrier.arrive $0xFFFF;
	(pc) =	sbr.rel @!p1 .LBB2_13-.Ltmp1, $4  }
0x2d: {  	[hbm:s9], [sflag:s0] =	dma.local [spmem:s30], $0x50  }
0x2e: {  	_ =	swait.ge [sflag:s12], $0x50  }
0x2f: {  	[sflag:s12] =	ssyncset.done $0x0  }
0x30: {  	[sflag:s12] =	ssyncadd.s32 $0xFFFFFFB0  }
.LBB2_1:
0x31: {  	[tilespmem:$0x2800] =	vst v0  }
0x32: {  	[tilespmem:$0x2810] =	vst v0  }
0x33: {  	[tilespmem:$0x2820] =	vst v0  }
0x34: {  	[tilespmem:$0x2830] =	vst v0  }
0x35: {  	[tilespmem:$0x2840] =	vst v0  }
0x36: {  	[tilespmem:$0x2850] =	vst v0  }
0x37: {  	[tilespmem:$0x2860] =	vst v0  }
0x38: {  	[tilespmem:$0x2870] =	vst v0  }
0x39: {  	[tilespmem:$0x2880] =	vst v1  }
0x3a: {  	[tilespmem:$0x2890] =	vst v1  }
0x3b: {  	[tilespmem:$0x28A0] =	vst v1  }
0x3c: {  	[tilespmem:$0x28B0] =	vst v1  }
0x3d: {  	[tilespmem:$0x28C0] =	vst v1  }
0x3e: {  	[tilespmem:$0x28D0] =	vst v1  }
0x3f: {  	[tilespmem:$0x28E0] =	vst v1  }
0x40: {  	[tilespmem:$0x28F0] =	vst v1  }
0x41: {  	[tilespmem:$0x2900] =	vst v1  }
0x42: {  	[tilespmem:$0x2910] =	vst v1  }
0x43: {  	[tilespmem:$0x2920] =	vst v1  }
0x44: {  	[tilespmem:$0x2930] =	vst v1  }
0x45: {  	[tilespmem:$0x2940] =	vst v1  }
0x46: {  	[tilespmem:$0x2950] =	vst v1  }
0x47: {  	[tilespmem:$0x2960] =	vst v1  }
0x48: {  	[tilespmem:$0x2970] =	vst v1  }
0x49: {  	[tilespmem:$0x2980] =	vst v1  }
0x4a: {  	[tilespmem:$0x2990] =	vst v1  }
0x4b: {  	[tilespmem:$0x29A0] =	vst v1  }
0x4c: {  	[tilespmem:$0x29B0] =	vst v1  }
0x4d: {  	[tilespmem:$0x29C0] =	vst v1  }
0x4e: {  	[tilespmem:$0x29D0] =	vst v1  }
0x4f: {  	[tilespmem:$0x29E0] =	vst v1  }
0x50: {  	[tilespmem:$0x29F0] =	vst v1  }
0x51: {  	[tilespmem:$0x2A00] =	vst v1  }
0x52: {  	[tilespmem:$0x2A10] =	vst v1  }
0x53: {  	[tilespmem:$0x2A20] =	vst v1  }
0x54: {  	[tilespmem:$0x2A30] =	vst v1  }
0x55: {  	[tilespmem:$0x2A40] =	vst v1  }
0x56: {  	[tilespmem:$0x2A50] =	vst v1  }
0x57: {  	[tilespmem:$0x2A60] =	vst v1  }
0x58: {  	[tilespmem:$0x2A70] =	vst v1  }
0x59: {  	[tilespmem:$0x2A80] =	vst v1  }
0x5a: {  	[tilespmem:$0x2A90] =	vst v1  }
0x5b: {  	[tilespmem:$0x2AA0] =	vst v1  }
0x5c: {  	[tilespmem:$0x2AB0] =	vst v1  }
0x5d: {  	[tilespmem:$0x2AC0] =	vst v1  }
0x5e: {  	[tilespmem:$0x2AD0] =	vst v1  }
0x5f: {  	[tilespmem:$0x2AE0] =	vst v1  }
0x60: {  	[tilespmem:$0x2AF0] =	vst v1  }
0x61: {  	[spmem:s4] =	stream.linear.scatter [tilespmem:s11], [sflag:$0x9], $0x280, $0x38;
	[tilespmem:$0x2D80] =	vst v63  }
.Ltmp2:
0x62: {  	_ =	swait.ge [sflag:s12], $0x280;
	(pc) =	sbr.rel @!p0 .LBB2_2-.Ltmp2, $3  }
0x63: {  	[sflag:s12] =	ssyncset.done $0x0  }
0x64: {  	[sflag:s12] =	ssyncadd.s32 $0xFFFFFD80  }
0x65: {  	[bflag:$0x0] =	sbarrier.arrive $0xFFFF;
	_ =	sdelay $0x1  }
0x66: {  	s0 =	simm.s32 $0x0  }
0x67: {  	[tilespmem:s0], [sflag:$0x9] =	stream.linear.gather [hbm4b:s7+s0], $0x2800, $0x38;
	[tilespmem:$0x2D80] =	vst v63  }
0x68: {  	_ =	swait.ge [sflag:s12], $0x2800  }
0x69: {  	[sflag:s12] =	ssyncset.done $0x0  }
0x6a: {  	[sflag:s12] =	ssyncadd.s32 $0xFFFFD800  }
0x6b: {  	[spmem:s2] =	stream.indirect.scatter.add.f32 [tilespmem:s14], [sflag:$0x1], $0x1, s0, s13, $0xb8;
	[tilespmem:$0x2D80] =	vst v63  }
0x6c: {  	_ = 	snop  }
0x6d: {  	[spmem:s2] =	stream.indirect.scatter.add.f32 [tilespmem:s14], [sflag:$0x2], $0x1, s13, s13, $0xb8;
	[tilespmem:$0x2D80] =	vst v63  }
0x6e: {  	_ = 	snop  }
0x6f: {  	[spmem:s2] =	stream.indirect.scatter.add.f32 [tilespmem:s14], [sflag:$0x3], $0x1, s15, s13, $0xb8;
	[tilespmem:$0x2D80] =	vst v63  }
0x70: {  	_ = 	snop  }
0x71: {  	[spmem:s2] =	stream.indirect.scatter.add.f32 [tilespmem:s14], [sflag:$0x4], $0x1, s16, s13, $0xb8;
	[tilespmem:$0x2D80] =	vst v63  }
0x72: {  	_ = 	snop  }
0x73: {  	[spmem:s2] =	stream.indirect.scatter.add.f32 [tilespmem:s14], [sflag:$0x5], $0x1, s17, s13, $0xb8;
	[tilespmem:$0x2D80] =	vst v63  }
0x74: {  	_ = 	snop  }
0x75: {  	[spmem:s2] =	stream.indirect.scatter.add.f32 [tilespmem:s14], [sflag:$0x6], $0x1, s18, s13, $0xb8;
	[tilespmem:$0x2D80] =	vst v63  }
0x76: {  	_ = 	snop  }
0x77: {  	[spmem:s2] =	stream.indirect.scatter.add.f32 [tilespmem:s14], [sflag:$0x7], $0x1, s19, s13, $0xb8;
	[tilespmem:$0x2D80] =	vst v63  }
0x78: {  	_ = 	snop  }
0x79: {  	[spmem:s2] =	stream.indirect.scatter.add.f32 [tilespmem:s14], [sflag:$0x8], $0x1, s20, s13, $0xb8;
	[tilespmem:$0x2D80] =	vst v63  }
0x7a: {  	_ =	swait.ge [sflag:s21], $0x80  }
0x7b: {  	[sflag:s21] =	ssyncset.done $0x0  }
0x7c: {  	s0 =	simm.s32 $0x400;
	[sflag:s21] =	ssyncadd.s32 $0xFFFFFF80  }
0x7d: {  	[spmem:s2] =	stream.indirect.scatter.add.f32 [tilespmem:s14], [sflag:$0x1], $0x1, s0, s13, $0xb8;
	[tilespmem:$0x2D80] =	vst v63  }
0x7e: {  	_ =	swait.ge [sflag:s22], $0x80  }
0x7f: {  	[sflag:s22] =	ssyncset.done $0x0  }
0x80: {  	s0 =	simm.s32 $0x480;
	[sflag:s22] =	ssyncadd.s32 $0xFFFFFF80  }
0x81: {  	[spmem:s2] =	stream.indirect.scatter.add.f32 [tilespmem:s14], [sflag:$0x2], $0x1, s0, s13, $0xb8;
	[tilespmem:$0x2D80] =	vst v63  }
0x82: {  	_ =	swait.ge [sflag:s23], $0x80  }
0x83: {  	[sflag:s23] =	ssyncset.done $0x0  }
0x84: {  	s0 =	simm.s32 $0x500;
	[sflag:s23] =	ssyncadd.s32 $0xFFFFFF80  }
0x85: {  	[spmem:s2] =	stream.indirect.scatter.add.f32 [tilespmem:s14], [sflag:$0x3], $0x1, s0, s13, $0xb8;
	[tilespmem:$0x2D80] =	vst v63  }
0x86: {  	_ =	swait.ge [sflag:s24], $0x80  }
0x87: {  	[sflag:s24] =	ssyncset.done $0x0  }
0x88: {  	s0 =	simm.s32 $0x580;
	[sflag:s24] =	ssyncadd.s32 $0xFFFFFF80  }
0x89: {  	[spmem:s2] =	stream.indirect.scatter.add.f32 [tilespmem:s14], [sflag:$0x4], $0x1, s0, s13, $0xb8;
	[tilespmem:$0x2D80] =	vst v63  }
0x8a: {  	_ =	swait.ge [sflag:s25], $0x80  }
0x8b: {  	[sflag:s25] =	ssyncset.done $0x0  }
0x8c: {  	s0 =	simm.s32 $0x600;
	[sflag:s25] =	ssyncadd.s32 $0xFFFFFF80  }
0x8d: {  	[spmem:s2] =	stream.indirect.scatter.add.f32 [tilespmem:s14], [sflag:$0x5], $0x1, s0, s13, $0xb8;
	[tilespmem:$0x2D80] =	vst v63  }
0x8e: {  	_ =	swait.ge [sflag:s26], $0x80  }
0x8f: {  	[sflag:s26] =	ssyncset.done $0x0  }
0x90: {  	s0 =	simm.s32 $0x680;
	[sflag:s26] =	ssyncadd.s32 $0xFFFFFF80  }
0x91: {  	[spmem:s2] =	stream.indirect.scatter.add.f32 [tilespmem:s14], [sflag:$0x6], $0x1, s0, s13, $0xb8;
	[tilespmem:$0x2D80] =	vst v63  }
0x92: {  	_ =	swait.ge [sflag:s28], $0x80  }
0x93: {  	[sflag:s28] =	ssyncset.done $0x0  }
0x94: {  	s0 =	simm.s32 $0x700;
	[sflag:s28] =	ssyncadd.s32 $0xFFFFFF80  }
0x95: {  	[spmem:s2] =	stream.indirect.scatter.add.f32 [tilespmem:s14], [sflag:$0x7], $0x1, s0, s13, $0xb8;
	[tilespmem:$0x2D80] =	vst v63  }
0x96: {  	_ =	swait.ge [sflag:s29], $0x80  }
0x97: {  	[sflag:s29] =	ssyncset.done $0x0  }
0x98: {  	s30 =	simm.s32 $0x1000;
	s31 =	simm.s32 $0x780;
	[sflag:s29] =	ssyncadd.s32 $0xFFFFFF80  }
.LBB2_8:
0x99: {  	[spmem:s2] =	stream.indirect.scatter.add.f32 [tilespmem:s14], [sflag:$0x8], $0x1, s31, s13, $0xb8;
	[tilespmem:$0x2D80] =	vst v63  }
0x9a: {  	s0 =	smov.u32 s30  }
0x9b: {  	p1 =	sne.s32 s30, $0x8000;
	s30 =	sadd.s32 $0x1000, s30;
	_ =	swait.ge [sflag:s21], $0x80  }
0x9c: {  	s31 =	sshra.s32 s0, $0x2;
	[sflag:s21] =	ssyncset.done $0x0  }
0x9d: {  	s0 =	sadd.s32 $0x400, s31;
	[sflag:s21] =	ssyncadd.s32 $0xFFFFFF80  }
0x9e: {  	[spmem:s2] =	stream.indirect.scatter.add.f32 [tilespmem:s14], [sflag:$0x1], $0x1, s0, s13, $0xb8;
	[tilespmem:$0x2D80] =	vst v63  }
0x9f: {  	_ =	swait.ge [sflag:s22], $0x80  }
0xa0: {  	[sflag:s22] =	ssyncset.done $0x0  }
0xa1: {  	s0 =	sadd.s32 $0x480, s31;
	[sflag:s22] =	ssyncadd.s32 $0xFFFFFF80  }
0xa2: {  	[spmem:s2] =	stream.indirect.scatter.add.f32 [tilespmem:s14], [sflag:$0x2], $0x1, s0, s13, $0xb8;
	[tilespmem:$0x2D80] =	vst v63  }
0xa3: {  	_ =	swait.ge [sflag:s23], $0x80  }
0xa4: {  	[sflag:s23] =	ssyncset.done $0x0  }
0xa5: {  	s0 =	sadd.s32 $0x500, s31;
	[sflag:s23] =	ssyncadd.s32 $0xFFFFFF80  }
0xa6: {  	[spmem:s2] =	stream.indirect.scatter.add.f32 [tilespmem:s14], [sflag:$0x3], $0x1, s0, s13, $0xb8;
	[tilespmem:$0x2D80] =	vst v63  }
0xa7: {  	_ =	swait.ge [sflag:s24], $0x80  }
0xa8: {  	[sflag:s24] =	ssyncset.done $0x0  }
0xa9: {  	s0 =	sadd.s32 $0x580, s31;
	[sflag:s24] =	ssyncadd.s32 $0xFFFFFF80  }
0xaa: {  	[spmem:s2] =	stream.indirect.scatter.add.f32 [tilespmem:s14], [sflag:$0x4], $0x1, s0, s13, $0xb8;
	[tilespmem:$0x2D80] =	vst v63  }
0xab: {  	_ =	swait.ge [sflag:s25], $0x80  }
0xac: {  	[sflag:s25] =	ssyncset.done $0x0  }
0xad: {  	s0 =	sadd.s32 $0x600, s31;
	[sflag:s25] =	ssyncadd.s32 $0xFFFFFF80  }
0xae: {  	[spmem:s2] =	stream.indirect.scatter.add.f32 [tilespmem:s14], [sflag:$0x5], $0x1, s0, s13, $0xb8;
	[tilespmem:$0x2D80] =	vst v63  }
0xaf: {  	_ =	swait.ge [sflag:s26], $0x80  }
0xb0: {  	[sflag:s26] =	ssyncset.done $0x0  }
0xb1: {  	s0 =	sadd.s32 $0x680, s31;
	[sflag:s26] =	ssyncadd.s32 $0xFFFFFF80  }
0xb2: {  	[spmem:s2] =	stream.indirect.scatter.add.f32 [tilespmem:s14], [sflag:$0x6], $0x1, s0, s13, $0xb8;
	[tilespmem:$0x2D80] =	vst v63  }
0xb3: {  	_ =	swait.ge [sflag:s28], $0x80  }
0xb4: {  	[sflag:s28] =	ssyncset.done $0x0  }
.Ltmp3:
0xb5: {  	s0 =	sadd.s32 $0x700, s31;
	[sflag:s28] =	ssyncadd.s32 $0xFFFFFF80;
	(pc) =	sbr.rel @p1 .LBB2_8-.Ltmp3, $4  }
0xb6: {  	[spmem:s2] =	stream.indirect.scatter.add.f32 [tilespmem:s14], [sflag:$0x7], $0x1, s0, s13, $0xb8;
	[tilespmem:$0x2D80] =	vst v63  }
0xb7: {  	_ =	swait.ge [sflag:s29], $0x80  }
0xb8: {  	[sflag:s29] =	ssyncset.done $0x0  }
0xb9: {  	s31 =	sadd.s32 $0x780, s31;
	[sflag:s29] =	ssyncadd.s32 $0xFFFFFF80  }
0xba: {  	[spmem:s2] =	stream.indirect.scatter.add.f32 [tilespmem:s14], [sflag:$0x8], $0x1, s31, s13, $0xb8;
	[tilespmem:$0x2D80] =	vst v63  }
0xbb: {  	_ =	swait.ge [sflag:s21], $0x80  }
0xbc: {  	[sflag:s21] =	ssyncset.done $0x0  }
0xbd: {  	[sflag:s21] =	ssyncadd.s32 $0xFFFFFF80  }
0xbe: {  	_ =	swait.ge [sflag:s22], $0x80  }
0xbf: {  	[sflag:s22] =	ssyncset.done $0x0  }
0xc0: {  	[sflag:s22] =	ssyncadd.s32 $0xFFFFFF80  }
0xc1: {  	_ =	swait.ge [sflag:s23], $0x80  }
0xc2: {  	[sflag:s23] =	ssyncset.done $0x0  }
0xc3: {  	[sflag:s23] =	ssyncadd.s32 $0xFFFFFF80  }
0xc4: {  	_ =	swait.ge [sflag:s24], $0x80  }
0xc5: {  	[sflag:s24] =	ssyncset.done $0x0  }
0xc6: {  	[sflag:s24] =	ssyncadd.s32 $0xFFFFFF80  }
0xc7: {  	_ =	swait.ge [sflag:s25], $0x80  }
0xc8: {  	[sflag:s25] =	ssyncset.done $0x0  }
0xc9: {  	[sflag:s25] =	ssyncadd.s32 $0xFFFFFF80  }
0xca: {  	_ =	swait.ge [sflag:s26], $0x80  }
0xcb: {  	[sflag:s26] =	ssyncset.done $0x0  }
0xcc: {  	[sflag:s26] =	ssyncadd.s32 $0xFFFFFF80  }
0xcd: {  	_ =	swait.ge [sflag:s28], $0x80  }
0xce: {  	[sflag:s28] =	ssyncset.done $0x0  }
0xcf: {  	[sflag:s28] =	ssyncadd.s32 $0xFFFFFF80  }
0xd0: {  	_ =	swait.ge [sflag:s29], $0x80  }
0xd1: {  	[sflag:s29] =	ssyncset.done $0x0  }
0xd2: {  	s0 =	simm.s32 $0x0;
	[sflag:s29] =	ssyncadd.s32 $0xFFFFFF80  }
0xd3: {  	[tilespmem:s0], [sflag:$0x9] =	stream.linear.gather [hbm4b:s8+s0], $0x2800, $0x38;
	[tilespmem:$0x2D80] =	vst v63  }
0xd4: {  	_ =	swait.ge [sflag:s12], $0x2800  }
0xd5: {  	[sflag:s12] =	ssyncset.done $0x0  }
0xd6: {  	[sflag:s12] =	ssyncadd.s32 $0xFFFFD800  }
0xd7: {  	[spmem:s2] =	stream.indirect.scatter.add.f32 [tilespmem:s14], [sflag:$0x1], $0x1, s0, s13, $0xb8;
	[tilespmem:$0x2D80] =	vst v63  }
0xd8: {  	_ = 	snop  }
0xd9: {  	[spmem:s2] =	stream.indirect.scatter.add.f32 [tilespmem:s14], [sflag:$0x2], $0x1, s13, s13, $0xb8;
	[tilespmem:$0x2D80] =	vst v63  }
0xda: {  	_ = 	snop  }
0xdb: {  	[spmem:s2] =	stream.indirect.scatter.add.f32 [tilespmem:s14], [sflag:$0x3], $0x1, s15, s13, $0xb8;
	[tilespmem:$0x2D80] =	vst v63  }
0xdc: {  	_ = 	snop  }
0xdd: {  	[spmem:s2] =	stream.indirect.scatter.add.f32 [tilespmem:s14], [sflag:$0x4], $0x1, s16, s13, $0xb8;
	[tilespmem:$0x2D80] =	vst v63  }
0xde: {  	_ = 	snop  }
0xdf: {  	[spmem:s2] =	stream.indirect.scatter.add.f32 [tilespmem:s14], [sflag:$0x5], $0x1, s17, s13, $0xb8;
	[tilespmem:$0x2D80] =	vst v63  }
0xe0: {  	_ = 	snop  }
0xe1: {  	[spmem:s2] =	stream.indirect.scatter.add.f32 [tilespmem:s14], [sflag:$0x6], $0x1, s18, s13, $0xb8;
	[tilespmem:$0x2D80] =	vst v63  }
0xe2: {  	_ = 	snop  }
0xe3: {  	[spmem:s2] =	stream.indirect.scatter.add.f32 [tilespmem:s14], [sflag:$0x7], $0x1, s19, s13, $0xb8;
	[tilespmem:$0x2D80] =	vst v63  }
0xe4: {  	_ = 	snop  }
0xe5: {  	[spmem:s2] =	stream.indirect.scatter.add.f32 [tilespmem:s14], [sflag:$0x8], $0x1, s20, s13, $0xb8;
	[tilespmem:$0x2D80] =	vst v63  }
0xe6: {  	_ =	swait.ge [sflag:s21], $0x80  }
0xe7: {  	[sflag:s21] =	ssyncset.done $0x0  }
0xe8: {  	s0 =	simm.s32 $0x400;
	[sflag:s21] =	ssyncadd.s32 $0xFFFFFF80  }
0xe9: {  	[spmem:s2] =	stream.indirect.scatter.add.f32 [tilespmem:s14], [sflag:$0x1], $0x1, s0, s13, $0xb8;
	[tilespmem:$0x2D80] =	vst v63  }
0xea: {  	_ =	swait.ge [sflag:s22], $0x80  }
0xeb: {  	[sflag:s22] =	ssyncset.done $0x0  }
0xec: {  	s0 =	simm.s32 $0x480;
	[sflag:s22] =	ssyncadd.s32 $0xFFFFFF80  }
0xed: {  	[spmem:s2] =	stream.indirect.scatter.add.f32 [tilespmem:s14], [sflag:$0x2], $0x1, s0, s13, $0xb8;
	[tilespmem:$0x2D80] =	vst v63  }
0xee: {  	_ =	swait.ge [sflag:s23], $0x80  }
0xef: {  	[sflag:s23] =	ssyncset.done $0x0  }
0xf0: {  	s0 =	simm.s32 $0x500;
	[sflag:s23] =	ssyncadd.s32 $0xFFFFFF80  }
0xf1: {  	[spmem:s2] =	stream.indirect.scatter.add.f32 [tilespmem:s14], [sflag:$0x3], $0x1, s0, s13, $0xb8;
	[tilespmem:$0x2D80] =	vst v63  }
0xf2: {  	_ =	swait.ge [sflag:s24], $0x80  }
0xf3: {  	[sflag:s24] =	ssyncset.done $0x0  }
0xf4: {  	s0 =	simm.s32 $0x580;
	[sflag:s24] =	ssyncadd.s32 $0xFFFFFF80  }
0xf5: {  	[spmem:s2] =	stream.indirect.scatter.add.f32 [tilespmem:s14], [sflag:$0x4], $0x1, s0, s13, $0xb8;
	[tilespmem:$0x2D80] =	vst v63  }
0xf6: {  	_ =	swait.ge [sflag:s25], $0x80  }
0xf7: {  	[sflag:s25] =	ssyncset.done $0x0  }
0xf8: {  	s0 =	simm.s32 $0x600;
	[sflag:s25] =	ssyncadd.s32 $0xFFFFFF80  }
0xf9: {  	[spmem:s2] =	stream.indirect.scatter.add.f32 [tilespmem:s14], [sflag:$0x5], $0x1, s0, s13, $0xb8;
	[tilespmem:$0x2D80] =	vst v63  }
0xfa: {  	_ =	swait.ge [sflag:s26], $0x80  }
0xfb: {  	[sflag:s26] =	ssyncset.done $0x0  }
0xfc: {  	s0 =	simm.s32 $0x680;
	[sflag:s26] =	ssyncadd.s32 $0xFFFFFF80  }
0xfd: {  	[spmem:s2] =	stream.indirect.scatter.add.f32 [tilespmem:s14], [sflag:$0x6], $0x1, s0, s13, $0xb8;
	[tilespmem:$0x2D80] =	vst v63  }
0xfe: {  	_ =	swait.ge [sflag:s28], $0x80  }
0xff: {  	[sflag:s28] =	ssyncset.done $0x0  }
0x100: {  	s0 =	simm.s32 $0x700;
	[sflag:s28] =	ssyncadd.s32 $0xFFFFFF80  }
0x101: {  	[spmem:s2] =	stream.indirect.scatter.add.f32 [tilespmem:s14], [sflag:$0x7], $0x1, s0, s13, $0xb8;
	[tilespmem:$0x2D80] =	vst v63  }
0x102: {  	_ =	swait.ge [sflag:s29], $0x80  }
0x103: {  	[sflag:s29] =	ssyncset.done $0x0  }
0x104: {  	s30 =	simm.s32 $0x1000;
	s31 =	simm.s32 $0x780;
	[sflag:s29] =	ssyncadd.s32 $0xFFFFFF80  }
.LBB2_10:
0x105: {  	[spmem:s2] =	stream.indirect.scatter.add.f32 [tilespmem:s14], [sflag:$0x8], $0x1, s31, s13, $0xb8;
	[tilespmem:$0x2D80] =	vst v63  }
0x106: {  	s0 =	smov.u32 s30  }
0x107: {  	p1 =	sne.s32 s30, $0x8000;
	s30 =	sadd.s32 $0x1000, s30;
	_ =	swait.ge [sflag:s21], $0x80  }
0x108: {  	s31 =	sshra.s32 s0, $0x2;
	[sflag:s21] =	ssyncset.done $0x0  }
0x109: {  	s0 =	sadd.s32 $0x400, s31;
	[sflag:s21] =	ssyncadd.s32 $0xFFFFFF80  }
0x10a: {  	[spmem:s2] =	stream.indirect.scatter.add.f32 [tilespmem:s14], [sflag:$0x1], $0x1, s0, s13, $0xb8;
	[tilespmem:$0x2D80] =	vst v63  }
0x10b: {  	_ =	swait.ge [sflag:s22], $0x80  }
0x10c: {  	[sflag:s22] =	ssyncset.done $0x0  }
0x10d: {  	s0 =	sadd.s32 $0x480, s31;
	[sflag:s22] =	ssyncadd.s32 $0xFFFFFF80  }
0x10e: {  	[spmem:s2] =	stream.indirect.scatter.add.f32 [tilespmem:s14], [sflag:$0x2], $0x1, s0, s13, $0xb8;
	[tilespmem:$0x2D80] =	vst v63  }
0x10f: {  	_ =	swait.ge [sflag:s23], $0x80  }
0x110: {  	[sflag:s23] =	ssyncset.done $0x0  }
0x111: {  	s0 =	sadd.s32 $0x500, s31;
	[sflag:s23] =	ssyncadd.s32 $0xFFFFFF80  }
0x112: {  	[spmem:s2] =	stream.indirect.scatter.add.f32 [tilespmem:s14], [sflag:$0x3], $0x1, s0, s13, $0xb8;
	[tilespmem:$0x2D80] =	vst v63  }
0x113: {  	_ =	swait.ge [sflag:s24], $0x80  }
0x114: {  	[sflag:s24] =	ssyncset.done $0x0  }
0x115: {  	s0 =	sadd.s32 $0x580, s31;
	[sflag:s24] =	ssyncadd.s32 $0xFFFFFF80  }
0x116: {  	[spmem:s2] =	stream.indirect.scatter.add.f32 [tilespmem:s14], [sflag:$0x4], $0x1, s0, s13, $0xb8;
	[tilespmem:$0x2D80] =	vst v63  }
0x117: {  	_ =	swait.ge [sflag:s25], $0x80  }
0x118: {  	[sflag:s25] =	ssyncset.done $0x0  }
0x119: {  	s0 =	sadd.s32 $0x600, s31;
	[sflag:s25] =	ssyncadd.s32 $0xFFFFFF80  }
0x11a: {  	[spmem:s2] =	stream.indirect.scatter.add.f32 [tilespmem:s14], [sflag:$0x5], $0x1, s0, s13, $0xb8;
	[tilespmem:$0x2D80] =	vst v63  }
0x11b: {  	_ =	swait.ge [sflag:s26], $0x80  }
0x11c: {  	[sflag:s26] =	ssyncset.done $0x0  }
0x11d: {  	s0 =	sadd.s32 $0x680, s31;
	[sflag:s26] =	ssyncadd.s32 $0xFFFFFF80  }
0x11e: {  	[spmem:s2] =	stream.indirect.scatter.add.f32 [tilespmem:s14], [sflag:$0x6], $0x1, s0, s13, $0xb8;
	[tilespmem:$0x2D80] =	vst v63  }
0x11f: {  	_ =	swait.ge [sflag:s28], $0x80  }
0x120: {  	[sflag:s28] =	ssyncset.done $0x0  }
.Ltmp4:
0x121: {  	s0 =	sadd.s32 $0x700, s31;
	[sflag:s28] =	ssyncadd.s32 $0xFFFFFF80;
	(pc) =	sbr.rel @p1 .LBB2_10-.Ltmp4, $4  }
0x122: {  	[spmem:s2] =	stream.indirect.scatter.add.f32 [tilespmem:s14], [sflag:$0x7], $0x1, s0, s13, $0xb8;
	[tilespmem:$0x2D80] =	vst v63  }
0x123: {  	_ =	swait.ge [sflag:s29], $0x80  }
0x124: {  	[sflag:s29] =	ssyncset.done $0x0  }
0x125: {  	s31 =	sadd.s32 $0x780, s31;
	[sflag:s29] =	ssyncadd.s32 $0xFFFFFF80  }
.Ltmp5:
0x126: {  	_ = 	snop;
	(pc) =	sbr.rel .LBB2_11-.Ltmp5, $1  }
0x127: {  	_ =	sdelay $0x3  }
.LBB2_2:
0x128: {  	s30 =	simm.s32 $0x0  }
0x129: {  	[tilespmem:s30], [sflag:$0x9] =	stream.linear.gather [hbm4b:s5+s30], $0x2800, $0x38;
	[tilespmem:$0x2D80] =	vst v63  }
0x12a: {  	_ =	swait.ge [sflag:s12], $0x2800  }
0x12b: {  	[sflag:s12] =	ssyncset.done $0x0  }
0x12c: {  	[sflag:s12] =	ssyncadd.s32 $0xFFFFD800  }
0x12d: {  	[spmem:s2] =	stream.indirect.scatter.add.f32 [tilespmem:s14], [sflag:$0x1], $0x1, s30, s13, $0xb8;
	[tilespmem:$0x2D80] =	vst v63  }
0x12e: {  	_ = 	snop  }
0x12f: {  	[spmem:s2] =	stream.indirect.scatter.add.f32 [tilespmem:s14], [sflag:$0x2], $0x1, s13, s13, $0xb8;
	[tilespmem:$0x2D80] =	vst v63  }
0x130: {  	_ = 	snop  }
0x131: {  	[spmem:s2] =	stream.indirect.scatter.add.f32 [tilespmem:s14], [sflag:$0x3], $0x1, s15, s13, $0xb8;
	[tilespmem:$0x2D80] =	vst v63  }
0x132: {  	_ = 	snop  }
0x133: {  	[spmem:s2] =	stream.indirect.scatter.add.f32 [tilespmem:s14], [sflag:$0x4], $0x1, s16, s13, $0xb8;
	[tilespmem:$0x2D80] =	vst v63  }
0x134: {  	_ = 	snop  }
0x135: {  	[spmem:s2] =	stream.indirect.scatter.add.f32 [tilespmem:s14], [sflag:$0x5], $0x1, s17, s13, $0xb8;
	[tilespmem:$0x2D80] =	vst v63  }
0x136: {  	_ = 	snop  }
0x137: {  	[spmem:s2] =	stream.indirect.scatter.add.f32 [tilespmem:s14], [sflag:$0x6], $0x1, s18, s13, $0xb8;
	[tilespmem:$0x2D80] =	vst v63  }
0x138: {  	_ = 	snop  }
0x139: {  	[spmem:s2] =	stream.indirect.scatter.add.f32 [tilespmem:s14], [sflag:$0x7], $0x1, s19, s13, $0xb8;
	[tilespmem:$0x2D80] =	vst v63  }
0x13a: {  	_ = 	snop  }
0x13b: {  	[spmem:s2] =	stream.indirect.scatter.add.f32 [tilespmem:s14], [sflag:$0x8], $0x1, s20, s13, $0xb8;
	[tilespmem:$0x2D80] =	vst v63  }
0x13c: {  	_ =	swait.ge [sflag:s21], $0x80  }
0x13d: {  	[sflag:s21] =	ssyncset.done $0x0  }
0x13e: {  	s30 =	simm.s32 $0x400;
	[sflag:s21] =	ssyncadd.s32 $0xFFFFFF80  }
0x13f: {  	[spmem:s2] =	stream.indirect.scatter.add.f32 [tilespmem:s14], [sflag:$0x1], $0x1, s30, s13, $0xb8;
	[tilespmem:$0x2D80] =	vst v63  }
0x140: {  	_ =	swait.ge [sflag:s22], $0x80  }
0x141: {  	[sflag:s22] =	ssyncset.done $0x0  }
0x142: {  	s30 =	simm.s32 $0x480;
	[sflag:s22] =	ssyncadd.s32 $0xFFFFFF80  }
0x143: {  	[spmem:s2] =	stream.indirect.scatter.add.f32 [tilespmem:s14], [sflag:$0x2], $0x1, s30, s13, $0xb8;
	[tilespmem:$0x2D80] =	vst v63  }
0x144: {  	_ =	swait.ge [sflag:s23], $0x80  }
0x145: {  	[sflag:s23] =	ssyncset.done $0x0  }
0x146: {  	s30 =	simm.s32 $0x500;
	[sflag:s23] =	ssyncadd.s32 $0xFFFFFF80  }
0x147: {  	[spmem:s2] =	stream.indirect.scatter.add.f32 [tilespmem:s14], [sflag:$0x3], $0x1, s30, s13, $0xb8;
	[tilespmem:$0x2D80] =	vst v63  }
0x148: {  	_ =	swait.ge [sflag:s24], $0x80  }
0x149: {  	[sflag:s24] =	ssyncset.done $0x0  }
0x14a: {  	s30 =	simm.s32 $0x580;
	[sflag:s24] =	ssyncadd.s32 $0xFFFFFF80  }
0x14b: {  	[spmem:s2] =	stream.indirect.scatter.add.f32 [tilespmem:s14], [sflag:$0x4], $0x1, s30, s13, $0xb8;
	[tilespmem:$0x2D80] =	vst v63  }
0x14c: {  	_ =	swait.ge [sflag:s25], $0x80  }
0x14d: {  	[sflag:s25] =	ssyncset.done $0x0  }
0x14e: {  	s30 =	simm.s32 $0x600;
	[sflag:s25] =	ssyncadd.s32 $0xFFFFFF80  }
0x14f: {  	[spmem:s2] =	stream.indirect.scatter.add.f32 [tilespmem:s14], [sflag:$0x5], $0x1, s30, s13, $0xb8;
	[tilespmem:$0x2D80] =	vst v63  }
0x150: {  	_ =	swait.ge [sflag:s26], $0x80  }
0x151: {  	[sflag:s26] =	ssyncset.done $0x0  }
0x152: {  	s30 =	simm.s32 $0x680;
	[sflag:s26] =	ssyncadd.s32 $0xFFFFFF80  }
0x153: {  	[spmem:s2] =	stream.indirect.scatter.add.f32 [tilespmem:s14], [sflag:$0x6], $0x1, s30, s13, $0xb8;
	[tilespmem:$0x2D80] =	vst v63  }
0x154: {  	_ =	swait.ge [sflag:s28], $0x80  }
0x155: {  	[sflag:s28] =	ssyncset.done $0x0  }
0x156: {  	s30 =	simm.s32 $0x700;
	[sflag:s28] =	ssyncadd.s32 $0xFFFFFF80  }
0x157: {  	[spmem:s2] =	stream.indirect.scatter.add.f32 [tilespmem:s14], [sflag:$0x7], $0x1, s30, s13, $0xb8;
	[tilespmem:$0x2D80] =	vst v63  }
0x158: {  	_ =	swait.ge [sflag:s29], $0x80  }
0x159: {  	[sflag:s29] =	ssyncset.done $0x0  }
0x15a: {  	s31 =	simm.s32 $0x780;
	s30 =	simm.s32 $0x1000;
	[sflag:s29] =	ssyncadd.s32 $0xFFFFFF80  }
.LBB2_3:
0x15b: {  	[spmem:s2] =	stream.indirect.scatter.add.f32 [tilespmem:s14], [sflag:$0x8], $0x1, s31, s13, $0xb8;
	[tilespmem:$0x2D80] =	vst v63  }
0x15c: {  	s31 =	smov.u32 s30  }
0x15d: {  	p1 =	sne.s32 s30, $0x8000;
	s30 =	sadd.s32 $0x1000, s30;
	_ =	swait.ge [sflag:s21], $0x80  }
0x15e: {  	s31 =	sshra.s32 s31, $0x2;
	[sflag:s21] =	ssyncset.done $0x0  }
0x15f: {  	s0 =	sadd.s32 $0x400, s31;
	[sflag:s21] =	ssyncadd.s32 $0xFFFFFF80  }
0x160: {  	[spmem:s2] =	stream.indirect.scatter.add.f32 [tilespmem:s14], [sflag:$0x1], $0x1, s0, s13, $0xb8;
	[tilespmem:$0x2D80] =	vst v63  }
0x161: {  	_ =	swait.ge [sflag:s22], $0x80  }
0x162: {  	[sflag:s22] =	ssyncset.done $0x0  }
0x163: {  	s0 =	sadd.s32 $0x480, s31;
	[sflag:s22] =	ssyncadd.s32 $0xFFFFFF80  }
0x164: {  	[spmem:s2] =	stream.indirect.scatter.add.f32 [tilespmem:s14], [sflag:$0x2], $0x1, s0, s13, $0xb8;
	[tilespmem:$0x2D80] =	vst v63  }
0x165: {  	_ =	swait.ge [sflag:s23], $0x80  }
0x166: {  	[sflag:s23] =	ssyncset.done $0x0  }
0x167: {  	s0 =	sadd.s32 $0x500, s31;
	[sflag:s23] =	ssyncadd.s32 $0xFFFFFF80  }
0x168: {  	[spmem:s2] =	stream.indirect.scatter.add.f32 [tilespmem:s14], [sflag:$0x3], $0x1, s0, s13, $0xb8;
	[tilespmem:$0x2D80] =	vst v63  }
0x169: {  	_ =	swait.ge [sflag:s24], $0x80  }
0x16a: {  	[sflag:s24] =	ssyncset.done $0x0  }
0x16b: {  	s0 =	sadd.s32 $0x580, s31;
	[sflag:s24] =	ssyncadd.s32 $0xFFFFFF80  }
0x16c: {  	[spmem:s2] =	stream.indirect.scatter.add.f32 [tilespmem:s14], [sflag:$0x4], $0x1, s0, s13, $0xb8;
	[tilespmem:$0x2D80] =	vst v63  }
0x16d: {  	_ =	swait.ge [sflag:s25], $0x80  }
0x16e: {  	[sflag:s25] =	ssyncset.done $0x0  }
0x16f: {  	s0 =	sadd.s32 $0x600, s31;
	[sflag:s25] =	ssyncadd.s32 $0xFFFFFF80  }
0x170: {  	[spmem:s2] =	stream.indirect.scatter.add.f32 [tilespmem:s14], [sflag:$0x5], $0x1, s0, s13, $0xb8;
	[tilespmem:$0x2D80] =	vst v63  }
0x171: {  	_ =	swait.ge [sflag:s26], $0x80  }
0x172: {  	[sflag:s26] =	ssyncset.done $0x0  }
0x173: {  	s0 =	sadd.s32 $0x680, s31;
	[sflag:s26] =	ssyncadd.s32 $0xFFFFFF80  }
0x174: {  	[spmem:s2] =	stream.indirect.scatter.add.f32 [tilespmem:s14], [sflag:$0x6], $0x1, s0, s13, $0xb8;
	[tilespmem:$0x2D80] =	vst v63  }
0x175: {  	_ =	swait.ge [sflag:s28], $0x80  }
0x176: {  	[sflag:s28] =	ssyncset.done $0x0  }
.Ltmp6:
0x177: {  	s0 =	sadd.s32 $0x700, s31;
	[sflag:s28] =	ssyncadd.s32 $0xFFFFFF80;
	(pc) =	sbr.rel @p1 .LBB2_3-.Ltmp6, $4  }
0x178: {  	[spmem:s2] =	stream.indirect.scatter.add.f32 [tilespmem:s14], [sflag:$0x7], $0x1, s0, s13, $0xb8;
	[tilespmem:$0x2D80] =	vst v63  }
0x179: {  	_ =	swait.ge [sflag:s29], $0x80  }
0x17a: {  	[sflag:s29] =	ssyncset.done $0x0  }
0x17b: {  	s31 =	sadd.s32 $0x780, s31;
	[sflag:s29] =	ssyncadd.s32 $0xFFFFFF80  }
0x17c: {  	[spmem:s2] =	stream.indirect.scatter.add.f32 [tilespmem:s14], [sflag:$0x8], $0x1, s31, s13, $0xb8;
	[tilespmem:$0x2D80] =	vst v63  }
0x17d: {  	_ =	swait.ge [sflag:s21], $0x80  }
0x17e: {  	[sflag:s21] =	ssyncset.done $0x0  }
0x17f: {  	[sflag:s21] =	ssyncadd.s32 $0xFFFFFF80  }
0x180: {  	_ =	swait.ge [sflag:s22], $0x80  }
0x181: {  	[sflag:s22] =	ssyncset.done $0x0  }
0x182: {  	[sflag:s22] =	ssyncadd.s32 $0xFFFFFF80  }
0x183: {  	_ =	swait.ge [sflag:s23], $0x80  }
0x184: {  	[sflag:s23] =	ssyncset.done $0x0  }
0x185: {  	[sflag:s23] =	ssyncadd.s32 $0xFFFFFF80  }
0x186: {  	_ =	swait.ge [sflag:s24], $0x80  }
0x187: {  	[sflag:s24] =	ssyncset.done $0x0  }
0x188: {  	[sflag:s24] =	ssyncadd.s32 $0xFFFFFF80  }
0x189: {  	_ =	swait.ge [sflag:s25], $0x80  }
0x18a: {  	[sflag:s25] =	ssyncset.done $0x0  }
0x18b: {  	[sflag:s25] =	ssyncadd.s32 $0xFFFFFF80  }
0x18c: {  	_ =	swait.ge [sflag:s26], $0x80  }
0x18d: {  	[sflag:s26] =	ssyncset.done $0x0  }
0x18e: {  	[sflag:s26] =	ssyncadd.s32 $0xFFFFFF80  }
0x18f: {  	_ =	swait.ge [sflag:s28], $0x80  }
0x190: {  	[sflag:s28] =	ssyncset.done $0x0  }
0x191: {  	[sflag:s28] =	ssyncadd.s32 $0xFFFFFF80  }
0x192: {  	_ =	swait.ge [sflag:s29], $0x80  }
0x193: {  	[sflag:s29] =	ssyncset.done $0x0  }
0x194: {  	s0 =	simm.s32 $0x0;
	[sflag:s29] =	ssyncadd.s32 $0xFFFFFF80  }
0x195: {  	[tilespmem:s0], [sflag:$0x9] =	stream.linear.gather [hbm4b:s6+s0], $0x2800, $0x38;
	[tilespmem:$0x2D80] =	vst v63  }
0x196: {  	_ =	swait.ge [sflag:s12], $0x2800  }
0x197: {  	[sflag:s12] =	ssyncset.done $0x0  }
0x198: {  	[sflag:s12] =	ssyncadd.s32 $0xFFFFD800  }
0x199: {  	[spmem:s2] =	stream.indirect.scatter.add.f32 [tilespmem:s14], [sflag:$0x1], $0x1, s0, s13, $0xb8;
	[tilespmem:$0x2D80] =	vst v63  }
0x19a: {  	_ = 	snop  }
0x19b: {  	[spmem:s2] =	stream.indirect.scatter.add.f32 [tilespmem:s14], [sflag:$0x2], $0x1, s13, s13, $0xb8;
	[tilespmem:$0x2D80] =	vst v63  }
0x19c: {  	_ = 	snop  }
0x19d: {  	[spmem:s2] =	stream.indirect.scatter.add.f32 [tilespmem:s14], [sflag:$0x3], $0x1, s15, s13, $0xb8;
	[tilespmem:$0x2D80] =	vst v63  }
0x19e: {  	_ = 	snop  }
0x19f: {  	[spmem:s2] =	stream.indirect.scatter.add.f32 [tilespmem:s14], [sflag:$0x4], $0x1, s16, s13, $0xb8;
	[tilespmem:$0x2D80] =	vst v63  }
0x1a0: {  	_ = 	snop  }
0x1a1: {  	[spmem:s2] =	stream.indirect.scatter.add.f32 [tilespmem:s14], [sflag:$0x5], $0x1, s17, s13, $0xb8;
	[tilespmem:$0x2D80] =	vst v63  }
0x1a2: {  	_ = 	snop  }
0x1a3: {  	[spmem:s2] =	stream.indirect.scatter.add.f32 [tilespmem:s14], [sflag:$0x6], $0x1, s18, s13, $0xb8;
	[tilespmem:$0x2D80] =	vst v63  }
0x1a4: {  	_ = 	snop  }
0x1a5: {  	[spmem:s2] =	stream.indirect.scatter.add.f32 [tilespmem:s14], [sflag:$0x7], $0x1, s19, s13, $0xb8;
	[tilespmem:$0x2D80] =	vst v63  }
0x1a6: {  	_ = 	snop  }
0x1a7: {  	[spmem:s2] =	stream.indirect.scatter.add.f32 [tilespmem:s14], [sflag:$0x8], $0x1, s20, s13, $0xb8;
	[tilespmem:$0x2D80] =	vst v63  }
0x1a8: {  	_ =	swait.ge [sflag:s21], $0x80  }
0x1a9: {  	[sflag:s21] =	ssyncset.done $0x0  }
0x1aa: {  	s0 =	simm.s32 $0x400;
	[sflag:s21] =	ssyncadd.s32 $0xFFFFFF80  }
0x1ab: {  	[spmem:s2] =	stream.indirect.scatter.add.f32 [tilespmem:s14], [sflag:$0x1], $0x1, s0, s13, $0xb8;
	[tilespmem:$0x2D80] =	vst v63  }
0x1ac: {  	_ =	swait.ge [sflag:s22], $0x80  }
0x1ad: {  	[sflag:s22] =	ssyncset.done $0x0  }
0x1ae: {  	s0 =	simm.s32 $0x480;
	[sflag:s22] =	ssyncadd.s32 $0xFFFFFF80  }
0x1af: {  	[spmem:s2] =	stream.indirect.scatter.add.f32 [tilespmem:s14], [sflag:$0x2], $0x1, s0, s13, $0xb8;
	[tilespmem:$0x2D80] =	vst v63  }
0x1b0: {  	_ =	swait.ge [sflag:s23], $0x80  }
0x1b1: {  	[sflag:s23] =	ssyncset.done $0x0  }
0x1b2: {  	s0 =	simm.s32 $0x500;
	[sflag:s23] =	ssyncadd.s32 $0xFFFFFF80  }
0x1b3: {  	[spmem:s2] =	stream.indirect.scatter.add.f32 [tilespmem:s14], [sflag:$0x3], $0x1, s0, s13, $0xb8;
	[tilespmem:$0x2D80] =	vst v63  }
0x1b4: {  	_ =	swait.ge [sflag:s24], $0x80  }
0x1b5: {  	[sflag:s24] =	ssyncset.done $0x0  }
0x1b6: {  	s0 =	simm.s32 $0x580;
	[sflag:s24] =	ssyncadd.s32 $0xFFFFFF80  }
0x1b7: {  	[spmem:s2] =	stream.indirect.scatter.add.f32 [tilespmem:s14], [sflag:$0x4], $0x1, s0, s13, $0xb8;
	[tilespmem:$0x2D80] =	vst v63  }
0x1b8: {  	_ =	swait.ge [sflag:s25], $0x80  }
0x1b9: {  	[sflag:s25] =	ssyncset.done $0x0  }
0x1ba: {  	s0 =	simm.s32 $0x600;
	[sflag:s25] =	ssyncadd.s32 $0xFFFFFF80  }
0x1bb: {  	[spmem:s2] =	stream.indirect.scatter.add.f32 [tilespmem:s14], [sflag:$0x5], $0x1, s0, s13, $0xb8;
	[tilespmem:$0x2D80] =	vst v63  }
0x1bc: {  	_ =	swait.ge [sflag:s26], $0x80  }
0x1bd: {  	[sflag:s26] =	ssyncset.done $0x0  }
0x1be: {  	s0 =	simm.s32 $0x680;
	[sflag:s26] =	ssyncadd.s32 $0xFFFFFF80  }
0x1bf: {  	[spmem:s2] =	stream.indirect.scatter.add.f32 [tilespmem:s14], [sflag:$0x6], $0x1, s0, s13, $0xb8;
	[tilespmem:$0x2D80] =	vst v63  }
0x1c0: {  	_ =	swait.ge [sflag:s28], $0x80  }
0x1c1: {  	[sflag:s28] =	ssyncset.done $0x0  }
0x1c2: {  	s0 =	simm.s32 $0x700;
	[sflag:s28] =	ssyncadd.s32 $0xFFFFFF80  }
0x1c3: {  	[spmem:s2] =	stream.indirect.scatter.add.f32 [tilespmem:s14], [sflag:$0x7], $0x1, s0, s13, $0xb8;
	[tilespmem:$0x2D80] =	vst v63  }
0x1c4: {  	_ =	swait.ge [sflag:s29], $0x80  }
0x1c5: {  	[sflag:s29] =	ssyncset.done $0x0  }
0x1c6: {  	s30 =	simm.s32 $0x1000;
	s31 =	simm.s32 $0x780;
	[sflag:s29] =	ssyncadd.s32 $0xFFFFFF80  }
.LBB2_5:
0x1c7: {  	[spmem:s2] =	stream.indirect.scatter.add.f32 [tilespmem:s14], [sflag:$0x8], $0x1, s31, s13, $0xb8;
	[tilespmem:$0x2D80] =	vst v63  }
0x1c8: {  	s0 =	smov.u32 s30  }
0x1c9: {  	p1 =	seq.s32 s30, $0x8000;
	s30 =	sadd.s32 $0x1000, s30;
	_ =	swait.ge [sflag:s21], $0x80  }
0x1ca: {  	s31 =	sshra.s32 s0, $0x2;
	[sflag:s21] =	ssyncset.done $0x0  }
0x1cb: {  	s0 =	sadd.s32 $0x400, s31;
	[sflag:s21] =	ssyncadd.s32 $0xFFFFFF80  }
0x1cc: {  	[spmem:s2] =	stream.indirect.scatter.add.f32 [tilespmem:s14], [sflag:$0x1], $0x1, s0, s13, $0xb8;
	[tilespmem:$0x2D80] =	vst v63  }
0x1cd: {  	_ =	swait.ge [sflag:s22], $0x80  }
0x1ce: {  	[sflag:s22] =	ssyncset.done $0x0  }
0x1cf: {  	s0 =	sadd.s32 $0x480, s31;
	[sflag:s22] =	ssyncadd.s32 $0xFFFFFF80  }
0x1d0: {  	[spmem:s2] =	stream.indirect.scatter.add.f32 [tilespmem:s14], [sflag:$0x2], $0x1, s0, s13, $0xb8;
	[tilespmem:$0x2D80] =	vst v63  }
0x1d1: {  	_ =	swait.ge [sflag:s23], $0x80  }
0x1d2: {  	[sflag:s23] =	ssyncset.done $0x0  }
0x1d3: {  	s0 =	sadd.s32 $0x500, s31;
	[sflag:s23] =	ssyncadd.s32 $0xFFFFFF80  }
0x1d4: {  	[spmem:s2] =	stream.indirect.scatter.add.f32 [tilespmem:s14], [sflag:$0x3], $0x1, s0, s13, $0xb8;
	[tilespmem:$0x2D80] =	vst v63  }
0x1d5: {  	_ =	swait.ge [sflag:s24], $0x80  }
0x1d6: {  	[sflag:s24] =	ssyncset.done $0x0  }
0x1d7: {  	s0 =	sadd.s32 $0x580, s31;
	[sflag:s24] =	ssyncadd.s32 $0xFFFFFF80  }
0x1d8: {  	[spmem:s2] =	stream.indirect.scatter.add.f32 [tilespmem:s14], [sflag:$0x4], $0x1, s0, s13, $0xb8;
	[tilespmem:$0x2D80] =	vst v63  }
0x1d9: {  	_ =	swait.ge [sflag:s25], $0x80  }
0x1da: {  	[sflag:s25] =	ssyncset.done $0x0  }
0x1db: {  	s0 =	sadd.s32 $0x600, s31;
	[sflag:s25] =	ssyncadd.s32 $0xFFFFFF80  }
0x1dc: {  	[spmem:s2] =	stream.indirect.scatter.add.f32 [tilespmem:s14], [sflag:$0x5], $0x1, s0, s13, $0xb8;
	[tilespmem:$0x2D80] =	vst v63  }
0x1dd: {  	_ =	swait.ge [sflag:s26], $0x80  }
0x1de: {  	[sflag:s26] =	ssyncset.done $0x0  }
0x1df: {  	s0 =	sadd.s32 $0x680, s31;
	[sflag:s26] =	ssyncadd.s32 $0xFFFFFF80  }
0x1e0: {  	[spmem:s2] =	stream.indirect.scatter.add.f32 [tilespmem:s14], [sflag:$0x6], $0x1, s0, s13, $0xb8;
	[tilespmem:$0x2D80] =	vst v63  }
0x1e1: {  	_ =	swait.ge [sflag:s28], $0x80  }
0x1e2: {  	[sflag:s28] =	ssyncset.done $0x0  }
.Ltmp7:
0x1e3: {  	s0 =	sadd.s32 $0x700, s31;
	[sflag:s28] =	ssyncadd.s32 $0xFFFFFF80;
	(pc) =	sbr.rel @!p1 .LBB2_5-.Ltmp7, $4  }
0x1e4: {  	[spmem:s2] =	stream.indirect.scatter.add.f32 [tilespmem:s14], [sflag:$0x7], $0x1, s0, s13, $0xb8;
	[tilespmem:$0x2D80] =	vst v63  }
0x1e5: {  	_ =	swait.ge [sflag:s29], $0x80  }
0x1e6: {  	[sflag:s29] =	ssyncset.done $0x0  }
0x1e7: {  	s31 =	sadd.s32 $0x780, s31;
	[sflag:s29] =	ssyncadd.s32 $0xFFFFFF80  }
.Ltmp8:
0x1e8: {  	(pc) =	sbr.rel .LBB2_12-.Ltmp8, $2  }
0x1e9: {  	_ =	sdelay $0x2  }
0x1ea: {  	[spmem:s2] =	stream.indirect.scatter.add.f32 [tilespmem:s14], [sflag:$0x8], $0x1, s31, s13, $0xb8;
	[tilespmem:$0x2D80] =	vst v63  }
.LBB2_13:
0x1eb: {  	_ =	sfence.sel $0x180000  }
0x1ec: {  	[bflag:$0x0] =	sbarrier.arrive $0xFFFF  }
0x1ed: {  	_ =	strace $0x90000047  }
0x1ee: {  	[bflag:$0x2] =	sbarrier.arrive $0xFFFF  }
0x1ef: {  	p0 =	sne.s32 s1, $0x0;
	s0 =	rddreg [dreg:$0x3]  }
0x1f0: {  	s0 =	sadd.s32 @!p0 $0x100000, s0  }
0x1f1: {  	[sflag:s0] =	ssyncadd.tile.s32 @!p0 $0x1;
	_ =	shalt  }
.Lfunc_end2:
_tile_overlayer_lowered:
.L_overlay_start_2:
0x1f2: {  	(tag) =	ssettag $0x2  }
0x1f3: {  	s0 =	rddreg [dreg:$0x0];
	s2 =	stileid.u32  }
0x1f4: {  	s1 =	rddreg [dreg:$0x1];
	p0 =	sne.s32 s2, $0x0  }
0x1f5: {  	s3 =	rddreg [dreg:$0x2];
	[bflag:$0x3] =	sbarrier.arrive $0xFFFF;
	s2 =	simm.s32 @!p0 $0x1C09  }
0x1f6: {  	[timem:s3], [sflag:s2] =	dma.local @!p0 [hbm:s0], s1  }
0x1f7: {  	s0 =	simm.s32 @!p0 $0x9  }
0x1f8: {  	_ =	swait.ge @!p0 [sflag:s0], s1  }
0x1f9: {  	s1 =	ssub.s32 @!p0 $0x0, s1;
	[sflag:s0] =	ssyncset.done @!p0 $0x0  }
0x1fa: {  	[sflag:s0] =	ssyncadd.s32 @!p0 s1  }
0x1fb: {  	[bflag:$0x3] =	sbarrier.arrive $0xFFFF  }
0x1fc: {  	_ =	shalt  }

</sc_bundles>
